<compile_context>
chip_gen: v7x
topology: tpu7x:2x2x1
jax: 0.10.2.dev20260603
libtpu: 0.0.44.dev20260713+nightly
codegen_flags: <defaults>
</compile_context>

<pallas_src>
import functools

import jax
import jax.numpy as jnp
from jax import lax
from jax.experimental import pallas as pl
from jax.experimental.pallas import tpu as pltpu
from jax.experimental.pallas import tpu_sc as plsc

N = 10000
E = 320000
D = 128

NC = 2
NS = 16
NW = NC * NS
EPW = E // NW
CHUNK = 20
NCHUNK = EPW // CHUNK
NB = 4
NPAD = 10240
RPS = NPAD // NS
ZROWS = 16
CW = 16


def _make_agg(with_counts):
  mesh = plsc.VectorSubcoreMesh(core_axis_name="c", subcore_axis_name="s")
  out_type = [jax.ShapeDtypeStruct((NC, NPAD, D), jnp.float32)]
  if with_counts:
    out_type.append(jax.ShapeDtypeStruct((NC, NPAD, CW), jnp.float32))
  scratch = [
      pltpu.VMEM((NCHUNK, CHUNK), jnp.int32),
      pltpu.VMEM((NCHUNK, CHUNK), jnp.int32),
  ] + [
      pltpu.VMEM((CHUNK, D), jnp.float32) for _ in range(NB)
  ] + [
      pltpu.VMEM((ZROWS, D), jnp.float32),
      pltpu.VMEM_SHARED((NPAD, D), jnp.float32),
  ] + [pltpu.SemaphoreType.DMA for _ in range(NB)]
  if with_counts:
    scratch += [
        pltpu.VMEM((ZROWS, CW), jnp.float32),
        pltpu.VMEM((CHUNK, CW), jnp.float32),
        pltpu.VMEM_SHARED((NPAD, CW), jnp.float32),
    ]

  @functools.partial(pl.kernel, mesh=mesh, out_type=out_type,
                     scratch_types=scratch,
                     compiler_params=pltpu.CompilerParams(
                         use_tc_tiling_on_sc=False))
  def agg(x_hbm, src_hbm, dst_hbm, *refs):
    if with_counts:
      out_hbm, cnt_hbm = refs[0], refs[1]
      rest = refs[2:]
    else:
      out_hbm = refs[0]
      rest = refs[1:]
      cnt_hbm = None
    sidx, didx = rest[0], rest[1]
    rows = rest[2:2 + NB]
    zbuf, acc_sh = rest[2 + NB], rest[3 + NB]
    gsems = rest[4 + NB:4 + 2 * NB]
    if with_counts:
      zcnt, ones, cnt_sh = rest[4 + 2 * NB:7 + 2 * NB]
    else:
      zcnt = ones = cnt_sh = None

    c = lax.axis_index("c")
    s = lax.axis_index("s")
    wid = s * NC + c

    pltpu.sync_copy(src_hbm.at[wid], sidx)
    pltpu.sync_copy(dst_hbm.at[wid], didx)

    zv = jnp.zeros((16,), jnp.float32)
    ov = jnp.ones((16,), jnp.float32)

    def zb_body(i, carry):
      for j in range(D // 16):
        zbuf[i, pl.ds(j * 16, 16)] = zv
      return carry
    lax.fori_loop(0, ZROWS, zb_body, 0)

    if with_counts:
      def zc_body(i, carry):
        zcnt[i, pl.ds(0, 16)] = zv
        return carry
      lax.fori_loop(0, ZROWS, zc_body, 0)

      def on_body(i, carry):
        ones[i, pl.ds(0, 16)] = ov
        return carry
      lax.fori_loop(0, CHUNK, on_body, 0)

    for j in range(RPS // ZROWS):
      pltpu.sync_copy(zbuf, acc_sh.at[pl.ds(s * RPS + j * ZROWS, ZROWS)])
    if with_counts:
      for j in range(RPS // ZROWS):
        pltpu.sync_copy(zcnt, cnt_sh.at[pl.ds(s * RPS + j * ZROWS, ZROWS)])
    plsc.subcore_barrier()

    bufs = tuple(zip(rows, gsems))

    def wait_gather(rb, gsem):
      pltpu.make_async_copy(x_hbm.at[sidx.at[0]], rb, gsem).wait()

    def step(i, b, do_gather):
      rb, gsem = bufs[b]
      wait_gather(rb, gsem)
      pltpu.sync_copy(rb, acc_sh.at[didx.at[i]], add=True)
      if with_counts:
        pltpu.sync_copy(ones, cnt_sh.at[didx.at[i]], add=True)
      if do_gather:
        pltpu.async_copy(x_hbm.at[sidx.at[i + NB]], rb, gsem)

    for b in range(NB):
      pltpu.async_copy(x_hbm.at[sidx.at[b]], rows[b], gsems[b])

    def steady(k, carry):
      i = NB * k
      for b in range(NB):
        step(i + b, b, True)
      return carry
    lax.fori_loop(0, NCHUNK // NB - 1, steady, 0)

    for b in range(NB):
      step(NCHUNK - NB + b, b, False)

    plsc.subcore_barrier()

    pltpu.sync_copy(acc_sh.at[pl.ds(s * RPS, RPS)],
                    out_hbm.at[c, pl.ds(s * RPS, RPS)])
    if with_counts:
      pltpu.sync_copy(cnt_sh.at[pl.ds(s * RPS, RPS)],
                      cnt_hbm.at[c, pl.ds(s * RPS, RPS)])

  return agg


_agg_cnt = _make_agg(True)
_agg = _make_agg(False)

BLK = 1000


def _tc_body(sum_ref, cnt_ref, x_ref, wl_ref, bl_ref, wr_ref, o_ref, *, relu):
  s = sum_ref[0] + sum_ref[1]
  cnt = cnt_ref[...]
  c = cnt[0, :, 0:1] + cnt[1, :, 0:1]
  mean = s / jnp.maximum(c, 1.0)
  y = jnp.dot(mean, wl_ref[...], preferred_element_type=jnp.float32)
  y = y + jnp.dot(x_ref[...], wr_ref[...], preferred_element_type=jnp.float32)
  y = y + bl_ref[...]
  if relu:
    y = jnp.maximum(y, 0.0)
  o_ref[...] = y


def _tc_layer(relu):
  return pl.pallas_call(
      functools.partial(_tc_body, relu=relu),
      grid=(N // BLK,),
      in_specs=[
          pl.BlockSpec((NC, BLK, D), lambda i: (0, i, 0)),
          pl.BlockSpec((NC, BLK, CW), lambda i: (0, i, 0)),
          pl.BlockSpec((BLK, D), lambda i: (i, 0)),
          pl.BlockSpec((D, D), lambda i: (0, 0)),
          pl.BlockSpec((1, D), lambda i: (0, 0)),
          pl.BlockSpec((D, D), lambda i: (0, 0)),
      ],
      out_specs=pl.BlockSpec((BLK, D), lambda i: (i, 0)),
      out_shape=jax.ShapeDtypeStruct((N, D), jnp.float32),
  )


_tc1 = _tc_layer(True)
_tc2 = _tc_layer(False)


def kernel(x, edge_index, W1l, b1l, W1r, W2l, b2l, W2r):
  src = edge_index[0].astype(jnp.int32).reshape(NW, NCHUNK, CHUNK)
  dst = edge_index[1].astype(jnp.int32).reshape(NW, NCHUNK, CHUNK)
  sum1, cnt = _agg_cnt(x, src, dst)
  h = _tc1(sum1, cnt, x, W1l, b1l.reshape(1, D), W1r)
  (sum2,) = _agg(h, src, dst)
  out = _tc2(sum2, cnt, h, W2l, b2l.reshape(1, D), W2r)
  return out

# --- scband reference (transcript-rebuilt; emitter-appended) ---
"""Pipeline reference for scband-encoder-15831249453674 (READ-ONLY COPY).

The authoritative reference and input builder live on the scoring server;
editing this copy changes nothing except your own understanding.
"""

import jax, jax.numpy as jnp
import numpy as np

N = 10000
E = 320000
D = 128


def setup_inputs(seed: int = 0) -> dict:
    key = jax.random.key(seed)
    ks = jax.random.split(key, 9)
    x = jax.random.normal(ks[0], (N, D), dtype=jnp.float32)
    edge_index = jax.random.randint(ks[1], (2, E), 0, N)
    scale = 1.0 / np.sqrt(D)
    # SAGEConv layer 1: lin_l (neighbor agg, with bias), lin_r (root, no bias)
    W1l = jax.random.normal(ks[2], (D, D), dtype=jnp.float32) * scale
    b1l = jnp.zeros((D,), dtype=jnp.float32)
    W1r = jax.random.normal(ks[3], (D, D), dtype=jnp.float32) * scale
    # SAGEConv layer 2
    W2l = jax.random.normal(ks[4], (D, D), dtype=jnp.float32) * scale
    b2l = jnp.zeros((D,), dtype=jnp.float32)
    W2r = jax.random.normal(ks[5], (D, D), dtype=jnp.float32) * scale
    return {"x": x, "edge_index": edge_index, "W1l": W1l, "b1l": b1l,
            "W1r": W1r, "W2l": W2l, "b2l": b2l, "W2r": W2r}


def _sage_conv(x, edge_index, Wl, bl, Wr):
    # PyG SAGEConv with mean aggregation:
    #   out = lin_l(mean_{j in N(i)} x_j) + lin_r(x_i)
    src = edge_index[0]
    dst = edge_index[1]
    msgs = jnp.take(x, src, axis=0)                      # gather  [E, D]
    summed = jax.ops.segment_sum(msgs, dst, num_segments=N)   # scatter-add [N, D]
    cnt = jax.ops.segment_sum(jnp.ones((msgs.shape[0], 1), dtype=x.dtype), dst,
                              num_segments=N)
    mean = summed / jnp.maximum(cnt, 1.0)
    return mean @ Wl + bl + x @ Wr


def reference(x, edge_index, W1l, b1l, W1r, W2l, b2l, W2r):
    h = _sage_conv(x, edge_index, W1l, b1l, W1r)
    h = jax.nn.relu(h)
    h = _sage_conv(h, edge_index, W2l, b2l, W2r)
    return h

if __name__ == "__main__":
    import jax
    _d = setup_inputs()
    print(jax.jit(kernel)(*tuple(_d.values())))

</pallas_src>

<mosaic_0001>
#map = affine_map<(d0, d1) -> (0, 0)>
#map1 = affine_map<(d0, d1) -> (0, 0, 0)>
module attributes {stable_mosaic.version = 14 : i64} {
  func.func @agg(%arg0: i32, %arg1: i32, %arg2: memref<10000x128xf32, #tpu.memory_space<hbm>>, %arg3: memref<32x500x20xi32, #tpu.memory_space<hbm>>, %arg4: memref<32x500x20xi32, #tpu.memory_space<hbm>>, %arg5: memref<2x10240x128xf32, #tpu.memory_space<hbm>>, %arg6: memref<500x20xi32, #tpu.memory_space<vmem>>, %arg7: memref<500x20xi32, #tpu.memory_space<vmem>>, %arg8: memref<20x128xf32, #tpu.memory_space<vmem>>, %arg9: memref<20x128xf32, #tpu.memory_space<vmem>>, %arg10: memref<20x128xf32, #tpu.memory_space<vmem>>, %arg11: memref<20x128xf32, #tpu.memory_space<vmem>>, %arg12: memref<16x128xf32, #tpu.memory_space<vmem>>, %arg13: memref<10240x128xf32, #tpu.memory_space<vmem_shared>>, %arg14: memref<!tpu.dma_semaphore, #tpu.memory_space<semaphore_mem>>, %arg15: memref<!tpu.dma_semaphore, #tpu.memory_space<semaphore_mem>>, %arg16: memref<!tpu.dma_semaphore, #tpu.memory_space<semaphore_mem>>, %arg17: memref<!tpu.dma_semaphore, #tpu.memory_space<semaphore_mem>>) attributes {dimension_semantics = [#tpu.dimension_semantics<core_parallel>, #tpu.dimension_semantics<subcore_parallel>], iteration_bounds = array<i64: 2, 16>, scalar_prefetch = 0 : i64, scratch_operands = 12 : i64, tpu.core_type = #tpu.core_type<sc_vector_subcore>, window_params = [{transform_indices = #map}, {transform_indices = #map1}, {transform_indices = #map1}, {transform_indices = #map1}]} {
    %mul3A = arith.constant 2 : i32
    %mul3A_0 = arith.muli %arg1, %mul3A : i32
    %add3A = arith.addi %mul3A_0, %arg0 : i32
    "tpu.region"() ({
      %run_scoped3A_237 = tpu.sem_alloc : memref<!tpu.dma_semaphore, #tpu.memory_space<semaphore_mem>>
      %dma_start3A_238 = arith.constant 0 : i32
      %dma_start3A_239 = arith.constant 0 : i32
      %dma_start3A_240 = tpu.memref_slice %arg3[%add3A, %dma_start3A_238, %dma_start3A_239] : memref<32x500x20xi32, #tpu.memory_space<hbm>> -> memref<1x500x20xi32, #tpu.memory_space<hbm>>
      %dma_start3A_241 = tpu.memref_squeeze %dma_start3A_240 : memref<1x500x20xi32, #tpu.memory_space<hbm>> -> memref<500x20xi32, #tpu.memory_space<hbm>>
      %dma_start3A_242 = arith.constant 0 : i32
      %dma_start3A_243 = arith.constant 0 : i32
      %dma_start3A_244 = tpu.memref_slice %arg3[%add3A, %dma_start3A_242, %dma_start3A_243] : memref<32x500x20xi32, #tpu.memory_space<hbm>> -> memref<1x500x20xi32, #tpu.memory_space<hbm>>
      %dma_start3A_245 = tpu.memref_squeeze %dma_start3A_244 : memref<1x500x20xi32, #tpu.memory_space<hbm>> -> memref<500x20xi32, #tpu.memory_space<hbm>>
      tpu.enqueue_dma source(%dma_start3A_245 : memref<500x20xi32, #tpu.memory_space<hbm>>) target(%arg6 : memref<500x20xi32, #tpu.memory_space<vmem>>) target_semaphore(%run_scoped3A_237 : memref<!tpu.dma_semaphore, #tpu.memory_space<semaphore_mem>>)
      %dma_wait3A_246 = arith.constant 0 : i32
      %dma_wait3A_247 = arith.constant 0 : i32
      %dma_wait3A_248 = tpu.memref_slice %arg3[%add3A, %dma_wait3A_246, %dma_wait3A_247] : memref<32x500x20xi32, #tpu.memory_space<hbm>> -> memref<1x500x20xi32, #tpu.memory_space<hbm>>
      %dma_wait3A_249 = tpu.memref_squeeze %dma_wait3A_248 : memref<1x500x20xi32, #tpu.memory_space<hbm>> -> memref<500x20xi32, #tpu.memory_space<hbm>>
      %dma_wait3A_250 = arith.constant 0 : i32
      %dma_wait3A_251 = arith.constant 0 : i32
      %dma_wait3A_252 = tpu.memref_slice %arg3[%add3A, %dma_wait3A_250, %dma_wait3A_251] : memref<32x500x20xi32, #tpu.memory_space<hbm>> -> memref<1x500x20xi32, #tpu.memory_space<hbm>>
      %dma_wait3A_253 = tpu.memref_squeeze %dma_wait3A_252 : memref<1x500x20xi32, #tpu.memory_space<hbm>> -> memref<500x20xi32, #tpu.memory_space<hbm>>
      tpu.wait_dma2 semaphore(%run_scoped3A_237 : memref<!tpu.dma_semaphore, #tpu.memory_space<semaphore_mem>>) src(%dma_wait3A_253 : memref<500x20xi32, #tpu.memory_space<hbm>>) dst(%arg6 : memref<500x20xi32, #tpu.memory_space<vmem>>)
      tpu.yield
    }) : () -> ()
    "tpu.region"() ({
      %run_scoped3A_237 = tpu.sem_alloc : memref<!tpu.dma_semaphore, #tpu.memory_space<semaphore_mem>>
      %dma_start3A_238 = arith.constant 0 : i32
      %dma_start3A_239 = arith.constant 0 : i32
      %dma_start3A_240 = tpu.memref_slice %arg4[%add3A, %dma_start3A_238, %dma_start3A_239] : memref<32x500x20xi32, #tpu.memory_space<hbm>> -> memref<1x500x20xi32, #tpu.memory_space<hbm>>
      %dma_start3A_241 = tpu.memref_squeeze %dma_start3A_240 : memref<1x500x20xi32, #tpu.memory_space<hbm>> -> memref<500x20xi32, #tpu.memory_space<hbm>>
      %dma_start3A_242 = arith.constant 0 : i32
      %dma_start3A_243 = arith.constant 0 : i32
      %dma_start3A_244 = tpu.memref_slice %arg4[%add3A, %dma_start3A_242, %dma_start3A_243] : memref<32x500x20xi32, #tpu.memory_space<hbm>> -> memref<1x500x20xi32, #tpu.memory_space<hbm>>
      %dma_start3A_245 = tpu.memref_squeeze %dma_start3A_244 : memref<1x500x20xi32, #tpu.memory_space<hbm>> -> memref<500x20xi32, #tpu.memory_space<hbm>>
      tpu.enqueue_dma source(%dma_start3A_245 : memref<500x20xi32, #tpu.memory_space<hbm>>) target(%arg7 : memref<500x20xi32, #tpu.memory_space<vmem>>) target_semaphore(%run_scoped3A_237 : memref<!tpu.dma_semaphore, #tpu.memory_space<semaphore_mem>>)
      %dma_wait3A_246 = arith.constant 0 : i32
      %dma_wait3A_247 = arith.constant 0 : i32
      %dma_wait3A_248 = tpu.memref_slice %arg4[%add3A, %dma_wait3A_246, %dma_wait3A_247] : memref<32x500x20xi32, #tpu.memory_space<hbm>> -> memref<1x500x20xi32, #tpu.memory_space<hbm>>
      %dma_wait3A_249 = tpu.memref_squeeze %dma_wait3A_248 : memref<1x500x20xi32, #tpu.memory_space<hbm>> -> memref<500x20xi32, #tpu.memory_space<hbm>>
      %dma_wait3A_250 = arith.constant 0 : i32
      %dma_wait3A_251 = arith.constant 0 : i32
      %dma_wait3A_252 = tpu.memref_slice %arg4[%add3A, %dma_wait3A_250, %dma_wait3A_251] : memref<32x500x20xi32, #tpu.memory_space<hbm>> -> memref<1x500x20xi32, #tpu.memory_space<hbm>>
      %dma_wait3A_253 = tpu.memref_squeeze %dma_wait3A_252 : memref<1x500x20xi32, #tpu.memory_space<hbm>> -> memref<500x20xi32, #tpu.memory_space<hbm>>
      tpu.wait_dma2 semaphore(%run_scoped3A_237 : memref<!tpu.dma_semaphore, #tpu.memory_space<semaphore_mem>>) src(%dma_wait3A_253 : memref<500x20xi32, #tpu.memory_space<hbm>>) dst(%arg7 : memref<500x20xi32, #tpu.memory_space<vmem>>)
      tpu.yield
    }) : () -> ()
    %broadcast_in_dim3A = arith.constant 0.000000e+00 : f32
    %broadcast_in_dim3A_1 = vector.broadcast %broadcast_in_dim3A : f32 to vector<16xf32>
    %broadcast_in_dim3A_2 = arith.constant 1.000000e+00 : f32
    %broadcast_in_dim3A_3 = vector.broadcast %broadcast_in_dim3A_2 : f32 to vector<16xf32>
    %scan3A = arith.constant 0 : i32
    %scan3A_4 = arith.constant 0 : i32
    %scan3A_5 = arith.constant 16 : i32
    %scan3A_6 = arith.addi %scan3A_4, %scan3A_5 : i32
    %scan3A_7 = arith.constant 1 : i32
    scf.for %scan3A_237 = %scan3A_4 to %scan3A_6 step %scan3A_7  : i32 {
      %swap3A = arith.index_cast %scan3A_237 : i32 to index
      %swap3A_238 = arith.constant 0 : index
      %swap3A_239 = tpu.vector_load %arg12[%swap3A, %swap3A_238] {strides = array<i32>} : memref<16x128xf32, #tpu.memory_space<vmem>>, vector<1x16xf32>,
      %swap3A_240 = vector.shape_cast %swap3A_239 : vector<1x16xf32> to vector<16xf32>
      %swap3A_241 = vector.shape_cast %broadcast_in_dim3A_1 : vector<16xf32> to vector<1x16xf32>
      tpu.vector_store %arg12[%swap3A, %swap3A_238], %swap3A_241 {strides = array<i32>} : memref<16x128xf32, #tpu.memory_space<vmem>>, vector<1x16xf32>,
      %swap3A_242 = arith.index_cast %scan3A_237 : i32 to index
      %swap3A_243 = arith.constant 16 : index
      %swap3A_244 = tpu.vector_load %arg12[%swap3A_242, %swap3A_243] {strides = array<i32>} : memref<16x128xf32, #tpu.memory_space<vmem>>, vector<1x16xf32>,
      %swap3A_245 = vector.shape_cast %swap3A_244 : vector<1x16xf32> to vector<16xf32>
      %swap3A_246 = vector.shape_cast %broadcast_in_dim3A_1 : vector<16xf32> to vector<1x16xf32>
      tpu.vector_store %arg12[%swap3A_242, %swap3A_243], %swap3A_246 {strides = array<i32>} : memref<16x128xf32, #tpu.memory_space<vmem>>, vector<1x16xf32>,
      %swap3A_247 = arith.index_cast %scan3A_237 : i32 to index
      %swap3A_248 = arith.constant 32 : index
      %swap3A_249 = tpu.vector_load %arg12[%swap3A_247, %swap3A_248] {strides = array<i32>} : memref<16x128xf32, #tpu.memory_space<vmem>>, vector<1x16xf32>,
      %swap3A_250 = vector.shape_cast %swap3A_249 : vector<1x16xf32> to vector<16xf32>
      %swap3A_251 = vector.shape_cast %broadcast_in_dim3A_1 : vector<16xf32> to vector<1x16xf32>
      tpu.vector_store %arg12[%swap3A_247, %swap3A_248], %swap3A_251 {strides = array<i32>} : memref<16x128xf32, #tpu.memory_space<vmem>>, vector<1x16xf32>,
      %swap3A_252 = arith.index_cast %scan3A_237 : i32 to index
      %swap3A_253 = arith.constant 48 : index
      %swap3A_254 = tpu.vector_load %arg12[%swap3A_252, %swap3A_253] {strides = array<i32>} : memref<16x128xf32, #tpu.memory_space<vmem>>, vector<1x16xf32>,
      %swap3A_255 = vector.shape_cast %swap3A_254 : vector<1x16xf32> to vector<16xf32>
      %swap3A_256 = vector.shape_cast %broadcast_in_dim3A_1 : vector<16xf32> to vector<1x16xf32>
      tpu.vector_store %arg12[%swap3A_252, %swap3A_253], %swap3A_256 {strides = array<i32>} : memref<16x128xf32, #tpu.memory_space<vmem>>, vector<1x16xf32>,
      %swap3A_257 = arith.index_cast %scan3A_237 : i32 to index
      %swap3A_258 = arith.constant 64 : index
      %swap3A_259 = tpu.vector_load %arg12[%swap3A_257, %swap3A_258] {strides = array<i32>} : memref<16x128xf32, #tpu.memory_space<vmem>>, vector<1x16xf32>,
      %swap3A_260 = vector.shape_cast %swap3A_259 : vector<1x16xf32> to vector<16xf32>
      %swap3A_261 = vector.shape_cast %broadcast_in_dim3A_1 : vector<16xf32> to vector<1x16xf32>
      tpu.vector_store %arg12[%swap3A_257, %swap3A_258], %swap3A_261 {strides = array<i32>} : memref<16x128xf32, #tpu.memory_space<vmem>>, vector<1x16xf32>,
      %swap3A_262 = arith.index_cast %scan3A_237 : i32 to index
      %swap3A_263 = arith.constant 80 : index
      %swap3A_264 = tpu.vector_load %arg12[%swap3A_262, %swap3A_263] {strides = array<i32>} : memref<16x128xf32, #tpu.memory_space<vmem>>, vector<1x16xf32>,
      %swap3A_265 = vector.shape_cast %swap3A_264 : vector<1x16xf32> to vector<16xf32>
      %swap3A_266 = vector.shape_cast %broadcast_in_dim3A_1 : vector<16xf32> to vector<1x16xf32>
      tpu.vector_store %arg12[%swap3A_262, %swap3A_263], %swap3A_266 {strides = array<i32>} : memref<16x128xf32, #tpu.memory_space<vmem>>, vector<1x16xf32>,
      %swap3A_267 = arith.index_cast %scan3A_237 : i32 to index
      %swap3A_268 = arith.constant 96 : index
      %swap3A_269 = tpu.vector_load %arg12[%swap3A_267, %swap3A_268] {strides = array<i32>} : memref<16x128xf32, #tpu.memory_space<vmem>>, vector<1x16xf32>,
      %swap3A_270 = vector.shape_cast %swap3A_269 : vector<1x16xf32> to vector<16xf32>
      %swap3A_271 = vector.shape_cast %broadcast_in_dim3A_1 : vector<16xf32> to vector<1x16xf32>
      tpu.vector_store %arg12[%swap3A_267, %swap3A_268], %swap3A_271 {strides = array<i32>} : memref<16x128xf32, #tpu.memory_space<vmem>>, vector<1x16xf32>,
      %swap3A_272 = arith.index_cast %scan3A_237 : i32 to index
      %swap3A_273 = arith.constant 112 : index
      %swap3A_274 = tpu.vector_load %arg12[%swap3A_272, %swap3A_273] {strides = array<i32>} : memref<16x128xf32, #tpu.memory_space<vmem>>, vector<1x16xf32>,
      %swap3A_275 = vector.shape_cast %swap3A_274 : vector<1x16xf32> to vector<16xf32>
      %swap3A_276 = vector.shape_cast %broadcast_in_dim3A_1 : vector<16xf32> to vector<1x16xf32>
      tpu.vector_store %arg12[%swap3A_272, %swap3A_273], %swap3A_276 {strides = array<i32>} : memref<16x128xf32, #tpu.memory_space<vmem>>, vector<1x16xf32>,
    }
    %scan3A_8 = arith.constant 16 : i32
    %mul3A_9 = arith.constant 640 : i32
    %mul3A_10 = arith.muli %arg1, %mul3A_9 : i32
    %add3A_11 = arith.constant 0 : i32
    %add3A_12 = arith.addi %mul3A_10, %add3A_11 : i32
    "tpu.region"() ({
      %run_scoped3A_237 = tpu.sem_alloc : memref<!tpu.dma_semaphore, #tpu.memory_space<semaphore_mem>>
      %dma_start3A_238 = arith.constant 0 : i32
      %dma_start3A_239 = tpu.memref_slice %arg13[%add3A_12, %dma_start3A_238] : memref<10240x128xf32, #tpu.memory_space<vmem_shared>> -> memref<16x128xf32, #tpu.memory_space<vmem_shared>>
      %dma_start3A_240 = arith.constant 0 : i32
      %dma_start3A_241 = tpu.memref_slice %arg13[%add3A_12, %dma_start3A_240] : memref<10240x128xf32, #tpu.memory_space<vmem_shared>> -> memref<16x128xf32, #tpu.memory_space<vmem_shared>>
      tpu.enqueue_dma source(%arg12 : memref<16x128xf32, #tpu.memory_space<vmem>>) target(%dma_start3A_241 : memref<16x128xf32, #tpu.memory_space<vmem_shared>>) target_semaphore(%run_scoped3A_237 : memref<!tpu.dma_semaphore, #tpu.memory_space<semaphore_mem>>)
      %dma_wait3A_242 = arith.constant 0 : i32
      %dma_wait3A_243 = tpu.memref_slice %arg13[%add3A_12, %dma_wait3A_242] : memref<10240x128xf32, #tpu.memory_space<vmem_shared>> -> memref<16x128xf32, #tpu.memory_space<vmem_shared>>
      %dma_wait3A_244 = arith.constant 0 : i32
      %dma_wait3A_245 = tpu.memref_slice %arg13[%add3A_12, %dma_wait3A_244] : memref<10240x128xf32, #tpu.memory_space<vmem_shared>> -> memref<16x128xf32, #tpu.memory_space<vmem_shared>>
      tpu.wait_dma2 semaphore(%run_scoped3A_237 : memref<!tpu.dma_semaphore, #tpu.memory_space<semaphore_mem>>) src(%arg12 : memref<16x128xf32, #tpu.memory_space<vmem>>) dst(%dma_wait3A_245 : memref<16x128xf32, #tpu.memory_space<vmem_shared>>)
      tpu.yield
    }) : () -> ()
    %mul3A_13 = arith.constant 640 : i32
    %mul3A_14 = arith.muli %arg1, %mul3A_13 : i32
    %add3A_15 = arith.constant 16 : i32
    %add3A_16 = arith.addi %mul3A_14, %add3A_15 : i32
    "tpu.region"() ({
      %run_scoped3A_237 = tpu.sem_alloc : memref<!tpu.dma_semaphore, #tpu.memory_space<semaphore_mem>>
      %dma_start3A_238 = arith.constant 0 : i32
      %dma_start3A_239 = tpu.memref_slice %arg13[%add3A_16, %dma_start3A_238] : memref<10240x128xf32, #tpu.memory_space<vmem_shared>> -> memref<16x128xf32, #tpu.memory_space<vmem_shared>>
      %dma_start3A_240 = arith.constant 0 : i32
      %dma_start3A_241 = tpu.memref_slice %arg13[%add3A_16, %dma_start3A_240] : memref<10240x128xf32, #tpu.memory_space<vmem_shared>> -> memref<16x128xf32, #tpu.memory_space<vmem_shared>>
      tpu.enqueue_dma source(%arg12 : memref<16x128xf32, #tpu.memory_space<vmem>>) target(%dma_start3A_241 : memref<16x128xf32, #tpu.memory_space<vmem_shared>>) target_semaphore(%run_scoped3A_237 : memref<!tpu.dma_semaphore, #tpu.memory_space<semaphore_mem>>)
      %dma_wait3A_242 = arith.constant 0 : i32
      %dma_wait3A_243 = tpu.memref_slice %arg13[%add3A_16, %dma_wait3A_242] : memref<10240x128xf32, #tpu.memory_space<vmem_shared>> -> memref<16x128xf32, #tpu.memory_space<vmem_shared>>
      %dma_wait3A_244 = arith.constant 0 : i32
      %dma_wait3A_245 = tpu.memref_slice %arg13[%add3A_16, %dma_wait3A_244] : memref<10240x128xf32, #tpu.memory_space<vmem_shared>> -> memref<16x128xf32, #tpu.memory_space<vmem_shared>>
      tpu.wait_dma2 semaphore(%run_scoped3A_237 : memref<!tpu.dma_semaphore, #tpu.memory_space<semaphore_mem>>) src(%arg12 : memref<16x128xf32, #tpu.memory_space<vmem>>) dst(%dma_wait3A_245 : memref<16x128xf32, #tpu.memory_space<vmem_shared>>)
      tpu.yield
    }) : () -> ()
    %mul3A_17 = arith.constant 640 : i32
    %mul3A_18 = arith.muli %arg1, %mul3A_17 : i32
    %add3A_19 = arith.constant 32 : i32
    %add3A_20 = arith.addi %mul3A_18, %add3A_19 : i32
    "tpu.region"() ({
      %run_scoped3A_237 = tpu.sem_alloc : memref<!tpu.dma_semaphore, #tpu.memory_space<semaphore_mem>>
      %dma_start3A_238 = arith.constant 0 : i32
      %dma_start3A_239 = tpu.memref_slice %arg13[%add3A_20, %dma_start3A_238] : memref<10240x128xf32, #tpu.memory_space<vmem_shared>> -> memref<16x128xf32, #tpu.memory_space<vmem_shared>>
      %dma_start3A_240 = arith.constant 0 : i32
      %dma_start3A_241 = tpu.memref_slice %arg13[%add3A_20, %dma_start3A_240] : memref<10240x128xf32, #tpu.memory_space<vmem_shared>> -> memref<16x128xf32, #tpu.memory_space<vmem_shared>>
      tpu.enqueue_dma source(%arg12 : memref<16x128xf32, #tpu.memory_space<vmem>>) target(%dma_start3A_241 : memref<16x128xf32, #tpu.memory_space<vmem_shared>>) target_semaphore(%run_scoped3A_237 : memref<!tpu.dma_semaphore, #tpu.memory_space<semaphore_mem>>)
      %dma_wait3A_242 = arith.constant 0 : i32
      %dma_wait3A_243 = tpu.memref_slice %arg13[%add3A_20, %dma_wait3A_242] : memref<10240x128xf32, #tpu.memory_space<vmem_shared>> -> memref<16x128xf32, #tpu.memory_space<vmem_shared>>
      %dma_wait3A_244 = arith.constant 0 : i32
      %dma_wait3A_245 = tpu.memref_slice %arg13[%add3A_20, %dma_wait3A_244] : memref<10240x128xf32, #tpu.memory_space<vmem_shared>> -> memref<16x128xf32, #tpu.memory_space<vmem_shared>>
      tpu.wait_dma2 semaphore(%run_scoped3A_237 : memref<!tpu.dma_semaphore, #tpu.memory_space<semaphore_mem>>) src(%arg12 : memref<16x128xf32, #tpu.memory_space<vmem>>) dst(%dma_wait3A_245 : memref<16x128xf32, #tpu.memory_space<vmem_shared>>)
      tpu.yield
    }) : () -> ()
    %mul3A_21 = arith.constant 640 : i32
    %mul3A_22 = arith.muli %arg1, %mul3A_21 : i32
    %add3A_23 = arith.constant 48 : i32
    %add3A_24 = arith.addi %mul3A_22, %add3A_23 : i32
    "tpu.region"() ({
      %run_scoped3A_237 = tpu.sem_alloc : memref<!tpu.dma_semaphore, #tpu.memory_space<semaphore_mem>>
      %dma_start3A_238 = arith.constant 0 : i32
      %dma_start3A_239 = tpu.memref_slice %arg13[%add3A_24, %dma_start3A_238] : memref<10240x128xf32, #tpu.memory_space<vmem_shared>> -> memref<16x128xf32, #tpu.memory_space<vmem_shared>>
      %dma_start3A_240 = arith.constant 0 : i32
      %dma_start3A_241 = tpu.memref_slice %arg13[%add3A_24, %dma_start3A_240] : memref<10240x128xf32, #tpu.memory_space<vmem_shared>> -> memref<16x128xf32, #tpu.memory_space<vmem_shared>>
      tpu.enqueue_dma source(%arg12 : memref<16x128xf32, #tpu.memory_space<vmem>>) target(%dma_start3A_241 : memref<16x128xf32, #tpu.memory_space<vmem_shared>>) target_semaphore(%run_scoped3A_237 : memref<!tpu.dma_semaphore, #tpu.memory_space<semaphore_mem>>)
      %dma_wait3A_242 = arith.constant 0 : i32
      %dma_wait3A_243 = tpu.memref_slice %arg13[%add3A_24, %dma_wait3A_242] : memref<10240x128xf32, #tpu.memory_space<vmem_shared>> -> memref<16x128xf32, #tpu.memory_space<vmem_shared>>
      %dma_wait3A_244 = arith.constant 0 : i32
      %dma_wait3A_245 = tpu.memref_slice %arg13[%add3A_24, %dma_wait3A_244] : memref<10240x128xf32, #tpu.memory_space<vmem_shared>> -> memref<16x128xf32, #tpu.memory_space<vmem_shared>>
      tpu.wait_dma2 semaphore(%run_scoped3A_237 : memref<!tpu.dma_semaphore, #tpu.memory_space<semaphore_mem>>) src(%arg12 : memref<16x128xf32, #tpu.memory_space<vmem>>) dst(%dma_wait3A_245 : memref<16x128xf32, #tpu.memory_space<vmem_shared>>)
      tpu.yield
    }) : () -> ()
    %mul3A_25 = arith.constant 640 : i32
    %mul3A_26 = arith.muli %arg1, %mul3A_25 : i32
    %add3A_27 = arith.constant 64 : i32
    %add3A_28 = arith.addi %mul3A_26, %add3A_27 : i32
    "tpu.region"() ({
      %run_scoped3A_237 = tpu.sem_alloc : memref<!tpu.dma_semaphore, #tpu.memory_space<semaphore_mem>>
      %dma_start3A_238 = arith.constant 0 : i32
      %dma_start3A_239 = tpu.memref_slice %arg13[%add3A_28, %dma_start3A_238] : memref<10240x128xf32, #tpu.memory_space<vmem_shared>> -> memref<16x128xf32, #tpu.memory_space<vmem_shared>>
      %dma_start3A_240 = arith.constant 0 : i32
      %dma_start3A_241 = tpu.memref_slice %arg13[%add3A_28, %dma_start3A_240] : memref<10240x128xf32, #tpu.memory_space<vmem_shared>> -> memref<16x128xf32, #tpu.memory_space<vmem_shared>>
      tpu.enqueue_dma source(%arg12 : memref<16x128xf32, #tpu.memory_space<vmem>>) target(%dma_start3A_241 : memref<16x128xf32, #tpu.memory_space<vmem_shared>>) target_semaphore(%run_scoped3A_237 : memref<!tpu.dma_semaphore, #tpu.memory_space<semaphore_mem>>)
      %dma_wait3A_242 = arith.constant 0 : i32
      %dma_wait3A_243 = tpu.memref_slice %arg13[%add3A_28, %dma_wait3A_242] : memref<10240x128xf32, #tpu.memory_space<vmem_shared>> -> memref<16x128xf32, #tpu.memory_space<vmem_shared>>
      %dma_wait3A_244 = arith.constant 0 : i32
      %dma_wait3A_245 = tpu.memref_slice %arg13[%add3A_28, %dma_wait3A_244] : memref<10240x128xf32, #tpu.memory_space<vmem_shared>> -> memref<16x128xf32, #tpu.memory_space<vmem_shared>>
      tpu.wait_dma2 semaphore(%run_scoped3A_237 : memref<!tpu.dma_semaphore, #tpu.memory_space<semaphore_mem>>) src(%arg12 : memref<16x128xf32, #tpu.memory_space<vmem>>) dst(%dma_wait3A_245 : memref<16x128xf32, #tpu.memory_space<vmem_shared>>)
      tpu.yield
    }) : () -> ()
    %mul3A_29 = arith.constant 640 : i32
    %mul3A_30 = arith.muli %arg1, %mul3A_29 : i32
    %add3A_31 = arith.constant 80 : i32
    %add3A_32 = arith.addi %mul3A_30, %add3A_31 : i32
    "tpu.region"() ({
      %run_scoped3A_237 = tpu.sem_alloc : memref<!tpu.dma_semaphore, #tpu.memory_space<semaphore_mem>>
      %dma_start3A_238 = arith.constant 0 : i32
      %dma_start3A_239 = tpu.memref_slice %arg13[%add3A_32, %dma_start3A_238] : memref<10240x128xf32, #tpu.memory_space<vmem_shared>> -> memref<16x128xf32, #tpu.memory_space<vmem_shared>>
      %dma_start3A_240 = arith.constant 0 : i32
      %dma_start3A_241 = tpu.memref_slice %arg13[%add3A_32, %dma_start3A_240] : memref<10240x128xf32, #tpu.memory_space<vmem_shared>> -> memref<16x128xf32, #tpu.memory_space<vmem_shared>>
      tpu.enqueue_dma source(%arg12 : memref<16x128xf32, #tpu.memory_space<vmem>>) target(%dma_start3A_241 : memref<16x128xf32, #tpu.memory_space<vmem_shared>>) target_semaphore(%run_scoped3A_237 : memref<!tpu.dma_semaphore, #tpu.memory_space<semaphore_mem>>)
      %dma_wait3A_242 = arith.constant 0 : i32
      %dma_wait3A_243 = tpu.memref_slice %arg13[%add3A_32, %dma_wait3A_242] : memref<10240x128xf32, #tpu.memory_space<vmem_shared>> -> memref<16x128xf32, #tpu.memory_space<vmem_shared>>
      %dma_wait3A_244 = arith.constant 0 : i32
      %dma_wait3A_245 = tpu.memref_slice %arg13[%add3A_32, %dma_wait3A_244] : memref<10240x128xf32, #tpu.memory_space<vmem_shared>> -> memref<16x128xf32, #tpu.memory_space<vmem_shared>>
      tpu.wait_dma2 semaphore(%run_scoped3A_237 : memref<!tpu.dma_semaphore, #tpu.memory_space<semaphore_mem>>) src(%arg12 : memref<16x128xf32, #tpu.memory_space<vmem>>) dst(%dma_wait3A_245 : memref<16x128xf32, #tpu.memory_space<vmem_shared>>)
      tpu.yield
    }) : () -> ()
    %mul3A_33 = arith.constant 640 : i32
    %mul3A_34 = arith.muli %arg1, %mul3A_33 : i32
    %add3A_35 = arith.constant 96 : i32
    %add3A_36 = arith.addi %mul3A_34, %add3A_35 : i32
    "tpu.region"() ({
      %run_scoped3A_237 = tpu.sem_alloc : memref<!tpu.dma_semaphore, #tpu.memory_space<semaphore_mem>>
      %dma_start3A_238 = arith.constant 0 : i32
      %dma_start3A_239 = tpu.memref_slice %arg13[%add3A_36, %dma_start3A_238] : memref<10240x128xf32, #tpu.memory_space<vmem_shared>> -> memref<16x128xf32, #tpu.memory_space<vmem_shared>>
      %dma_start3A_240 = arith.constant 0 : i32
      %dma_start3A_241 = tpu.memref_slice %arg13[%add3A_36, %dma_start3A_240] : memref<10240x128xf32, #tpu.memory_space<vmem_shared>> -> memref<16x128xf32, #tpu.memory_space<vmem_shared>>
      tpu.enqueue_dma source(%arg12 : memref<16x128xf32, #tpu.memory_space<vmem>>) target(%dma_start3A_241 : memref<16x128xf32, #tpu.memory_space<vmem_shared>>) target_semaphore(%run_scoped3A_237 : memref<!tpu.dma_semaphore, #tpu.memory_space<semaphore_mem>>)
      %dma_wait3A_242 = arith.constant 0 : i32
      %dma_wait3A_243 = tpu.memref_slice %arg13[%add3A_36, %dma_wait3A_242] : memref<10240x128xf32, #tpu.memory_space<vmem_shared>> -> memref<16x128xf32, #tpu.memory_space<vmem_shared>>
      %dma_wait3A_244 = arith.constant 0 : i32
      %dma_wait3A_245 = tpu.memref_slice %arg13[%add3A_36, %dma_wait3A_244] : memref<10240x128xf32, #tpu.memory_space<vmem_shared>> -> memref<16x128xf32, #tpu.memory_space<vmem_shared>>
      tpu.wait_dma2 semaphore(%run_scoped3A_237 : memref<!tpu.dma_semaphore, #tpu.memory_space<semaphore_mem>>) src(%arg12 : memref<16x128xf32, #tpu.memory_space<vmem>>) dst(%dma_wait3A_245 : memref<16x128xf32, #tpu.memory_space<vmem_shared>>)
      tpu.yield
    }) : () -> ()
    %mul3A_37 = arith.constant 640 : i32
    %mul3A_38 = arith.muli %arg1, %mul3A_37 : i32
    %add3A_39 = arith.constant 112 : i32
    %add3A_40 = arith.addi %mul3A_38, %add3A_39 : i32
    "tpu.region"() ({
      %run_scoped3A_237 = tpu.sem_alloc : memref<!tpu.dma_semaphore, #tpu.memory_space<semaphore_mem>>
      %dma_start3A_238 = arith.constant 0 : i32
      %dma_start3A_239 = tpu.memref_slice %arg13[%add3A_40, %dma_start3A_238] : memref<10240x128xf32, #tpu.memory_space<vmem_shared>> -> memref<16x128xf32, #tpu.memory_space<vmem_shared>>
      %dma_start3A_240 = arith.constant 0 : i32
      %dma_start3A_241 = tpu.memref_slice %arg13[%add3A_40, %dma_start3A_240] : memref<10240x128xf32, #tpu.memory_space<vmem_shared>> -> memref<16x128xf32, #tpu.memory_space<vmem_shared>>
      tpu.enqueue_dma source(%arg12 : memref<16x128xf32, #tpu.memory_space<vmem>>) target(%dma_start3A_241 : memref<16x128xf32, #tpu.memory_space<vmem_shared>>) target_semaphore(%run_scoped3A_237 : memref<!tpu.dma_semaphore, #tpu.memory_space<semaphore_mem>>)
      %dma_wait3A_242 = arith.constant 0 : i32
      %dma_wait3A_243 = tpu.memref_slice %arg13[%add3A_40, %dma_wait3A_242] : memref<10240x128xf32, #tpu.memory_space<vmem_shared>> -> memref<16x128xf32, #tpu.memory_space<vmem_shared>>
      %dma_wait3A_244 = arith.constant 0 : i32
      %dma_wait3A_245 = tpu.memref_slice %arg13[%add3A_40, %dma_wait3A_244] : memref<10240x128xf32, #tpu.memory_space<vmem_shared>> -> memref<16x128xf32, #tpu.memory_space<vmem_shared>>
      tpu.wait_dma2 semaphore(%run_scoped3A_237 : memref<!tpu.dma_semaphore, #tpu.memory_space<semaphore_mem>>) src(%arg12 : memref<16x128xf32, #tpu.memory_space<vmem>>) dst(%dma_wait3A_245 : memref<16x128xf32, #tpu.memory_space<vmem_shared>>)
      tpu.yield
    }) : () -> ()
    %mul3A_41 = arith.constant 640 : i32
    %mul3A_42 = arith.muli %arg1, %mul3A_41 : i32
    %add3A_43 = arith.constant 128 : i32
    %add3A_44 = arith.addi %mul3A_42, %add3A_43 : i32
    "tpu.region"() ({
      %run_scoped3A_237 = tpu.sem_alloc : memref<!tpu.dma_semaphore, #tpu.memory_space<semaphore_mem>>
      %dma_start3A_238 = arith.constant 0 : i32
      %dma_start3A_239 = tpu.memref_slice %arg13[%add3A_44, %dma_start3A_238] : memref<10240x128xf32, #tpu.memory_space<vmem_shared>> -> memref<16x128xf32, #tpu.memory_space<vmem_shared>>
      %dma_start3A_240 = arith.constant 0 : i32
      %dma_start3A_241 = tpu.memref_slice %arg13[%add3A_44, %dma_start3A_240] : memref<10240x128xf32, #tpu.memory_space<vmem_shared>> -> memref<16x128xf32, #tpu.memory_space<vmem_shared>>
      tpu.enqueue_dma source(%arg12 : memref<16x128xf32, #tpu.memory_space<vmem>>) target(%dma_start3A_241 : memref<16x128xf32, #tpu.memory_space<vmem_shared>>) target_semaphore(%run_scoped3A_237 : memref<!tpu.dma_semaphore, #tpu.memory_space<semaphore_mem>>)
      %dma_wait3A_242 = arith.constant 0 : i32
      %dma_wait3A_243 = tpu.memref_slice %arg13[%add3A_44, %dma_wait3A_242] : memref<10240x128xf32, #tpu.memory_space<vmem_shared>> -> memref<16x128xf32, #tpu.memory_space<vmem_shared>>
      %dma_wait3A_244 = arith.constant 0 : i32
      %dma_wait3A_245 = tpu.memref_slice %arg13[%add3A_44, %dma_wait3A_244] : memref<10240x128xf32, #tpu.memory_space<vmem_shared>> -> memref<16x128xf32, #tpu.memory_space<vmem_shared>>
      tpu.wait_dma2 semaphore(%run_scoped3A_237 : memref<!tpu.dma_semaphore, #tpu.memory_space<semaphore_mem>>) src(%arg12 : memref<16x128xf32, #tpu.memory_space<vmem>>) dst(%dma_wait3A_245 : memref<16x128xf32, #tpu.memory_space<vmem_shared>>)
      tpu.yield
    }) : () -> ()
    %mul3A_45 = arith.constant 640 : i32
    %mul3A_46 = arith.muli %arg1, %mul3A_45 : i32
    %add3A_47 = arith.constant 144 : i32
    %add3A_48 = arith.addi %mul3A_46, %add3A_47 : i32
    "tpu.region"() ({
      %run_scoped3A_237 = tpu.sem_alloc : memref<!tpu.dma_semaphore, #tpu.memory_space<semaphore_mem>>
      %dma_start3A_238 = arith.constant 0 : i32
      %dma_start3A_239 = tpu.memref_slice %arg13[%add3A_48, %dma_start3A_238] : memref<10240x128xf32, #tpu.memory_space<vmem_shared>> -> memref<16x128xf32, #tpu.memory_space<vmem_shared>>
      %dma_start3A_240 = arith.constant 0 : i32
      %dma_start3A_241 = tpu.memref_slice %arg13[%add3A_48, %dma_start3A_240] : memref<10240x128xf32, #tpu.memory_space<vmem_shared>> -> memref<16x128xf32, #tpu.memory_space<vmem_shared>>
      tpu.enqueue_dma source(%arg12 : memref<16x128xf32, #tpu.memory_space<vmem>>) target(%dma_start3A_241 : memref<16x128xf32, #tpu.memory_space<vmem_shared>>) target_semaphore(%run_scoped3A_237 : memref<!tpu.dma_semaphore, #tpu.memory_space<semaphore_mem>>)
      %dma_wait3A_242 = arith.constant 0 : i32
      %dma_wait3A_243 = tpu.memref_slice %arg13[%add3A_48, %dma_wait3A_242] : memref<10240x128xf32, #tpu.memory_space<vmem_shared>> -> memref<16x128xf32, #tpu.memory_space<vmem_shared>>
      %dma_wait3A_244 = arith.constant 0 : i32
      %dma_wait3A_245 = tpu.memref_slice %arg13[%add3A_48, %dma_wait3A_244] : memref<10240x128xf32, #tpu.memory_space<vmem_shared>> -> memref<16x128xf32, #tpu.memory_space<vmem_shared>>
      tpu.wait_dma2 semaphore(%run_scoped3A_237 : memref<!tpu.dma_semaphore, #tpu.memory_space<semaphore_mem>>) src(%arg12 : memref<16x128xf32, #tpu.memory_space<vmem>>) dst(%dma_wait3A_245 : memref<16x128xf32, #tpu.memory_space<vmem_shared>>)
      tpu.yield
    }) : () -> ()
    %mul3A_49 = arith.constant 640 : i32
    %mul3A_50 = arith.muli %arg1, %mul3A_49 : i32
    %add3A_51 = arith.constant 160 : i32
    %add3A_52 = arith.addi %mul3A_50, %add3A_51 : i32
    "tpu.region"() ({
      %run_scoped3A_237 = tpu.sem_alloc : memref<!tpu.dma_semaphore, #tpu.memory_space<semaphore_mem>>
      %dma_start3A_238 = arith.constant 0 : i32
      %dma_start3A_239 = tpu.memref_slice %arg13[%add3A_52, %dma_start3A_238] : memref<10240x128xf32, #tpu.memory_space<vmem_shared>> -> memref<16x128xf32, #tpu.memory_space<vmem_shared>>
      %dma_start3A_240 = arith.constant 0 : i32
      %dma_start3A_241 = tpu.memref_slice %arg13[%add3A_52, %dma_start3A_240] : memref<10240x128xf32, #tpu.memory_space<vmem_shared>> -> memref<16x128xf32, #tpu.memory_space<vmem_shared>>
      tpu.enqueue_dma source(%arg12 : memref<16x128xf32, #tpu.memory_space<vmem>>) target(%dma_start3A_241 : memref<16x128xf32, #tpu.memory_space<vmem_shared>>) target_semaphore(%run_scoped3A_237 : memref<!tpu.dma_semaphore, #tpu.memory_space<semaphore_mem>>)
      %dma_wait3A_242 = arith.constant 0 : i32
      %dma_wait3A_243 = tpu.memref_slice %arg13[%add3A_52, %dma_wait3A_242] : memref<10240x128xf32, #tpu.memory_space<vmem_shared>> -> memref<16x128xf32, #tpu.memory_space<vmem_shared>>
      %dma_wait3A_244 = arith.constant 0 : i32
      %dma_wait3A_245 = tpu.memref_slice %arg13[%add3A_52, %dma_wait3A_244] : memref<10240x128xf32, #tpu.memory_space<vmem_shared>> -> memref<16x128xf32, #tpu.memory_space<vmem_shared>>
      tpu.wait_dma2 semaphore(%run_scoped3A_237 : memref<!tpu.dma_semaphore, #tpu.memory_space<semaphore_mem>>) src(%arg12 : memref<16x128xf32, #tpu.memory_space<vmem>>) dst(%dma_wait3A_245 : memref<16x128xf32, #tpu.memory_space<vmem_shared>>)
      tpu.yield
    }) : () -> ()
    %mul3A_53 = arith.constant 640 : i32
    %mul3A_54 = arith.muli %arg1, %mul3A_53 : i32
    %add3A_55 = arith.constant 176 : i32
    %add3A_56 = arith.addi %mul3A_54, %add3A_55 : i32
    "tpu.region"() ({
      %run_scoped3A_237 = tpu.sem_alloc : memref<!tpu.dma_semaphore, #tpu.memory_space<semaphore_mem>>
      %dma_start3A_238 = arith.constant 0 : i32
      %dma_start3A_239 = tpu.memref_slice %arg13[%add3A_56, %dma_start3A_238] : memref<10240x128xf32, #tpu.memory_space<vmem_shared>> -> memref<16x128xf32, #tpu.memory_space<vmem_shared>>
      %dma_start3A_240 = arith.constant 0 : i32
      %dma_start3A_241 = tpu.memref_slice %arg13[%add3A_56, %dma_start3A_240] : memref<10240x128xf32, #tpu.memory_space<vmem_shared>> -> memref<16x128xf32, #tpu.memory_space<vmem_shared>>
      tpu.enqueue_dma source(%arg12 : memref<16x128xf32, #tpu.memory_space<vmem>>) target(%dma_start3A_241 : memref<16x128xf32, #tpu.memory_space<vmem_shared>>) target_semaphore(%run_scoped3A_237 : memref<!tpu.dma_semaphore, #tpu.memory_space<semaphore_mem>>)
      %dma_wait3A_242 = arith.constant 0 : i32
      %dma_wait3A_243 = tpu.memref_slice %arg13[%add3A_56, %dma_wait3A_242] : memref<10240x128xf32, #tpu.memory_space<vmem_shared>> -> memref<16x128xf32, #tpu.memory_space<vmem_shared>>
      %dma_wait3A_244 = arith.constant 0 : i32
      %dma_wait3A_245 = tpu.memref_slice %arg13[%add3A_56, %dma_wait3A_244] : memref<10240x128xf32, #tpu.memory_space<vmem_shared>> -> memref<16x128xf32, #tpu.memory_space<vmem_shared>>
      tpu.wait_dma2 semaphore(%run_scoped3A_237 : memref<!tpu.dma_semaphore, #tpu.memory_space<semaphore_mem>>) src(%arg12 : memref<16x128xf32, #tpu.memory_space<vmem>>) dst(%dma_wait3A_245 : memref<16x128xf32, #tpu.memory_space<vmem_shared>>)
      tpu.yield
    }) : () -> ()
    %mul3A_57 = arith.constant 640 : i32
    %mul3A_58 = arith.muli %arg1, %mul3A_57 : i32
    %add3A_59 = arith.constant 192 : i32
    %add3A_60 = arith.addi %mul3A_58, %add3A_59 : i32
    "tpu.region"() ({
      %run_scoped3A_237 = tpu.sem_alloc : memref<!tpu.dma_semaphore, #tpu.memory_space<semaphore_mem>>
      %dma_start3A_238 = arith.constant 0 : i32
      %dma_start3A_239 = tpu.memref_slice %arg13[%add3A_60, %dma_start3A_238] : memref<10240x128xf32, #tpu.memory_space<vmem_shared>> -> memref<16x128xf32, #tpu.memory_space<vmem_shared>>
      %dma_start3A_240 = arith.constant 0 : i32
      %dma_start3A_241 = tpu.memref_slice %arg13[%add3A_60, %dma_start3A_240] : memref<10240x128xf32, #tpu.memory_space<vmem_shared>> -> memref<16x128xf32, #tpu.memory_space<vmem_shared>>
      tpu.enqueue_dma source(%arg12 : memref<16x128xf32, #tpu.memory_space<vmem>>) target(%dma_start3A_241 : memref<16x128xf32, #tpu.memory_space<vmem_shared>>) target_semaphore(%run_scoped3A_237 : memref<!tpu.dma_semaphore, #tpu.memory_space<semaphore_mem>>)
      %dma_wait3A_242 = arith.constant 0 : i32
      %dma_wait3A_243 = tpu.memref_slice %arg13[%add3A_60, %dma_wait3A_242] : memref<10240x128xf32, #tpu.memory_space<vmem_shared>> -> memref<16x128xf32, #tpu.memory_space<vmem_shared>>
      %dma_wait3A_244 = arith.constant 0 : i32
      %dma_wait3A_245 = tpu.memref_slice %arg13[%add3A_60, %dma_wait3A_244] : memref<10240x128xf32, #tpu.memory_space<vmem_shared>> -> memref<16x128xf32, #tpu.memory_space<vmem_shared>>
      tpu.wait_dma2 semaphore(%run_scoped3A_237 : memref<!tpu.dma_semaphore, #tpu.memory_space<semaphore_mem>>) src(%arg12 : memref<16x128xf32, #tpu.memory_space<vmem>>) dst(%dma_wait3A_245 : memref<16x128xf32, #tpu.memory_space<vmem_shared>>)
      tpu.yield
    }) : () -> ()
    %mul3A_61 = arith.constant 640 : i32
    %mul3A_62 = arith.muli %arg1, %mul3A_61 : i32
    %add3A_63 = arith.constant 208 : i32
    %add3A_64 = arith.addi %mul3A_62, %add3A_63 : i32
    "tpu.region"() ({
      %run_scoped3A_237 = tpu.sem_alloc : memref<!tpu.dma_semaphore, #tpu.memory_space<semaphore_mem>>
      %dma_start3A_238 = arith.constant 0 : i32
      %dma_start3A_239 = tpu.memref_slice %arg13[%add3A_64, %dma_start3A_238] : memref<10240x128xf32, #tpu.memory_space<vmem_shared>> -> memref<16x128xf32, #tpu.memory_space<vmem_shared>>
      %dma_start3A_240 = arith.constant 0 : i32
      %dma_start3A_241 = tpu.memref_slice %arg13[%add3A_64, %dma_start3A_240] : memref<10240x128xf32, #tpu.memory_space<vmem_shared>> -> memref<16x128xf32, #tpu.memory_space<vmem_shared>>
      tpu.enqueue_dma source(%arg12 : memref<16x128xf32, #tpu.memory_space<vmem>>) target(%dma_start3A_241 : memref<16x128xf32, #tpu.memory_space<vmem_shared>>) target_semaphore(%run_scoped3A_237 : memref<!tpu.dma_semaphore, #tpu.memory_space<semaphore_mem>>)
      %dma_wait3A_242 = arith.constant 0 : i32
      %dma_wait3A_243 = tpu.memref_slice %arg13[%add3A_64, %dma_wait3A_242] : memref<10240x128xf32, #tpu.memory_space<vmem_shared>> -> memref<16x128xf32, #tpu.memory_space<vmem_shared>>
      %dma_wait3A_244 = arith.constant 0 : i32
      %dma_wait3A_245 = tpu.memref_slice %arg13[%add3A_64, %dma_wait3A_244] : memref<10240x128xf32, #tpu.memory_space<vmem_shared>> -> memref<16x128xf32, #tpu.memory_space<vmem_shared>>
      tpu.wait_dma2 semaphore(%run_scoped3A_237 : memref<!tpu.dma_semaphore, #tpu.memory_space<semaphore_mem>>) src(%arg12 : memref<16x128xf32, #tpu.memory_space<vmem>>) dst(%dma_wait3A_245 : memref<16x128xf32, #tpu.memory_space<vmem_shared>>)
      tpu.yield
    }) : () -> ()
    %mul3A_65 = arith.constant 640 : i32
    %mul3A_66 = arith.muli %arg1, %mul3A_65 : i32
    %add3A_67 = arith.constant 224 : i32
    %add3A_68 = arith.addi %mul3A_66, %add3A_67 : i32
    "tpu.region"() ({
      %run_scoped3A_237 = tpu.sem_alloc : memref<!tpu.dma_semaphore, #tpu.memory_space<semaphore_mem>>
      %dma_start3A_238 = arith.constant 0 : i32
      %dma_start3A_239 = tpu.memref_slice %arg13[%add3A_68, %dma_start3A_238] : memref<10240x128xf32, #tpu.memory_space<vmem_shared>> -> memref<16x128xf32, #tpu.memory_space<vmem_shared>>
      %dma_start3A_240 = arith.constant 0 : i32
      %dma_start3A_241 = tpu.memref_slice %arg13[%add3A_68, %dma_start3A_240] : memref<10240x128xf32, #tpu.memory_space<vmem_shared>> -> memref<16x128xf32, #tpu.memory_space<vmem_shared>>
      tpu.enqueue_dma source(%arg12 : memref<16x128xf32, #tpu.memory_space<vmem>>) target(%dma_start3A_241 : memref<16x128xf32, #tpu.memory_space<vmem_shared>>) target_semaphore(%run_scoped3A_237 : memref<!tpu.dma_semaphore, #tpu.memory_space<semaphore_mem>>)
      %dma_wait3A_242 = arith.constant 0 : i32
      %dma_wait3A_243 = tpu.memref_slice %arg13[%add3A_68, %dma_wait3A_242] : memref<10240x128xf32, #tpu.memory_space<vmem_shared>> -> memref<16x128xf32, #tpu.memory_space<vmem_shared>>
      %dma_wait3A_244 = arith.constant 0 : i32
      %dma_wait3A_245 = tpu.memref_slice %arg13[%add3A_68, %dma_wait3A_244] : memref<10240x128xf32, #tpu.memory_space<vmem_shared>> -> memref<16x128xf32, #tpu.memory_space<vmem_shared>>
      tpu.wait_dma2 semaphore(%run_scoped3A_237 : memref<!tpu.dma_semaphore, #tpu.memory_space<semaphore_mem>>) src(%arg12 : memref<16x128xf32, #tpu.memory_space<vmem>>) dst(%dma_wait3A_245 : memref<16x128xf32, #tpu.memory_space<vmem_shared>>)
      tpu.yield
    }) : () -> ()
    %mul3A_69 = arith.constant 640 : i32
    %mul3A_70 = arith.muli %arg1, %mul3A_69 : i32
    %add3A_71 = arith.constant 240 : i32
    %add3A_72 = arith.addi %mul3A_70, %add3A_71 : i32
    "tpu.region"() ({
      %run_scoped3A_237 = tpu.sem_alloc : memref<!tpu.dma_semaphore, #tpu.memory_space<semaphore_mem>>
      %dma_start3A_238 = arith.constant 0 : i32
      %dma_start3A_239 = tpu.memref_slice %arg13[%add3A_72, %dma_start3A_238] : memref<10240x128xf32, #tpu.memory_space<vmem_shared>> -> memref<16x128xf32, #tpu.memory_space<vmem_shared>>
      %dma_start3A_240 = arith.constant 0 : i32
      %dma_start3A_241 = tpu.memref_slice %arg13[%add3A_72, %dma_start3A_240] : memref<10240x128xf32, #tpu.memory_space<vmem_shared>> -> memref<16x128xf32, #tpu.memory_space<vmem_shared>>
      tpu.enqueue_dma source(%arg12 : memref<16x128xf32, #tpu.memory_space<vmem>>) target(%dma_start3A_241 : memref<16x128xf32, #tpu.memory_space<vmem_shared>>) target_semaphore(%run_scoped3A_237 : memref<!tpu.dma_semaphore, #tpu.memory_space<semaphore_mem>>)
      %dma_wait3A_242 = arith.constant 0 : i32
      %dma_wait3A_243 = tpu.memref_slice %arg13[%add3A_72, %dma_wait3A_242] : memref<10240x128xf32, #tpu.memory_space<vmem_shared>> -> memref<16x128xf32, #tpu.memory_space<vmem_shared>>
      %dma_wait3A_244 = arith.constant 0 : i32
      %dma_wait3A_245 = tpu.memref_slice %arg13[%add3A_72, %dma_wait3A_244] : memref<10240x128xf32, #tpu.memory_space<vmem_shared>> -> memref<16x128xf32, #tpu.memory_space<vmem_shared>>
      tpu.wait_dma2 semaphore(%run_scoped3A_237 : memref<!tpu.dma_semaphore, #tpu.memory_space<semaphore_mem>>) src(%arg12 : memref<16x128xf32, #tpu.memory_space<vmem>>) dst(%dma_wait3A_245 : memref<16x128xf32, #tpu.memory_space<vmem_shared>>)
      tpu.yield
    }) : () -> ()
    %mul3A_73 = arith.constant 640 : i32
    %mul3A_74 = arith.muli %arg1, %mul3A_73 : i32
    %add3A_75 = arith.constant 256 : i32
    %add3A_76 = arith.addi %mul3A_74, %add3A_75 : i32
    "tpu.region"() ({
      %run_scoped3A_237 = tpu.sem_alloc : memref<!tpu.dma_semaphore, #tpu.memory_space<semaphore_mem>>
      %dma_start3A_238 = arith.constant 0 : i32
      %dma_start3A_239 = tpu.memref_slice %arg13[%add3A_76, %dma_start3A_238] : memref<10240x128xf32, #tpu.memory_space<vmem_shared>> -> memref<16x128xf32, #tpu.memory_space<vmem_shared>>
      %dma_start3A_240 = arith.constant 0 : i32
      %dma_start3A_241 = tpu.memref_slice %arg13[%add3A_76, %dma_start3A_240] : memref<10240x128xf32, #tpu.memory_space<vmem_shared>> -> memref<16x128xf32, #tpu.memory_space<vmem_shared>>
      tpu.enqueue_dma source(%arg12 : memref<16x128xf32, #tpu.memory_space<vmem>>) target(%dma_start3A_241 : memref<16x128xf32, #tpu.memory_space<vmem_shared>>) target_semaphore(%run_scoped3A_237 : memref<!tpu.dma_semaphore, #tpu.memory_space<semaphore_mem>>)
      %dma_wait3A_242 = arith.constant 0 : i32
      %dma_wait3A_243 = tpu.memref_slice %arg13[%add3A_76, %dma_wait3A_242] : memref<10240x128xf32, #tpu.memory_space<vmem_shared>> -> memref<16x128xf32, #tpu.memory_space<vmem_shared>>
      %dma_wait3A_244 = arith.constant 0 : i32
      %dma_wait3A_245 = tpu.memref_slice %arg13[%add3A_76, %dma_wait3A_244] : memref<10240x128xf32, #tpu.memory_space<vmem_shared>> -> memref<16x128xf32, #tpu.memory_space<vmem_shared>>
      tpu.wait_dma2 semaphore(%run_scoped3A_237 : memref<!tpu.dma_semaphore, #tpu.memory_space<semaphore_mem>>) src(%arg12 : memref<16x128xf32, #tpu.memory_space<vmem>>) dst(%dma_wait3A_245 : memref<16x128xf32, #tpu.memory_space<vmem_shared>>)
      tpu.yield
    }) : () -> ()
    %mul3A_77 = arith.constant 640 : i32
    %mul3A_78 = arith.muli %arg1, %mul3A_77 : i32
    %add3A_79 = arith.constant 272 : i32
    %add3A_80 = arith.addi %mul3A_78, %add3A_79 : i32
    "tpu.region"() ({
      %run_scoped3A_237 = tpu.sem_alloc : memref<!tpu.dma_semaphore, #tpu.memory_space<semaphore_mem>>
      %dma_start3A_238 = arith.constant 0 : i32
      %dma_start3A_239 = tpu.memref_slice %arg13[%add3A_80, %dma_start3A_238] : memref<10240x128xf32, #tpu.memory_space<vmem_shared>> -> memref<16x128xf32, #tpu.memory_space<vmem_shared>>
      %dma_start3A_240 = arith.constant 0 : i32
      %dma_start3A_241 = tpu.memref_slice %arg13[%add3A_80, %dma_start3A_240] : memref<10240x128xf32, #tpu.memory_space<vmem_shared>> -> memref<16x128xf32, #tpu.memory_space<vmem_shared>>
      tpu.enqueue_dma source(%arg12 : memref<16x128xf32, #tpu.memory_space<vmem>>) target(%dma_start3A_241 : memref<16x128xf32, #tpu.memory_space<vmem_shared>>) target_semaphore(%run_scoped3A_237 : memref<!tpu.dma_semaphore, #tpu.memory_space<semaphore_mem>>)
      %dma_wait3A_242 = arith.constant 0 : i32
      %dma_wait3A_243 = tpu.memref_slice %arg13[%add3A_80, %dma_wait3A_242] : memref<10240x128xf32, #tpu.memory_space<vmem_shared>> -> memref<16x128xf32, #tpu.memory_space<vmem_shared>>
      %dma_wait3A_244 = arith.constant 0 : i32
      %dma_wait3A_245 = tpu.memref_slice %arg13[%add3A_80, %dma_wait3A_244] : memref<10240x128xf32, #tpu.memory_space<vmem_shared>> -> memref<16x128xf32, #tpu.memory_space<vmem_shared>>
      tpu.wait_dma2 semaphore(%run_scoped3A_237 : memref<!tpu.dma_semaphore, #tpu.memory_space<semaphore_mem>>) src(%arg12 : memref<16x128xf32, #tpu.memory_space<vmem>>) dst(%dma_wait3A_245 : memref<16x128xf32, #tpu.memory_space<vmem_shared>>)
      tpu.yield
    }) : () -> ()
    %mul3A_81 = arith.constant 640 : i32
    %mul3A_82 = arith.muli %arg1, %mul3A_81 : i32
    %add3A_83 = arith.constant 288 : i32
    %add3A_84 = arith.addi %mul3A_82, %add3A_83 : i32
    "tpu.region"() ({
      %run_scoped3A_237 = tpu.sem_alloc : memref<!tpu.dma_semaphore, #tpu.memory_space<semaphore_mem>>
      %dma_start3A_238 = arith.constant 0 : i32
      %dma_start3A_239 = tpu.memref_slice %arg13[%add3A_84, %dma_start3A_238] : memref<10240x128xf32, #tpu.memory_space<vmem_shared>> -> memref<16x128xf32, #tpu.memory_space<vmem_shared>>
      %dma_start3A_240 = arith.constant 0 : i32
      %dma_start3A_241 = tpu.memref_slice %arg13[%add3A_84, %dma_start3A_240] : memref<10240x128xf32, #tpu.memory_space<vmem_shared>> -> memref<16x128xf32, #tpu.memory_space<vmem_shared>>
      tpu.enqueue_dma source(%arg12 : memref<16x128xf32, #tpu.memory_space<vmem>>) target(%dma_start3A_241 : memref<16x128xf32, #tpu.memory_space<vmem_shared>>) target_semaphore(%run_scoped3A_237 : memref<!tpu.dma_semaphore, #tpu.memory_space<semaphore_mem>>)
      %dma_wait3A_242 = arith.constant 0 : i32
      %dma_wait3A_243 = tpu.memref_slice %arg13[%add3A_84, %dma_wait3A_242] : memref<10240x128xf32, #tpu.memory_space<vmem_shared>> -> memref<16x128xf32, #tpu.memory_space<vmem_shared>>
      %dma_wait3A_244 = arith.constant 0 : i32
      %dma_wait3A_245 = tpu.memref_slice %arg13[%add3A_84, %dma_wait3A_244] : memref<10240x128xf32, #tpu.memory_space<vmem_shared>> -> memref<16x128xf32, #tpu.memory_space<vmem_shared>>
      tpu.wait_dma2 semaphore(%run_scoped3A_237 : memref<!tpu.dma_semaphore, #tpu.memory_space<semaphore_mem>>) src(%arg12 : memref<16x128xf32, #tpu.memory_space<vmem>>) dst(%dma_wait3A_245 : memref<16x128xf32, #tpu.memory_space<vmem_shared>>)
      tpu.yield
    }) : () -> ()
    %mul3A_85 = arith.constant 640 : i32
    %mul3A_86 = arith.muli %arg1, %mul3A_85 : i32
    %add3A_87 = arith.constant 304 : i32
    %add3A_88 = arith.addi %mul3A_86, %add3A_87 : i32
    "tpu.region"() ({
      %run_scoped3A_237 = tpu.sem_alloc : memref<!tpu.dma_semaphore, #tpu.memory_space<semaphore_mem>>
      %dma_start3A_238 = arith.constant 0 : i32
      %dma_start3A_239 = tpu.memref_slice %arg13[%add3A_88, %dma_start3A_238] : memref<10240x128xf32, #tpu.memory_space<vmem_shared>> -> memref<16x128xf32, #tpu.memory_space<vmem_shared>>
      %dma_start3A_240 = arith.constant 0 : i32
      %dma_start3A_241 = tpu.memref_slice %arg13[%add3A_88, %dma_start3A_240] : memref<10240x128xf32, #tpu.memory_space<vmem_shared>> -> memref<16x128xf32, #tpu.memory_space<vmem_shared>>
      tpu.enqueue_dma source(%arg12 : memref<16x128xf32, #tpu.memory_space<vmem>>) target(%dma_start3A_241 : memref<16x128xf32, #tpu.memory_space<vmem_shared>>) target_semaphore(%run_scoped3A_237 : memref<!tpu.dma_semaphore, #tpu.memory_space<semaphore_mem>>)
      %dma_wait3A_242 = arith.constant 0 : i32
      %dma_wait3A_243 = tpu.memref_slice %arg13[%add3A_88, %dma_wait3A_242] : memref<10240x128xf32, #tpu.memory_space<vmem_shared>> -> memref<16x128xf32, #tpu.memory_space<vmem_shared>>
      %dma_wait3A_244 = arith.constant 0 : i32
      %dma_wait3A_245 = tpu.memref_slice %arg13[%add3A_88, %dma_wait3A_244] : memref<10240x128xf32, #tpu.memory_space<vmem_shared>> -> memref<16x128xf32, #tpu.memory_space<vmem_shared>>
      tpu.wait_dma2 semaphore(%run_scoped3A_237 : memref<!tpu.dma_semaphore, #tpu.memory_space<semaphore_mem>>) src(%arg12 : memref<16x128xf32, #tpu.memory_space<vmem>>) dst(%dma_wait3A_245 : memref<16x128xf32, #tpu.memory_space<vmem_shared>>)
      tpu.yield
    }) : () -> ()
    %mul3A_89 = arith.constant 640 : i32
    %mul3A_90 = arith.muli %arg1, %mul3A_89 : i32
    %add3A_91 = arith.constant 320 : i32
    %add3A_92 = arith.addi %mul3A_90, %add3A_91 : i32
    "tpu.region"() ({
      %run_scoped3A_237 = tpu.sem_alloc : memref<!tpu.dma_semaphore, #tpu.memory_space<semaphore_mem>>
      %dma_start3A_238 = arith.constant 0 : i32
      %dma_start3A_239 = tpu.memref_slice %arg13[%add3A_92, %dma_start3A_238] : memref<10240x128xf32, #tpu.memory_space<vmem_shared>> -> memref<16x128xf32, #tpu.memory_space<vmem_shared>>
      %dma_start3A_240 = arith.constant 0 : i32
      %dma_start3A_241 = tpu.memref_slice %arg13[%add3A_92, %dma_start3A_240] : memref<10240x128xf32, #tpu.memory_space<vmem_shared>> -> memref<16x128xf32, #tpu.memory_space<vmem_shared>>
      tpu.enqueue_dma source(%arg12 : memref<16x128xf32, #tpu.memory_space<vmem>>) target(%dma_start3A_241 : memref<16x128xf32, #tpu.memory_space<vmem_shared>>) target_semaphore(%run_scoped3A_237 : memref<!tpu.dma_semaphore, #tpu.memory_space<semaphore_mem>>)
      %dma_wait3A_242 = arith.constant 0 : i32
      %dma_wait3A_243 = tpu.memref_slice %arg13[%add3A_92, %dma_wait3A_242] : memref<10240x128xf32, #tpu.memory_space<vmem_shared>> -> memref<16x128xf32, #tpu.memory_space<vmem_shared>>
      %dma_wait3A_244 = arith.constant 0 : i32
      %dma_wait3A_245 = tpu.memref_slice %arg13[%add3A_92, %dma_wait3A_244] : memref<10240x128xf32, #tpu.memory_space<vmem_shared>> -> memref<16x128xf32, #tpu.memory_space<vmem_shared>>
      tpu.wait_dma2 semaphore(%run_scoped3A_237 : memref<!tpu.dma_semaphore, #tpu.memory_space<semaphore_mem>>) src(%arg12 : memref<16x128xf32, #tpu.memory_space<vmem>>) dst(%dma_wait3A_245 : memref<16x128xf32, #tpu.memory_space<vmem_shared>>)
      tpu.yield
    }) : () -> ()
    %mul3A_93 = arith.constant 640 : i32
    %mul3A_94 = arith.muli %arg1, %mul3A_93 : i32
    %add3A_95 = arith.constant 336 : i32
    %add3A_96 = arith.addi %mul3A_94, %add3A_95 : i32
    "tpu.region"() ({
      %run_scoped3A_237 = tpu.sem_alloc : memref<!tpu.dma_semaphore, #tpu.memory_space<semaphore_mem>>
      %dma_start3A_238 = arith.constant 0 : i32
      %dma_start3A_239 = tpu.memref_slice %arg13[%add3A_96, %dma_start3A_238] : memref<10240x128xf32, #tpu.memory_space<vmem_shared>> -> memref<16x128xf32, #tpu.memory_space<vmem_shared>>
      %dma_start3A_240 = arith.constant 0 : i32
      %dma_start3A_241 = tpu.memref_slice %arg13[%add3A_96, %dma_start3A_240] : memref<10240x128xf32, #tpu.memory_space<vmem_shared>> -> memref<16x128xf32, #tpu.memory_space<vmem_shared>>
      tpu.enqueue_dma source(%arg12 : memref<16x128xf32, #tpu.memory_space<vmem>>) target(%dma_start3A_241 : memref<16x128xf32, #tpu.memory_space<vmem_shared>>) target_semaphore(%run_scoped3A_237 : memref<!tpu.dma_semaphore, #tpu.memory_space<semaphore_mem>>)
      %dma_wait3A_242 = arith.constant 0 : i32
      %dma_wait3A_243 = tpu.memref_slice %arg13[%add3A_96, %dma_wait3A_242] : memref<10240x128xf32, #tpu.memory_space<vmem_shared>> -> memref<16x128xf32, #tpu.memory_space<vmem_shared>>
      %dma_wait3A_244 = arith.constant 0 : i32
      %dma_wait3A_245 = tpu.memref_slice %arg13[%add3A_96, %dma_wait3A_244] : memref<10240x128xf32, #tpu.memory_space<vmem_shared>> -> memref<16x128xf32, #tpu.memory_space<vmem_shared>>
      tpu.wait_dma2 semaphore(%run_scoped3A_237 : memref<!tpu.dma_semaphore, #tpu.memory_space<semaphore_mem>>) src(%arg12 : memref<16x128xf32, #tpu.memory_space<vmem>>) dst(%dma_wait3A_245 : memref<16x128xf32, #tpu.memory_space<vmem_shared>>)
      tpu.yield
    }) : () -> ()
    %mul3A_97 = arith.constant 640 : i32
    %mul3A_98 = arith.muli %arg1, %mul3A_97 : i32
    %add3A_99 = arith.constant 352 : i32
    %add3A_100 = arith.addi %mul3A_98, %add3A_99 : i32
    "tpu.region"() ({
      %run_scoped3A_237 = tpu.sem_alloc : memref<!tpu.dma_semaphore, #tpu.memory_space<semaphore_mem>>
      %dma_start3A_238 = arith.constant 0 : i32
      %dma_start3A_239 = tpu.memref_slice %arg13[%add3A_100, %dma_start3A_238] : memref<10240x128xf32, #tpu.memory_space<vmem_shared>> -> memref<16x128xf32, #tpu.memory_space<vmem_shared>>
      %dma_start3A_240 = arith.constant 0 : i32
      %dma_start3A_241 = tpu.memref_slice %arg13[%add3A_100, %dma_start3A_240] : memref<10240x128xf32, #tpu.memory_space<vmem_shared>> -> memref<16x128xf32, #tpu.memory_space<vmem_shared>>
      tpu.enqueue_dma source(%arg12 : memref<16x128xf32, #tpu.memory_space<vmem>>) target(%dma_start3A_241 : memref<16x128xf32, #tpu.memory_space<vmem_shared>>) target_semaphore(%run_scoped3A_237 : memref<!tpu.dma_semaphore, #tpu.memory_space<semaphore_mem>>)
      %dma_wait3A_242 = arith.constant 0 : i32
      %dma_wait3A_243 = tpu.memref_slice %arg13[%add3A_100, %dma_wait3A_242] : memref<10240x128xf32, #tpu.memory_space<vmem_shared>> -> memref<16x128xf32, #tpu.memory_space<vmem_shared>>
      %dma_wait3A_244 = arith.constant 0 : i32
      %dma_wait3A_245 = tpu.memref_slice %arg13[%add3A_100, %dma_wait3A_244] : memref<10240x128xf32, #tpu.memory_space<vmem_shared>> -> memref<16x128xf32, #tpu.memory_space<vmem_shared>>
      tpu.wait_dma2 semaphore(%run_scoped3A_237 : memref<!tpu.dma_semaphore, #tpu.memory_space<semaphore_mem>>) src(%arg12 : memref<16x128xf32, #tpu.memory_space<vmem>>) dst(%dma_wait3A_245 : memref<16x128xf32, #tpu.memory_space<vmem_shared>>)
      tpu.yield
    }) : () -> ()
    %mul3A_101 = arith.constant 640 : i32
    %mul3A_102 = arith.muli %arg1, %mul3A_101 : i32
    %add3A_103 = arith.constant 368 : i32
    %add3A_104 = arith.addi %mul3A_102, %add3A_103 : i32
    "tpu.region"() ({
      %run_scoped3A_237 = tpu.sem_alloc : memref<!tpu.dma_semaphore, #tpu.memory_space<semaphore_mem>>
      %dma_start3A_238 = arith.constant 0 : i32
      %dma_start3A_239 = tpu.memref_slice %arg13[%add3A_104, %dma_start3A_238] : memref<10240x128xf32, #tpu.memory_space<vmem_shared>> -> memref<16x128xf32, #tpu.memory_space<vmem_shared>>
      %dma_start3A_240 = arith.constant 0 : i32
      %dma_start3A_241 = tpu.memref_slice %arg13[%add3A_104, %dma_start3A_240] : memref<10240x128xf32, #tpu.memory_space<vmem_shared>> -> memref<16x128xf32, #tpu.memory_space<vmem_shared>>
      tpu.enqueue_dma source(%arg12 : memref<16x128xf32, #tpu.memory_space<vmem>>) target(%dma_start3A_241 : memref<16x128xf32, #tpu.memory_space<vmem_shared>>) target_semaphore(%run_scoped3A_237 : memref<!tpu.dma_semaphore, #tpu.memory_space<semaphore_mem>>)
      %dma_wait3A_242 = arith.constant 0 : i32
      %dma_wait3A_243 = tpu.memref_slice %arg13[%add3A_104, %dma_wait3A_242] : memref<10240x128xf32, #tpu.memory_space<vmem_shared>> -> memref<16x128xf32, #tpu.memory_space<vmem_shared>>
      %dma_wait3A_244 = arith.constant 0 : i32
      %dma_wait3A_245 = tpu.memref_slice %arg13[%add3A_104, %dma_wait3A_244] : memref<10240x128xf32, #tpu.memory_space<vmem_shared>> -> memref<16x128xf32, #tpu.memory_space<vmem_shared>>
      tpu.wait_dma2 semaphore(%run_scoped3A_237 : memref<!tpu.dma_semaphore, #tpu.memory_space<semaphore_mem>>) src(%arg12 : memref<16x128xf32, #tpu.memory_space<vmem>>) dst(%dma_wait3A_245 : memref<16x128xf32, #tpu.memory_space<vmem_shared>>)
      tpu.yield
    }) : () -> ()
    %mul3A_105 = arith.constant 640 : i32
    %mul3A_106 = arith.muli %arg1, %mul3A_105 : i32
    %add3A_107 = arith.constant 384 : i32
    %add3A_108 = arith.addi %mul3A_106, %add3A_107 : i32
    "tpu.region"() ({
      %run_scoped3A_237 = tpu.sem_alloc : memref<!tpu.dma_semaphore, #tpu.memory_space<semaphore_mem>>
      %dma_start3A_238 = arith.constant 0 : i32
      %dma_start3A_239 = tpu.memref_slice %arg13[%add3A_108, %dma_start3A_238] : memref<10240x128xf32, #tpu.memory_space<vmem_shared>> -> memref<16x128xf32, #tpu.memory_space<vmem_shared>>
      %dma_start3A_240 = arith.constant 0 : i32
      %dma_start3A_241 = tpu.memref_slice %arg13[%add3A_108, %dma_start3A_240] : memref<10240x128xf32, #tpu.memory_space<vmem_shared>> -> memref<16x128xf32, #tpu.memory_space<vmem_shared>>
      tpu.enqueue_dma source(%arg12 : memref<16x128xf32, #tpu.memory_space<vmem>>) target(%dma_start3A_241 : memref<16x128xf32, #tpu.memory_space<vmem_shared>>) target_semaphore(%run_scoped3A_237 : memref<!tpu.dma_semaphore, #tpu.memory_space<semaphore_mem>>)
      %dma_wait3A_242 = arith.constant 0 : i32
      %dma_wait3A_243 = tpu.memref_slice %arg13[%add3A_108, %dma_wait3A_242] : memref<10240x128xf32, #tpu.memory_space<vmem_shared>> -> memref<16x128xf32, #tpu.memory_space<vmem_shared>>
      %dma_wait3A_244 = arith.constant 0 : i32
      %dma_wait3A_245 = tpu.memref_slice %arg13[%add3A_108, %dma_wait3A_244] : memref<10240x128xf32, #tpu.memory_space<vmem_shared>> -> memref<16x128xf32, #tpu.memory_space<vmem_shared>>
      tpu.wait_dma2 semaphore(%run_scoped3A_237 : memref<!tpu.dma_semaphore, #tpu.memory_space<semaphore_mem>>) src(%arg12 : memref<16x128xf32, #tpu.memory_space<vmem>>) dst(%dma_wait3A_245 : memref<16x128xf32, #tpu.memory_space<vmem_shared>>)
      tpu.yield
    }) : () -> ()
    %mul3A_109 = arith.constant 640 : i32
    %mul3A_110 = arith.muli %arg1, %mul3A_109 : i32
    %add3A_111 = arith.constant 400 : i32
    %add3A_112 = arith.addi %mul3A_110, %add3A_111 : i32
    "tpu.region"() ({
      %run_scoped3A_237 = tpu.sem_alloc : memref<!tpu.dma_semaphore, #tpu.memory_space<semaphore_mem>>
      %dma_start3A_238 = arith.constant 0 : i32
      %dma_start3A_239 = tpu.memref_slice %arg13[%add3A_112, %dma_start3A_238] : memref<10240x128xf32, #tpu.memory_space<vmem_shared>> -> memref<16x128xf32, #tpu.memory_space<vmem_shared>>
      %dma_start3A_240 = arith.constant 0 : i32
      %dma_start3A_241 = tpu.memref_slice %arg13[%add3A_112, %dma_start3A_240] : memref<10240x128xf32, #tpu.memory_space<vmem_shared>> -> memref<16x128xf32, #tpu.memory_space<vmem_shared>>
      tpu.enqueue_dma source(%arg12 : memref<16x128xf32, #tpu.memory_space<vmem>>) target(%dma_start3A_241 : memref<16x128xf32, #tpu.memory_space<vmem_shared>>) target_semaphore(%run_scoped3A_237 : memref<!tpu.dma_semaphore, #tpu.memory_space<semaphore_mem>>)
      %dma_wait3A_242 = arith.constant 0 : i32
      %dma_wait3A_243 = tpu.memref_slice %arg13[%add3A_112, %dma_wait3A_242] : memref<10240x128xf32, #tpu.memory_space<vmem_shared>> -> memref<16x128xf32, #tpu.memory_space<vmem_shared>>
      %dma_wait3A_244 = arith.constant 0 : i32
      %dma_wait3A_245 = tpu.memref_slice %arg13[%add3A_112, %dma_wait3A_244] : memref<10240x128xf32, #tpu.memory_space<vmem_shared>> -> memref<16x128xf32, #tpu.memory_space<vmem_shared>>
      tpu.wait_dma2 semaphore(%run_scoped3A_237 : memref<!tpu.dma_semaphore, #tpu.memory_space<semaphore_mem>>) src(%arg12 : memref<16x128xf32, #tpu.memory_space<vmem>>) dst(%dma_wait3A_245 : memref<16x128xf32, #tpu.memory_space<vmem_shared>>)
      tpu.yield
    }) : () -> ()
    %mul3A_113 = arith.constant 640 : i32
    %mul3A_114 = arith.muli %arg1, %mul3A_113 : i32
    %add3A_115 = arith.constant 416 : i32
    %add3A_116 = arith.addi %mul3A_114, %add3A_115 : i32
    "tpu.region"() ({
      %run_scoped3A_237 = tpu.sem_alloc : memref<!tpu.dma_semaphore, #tpu.memory_space<semaphore_mem>>
      %dma_start3A_238 = arith.constant 0 : i32
      %dma_start3A_239 = tpu.memref_slice %arg13[%add3A_116, %dma_start3A_238] : memref<10240x128xf32, #tpu.memory_space<vmem_shared>> -> memref<16x128xf32, #tpu.memory_space<vmem_shared>>
      %dma_start3A_240 = arith.constant 0 : i32
      %dma_start3A_241 = tpu.memref_slice %arg13[%add3A_116, %dma_start3A_240] : memref<10240x128xf32, #tpu.memory_space<vmem_shared>> -> memref<16x128xf32, #tpu.memory_space<vmem_shared>>
      tpu.enqueue_dma source(%arg12 : memref<16x128xf32, #tpu.memory_space<vmem>>) target(%dma_start3A_241 : memref<16x128xf32, #tpu.memory_space<vmem_shared>>) target_semaphore(%run_scoped3A_237 : memref<!tpu.dma_semaphore, #tpu.memory_space<semaphore_mem>>)
      %dma_wait3A_242 = arith.constant 0 : i32
      %dma_wait3A_243 = tpu.memref_slice %arg13[%add3A_116, %dma_wait3A_242] : memref<10240x128xf32, #tpu.memory_space<vmem_shared>> -> memref<16x128xf32, #tpu.memory_space<vmem_shared>>
      %dma_wait3A_244 = arith.constant 0 : i32
      %dma_wait3A_245 = tpu.memref_slice %arg13[%add3A_116, %dma_wait3A_244] : memref<10240x128xf32, #tpu.memory_space<vmem_shared>> -> memref<16x128xf32, #tpu.memory_space<vmem_shared>>
      tpu.wait_dma2 semaphore(%run_scoped3A_237 : memref<!tpu.dma_semaphore, #tpu.memory_space<semaphore_mem>>) src(%arg12 : memref<16x128xf32, #tpu.memory_space<vmem>>) dst(%dma_wait3A_245 : memref<16x128xf32, #tpu.memory_space<vmem_shared>>)
      tpu.yield
    }) : () -> ()
    %mul3A_117 = arith.constant 640 : i32
    %mul3A_118 = arith.muli %arg1, %mul3A_117 : i32
    %add3A_119 = arith.constant 432 : i32
    %add3A_120 = arith.addi %mul3A_118, %add3A_119 : i32
    "tpu.region"() ({
      %run_scoped3A_237 = tpu.sem_alloc : memref<!tpu.dma_semaphore, #tpu.memory_space<semaphore_mem>>
      %dma_start3A_238 = arith.constant 0 : i32
      %dma_start3A_239 = tpu.memref_slice %arg13[%add3A_120, %dma_start3A_238] : memref<10240x128xf32, #tpu.memory_space<vmem_shared>> -> memref<16x128xf32, #tpu.memory_space<vmem_shared>>
      %dma_start3A_240 = arith.constant 0 : i32
      %dma_start3A_241 = tpu.memref_slice %arg13[%add3A_120, %dma_start3A_240] : memref<10240x128xf32, #tpu.memory_space<vmem_shared>> -> memref<16x128xf32, #tpu.memory_space<vmem_shared>>
      tpu.enqueue_dma source(%arg12 : memref<16x128xf32, #tpu.memory_space<vmem>>) target(%dma_start3A_241 : memref<16x128xf32, #tpu.memory_space<vmem_shared>>) target_semaphore(%run_scoped3A_237 : memref<!tpu.dma_semaphore, #tpu.memory_space<semaphore_mem>>)
      %dma_wait3A_242 = arith.constant 0 : i32
      %dma_wait3A_243 = tpu.memref_slice %arg13[%add3A_120, %dma_wait3A_242] : memref<10240x128xf32, #tpu.memory_space<vmem_shared>> -> memref<16x128xf32, #tpu.memory_space<vmem_shared>>
      %dma_wait3A_244 = arith.constant 0 : i32
      %dma_wait3A_245 = tpu.memref_slice %arg13[%add3A_120, %dma_wait3A_244] : memref<10240x128xf32, #tpu.memory_space<vmem_shared>> -> memref<16x128xf32, #tpu.memory_space<vmem_shared>>
      tpu.wait_dma2 semaphore(%run_scoped3A_237 : memref<!tpu.dma_semaphore, #tpu.memory_space<semaphore_mem>>) src(%arg12 : memref<16x128xf32, #tpu.memory_space<vmem>>) dst(%dma_wait3A_245 : memref<16x128xf32, #tpu.memory_space<vmem_shared>>)
      tpu.yield
    }) : () -> ()
    %mul3A_121 = arith.constant 640 : i32
    %mul3A_122 = arith.muli %arg1, %mul3A_121 : i32
    %add3A_123 = arith.constant 448 : i32
    %add3A_124 = arith.addi %mul3A_122, %add3A_123 : i32
    "tpu.region"() ({
      %run_scoped3A_237 = tpu.sem_alloc : memref<!tpu.dma_semaphore, #tpu.memory_space<semaphore_mem>>
      %dma_start3A_238 = arith.constant 0 : i32
      %dma_start3A_239 = tpu.memref_slice %arg13[%add3A_124, %dma_start3A_238] : memref<10240x128xf32, #tpu.memory_space<vmem_shared>> -> memref<16x128xf32, #tpu.memory_space<vmem_shared>>
      %dma_start3A_240 = arith.constant 0 : i32
      %dma_start3A_241 = tpu.memref_slice %arg13[%add3A_124, %dma_start3A_240] : memref<10240x128xf32, #tpu.memory_space<vmem_shared>> -> memref<16x128xf32, #tpu.memory_space<vmem_shared>>
      tpu.enqueue_dma source(%arg12 : memref<16x128xf32, #tpu.memory_space<vmem>>) target(%dma_start3A_241 : memref<16x128xf32, #tpu.memory_space<vmem_shared>>) target_semaphore(%run_scoped3A_237 : memref<!tpu.dma_semaphore, #tpu.memory_space<semaphore_mem>>)
      %dma_wait3A_242 = arith.constant 0 : i32
      %dma_wait3A_243 = tpu.memref_slice %arg13[%add3A_124, %dma_wait3A_242] : memref<10240x128xf32, #tpu.memory_space<vmem_shared>> -> memref<16x128xf32, #tpu.memory_space<vmem_shared>>
      %dma_wait3A_244 = arith.constant 0 : i32
      %dma_wait3A_245 = tpu.memref_slice %arg13[%add3A_124, %dma_wait3A_244] : memref<10240x128xf32, #tpu.memory_space<vmem_shared>> -> memref<16x128xf32, #tpu.memory_space<vmem_shared>>
      tpu.wait_dma2 semaphore(%run_scoped3A_237 : memref<!tpu.dma_semaphore, #tpu.memory_space<semaphore_mem>>) src(%arg12 : memref<16x128xf32, #tpu.memory_space<vmem>>) dst(%dma_wait3A_245 : memref<16x128xf32, #tpu.memory_space<vmem_shared>>)
      tpu.yield
    }) : () -> ()
    %mul3A_125 = arith.constant 640 : i32
    %mul3A_126 = arith.muli %arg1, %mul3A_125 : i32
    %add3A_127 = arith.constant 464 : i32
    %add3A_128 = arith.addi %mul3A_126, %add3A_127 : i32
    "tpu.region"() ({
      %run_scoped3A_237 = tpu.sem_alloc : memref<!tpu.dma_semaphore, #tpu.memory_space<semaphore_mem>>
      %dma_start3A_238 = arith.constant 0 : i32
      %dma_start3A_239 = tpu.memref_slice %arg13[%add3A_128, %dma_start3A_238] : memref<10240x128xf32, #tpu.memory_space<vmem_shared>> -> memref<16x128xf32, #tpu.memory_space<vmem_shared>>
      %dma_start3A_240 = arith.constant 0 : i32
      %dma_start3A_241 = tpu.memref_slice %arg13[%add3A_128, %dma_start3A_240] : memref<10240x128xf32, #tpu.memory_space<vmem_shared>> -> memref<16x128xf32, #tpu.memory_space<vmem_shared>>
      tpu.enqueue_dma source(%arg12 : memref<16x128xf32, #tpu.memory_space<vmem>>) target(%dma_start3A_241 : memref<16x128xf32, #tpu.memory_space<vmem_shared>>) target_semaphore(%run_scoped3A_237 : memref<!tpu.dma_semaphore, #tpu.memory_space<semaphore_mem>>)
      %dma_wait3A_242 = arith.constant 0 : i32
      %dma_wait3A_243 = tpu.memref_slice %arg13[%add3A_128, %dma_wait3A_242] : memref<10240x128xf32, #tpu.memory_space<vmem_shared>> -> memref<16x128xf32, #tpu.memory_space<vmem_shared>>
      %dma_wait3A_244 = arith.constant 0 : i32
      %dma_wait3A_245 = tpu.memref_slice %arg13[%add3A_128, %dma_wait3A_244] : memref<10240x128xf32, #tpu.memory_space<vmem_shared>> -> memref<16x128xf32, #tpu.memory_space<vmem_shared>>
      tpu.wait_dma2 semaphore(%run_scoped3A_237 : memref<!tpu.dma_semaphore, #tpu.memory_space<semaphore_mem>>) src(%arg12 : memref<16x128xf32, #tpu.memory_space<vmem>>) dst(%dma_wait3A_245 : memref<16x128xf32, #tpu.memory_space<vmem_shared>>)
      tpu.yield
    }) : () -> ()
    %mul3A_129 = arith.constant 640 : i32
    %mul3A_130 = arith.muli %arg1, %mul3A_129 : i32
    %add3A_131 = arith.constant 480 : i32
    %add3A_132 = arith.addi %mul3A_130, %add3A_131 : i32
    "tpu.region"() ({
      %run_scoped3A_237 = tpu.sem_alloc : memref<!tpu.dma_semaphore, #tpu.memory_space<semaphore_mem>>
      %dma_start3A_238 = arith.constant 0 : i32
      %dma_start3A_239 = tpu.memref_slice %arg13[%add3A_132, %dma_start3A_238] : memref<10240x128xf32, #tpu.memory_space<vmem_shared>> -> memref<16x128xf32, #tpu.memory_space<vmem_shared>>
      %dma_start3A_240 = arith.constant 0 : i32
      %dma_start3A_241 = tpu.memref_slice %arg13[%add3A_132, %dma_start3A_240] : memref<10240x128xf32, #tpu.memory_space<vmem_shared>> -> memref<16x128xf32, #tpu.memory_space<vmem_shared>>
      tpu.enqueue_dma source(%arg12 : memref<16x128xf32, #tpu.memory_space<vmem>>) target(%dma_start3A_241 : memref<16x128xf32, #tpu.memory_space<vmem_shared>>) target_semaphore(%run_scoped3A_237 : memref<!tpu.dma_semaphore, #tpu.memory_space<semaphore_mem>>)
      %dma_wait3A_242 = arith.constant 0 : i32
      %dma_wait3A_243 = tpu.memref_slice %arg13[%add3A_132, %dma_wait3A_242] : memref<10240x128xf32, #tpu.memory_space<vmem_shared>> -> memref<16x128xf32, #tpu.memory_space<vmem_shared>>
      %dma_wait3A_244 = arith.constant 0 : i32
      %dma_wait3A_245 = tpu.memref_slice %arg13[%add3A_132, %dma_wait3A_244] : memref<10240x128xf32, #tpu.memory_space<vmem_shared>> -> memref<16x128xf32, #tpu.memory_space<vmem_shared>>
      tpu.wait_dma2 semaphore(%run_scoped3A_237 : memref<!tpu.dma_semaphore, #tpu.memory_space<semaphore_mem>>) src(%arg12 : memref<16x128xf32, #tpu.memory_space<vmem>>) dst(%dma_wait3A_245 : memref<16x128xf32, #tpu.memory_space<vmem_shared>>)
      tpu.yield
    }) : () -> ()
    %mul3A_133 = arith.constant 640 : i32
    %mul3A_134 = arith.muli %arg1, %mul3A_133 : i32
    %add3A_135 = arith.constant 496 : i32
    %add3A_136 = arith.addi %mul3A_134, %add3A_135 : i32
    "tpu.region"() ({
      %run_scoped3A_237 = tpu.sem_alloc : memref<!tpu.dma_semaphore, #tpu.memory_space<semaphore_mem>>
      %dma_start3A_238 = arith.constant 0 : i32
      %dma_start3A_239 = tpu.memref_slice %arg13[%add3A_136, %dma_start3A_238] : memref<10240x128xf32, #tpu.memory_space<vmem_shared>> -> memref<16x128xf32, #tpu.memory_space<vmem_shared>>
      %dma_start3A_240 = arith.constant 0 : i32
      %dma_start3A_241 = tpu.memref_slice %arg13[%add3A_136, %dma_start3A_240] : memref<10240x128xf32, #tpu.memory_space<vmem_shared>> -> memref<16x128xf32, #tpu.memory_space<vmem_shared>>
      tpu.enqueue_dma source(%arg12 : memref<16x128xf32, #tpu.memory_space<vmem>>) target(%dma_start3A_241 : memref<16x128xf32, #tpu.memory_space<vmem_shared>>) target_semaphore(%run_scoped3A_237 : memref<!tpu.dma_semaphore, #tpu.memory_space<semaphore_mem>>)
      %dma_wait3A_242 = arith.constant 0 : i32
      %dma_wait3A_243 = tpu.memref_slice %arg13[%add3A_136, %dma_wait3A_242] : memref<10240x128xf32, #tpu.memory_space<vmem_shared>> -> memref<16x128xf32, #tpu.memory_space<vmem_shared>>
      %dma_wait3A_244 = arith.constant 0 : i32
      %dma_wait3A_245 = tpu.memref_slice %arg13[%add3A_136, %dma_wait3A_244] : memref<10240x128xf32, #tpu.memory_space<vmem_shared>> -> memref<16x128xf32, #tpu.memory_space<vmem_shared>>
      tpu.wait_dma2 semaphore(%run_scoped3A_237 : memref<!tpu.dma_semaphore, #tpu.memory_space<semaphore_mem>>) src(%arg12 : memref<16x128xf32, #tpu.memory_space<vmem>>) dst(%dma_wait3A_245 : memref<16x128xf32, #tpu.memory_space<vmem_shared>>)
      tpu.yield
    }) : () -> ()
    %mul3A_137 = arith.constant 640 : i32
    %mul3A_138 = arith.muli %arg1, %mul3A_137 : i32
    %add3A_139 = arith.constant 512 : i32
    %add3A_140 = arith.addi %mul3A_138, %add3A_139 : i32
    "tpu.region"() ({
      %run_scoped3A_237 = tpu.sem_alloc : memref<!tpu.dma_semaphore, #tpu.memory_space<semaphore_mem>>
      %dma_start3A_238 = arith.constant 0 : i32
      %dma_start3A_239 = tpu.memref_slice %arg13[%add3A_140, %dma_start3A_238] : memref<10240x128xf32, #tpu.memory_space<vmem_shared>> -> memref<16x128xf32, #tpu.memory_space<vmem_shared>>
      %dma_start3A_240 = arith.constant 0 : i32
      %dma_start3A_241 = tpu.memref_slice %arg13[%add3A_140, %dma_start3A_240] : memref<10240x128xf32, #tpu.memory_space<vmem_shared>> -> memref<16x128xf32, #tpu.memory_space<vmem_shared>>
      tpu.enqueue_dma source(%arg12 : memref<16x128xf32, #tpu.memory_space<vmem>>) target(%dma_start3A_241 : memref<16x128xf32, #tpu.memory_space<vmem_shared>>) target_semaphore(%run_scoped3A_237 : memref<!tpu.dma_semaphore, #tpu.memory_space<semaphore_mem>>)
      %dma_wait3A_242 = arith.constant 0 : i32
      %dma_wait3A_243 = tpu.memref_slice %arg13[%add3A_140, %dma_wait3A_242] : memref<10240x128xf32, #tpu.memory_space<vmem_shared>> -> memref<16x128xf32, #tpu.memory_space<vmem_shared>>
      %dma_wait3A_244 = arith.constant 0 : i32
      %dma_wait3A_245 = tpu.memref_slice %arg13[%add3A_140, %dma_wait3A_244] : memref<10240x128xf32, #tpu.memory_space<vmem_shared>> -> memref<16x128xf32, #tpu.memory_space<vmem_shared>>
      tpu.wait_dma2 semaphore(%run_scoped3A_237 : memref<!tpu.dma_semaphore, #tpu.memory_space<semaphore_mem>>) src(%arg12 : memref<16x128xf32, #tpu.memory_space<vmem>>) dst(%dma_wait3A_245 : memref<16x128xf32, #tpu.memory_space<vmem_shared>>)
      tpu.yield
    }) : () -> ()
    %mul3A_141 = arith.constant 640 : i32
    %mul3A_142 = arith.muli %arg1, %mul3A_141 : i32
    %add3A_143 = arith.constant 528 : i32
    %add3A_144 = arith.addi %mul3A_142, %add3A_143 : i32
    "tpu.region"() ({
      %run_scoped3A_237 = tpu.sem_alloc : memref<!tpu.dma_semaphore, #tpu.memory_space<semaphore_mem>>
      %dma_start3A_238 = arith.constant 0 : i32
      %dma_start3A_239 = tpu.memref_slice %arg13[%add3A_144, %dma_start3A_238] : memref<10240x128xf32, #tpu.memory_space<vmem_shared>> -> memref<16x128xf32, #tpu.memory_space<vmem_shared>>
      %dma_start3A_240 = arith.constant 0 : i32
      %dma_start3A_241 = tpu.memref_slice %arg13[%add3A_144, %dma_start3A_240] : memref<10240x128xf32, #tpu.memory_space<vmem_shared>> -> memref<16x128xf32, #tpu.memory_space<vmem_shared>>
      tpu.enqueue_dma source(%arg12 : memref<16x128xf32, #tpu.memory_space<vmem>>) target(%dma_start3A_241 : memref<16x128xf32, #tpu.memory_space<vmem_shared>>) target_semaphore(%run_scoped3A_237 : memref<!tpu.dma_semaphore, #tpu.memory_space<semaphore_mem>>)
      %dma_wait3A_242 = arith.constant 0 : i32
      %dma_wait3A_243 = tpu.memref_slice %arg13[%add3A_144, %dma_wait3A_242] : memref<10240x128xf32, #tpu.memory_space<vmem_shared>> -> memref<16x128xf32, #tpu.memory_space<vmem_shared>>
      %dma_wait3A_244 = arith.constant 0 : i32
      %dma_wait3A_245 = tpu.memref_slice %arg13[%add3A_144, %dma_wait3A_244] : memref<10240x128xf32, #tpu.memory_space<vmem_shared>> -> memref<16x128xf32, #tpu.memory_space<vmem_shared>>
      tpu.wait_dma2 semaphore(%run_scoped3A_237 : memref<!tpu.dma_semaphore, #tpu.memory_space<semaphore_mem>>) src(%arg12 : memref<16x128xf32, #tpu.memory_space<vmem>>) dst(%dma_wait3A_245 : memref<16x128xf32, #tpu.memory_space<vmem_shared>>)
      tpu.yield
    }) : () -> ()
    %mul3A_145 = arith.constant 640 : i32
    %mul3A_146 = arith.muli %arg1, %mul3A_145 : i32
    %add3A_147 = arith.constant 544 : i32
    %add3A_148 = arith.addi %mul3A_146, %add3A_147 : i32
    "tpu.region"() ({
      %run_scoped3A_237 = tpu.sem_alloc : memref<!tpu.dma_semaphore, #tpu.memory_space<semaphore_mem>>
      %dma_start3A_238 = arith.constant 0 : i32
      %dma_start3A_239 = tpu.memref_slice %arg13[%add3A_148, %dma_start3A_238] : memref<10240x128xf32, #tpu.memory_space<vmem_shared>> -> memref<16x128xf32, #tpu.memory_space<vmem_shared>>
      %dma_start3A_240 = arith.constant 0 : i32
      %dma_start3A_241 = tpu.memref_slice %arg13[%add3A_148, %dma_start3A_240] : memref<10240x128xf32, #tpu.memory_space<vmem_shared>> -> memref<16x128xf32, #tpu.memory_space<vmem_shared>>
      tpu.enqueue_dma source(%arg12 : memref<16x128xf32, #tpu.memory_space<vmem>>) target(%dma_start3A_241 : memref<16x128xf32, #tpu.memory_space<vmem_shared>>) target_semaphore(%run_scoped3A_237 : memref<!tpu.dma_semaphore, #tpu.memory_space<semaphore_mem>>)
      %dma_wait3A_242 = arith.constant 0 : i32
      %dma_wait3A_243 = tpu.memref_slice %arg13[%add3A_148, %dma_wait3A_242] : memref<10240x128xf32, #tpu.memory_space<vmem_shared>> -> memref<16x128xf32, #tpu.memory_space<vmem_shared>>
      %dma_wait3A_244 = arith.constant 0 : i32
      %dma_wait3A_245 = tpu.memref_slice %arg13[%add3A_148, %dma_wait3A_244] : memref<10240x128xf32, #tpu.memory_space<vmem_shared>> -> memref<16x128xf32, #tpu.memory_space<vmem_shared>>
      tpu.wait_dma2 semaphore(%run_scoped3A_237 : memref<!tpu.dma_semaphore, #tpu.memory_space<semaphore_mem>>) src(%arg12 : memref<16x128xf32, #tpu.memory_space<vmem>>) dst(%dma_wait3A_245 : memref<16x128xf32, #tpu.memory_space<vmem_shared>>)
      tpu.yield
    }) : () -> ()
    %mul3A_149 = arith.constant 640 : i32
    %mul3A_150 = arith.muli %arg1, %mul3A_149 : i32
    %add3A_151 = arith.constant 560 : i32
    %add3A_152 = arith.addi %mul3A_150, %add3A_151 : i32
    "tpu.region"() ({
      %run_scoped3A_237 = tpu.sem_alloc : memref<!tpu.dma_semaphore, #tpu.memory_space<semaphore_mem>>
      %dma_start3A_238 = arith.constant 0 : i32
      %dma_start3A_239 = tpu.memref_slice %arg13[%add3A_152, %dma_start3A_238] : memref<10240x128xf32, #tpu.memory_space<vmem_shared>> -> memref<16x128xf32, #tpu.memory_space<vmem_shared>>
      %dma_start3A_240 = arith.constant 0 : i32
      %dma_start3A_241 = tpu.memref_slice %arg13[%add3A_152, %dma_start3A_240] : memref<10240x128xf32, #tpu.memory_space<vmem_shared>> -> memref<16x128xf32, #tpu.memory_space<vmem_shared>>
      tpu.enqueue_dma source(%arg12 : memref<16x128xf32, #tpu.memory_space<vmem>>) target(%dma_start3A_241 : memref<16x128xf32, #tpu.memory_space<vmem_shared>>) target_semaphore(%run_scoped3A_237 : memref<!tpu.dma_semaphore, #tpu.memory_space<semaphore_mem>>)
      %dma_wait3A_242 = arith.constant 0 : i32
      %dma_wait3A_243 = tpu.memref_slice %arg13[%add3A_152, %dma_wait3A_242] : memref<10240x128xf32, #tpu.memory_space<vmem_shared>> -> memref<16x128xf32, #tpu.memory_space<vmem_shared>>
      %dma_wait3A_244 = arith.constant 0 : i32
      %dma_wait3A_245 = tpu.memref_slice %arg13[%add3A_152, %dma_wait3A_244] : memref<10240x128xf32, #tpu.memory_space<vmem_shared>> -> memref<16x128xf32, #tpu.memory_space<vmem_shared>>
      tpu.wait_dma2 semaphore(%run_scoped3A_237 : memref<!tpu.dma_semaphore, #tpu.memory_space<semaphore_mem>>) src(%arg12 : memref<16x128xf32, #tpu.memory_space<vmem>>) dst(%dma_wait3A_245 : memref<16x128xf32, #tpu.memory_space<vmem_shared>>)
      tpu.yield
    }) : () -> ()
    %mul3A_153 = arith.constant 640 : i32
    %mul3A_154 = arith.muli %arg1, %mul3A_153 : i32
    %add3A_155 = arith.constant 576 : i32
    %add3A_156 = arith.addi %mul3A_154, %add3A_155 : i32
    "tpu.region"() ({
      %run_scoped3A_237 = tpu.sem_alloc : memref<!tpu.dma_semaphore, #tpu.memory_space<semaphore_mem>>
      %dma_start3A_238 = arith.constant 0 : i32
      %dma_start3A_239 = tpu.memref_slice %arg13[%add3A_156, %dma_start3A_238] : memref<10240x128xf32, #tpu.memory_space<vmem_shared>> -> memref<16x128xf32, #tpu.memory_space<vmem_shared>>
      %dma_start3A_240 = arith.constant 0 : i32
      %dma_start3A_241 = tpu.memref_slice %arg13[%add3A_156, %dma_start3A_240] : memref<10240x128xf32, #tpu.memory_space<vmem_shared>> -> memref<16x128xf32, #tpu.memory_space<vmem_shared>>
      tpu.enqueue_dma source(%arg12 : memref<16x128xf32, #tpu.memory_space<vmem>>) target(%dma_start3A_241 : memref<16x128xf32, #tpu.memory_space<vmem_shared>>) target_semaphore(%run_scoped3A_237 : memref<!tpu.dma_semaphore, #tpu.memory_space<semaphore_mem>>)
      %dma_wait3A_242 = arith.constant 0 : i32
      %dma_wait3A_243 = tpu.memref_slice %arg13[%add3A_156, %dma_wait3A_242] : memref<10240x128xf32, #tpu.memory_space<vmem_shared>> -> memref<16x128xf32, #tpu.memory_space<vmem_shared>>
      %dma_wait3A_244 = arith.constant 0 : i32
      %dma_wait3A_245 = tpu.memref_slice %arg13[%add3A_156, %dma_wait3A_244] : memref<10240x128xf32, #tpu.memory_space<vmem_shared>> -> memref<16x128xf32, #tpu.memory_space<vmem_shared>>
      tpu.wait_dma2 semaphore(%run_scoped3A_237 : memref<!tpu.dma_semaphore, #tpu.memory_space<semaphore_mem>>) src(%arg12 : memref<16x128xf32, #tpu.memory_space<vmem>>) dst(%dma_wait3A_245 : memref<16x128xf32, #tpu.memory_space<vmem_shared>>)
      tpu.yield
    }) : () -> ()
    %mul3A_157 = arith.constant 640 : i32
    %mul3A_158 = arith.muli %arg1, %mul3A_157 : i32
    %add3A_159 = arith.constant 592 : i32
    %add3A_160 = arith.addi %mul3A_158, %add3A_159 : i32
    "tpu.region"() ({
      %run_scoped3A_237 = tpu.sem_alloc : memref<!tpu.dma_semaphore, #tpu.memory_space<semaphore_mem>>
      %dma_start3A_238 = arith.constant 0 : i32
      %dma_start3A_239 = tpu.memref_slice %arg13[%add3A_160, %dma_start3A_238] : memref<10240x128xf32, #tpu.memory_space<vmem_shared>> -> memref<16x128xf32, #tpu.memory_space<vmem_shared>>
      %dma_start3A_240 = arith.constant 0 : i32
      %dma_start3A_241 = tpu.memref_slice %arg13[%add3A_160, %dma_start3A_240] : memref<10240x128xf32, #tpu.memory_space<vmem_shared>> -> memref<16x128xf32, #tpu.memory_space<vmem_shared>>
      tpu.enqueue_dma source(%arg12 : memref<16x128xf32, #tpu.memory_space<vmem>>) target(%dma_start3A_241 : memref<16x128xf32, #tpu.memory_space<vmem_shared>>) target_semaphore(%run_scoped3A_237 : memref<!tpu.dma_semaphore, #tpu.memory_space<semaphore_mem>>)
      %dma_wait3A_242 = arith.constant 0 : i32
      %dma_wait3A_243 = tpu.memref_slice %arg13[%add3A_160, %dma_wait3A_242] : memref<10240x128xf32, #tpu.memory_space<vmem_shared>> -> memref<16x128xf32, #tpu.memory_space<vmem_shared>>
      %dma_wait3A_244 = arith.constant 0 : i32
      %dma_wait3A_245 = tpu.memref_slice %arg13[%add3A_160, %dma_wait3A_244] : memref<10240x128xf32, #tpu.memory_space<vmem_shared>> -> memref<16x128xf32, #tpu.memory_space<vmem_shared>>
      tpu.wait_dma2 semaphore(%run_scoped3A_237 : memref<!tpu.dma_semaphore, #tpu.memory_space<semaphore_mem>>) src(%arg12 : memref<16x128xf32, #tpu.memory_space<vmem>>) dst(%dma_wait3A_245 : memref<16x128xf32, #tpu.memory_space<vmem_shared>>)
      tpu.yield
    }) : () -> ()
    %mul3A_161 = arith.constant 640 : i32
    %mul3A_162 = arith.muli %arg1, %mul3A_161 : i32
    %add3A_163 = arith.constant 608 : i32
    %add3A_164 = arith.addi %mul3A_162, %add3A_163 : i32
    "tpu.region"() ({
      %run_scoped3A_237 = tpu.sem_alloc : memref<!tpu.dma_semaphore, #tpu.memory_space<semaphore_mem>>
      %dma_start3A_238 = arith.constant 0 : i32
      %dma_start3A_239 = tpu.memref_slice %arg13[%add3A_164, %dma_start3A_238] : memref<10240x128xf32, #tpu.memory_space<vmem_shared>> -> memref<16x128xf32, #tpu.memory_space<vmem_shared>>
      %dma_start3A_240 = arith.constant 0 : i32
      %dma_start3A_241 = tpu.memref_slice %arg13[%add3A_164, %dma_start3A_240] : memref<10240x128xf32, #tpu.memory_space<vmem_shared>> -> memref<16x128xf32, #tpu.memory_space<vmem_shared>>
      tpu.enqueue_dma source(%arg12 : memref<16x128xf32, #tpu.memory_space<vmem>>) target(%dma_start3A_241 : memref<16x128xf32, #tpu.memory_space<vmem_shared>>) target_semaphore(%run_scoped3A_237 : memref<!tpu.dma_semaphore, #tpu.memory_space<semaphore_mem>>)
      %dma_wait3A_242 = arith.constant 0 : i32
      %dma_wait3A_243 = tpu.memref_slice %arg13[%add3A_164, %dma_wait3A_242] : memref<10240x128xf32, #tpu.memory_space<vmem_shared>> -> memref<16x128xf32, #tpu.memory_space<vmem_shared>>
      %dma_wait3A_244 = arith.constant 0 : i32
      %dma_wait3A_245 = tpu.memref_slice %arg13[%add3A_164, %dma_wait3A_244] : memref<10240x128xf32, #tpu.memory_space<vmem_shared>> -> memref<16x128xf32, #tpu.memory_space<vmem_shared>>
      tpu.wait_dma2 semaphore(%run_scoped3A_237 : memref<!tpu.dma_semaphore, #tpu.memory_space<semaphore_mem>>) src(%arg12 : memref<16x128xf32, #tpu.memory_space<vmem>>) dst(%dma_wait3A_245 : memref<16x128xf32, #tpu.memory_space<vmem_shared>>)
      tpu.yield
    }) : () -> ()
    %mul3A_165 = arith.constant 640 : i32
    %mul3A_166 = arith.muli %arg1, %mul3A_165 : i32
    %add3A_167 = arith.constant 624 : i32
    %add3A_168 = arith.addi %mul3A_166, %add3A_167 : i32
    "tpu.region"() ({
      %run_scoped3A_237 = tpu.sem_alloc : memref<!tpu.dma_semaphore, #tpu.memory_space<semaphore_mem>>
      %dma_start3A_238 = arith.constant 0 : i32
      %dma_start3A_239 = tpu.memref_slice %arg13[%add3A_168, %dma_start3A_238] : memref<10240x128xf32, #tpu.memory_space<vmem_shared>> -> memref<16x128xf32, #tpu.memory_space<vmem_shared>>
      %dma_start3A_240 = arith.constant 0 : i32
      %dma_start3A_241 = tpu.memref_slice %arg13[%add3A_168, %dma_start3A_240] : memref<10240x128xf32, #tpu.memory_space<vmem_shared>> -> memref<16x128xf32, #tpu.memory_space<vmem_shared>>
      tpu.enqueue_dma source(%arg12 : memref<16x128xf32, #tpu.memory_space<vmem>>) target(%dma_start3A_241 : memref<16x128xf32, #tpu.memory_space<vmem_shared>>) target_semaphore(%run_scoped3A_237 : memref<!tpu.dma_semaphore, #tpu.memory_space<semaphore_mem>>)
      %dma_wait3A_242 = arith.constant 0 : i32
      %dma_wait3A_243 = tpu.memref_slice %arg13[%add3A_168, %dma_wait3A_242] : memref<10240x128xf32, #tpu.memory_space<vmem_shared>> -> memref<16x128xf32, #tpu.memory_space<vmem_shared>>
      %dma_wait3A_244 = arith.constant 0 : i32
      %dma_wait3A_245 = tpu.memref_slice %arg13[%add3A_168, %dma_wait3A_244] : memref<10240x128xf32, #tpu.memory_space<vmem_shared>> -> memref<16x128xf32, #tpu.memory_space<vmem_shared>>
      tpu.wait_dma2 semaphore(%run_scoped3A_237 : memref<!tpu.dma_semaphore, #tpu.memory_space<semaphore_mem>>) src(%arg12 : memref<16x128xf32, #tpu.memory_space<vmem>>) dst(%dma_wait3A_245 : memref<16x128xf32, #tpu.memory_space<vmem_shared>>)
      tpu.yield
    }) : () -> ()
    %barrier3A = arith.constant 0 : index
    tpu.barrier barrier_id(%barrier3A)
    %dma_start3A = arith.constant 0 : i32
    %dma_start3A_169 = arith.constant 0 : i32
    %dma_start3A_170 = tpu.memref_slice %arg6[%dma_start3A, %dma_start3A_169] : memref<500x20xi32, #tpu.memory_space<vmem>> -> memref<1x20xi32, #tpu.memory_space<vmem>>
    %dma_start3A_171 = tpu.memref_squeeze %dma_start3A_170 : memref<1x20xi32, #tpu.memory_space<vmem>> -> memref<20xi32, #tpu.memory_space<vmem>>
    %dma_start3A_172 = arith.constant 0 : i32
    %dma_start3A_173 = arith.constant 0 : i32
    %dma_start3A_174 = tpu.memref_slice %arg2[%dma_start3A_172, %dma_start3A_173] : memref<10000x128xf32, #tpu.memory_space<hbm>> -> memref<10000x128xf32, #tpu.memory_space<hbm>>
    tpu.enqueue_indirect_dma source(%dma_start3A_174 : memref<10000x128xf32, #tpu.memory_space<hbm>>) target(%arg8 : memref<20x128xf32, #tpu.memory_space<vmem>>) offsets(%dma_start3A_171 : memref<20xi32, #tpu.memory_space<vmem>>) semaphore(%arg14 : memref<!tpu.dma_semaphore, #tpu.memory_space<semaphore_mem>>)
    %dma_start3A_175 = arith.constant 1 : i32
    %dma_start3A_176 = arith.constant 0 : i32
    %dma_start3A_177 = tpu.memref_slice %arg6[%dma_start3A_175, %dma_start3A_176] : memref<500x20xi32, #tpu.memory_space<vmem>> -> memref<1x20xi32, #tpu.memory_space<vmem>>
    %dma_start3A_178 = tpu.memref_squeeze %dma_start3A_177 : memref<1x20xi32, #tpu.memory_space<vmem>> -> memref<20xi32, #tpu.memory_space<vmem>>
    %dma_start3A_179 = arith.constant 0 : i32
    %dma_start3A_180 = arith.constant 0 : i32
    %dma_start3A_181 = tpu.memref_slice %arg2[%dma_start3A_179, %dma_start3A_180] : memref<10000x128xf32, #tpu.memory_space<hbm>> -> memref<10000x128xf32, #tpu.memory_space<hbm>>
    tpu.enqueue_indirect_dma source(%dma_start3A_181 : memref<10000x128xf32, #tpu.memory_space<hbm>>) target(%arg9 : memref<20x128xf32, #tpu.memory_space<vmem>>) offsets(%dma_start3A_178 : memref<20xi32, #tpu.memory_space<vmem>>) semaphore(%arg15 : memref<!tpu.dma_semaphore, #tpu.memory_space<semaphore_mem>>)
    %dma_start3A_182 = arith.constant 2 : i32
    %dma_start3A_183 = arith.constant 0 : i32
    %dma_start3A_184 = tpu.memref_slice %arg6[%dma_start3A_182, %dma_start3A_183] : memref<500x20xi32, #tpu.memory_space<vmem>> -> memref<1x20xi32, #tpu.memory_space<vmem>>
    %dma_start3A_185 = tpu.memref_squeeze %dma_start3A_184 : memref<1x20xi32, #tpu.memory_space<vmem>> -> memref<20xi32, #tpu.memory_space<vmem>>
    %dma_start3A_186 = arith.constant 0 : i32
    %dma_start3A_187 = arith.constant 0 : i32
    %dma_start3A_188 = tpu.memref_slice %arg2[%dma_start3A_186, %dma_start3A_187] : memref<10000x128xf32, #tpu.memory_space<hbm>> -> memref<10000x128xf32, #tpu.memory_space<hbm>>
    tpu.enqueue_indirect_dma source(%dma_start3A_188 : memref<10000x128xf32, #tpu.memory_space<hbm>>) target(%arg10 : memref<20x128xf32, #tpu.memory_space<vmem>>) offsets(%dma_start3A_185 : memref<20xi32, #tpu.memory_space<vmem>>) semaphore(%arg16 : memref<!tpu.dma_semaphore, #tpu.memory_space<semaphore_mem>>)
    %dma_start3A_189 = arith.constant 3 : i32
    %dma_start3A_190 = arith.constant 0 : i32
    %dma_start3A_191 = tpu.memref_slice %arg6[%dma_start3A_189, %dma_start3A_190] : memref<500x20xi32, #tpu.memory_space<vmem>> -> memref<1x20xi32, #tpu.memory_space<vmem>>
    %dma_start3A_192 = tpu.memref_squeeze %dma_start3A_191 : memref<1x20xi32, #tpu.memory_space<vmem>> -> memref<20xi32, #tpu.memory_space<vmem>>
    %dma_start3A_193 = arith.constant 0 : i32
    %dma_start3A_194 = arith.constant 0 : i32
    %dma_start3A_195 = tpu.memref_slice %arg2[%dma_start3A_193, %dma_start3A_194] : memref<10000x128xf32, #tpu.memory_space<hbm>> -> memref<10000x128xf32, #tpu.memory_space<hbm>>
    tpu.enqueue_indirect_dma source(%dma_start3A_195 : memref<10000x128xf32, #tpu.memory_space<hbm>>) target(%arg11 : memref<20x128xf32, #tpu.memory_space<vmem>>) offsets(%dma_start3A_192 : memref<20xi32, #tpu.memory_space<vmem>>) semaphore(%arg17 : memref<!tpu.dma_semaphore, #tpu.memory_space<semaphore_mem>>)
    %scan3A_196 = arith.constant 0 : i32
    %scan3A_197 = arith.constant 0 : i32
    %scan3A_198 = arith.constant 124 : i32
    %scan3A_199 = arith.addi %scan3A_197, %scan3A_198 : i32
    %scan3A_200 = arith.constant 1 : i32
    scf.for %scan3A_237 = %scan3A_197 to %scan3A_199 step %scan3A_200  : i32 {
      %mul3A_238 = arith.constant 4 : i32
      %mul3A_239 = arith.muli %mul3A_238, %scan3A_237 : i32
      %add3A_240 = arith.constant 0 : i32
      %add3A_241 = arith.addi %mul3A_239, %add3A_240 : i32
      %dma_wait3A_242 = arith.constant 0 : i32
      %dma_wait3A_243 = arith.constant 0 : i32
      %dma_wait3A_244 = tpu.memref_slice %arg6[%dma_wait3A_242, %dma_wait3A_243] : memref<500x20xi32, #tpu.memory_space<vmem>> -> memref<1x20xi32, #tpu.memory_space<vmem>>
      %dma_wait3A_245 = tpu.memref_squeeze %dma_wait3A_244 : memref<1x20xi32, #tpu.memory_space<vmem>> -> memref<20xi32, #tpu.memory_space<vmem>>
      %dma_wait3A_246 = arith.constant 0 : i32
      %dma_wait3A_247 = arith.constant 0 : i32
      %dma_wait3A_248 = tpu.memref_slice %arg2[%dma_wait3A_246, %dma_wait3A_247] : memref<10000x128xf32, #tpu.memory_space<hbm>> -> memref<10000x128xf32, #tpu.memory_space<hbm>>
      tpu.wait_indirect_dma semaphore(%arg14 : memref<!tpu.dma_semaphore, #tpu.memory_space<semaphore_mem>>) src(%dma_wait3A_248 : memref<10000x128xf32, #tpu.memory_space<hbm>>) dst(%arg8 : memref<20x128xf32, #tpu.memory_space<vmem>>)
      "tpu.region"() ({
        %run_scoped3A_308 = tpu.sem_alloc : memref<!tpu.dma_semaphore, #tpu.memory_space<semaphore_mem>>
        %dma_start3A_309 = arith.constant 0 : i32
        %dma_start3A_310 = tpu.memref_slice %arg7[%add3A_241, %dma_start3A_309] : memref<500x20xi32, #tpu.memory_space<vmem>> -> memref<1x20xi32, #tpu.memory_space<vmem>>
        %dma_start3A_311 = tpu.memref_squeeze %dma_start3A_310 : memref<1x20xi32, #tpu.memory_space<vmem>> -> memref<20xi32, #tpu.memory_space<vmem>>
        %dma_start3A_312 = arith.constant 0 : i32
        %dma_start3A_313 = arith.constant 0 : i32
        %dma_start3A_314 = tpu.memref_slice %arg13[%dma_start3A_312, %dma_start3A_313] : memref<10240x128xf32, #tpu.memory_space<vmem_shared>> -> memref<10240x128xf32, #tpu.memory_space<vmem_shared>>
        tpu.enqueue_indirect_dma source(%arg8 : memref<20x128xf32, #tpu.memory_space<vmem>>) target(%dma_start3A_314 : memref<10240x128xf32, #tpu.memory_space<vmem_shared>>) offsets(%dma_start3A_311 : memref<20xi32, #tpu.memory_space<vmem>>) semaphore(%run_scoped3A_308 : memref<!tpu.dma_semaphore, #tpu.memory_space<semaphore_mem>>) {add = true}
        %dma_wait3A_315 = arith.constant 0 : i32
        %dma_wait3A_316 = tpu.memref_slice %arg7[%add3A_241, %dma_wait3A_315] : memref<500x20xi32, #tpu.memory_space<vmem>> -> memref<1x20xi32, #tpu.memory_space<vmem>>
        %dma_wait3A_317 = tpu.memref_squeeze %dma_wait3A_316 : memref<1x20xi32, #tpu.memory_space<vmem>> -> memref<20xi32, #tpu.memory_space<vmem>>
        %dma_wait3A_318 = arith.constant 0 : i32
        %dma_wait3A_319 = arith.constant 0 : i32
        %dma_wait3A_320 = tpu.memref_slice %arg13[%dma_wait3A_318, %dma_wait3A_319] : memref<10240x128xf32, #tpu.memory_space<vmem_shared>> -> memref<10240x128xf32, #tpu.memory_space<vmem_shared>>
        tpu.wait_indirect_dma semaphore(%run_scoped3A_308 : memref<!tpu.dma_semaphore, #tpu.memory_space<semaphore_mem>>) src(%arg8 : memref<20x128xf32, #tpu.memory_space<vmem>>) dst(%dma_wait3A_320 : memref<10240x128xf32, #tpu.memory_space<vmem_shared>>)
        tpu.yield
      }) : () -> ()
      %add3A_249 = arith.constant 4 : i32
      %add3A_250 = arith.addi %add3A_241, %add3A_249 : i32
      %dma_start3A_251 = arith.constant 0 : i32
      %dma_start3A_252 = tpu.memref_slice %arg6[%add3A_250, %dma_start3A_251] : memref<500x20xi32, #tpu.memory_space<vmem>> -> memref<1x20xi32, #tpu.memory_space<vmem>>
      %dma_start3A_253 = tpu.memref_squeeze %dma_start3A_252 : memref<1x20xi32, #tpu.memory_space<vmem>> -> memref<20xi32, #tpu.memory_space<vmem>>
      %dma_start3A_254 = arith.constant 0 : i32
      %dma_start3A_255 = arith.constant 0 : i32
      %dma_start3A_256 = tpu.memref_slice %arg2[%dma_start3A_254, %dma_start3A_255] : memref<10000x128xf32, #tpu.memory_space<hbm>> -> memref<10000x128xf32, #tpu.memory_space<hbm>>
      tpu.enqueue_indirect_dma source(%dma_start3A_256 : memref<10000x128xf32, #tpu.memory_space<hbm>>) target(%arg8 : memref<20x128xf32, #tpu.memory_space<vmem>>) offsets(%dma_start3A_253 : memref<20xi32, #tpu.memory_space<vmem>>) semaphore(%arg14 : memref<!tpu.dma_semaphore, #tpu.memory_space<semaphore_mem>>)
      %add3A_257 = arith.constant 1 : i32
      %add3A_258 = arith.addi %mul3A_239, %add3A_257 : i32
      %dma_wait3A_259 = arith.constant 0 : i32
      %dma_wait3A_260 = arith.constant 0 : i32
      %dma_wait3A_261 = tpu.memref_slice %arg6[%dma_wait3A_259, %dma_wait3A_260] : memref<500x20xi32, #tpu.memory_space<vmem>> -> memref<1x20xi32, #tpu.memory_space<vmem>>
      %dma_wait3A_262 = tpu.memref_squeeze %dma_wait3A_261 : memref<1x20xi32, #tpu.memory_space<vmem>> -> memref<20xi32, #tpu.memory_space<vmem>>
      %dma_wait3A_263 = arith.constant 0 : i32
      %dma_wait3A_264 = arith.constant 0 : i32
      %dma_wait3A_265 = tpu.memref_slice %arg2[%dma_wait3A_263, %dma_wait3A_264] : memref<10000x128xf32, #tpu.memory_space<hbm>> -> memref<10000x128xf32, #tpu.memory_space<hbm>>
      tpu.wait_indirect_dma semaphore(%arg15 : memref<!tpu.dma_semaphore, #tpu.memory_space<semaphore_mem>>) src(%dma_wait3A_265 : memref<10000x128xf32, #tpu.memory_space<hbm>>) dst(%arg9 : memref<20x128xf32, #tpu.memory_space<vmem>>)
      "tpu.region"() ({
        %run_scoped3A_308 = tpu.sem_alloc : memref<!tpu.dma_semaphore, #tpu.memory_space<semaphore_mem>>
        %dma_start3A_309 = arith.constant 0 : i32
        %dma_start3A_310 = tpu.memref_slice %arg7[%add3A_258, %dma_start3A_309] : memref<500x20xi32, #tpu.memory_space<vmem>> -> memref<1x20xi32, #tpu.memory_space<vmem>>
        %dma_start3A_311 = tpu.memref_squeeze %dma_start3A_310 : memref<1x20xi32, #tpu.memory_space<vmem>> -> memref<20xi32, #tpu.memory_space<vmem>>
        %dma_start3A_312 = arith.constant 0 : i32
        %dma_start3A_313 = arith.constant 0 : i32
        %dma_start3A_314 = tpu.memref_slice %arg13[%dma_start3A_312, %dma_start3A_313] : memref<10240x128xf32, #tpu.memory_space<vmem_shared>> -> memref<10240x128xf32, #tpu.memory_space<vmem_shared>>
        tpu.enqueue_indirect_dma source(%arg9 : memref<20x128xf32, #tpu.memory_space<vmem>>) target(%dma_start3A_314 : memref<10240x128xf32, #tpu.memory_space<vmem_shared>>) offsets(%dma_start3A_311 : memref<20xi32, #tpu.memory_space<vmem>>) semaphore(%run_scoped3A_308 : memref<!tpu.dma_semaphore, #tpu.memory_space<semaphore_mem>>) {add = true}
        %dma_wait3A_315 = arith.constant 0 : i32
        %dma_wait3A_316 = tpu.memref_slice %arg7[%add3A_258, %dma_wait3A_315] : memref<500x20xi32, #tpu.memory_space<vmem>> -> memref<1x20xi32, #tpu.memory_space<vmem>>
        %dma_wait3A_317 = tpu.memref_squeeze %dma_wait3A_316 : memref<1x20xi32, #tpu.memory_space<vmem>> -> memref<20xi32, #tpu.memory_space<vmem>>
        %dma_wait3A_318 = arith.constant 0 : i32
        %dma_wait3A_319 = arith.constant 0 : i32
        %dma_wait3A_320 = tpu.memref_slice %arg13[%dma_wait3A_318, %dma_wait3A_319] : memref<10240x128xf32, #tpu.memory_space<vmem_shared>> -> memref<10240x128xf32, #tpu.memory_space<vmem_shared>>
        tpu.wait_indirect_dma semaphore(%run_scoped3A_308 : memref<!tpu.dma_semaphore, #tpu.memory_space<semaphore_mem>>) src(%arg9 : memref<20x128xf32, #tpu.memory_space<vmem>>) dst(%dma_wait3A_320 : memref<10240x128xf32, #tpu.memory_space<vmem_shared>>)
        tpu.yield
      }) : () -> ()
      %add3A_266 = arith.constant 4 : i32
      %add3A_267 = arith.addi %add3A_258, %add3A_266 : i32
      %dma_start3A_268 = arith.constant 0 : i32
      %dma_start3A_269 = tpu.memref_slice %arg6[%add3A_267, %dma_start3A_268] : memref<500x20xi32, #tpu.memory_space<vmem>> -> memref<1x20xi32, #tpu.memory_space<vmem>>
      %dma_start3A_270 = tpu.memref_squeeze %dma_start3A_269 : memref<1x20xi32, #tpu.memory_space<vmem>> -> memref<20xi32, #tpu.memory_space<vmem>>
      %dma_start3A_271 = arith.constant 0 : i32
      %dma_start3A_272 = arith.constant 0 : i32
      %dma_start3A_273 = tpu.memref_slice %arg2[%dma_start3A_271, %dma_start3A_272] : memref<10000x128xf32, #tpu.memory_space<hbm>> -> memref<10000x128xf32, #tpu.memory_space<hbm>>
      tpu.enqueue_indirect_dma source(%dma_start3A_273 : memref<10000x128xf32, #tpu.memory_space<hbm>>) target(%arg9 : memref<20x128xf32, #tpu.memory_space<vmem>>) offsets(%dma_start3A_270 : memref<20xi32, #tpu.memory_space<vmem>>) semaphore(%arg15 : memref<!tpu.dma_semaphore, #tpu.memory_space<semaphore_mem>>)
      %add3A_274 = arith.constant 2 : i32
      %add3A_275 = arith.addi %mul3A_239, %add3A_274 : i32
      %dma_wait3A_276 = arith.constant 0 : i32
      %dma_wait3A_277 = arith.constant 0 : i32
      %dma_wait3A_278 = tpu.memref_slice %arg6[%dma_wait3A_276, %dma_wait3A_277] : memref<500x20xi32, #tpu.memory_space<vmem>> -> memref<1x20xi32, #tpu.memory_space<vmem>>
      %dma_wait3A_279 = tpu.memref_squeeze %dma_wait3A_278 : memref<1x20xi32, #tpu.memory_space<vmem>> -> memref<20xi32, #tpu.memory_space<vmem>>
      %dma_wait3A_280 = arith.constant 0 : i32
      %dma_wait3A_281 = arith.constant 0 : i32
      %dma_wait3A_282 = tpu.memref_slice %arg2[%dma_wait3A_280, %dma_wait3A_281] : memref<10000x128xf32, #tpu.memory_space<hbm>> -> memref<10000x128xf32, #tpu.memory_space<hbm>>
      tpu.wait_indirect_dma semaphore(%arg16 : memref<!tpu.dma_semaphore, #tpu.memory_space<semaphore_mem>>) src(%dma_wait3A_282 : memref<10000x128xf32, #tpu.memory_space<hbm>>) dst(%arg10 : memref<20x128xf32, #tpu.memory_space<vmem>>)
      "tpu.region"() ({
        %run_scoped3A_308 = tpu.sem_alloc : memref<!tpu.dma_semaphore, #tpu.memory_space<semaphore_mem>>
        %dma_start3A_309 = arith.constant 0 : i32
        %dma_start3A_310 = tpu.memref_slice %arg7[%add3A_275, %dma_start3A_309] : memref<500x20xi32, #tpu.memory_space<vmem>> -> memref<1x20xi32, #tpu.memory_space<vmem>>
        %dma_start3A_311 = tpu.memref_squeeze %dma_start3A_310 : memref<1x20xi32, #tpu.memory_space<vmem>> -> memref<20xi32, #tpu.memory_space<vmem>>
        %dma_start3A_312 = arith.constant 0 : i32
        %dma_start3A_313 = arith.constant 0 : i32
        %dma_start3A_314 = tpu.memref_slice %arg13[%dma_start3A_312, %dma_start3A_313] : memref<10240x128xf32, #tpu.memory_space<vmem_shared>> -> memref<10240x128xf32, #tpu.memory_space<vmem_shared>>
        tpu.enqueue_indirect_dma source(%arg10 : memref<20x128xf32, #tpu.memory_space<vmem>>) target(%dma_start3A_314 : memref<10240x128xf32, #tpu.memory_space<vmem_shared>>) offsets(%dma_start3A_311 : memref<20xi32, #tpu.memory_space<vmem>>) semaphore(%run_scoped3A_308 : memref<!tpu.dma_semaphore, #tpu.memory_space<semaphore_mem>>) {add = true}
        %dma_wait3A_315 = arith.constant 0 : i32
        %dma_wait3A_316 = tpu.memref_slice %arg7[%add3A_275, %dma_wait3A_315] : memref<500x20xi32, #tpu.memory_space<vmem>> -> memref<1x20xi32, #tpu.memory_space<vmem>>
        %dma_wait3A_317 = tpu.memref_squeeze %dma_wait3A_316 : memref<1x20xi32, #tpu.memory_space<vmem>> -> memref<20xi32, #tpu.memory_space<vmem>>
        %dma_wait3A_318 = arith.constant 0 : i32
        %dma_wait3A_319 = arith.constant 0 : i32
        %dma_wait3A_320 = tpu.memref_slice %arg13[%dma_wait3A_318, %dma_wait3A_319] : memref<10240x128xf32, #tpu.memory_space<vmem_shared>> -> memref<10240x128xf32, #tpu.memory_space<vmem_shared>>
        tpu.wait_indirect_dma semaphore(%run_scoped3A_308 : memref<!tpu.dma_semaphore, #tpu.memory_space<semaphore_mem>>) src(%arg10 : memref<20x128xf32, #tpu.memory_space<vmem>>) dst(%dma_wait3A_320 : memref<10240x128xf32, #tpu.memory_space<vmem_shared>>)
        tpu.yield
      }) : () -> ()
      %add3A_283 = arith.constant 4 : i32
      %add3A_284 = arith.addi %add3A_275, %add3A_283 : i32
      %dma_start3A_285 = arith.constant 0 : i32
      %dma_start3A_286 = tpu.memref_slice %arg6[%add3A_284, %dma_start3A_285] : memref<500x20xi32, #tpu.memory_space<vmem>> -> memref<1x20xi32, #tpu.memory_space<vmem>>
      %dma_start3A_287 = tpu.memref_squeeze %dma_start3A_286 : memref<1x20xi32, #tpu.memory_space<vmem>> -> memref<20xi32, #tpu.memory_space<vmem>>
      %dma_start3A_288 = arith.constant 0 : i32
      %dma_start3A_289 = arith.constant 0 : i32
      %dma_start3A_290 = tpu.memref_slice %arg2[%dma_start3A_288, %dma_start3A_289] : memref<10000x128xf32, #tpu.memory_space<hbm>> -> memref<10000x128xf32, #tpu.memory_space<hbm>>
      tpu.enqueue_indirect_dma source(%dma_start3A_290 : memref<10000x128xf32, #tpu.memory_space<hbm>>) target(%arg10 : memref<20x128xf32, #tpu.memory_space<vmem>>) offsets(%dma_start3A_287 : memref<20xi32, #tpu.memory_space<vmem>>) semaphore(%arg16 : memref<!tpu.dma_semaphore, #tpu.memory_space<semaphore_mem>>)
      %add3A_291 = arith.constant 3 : i32
      %add3A_292 = arith.addi %mul3A_239, %add3A_291 : i32
      %dma_wait3A_293 = arith.constant 0 : i32
      %dma_wait3A_294 = arith.constant 0 : i32
      %dma_wait3A_295 = tpu.memref_slice %arg6[%dma_wait3A_293, %dma_wait3A_294] : memref<500x20xi32, #tpu.memory_space<vmem>> -> memref<1x20xi32, #tpu.memory_space<vmem>>
      %dma_wait3A_296 = tpu.memref_squeeze %dma_wait3A_295 : memref<1x20xi32, #tpu.memory_space<vmem>> -> memref<20xi32, #tpu.memory_space<vmem>>
      %dma_wait3A_297 = arith.constant 0 : i32
      %dma_wait3A_298 = arith.constant 0 : i32
      %dma_wait3A_299 = tpu.memref_slice %arg2[%dma_wait3A_297, %dma_wait3A_298] : memref<10000x128xf32, #tpu.memory_space<hbm>> -> memref<10000x128xf32, #tpu.memory_space<hbm>>
      tpu.wait_indirect_dma semaphore(%arg17 : memref<!tpu.dma_semaphore, #tpu.memory_space<semaphore_mem>>) src(%dma_wait3A_299 : memref<10000x128xf32, #tpu.memory_space<hbm>>) dst(%arg11 : memref<20x128xf32, #tpu.memory_space<vmem>>)
      "tpu.region"() ({
        %run_scoped3A_308 = tpu.sem_alloc : memref<!tpu.dma_semaphore, #tpu.memory_space<semaphore_mem>>
        %dma_start3A_309 = arith.constant 0 : i32
        %dma_start3A_310 = tpu.memref_slice %arg7[%add3A_292, %dma_start3A_309] : memref<500x20xi32, #tpu.memory_space<vmem>> -> memref<1x20xi32, #tpu.memory_space<vmem>>
        %dma_start3A_311 = tpu.memref_squeeze %dma_start3A_310 : memref<1x20xi32, #tpu.memory_space<vmem>> -> memref<20xi32, #tpu.memory_space<vmem>>
        %dma_start3A_312 = arith.constant 0 : i32
        %dma_start3A_313 = arith.constant 0 : i32
        %dma_start3A_314 = tpu.memref_slice %arg13[%dma_start3A_312, %dma_start3A_313] : memref<10240x128xf32, #tpu.memory_space<vmem_shared>> -> memref<10240x128xf32, #tpu.memory_space<vmem_shared>>
        tpu.enqueue_indirect_dma source(%arg11 : memref<20x128xf32, #tpu.memory_space<vmem>>) target(%dma_start3A_314 : memref<10240x128xf32, #tpu.memory_space<vmem_shared>>) offsets(%dma_start3A_311 : memref<20xi32, #tpu.memory_space<vmem>>) semaphore(%run_scoped3A_308 : memref<!tpu.dma_semaphore, #tpu.memory_space<semaphore_mem>>) {add = true}
        %dma_wait3A_315 = arith.constant 0 : i32
        %dma_wait3A_316 = tpu.memref_slice %arg7[%add3A_292, %dma_wait3A_315] : memref<500x20xi32, #tpu.memory_space<vmem>> -> memref<1x20xi32, #tpu.memory_space<vmem>>
        %dma_wait3A_317 = tpu.memref_squeeze %dma_wait3A_316 : memref<1x20xi32, #tpu.memory_space<vmem>> -> memref<20xi32, #tpu.memory_space<vmem>>
        %dma_wait3A_318 = arith.constant 0 : i32
        %dma_wait3A_319 = arith.constant 0 : i32
        %dma_wait3A_320 = tpu.memref_slice %arg13[%dma_wait3A_318, %dma_wait3A_319] : memref<10240x128xf32, #tpu.memory_space<vmem_shared>> -> memref<10240x128xf32, #tpu.memory_space<vmem_shared>>
        tpu.wait_indirect_dma semaphore(%run_scoped3A_308 : memref<!tpu.dma_semaphore, #tpu.memory_space<semaphore_mem>>) src(%arg11 : memref<20x128xf32, #tpu.memory_space<vmem>>) dst(%dma_wait3A_320 : memref<10240x128xf32, #tpu.memory_space<vmem_shared>>)
        tpu.yield
      }) : () -> ()
      %add3A_300 = arith.constant 4 : i32
      %add3A_301 = arith.addi %add3A_292, %add3A_300 : i32
      %dma_start3A_302 = arith.constant 0 : i32
      %dma_start3A_303 = tpu.memref_slice %arg6[%add3A_301, %dma_start3A_302] : memref<500x20xi32, #tpu.memory_space<vmem>> -> memref<1x20xi32, #tpu.memory_space<vmem>>
      %dma_start3A_304 = tpu.memref_squeeze %dma_start3A_303 : memref<1x20xi32, #tpu.memory_space<vmem>> -> memref<20xi32, #tpu.memory_space<vmem>>
      %dma_start3A_305 = arith.constant 0 : i32
      %dma_start3A_306 = arith.constant 0 : i32
      %dma_start3A_307 = tpu.memref_slice %arg2[%dma_start3A_305, %dma_start3A_306] : memref<10000x128xf32, #tpu.memory_space<hbm>> -> memref<10000x128xf32, #tpu.memory_space<hbm>>
      tpu.enqueue_indirect_dma source(%dma_start3A_307 : memref<10000x128xf32, #tpu.memory_space<hbm>>) target(%arg11 : memref<20x128xf32, #tpu.memory_space<vmem>>) offsets(%dma_start3A_304 : memref<20xi32, #tpu.memory_space<vmem>>) semaphore(%arg17 : memref<!tpu.dma_semaphore, #tpu.memory_space<semaphore_mem>>)
    }
    %scan3A_201 = arith.constant 124 : i32
    %dma_wait3A = arith.constant 0 : i32
    %dma_wait3A_202 = arith.constant 0 : i32
    %dma_wait3A_203 = tpu.memref_slice %arg6[%dma_wait3A, %dma_wait3A_202] : memref<500x20xi32, #tpu.memory_space<vmem>> -> memref<1x20xi32, #tpu.memory_space<vmem>>
    %dma_wait3A_204 = tpu.memref_squeeze %dma_wait3A_203 : memref<1x20xi32, #tpu.memory_space<vmem>> -> memref<20xi32, #tpu.memory_space<vmem>>
    %dma_wait3A_205 = arith.constant 0 : i32
    %dma_wait3A_206 = arith.constant 0 : i32
    %dma_wait3A_207 = tpu.memref_slice %arg2[%dma_wait3A_205, %dma_wait3A_206] : memref<10000x128xf32, #tpu.memory_space<hbm>> -> memref<10000x128xf32, #tpu.memory_space<hbm>>
    tpu.wait_indirect_dma semaphore(%arg14 : memref<!tpu.dma_semaphore, #tpu.memory_space<semaphore_mem>>) src(%dma_wait3A_207 : memref<10000x128xf32, #tpu.memory_space<hbm>>) dst(%arg8 : memref<20x128xf32, #tpu.memory_space<vmem>>)
    %run_scoped3A = arith.constant 496 : i32
    "tpu.region"() ({
      %run_scoped3A_237 = tpu.sem_alloc : memref<!tpu.dma_semaphore, #tpu.memory_space<semaphore_mem>>
      %dma_start3A_238 = arith.constant 0 : i32
      %dma_start3A_239 = tpu.memref_slice %arg7[%run_scoped3A, %dma_start3A_238] : memref<500x20xi32, #tpu.memory_space<vmem>> -> memref<1x20xi32, #tpu.memory_space<vmem>>
      %dma_start3A_240 = tpu.memref_squeeze %dma_start3A_239 : memref<1x20xi32, #tpu.memory_space<vmem>> -> memref<20xi32, #tpu.memory_space<vmem>>
      %dma_start3A_241 = arith.constant 0 : i32
      %dma_start3A_242 = arith.constant 0 : i32
      %dma_start3A_243 = tpu.memref_slice %arg13[%dma_start3A_241, %dma_start3A_242] : memref<10240x128xf32, #tpu.memory_space<vmem_shared>> -> memref<10240x128xf32, #tpu.memory_space<vmem_shared>>
      tpu.enqueue_indirect_dma source(%arg8 : memref<20x128xf32, #tpu.memory_space<vmem>>) target(%dma_start3A_243 : memref<10240x128xf32, #tpu.memory_space<vmem_shared>>) offsets(%dma_start3A_240 : memref<20xi32, #tpu.memory_space<vmem>>) semaphore(%run_scoped3A_237 : memref<!tpu.dma_semaphore, #tpu.memory_space<semaphore_mem>>) {add = true}
      %dma_wait3A_244 = arith.constant 0 : i32
      %dma_wait3A_245 = tpu.memref_slice %arg7[%run_scoped3A, %dma_wait3A_244] : memref<500x20xi32, #tpu.memory_space<vmem>> -> memref<1x20xi32, #tpu.memory_space<vmem>>
      %dma_wait3A_246 = tpu.memref_squeeze %dma_wait3A_245 : memref<1x20xi32, #tpu.memory_space<vmem>> -> memref<20xi32, #tpu.memory_space<vmem>>
      %dma_wait3A_247 = arith.constant 0 : i32
      %dma_wait3A_248 = arith.constant 0 : i32
      %dma_wait3A_249 = tpu.memref_slice %arg13[%dma_wait3A_247, %dma_wait3A_248] : memref<10240x128xf32, #tpu.memory_space<vmem_shared>> -> memref<10240x128xf32, #tpu.memory_space<vmem_shared>>
      tpu.wait_indirect_dma semaphore(%run_scoped3A_237 : memref<!tpu.dma_semaphore, #tpu.memory_space<semaphore_mem>>) src(%arg8 : memref<20x128xf32, #tpu.memory_space<vmem>>) dst(%dma_wait3A_249 : memref<10240x128xf32, #tpu.memory_space<vmem_shared>>)
      tpu.yield
    }) : () -> ()
    %dma_wait3A_208 = arith.constant 0 : i32
    %dma_wait3A_209 = arith.constant 0 : i32
    %dma_wait3A_210 = tpu.memref_slice %arg6[%dma_wait3A_208, %dma_wait3A_209] : memref<500x20xi32, #tpu.memory_space<vmem>> -> memref<1x20xi32, #tpu.memory_space<vmem>>
    %dma_wait3A_211 = tpu.memref_squeeze %dma_wait3A_210 : memref<1x20xi32, #tpu.memory_space<vmem>> -> memref<20xi32, #tpu.memory_space<vmem>>
    %dma_wait3A_212 = arith.constant 0 : i32
    %dma_wait3A_213 = arith.constant 0 : i32
    %dma_wait3A_214 = tpu.memref_slice %arg2[%dma_wait3A_212, %dma_wait3A_213] : memref<10000x128xf32, #tpu.memory_space<hbm>> -> memref<10000x128xf32, #tpu.memory_space<hbm>>
    tpu.wait_indirect_dma semaphore(%arg15 : memref<!tpu.dma_semaphore, #tpu.memory_space<semaphore_mem>>) src(%dma_wait3A_214 : memref<10000x128xf32, #tpu.memory_space<hbm>>) dst(%arg9 : memref<20x128xf32, #tpu.memory_space<vmem>>)
    %run_scoped3A_215 = arith.constant 497 : i32
    "tpu.region"() ({
      %run_scoped3A_237 = tpu.sem_alloc : memref<!tpu.dma_semaphore, #tpu.memory_space<semaphore_mem>>
      %dma_start3A_238 = arith.constant 0 : i32
      %dma_start3A_239 = tpu.memref_slice %arg7[%run_scoped3A_215, %dma_start3A_238] : memref<500x20xi32, #tpu.memory_space<vmem>> -> memref<1x20xi32, #tpu.memory_space<vmem>>
      %dma_start3A_240 = tpu.memref_squeeze %dma_start3A_239 : memref<1x20xi32, #tpu.memory_space<vmem>> -> memref<20xi32, #tpu.memory_space<vmem>>
      %dma_start3A_241 = arith.constant 0 : i32
      %dma_start3A_242 = arith.constant 0 : i32
      %dma_start3A_243 = tpu.memref_slice %arg13[%dma_start3A_241, %dma_start3A_242] : memref<10240x128xf32, #tpu.memory_space<vmem_shared>> -> memref<10240x128xf32, #tpu.memory_space<vmem_shared>>
      tpu.enqueue_indirect_dma source(%arg9 : memref<20x128xf32, #tpu.memory_space<vmem>>) target(%dma_start3A_243 : memref<10240x128xf32, #tpu.memory_space<vmem_shared>>) offsets(%dma_start3A_240 : memref<20xi32, #tpu.memory_space<vmem>>) semaphore(%run_scoped3A_237 : memref<!tpu.dma_semaphore, #tpu.memory_space<semaphore_mem>>) {add = true}
      %dma_wait3A_244 = arith.constant 0 : i32
      %dma_wait3A_245 = tpu.memref_slice %arg7[%run_scoped3A_215, %dma_wait3A_244] : memref<500x20xi32, #tpu.memory_space<vmem>> -> memref<1x20xi32, #tpu.memory_space<vmem>>
      %dma_wait3A_246 = tpu.memref_squeeze %dma_wait3A_245 : memref<1x20xi32, #tpu.memory_space<vmem>> -> memref<20xi32, #tpu.memory_space<vmem>>
      %dma_wait3A_247 = arith.constant 0 : i32
      %dma_wait3A_248 = arith.constant 0 : i32
      %dma_wait3A_249 = tpu.memref_slice %arg13[%dma_wait3A_247, %dma_wait3A_248] : memref<10240x128xf32, #tpu.memory_space<vmem_shared>> -> memref<10240x128xf32, #tpu.memory_space<vmem_shared>>
      tpu.wait_indirect_dma semaphore(%run_scoped3A_237 : memref<!tpu.dma_semaphore, #tpu.memory_space<semaphore_mem>>) src(%arg9 : memref<20x128xf32, #tpu.memory_space<vmem>>) dst(%dma_wait3A_249 : memref<10240x128xf32, #tpu.memory_space<vmem_shared>>)
      tpu.yield
    }) : () -> ()
    %dma_wait3A_216 = arith.constant 0 : i32
    %dma_wait3A_217 = arith.constant 0 : i32
    %dma_wait3A_218 = tpu.memref_slice %arg6[%dma_wait3A_216, %dma_wait3A_217] : memref<500x20xi32, #tpu.memory_space<vmem>> -> memref<1x20xi32, #tpu.memory_space<vmem>>
    %dma_wait3A_219 = tpu.memref_squeeze %dma_wait3A_218 : memref<1x20xi32, #tpu.memory_space<vmem>> -> memref<20xi32, #tpu.memory_space<vmem>>
    %dma_wait3A_220 = arith.constant 0 : i32
    %dma_wait3A_221 = arith.constant 0 : i32
    %dma_wait3A_222 = tpu.memref_slice %arg2[%dma_wait3A_220, %dma_wait3A_221] : memref<10000x128xf32, #tpu.memory_space<hbm>> -> memref<10000x128xf32, #tpu.memory_space<hbm>>
    tpu.wait_indirect_dma semaphore(%arg16 : memref<!tpu.dma_semaphore, #tpu.memory_space<semaphore_mem>>) src(%dma_wait3A_222 : memref<10000x128xf32, #tpu.memory_space<hbm>>) dst(%arg10 : memref<20x128xf32, #tpu.memory_space<vmem>>)
    %run_scoped3A_223 = arith.constant 498 : i32
    "tpu.region"() ({
      %run_scoped3A_237 = tpu.sem_alloc : memref<!tpu.dma_semaphore, #tpu.memory_space<semaphore_mem>>
      %dma_start3A_238 = arith.constant 0 : i32
      %dma_start3A_239 = tpu.memref_slice %arg7[%run_scoped3A_223, %dma_start3A_238] : memref<500x20xi32, #tpu.memory_space<vmem>> -> memref<1x20xi32, #tpu.memory_space<vmem>>
      %dma_start3A_240 = tpu.memref_squeeze %dma_start3A_239 : memref<1x20xi32, #tpu.memory_space<vmem>> -> memref<20xi32, #tpu.memory_space<vmem>>
      %dma_start3A_241 = arith.constant 0 : i32
      %dma_start3A_242 = arith.constant 0 : i32
      %dma_start3A_243 = tpu.memref_slice %arg13[%dma_start3A_241, %dma_start3A_242] : memref<10240x128xf32, #tpu.memory_space<vmem_shared>> -> memref<10240x128xf32, #tpu.memory_space<vmem_shared>>
      tpu.enqueue_indirect_dma source(%arg10 : memref<20x128xf32, #tpu.memory_space<vmem>>) target(%dma_start3A_243 : memref<10240x128xf32, #tpu.memory_space<vmem_shared>>) offsets(%dma_start3A_240 : memref<20xi32, #tpu.memory_space<vmem>>) semaphore(%run_scoped3A_237 : memref<!tpu.dma_semaphore, #tpu.memory_space<semaphore_mem>>) {add = true}
      %dma_wait3A_244 = arith.constant 0 : i32
      %dma_wait3A_245 = tpu.memref_slice %arg7[%run_scoped3A_223, %dma_wait3A_244] : memref<500x20xi32, #tpu.memory_space<vmem>> -> memref<1x20xi32, #tpu.memory_space<vmem>>
      %dma_wait3A_246 = tpu.memref_squeeze %dma_wait3A_245 : memref<1x20xi32, #tpu.memory_space<vmem>> -> memref<20xi32, #tpu.memory_space<vmem>>
      %dma_wait3A_247 = arith.constant 0 : i32
      %dma_wait3A_248 = arith.constant 0 : i32
      %dma_wait3A_249 = tpu.memref_slice %arg13[%dma_wait3A_247, %dma_wait3A_248] : memref<10240x128xf32, #tpu.memory_space<vmem_shared>> -> memref<10240x128xf32, #tpu.memory_space<vmem_shared>>
      tpu.wait_indirect_dma semaphore(%run_scoped3A_237 : memref<!tpu.dma_semaphore, #tpu.memory_space<semaphore_mem>>) src(%arg10 : memref<20x128xf32, #tpu.memory_space<vmem>>) dst(%dma_wait3A_249 : memref<10240x128xf32, #tpu.memory_space<vmem_shared>>)
      tpu.yield
    }) : () -> ()
    %dma_wait3A_224 = arith.constant 0 : i32
    %dma_wait3A_225 = arith.constant 0 : i32
    %dma_wait3A_226 = tpu.memref_slice %arg6[%dma_wait3A_224, %dma_wait3A_225] : memref<500x20xi32, #tpu.memory_space<vmem>> -> memref<1x20xi32, #tpu.memory_space<vmem>>
    %dma_wait3A_227 = tpu.memref_squeeze %dma_wait3A_226 : memref<1x20xi32, #tpu.memory_space<vmem>> -> memref<20xi32, #tpu.memory_space<vmem>>
    %dma_wait3A_228 = arith.constant 0 : i32
    %dma_wait3A_229 = arith.constant 0 : i32
    %dma_wait3A_230 = tpu.memref_slice %arg2[%dma_wait3A_228, %dma_wait3A_229] : memref<10000x128xf32, #tpu.memory_space<hbm>> -> memref<10000x128xf32, #tpu.memory_space<hbm>>
    tpu.wait_indirect_dma semaphore(%arg17 : memref<!tpu.dma_semaphore, #tpu.memory_space<semaphore_mem>>) src(%dma_wait3A_230 : memref<10000x128xf32, #tpu.memory_space<hbm>>) dst(%arg11 : memref<20x128xf32, #tpu.memory_space<vmem>>)
    %run_scoped3A_231 = arith.constant 499 : i32
    "tpu.region"() ({
      %run_scoped3A_237 = tpu.sem_alloc : memref<!tpu.dma_semaphore, #tpu.memory_space<semaphore_mem>>
      %dma_start3A_238 = arith.constant 0 : i32
      %dma_start3A_239 = tpu.memref_slice %arg7[%run_scoped3A_231, %dma_start3A_238] : memref<500x20xi32, #tpu.memory_space<vmem>> -> memref<1x20xi32, #tpu.memory_space<vmem>>
      %dma_start3A_240 = tpu.memref_squeeze %dma_start3A_239 : memref<1x20xi32, #tpu.memory_space<vmem>> -> memref<20xi32, #tpu.memory_space<vmem>>
      %dma_start3A_241 = arith.constant 0 : i32
      %dma_start3A_242 = arith.constant 0 : i32
      %dma_start3A_243 = tpu.memref_slice %arg13[%dma_start3A_241, %dma_start3A_242] : memref<10240x128xf32, #tpu.memory_space<vmem_shared>> -> memref<10240x128xf32, #tpu.memory_space<vmem_shared>>
      tpu.enqueue_indirect_dma source(%arg11 : memref<20x128xf32, #tpu.memory_space<vmem>>) target(%dma_start3A_243 : memref<10240x128xf32, #tpu.memory_space<vmem_shared>>) offsets(%dma_start3A_240 : memref<20xi32, #tpu.memory_space<vmem>>) semaphore(%run_scoped3A_237 : memref<!tpu.dma_semaphore, #tpu.memory_space<semaphore_mem>>) {add = true}
      %dma_wait3A_244 = arith.constant 0 : i32
      %dma_wait3A_245 = tpu.memref_slice %arg7[%run_scoped3A_231, %dma_wait3A_244] : memref<500x20xi32, #tpu.memory_space<vmem>> -> memref<1x20xi32, #tpu.memory_space<vmem>>
      %dma_wait3A_246 = tpu.memref_squeeze %dma_wait3A_245 : memref<1x20xi32, #tpu.memory_space<vmem>> -> memref<20xi32, #tpu.memory_space<vmem>>
      %dma_wait3A_247 = arith.constant 0 : i32
      %dma_wait3A_248 = arith.constant 0 : i32
      %dma_wait3A_249 = tpu.memref_slice %arg13[%dma_wait3A_247, %dma_wait3A_248] : memref<10240x128xf32, #tpu.memory_space<vmem_shared>> -> memref<10240x128xf32, #tpu.memory_space<vmem_shared>>
      tpu.wait_indirect_dma semaphore(%run_scoped3A_237 : memref<!tpu.dma_semaphore, #tpu.memory_space<semaphore_mem>>) src(%arg11 : memref<20x128xf32, #tpu.memory_space<vmem>>) dst(%dma_wait3A_249 : memref<10240x128xf32, #tpu.memory_space<vmem_shared>>)
      tpu.yield
    }) : () -> ()
    %barrier3A_232 = arith.constant 0 : index
    tpu.barrier barrier_id(%barrier3A_232)
    %mul3A_233 = arith.constant 640 : i32
    %mul3A_234 = arith.muli %arg1, %mul3A_233 : i32
    %mul3A_235 = arith.constant 640 : i32
    %mul3A_236 = arith.muli %arg1, %mul3A_235 : i32
    "tpu.region"() ({
      %run_scoped3A_237 = tpu.sem_alloc : memref<!tpu.dma_semaphore, #tpu.memory_space<semaphore_mem>>
      %dma_start3A_238 = arith.constant 0 : i32
      %dma_start3A_239 = tpu.memref_slice %arg5[%arg0, %mul3A_236, %dma_start3A_238] : memref<2x10240x128xf32, #tpu.memory_space<hbm>> -> memref<1x640x128xf32, #tpu.memory_space<hbm>>
      %dma_start3A_240 = tpu.memref_squeeze %dma_start3A_239 : memref<1x640x128xf32, #tpu.memory_space<hbm>> -> memref<640x128xf32, #tpu.memory_space<hbm>>
      %dma_start3A_241 = arith.constant 0 : i32
      %dma_start3A_242 = tpu.memref_slice %arg13[%mul3A_234, %dma_start3A_241] : memref<10240x128xf32, #tpu.memory_space<vmem_shared>> -> memref<640x128xf32, #tpu.memory_space<vmem_shared>>
      tpu.enqueue_dma source(%dma_start3A_242 : memref<640x128xf32, #tpu.memory_space<vmem_shared>>) target(%dma_start3A_240 : memref<640x128xf32, #tpu.memory_space<hbm>>) target_semaphore(%run_scoped3A_237 : memref<!tpu.dma_semaphore, #tpu.memory_space<semaphore_mem>>)
      %dma_wait3A_243 = arith.constant 0 : i32
      %dma_wait3A_244 = tpu.memref_slice %arg5[%arg0, %mul3A_236, %dma_wait3A_243] : memref<2x10240x128xf32, #tpu.memory_space<hbm>> -> memref<1x640x128xf32, #tpu.memory_space<hbm>>
      %dma_wait3A_245 = tpu.memref_squeeze %dma_wait3A_244 : memref<1x640x128xf32, #tpu.memory_space<hbm>> -> memref<640x128xf32, #tpu.memory_space<hbm>>
      %dma_wait3A_246 = arith.constant 0 : i32
      %dma_wait3A_247 = tpu.memref_slice %arg13[%mul3A_234, %dma_wait3A_246] : memref<10240x128xf32, #tpu.memory_space<vmem_shared>> -> memref<640x128xf32, #tpu.memory_space<vmem_shared>>
      tpu.wait_dma2 semaphore(%run_scoped3A_237 : memref<!tpu.dma_semaphore, #tpu.memory_space<semaphore_mem>>) src(%dma_wait3A_247 : memref<640x128xf32, #tpu.memory_space<vmem_shared>>) dst(%dma_wait3A_245 : memref<640x128xf32, #tpu.memory_space<hbm>>)
      tpu.yield
    }) : () -> ()
    return
  }
}

#map = affine_map<(d0, d1) -> (0, 0)>
#map1 = affine_map<(d0, d1) -> (0, 0, 0)>
module attributes {stable_mosaic.version = 14 : i64} {
  func.func @agg(%arg0: i32, %arg1: i32, %arg2: memref<10000x128xf32, #tpu.memory_space<hbm>>, %arg3: memref<32x500x20xi32, #tpu.memory_space<hbm>>, %arg4: memref<32x500x20xi32, #tpu.memory_space<hbm>>, %arg5: memref<2x10240x128xf32, #tpu.memory_space<hbm>>, %arg6: memref<2x10240x16xf32, #tpu.memory_space<hbm>>, %arg7: memref<500x20xi32, #tpu.memory_space<vmem>>, %arg8: memref<500x20xi32, #tpu.memory_space<vmem>>, %arg9: memref<20x128xf32, #tpu.memory_space<vmem>>, %arg10: memref<20x128xf32, #tpu.memory_space<vmem>>, %arg11: memref<20x128xf32, #tpu.memory_space<vmem>>, %arg12: memref<20x128xf32, #tpu.memory_space<vmem>>, %arg13: memref<16x128xf32, #tpu.memory_space<vmem>>, %arg14: memref<10240x128xf32, #tpu.memory_space<vmem_shared>>, %arg15: memref<!tpu.dma_semaphore, #tpu.memory_space<semaphore_mem>>, %arg16: memref<!tpu.dma_semaphore, #tpu.memory_space<semaphore_mem>>, %arg17: memref<!tpu.dma_semaphore, #tpu.memory_space<semaphore_mem>>, %arg18: memref<!tpu.dma_semaphore, #tpu.memory_space<semaphore_mem>>, %arg19: memref<16x16xf32, #tpu.memory_space<vmem>>, %arg20: memref<20x16xf32, #tpu.memory_space<vmem>>, %arg21: memref<10240x16xf32, #tpu.memory_space<vmem_shared>>) attributes {dimension_semantics = [#tpu.dimension_semantics<core_parallel>, #tpu.dimension_semantics<subcore_parallel>], iteration_bounds = array<i64: 2, 16>, scalar_prefetch = 0 : i64, scratch_operands = 15 : i64, tpu.core_type = #tpu.core_type<sc_vector_subcore>, window_params = [{transform_indices = #map}, {transform_indices = #map1}, {transform_indices = #map1}, {transform_indices = #map1}, {transform_indices = #map1}]} {
    %mul3A = arith.constant 2 : i32
    %mul3A_0 = arith.muli %arg1, %mul3A : i32
    %add3A = arith.addi %mul3A_0, %arg0 : i32
    "tpu.region"() ({
      %run_scoped3A_417 = tpu.sem_alloc : memref<!tpu.dma_semaphore, #tpu.memory_space<semaphore_mem>>
      %dma_start3A_418 = arith.constant 0 : i32
      %dma_start3A_419 = arith.constant 0 : i32
      %dma_start3A_420 = tpu.memref_slice %arg3[%add3A, %dma_start3A_418, %dma_start3A_419] : memref<32x500x20xi32, #tpu.memory_space<hbm>> -> memref<1x500x20xi32, #tpu.memory_space<hbm>>
      %dma_start3A_421 = tpu.memref_squeeze %dma_start3A_420 : memref<1x500x20xi32, #tpu.memory_space<hbm>> -> memref<500x20xi32, #tpu.memory_space<hbm>>
      %dma_start3A_422 = arith.constant 0 : i32
      %dma_start3A_423 = arith.constant 0 : i32
      %dma_start3A_424 = tpu.memref_slice %arg3[%add3A, %dma_start3A_422, %dma_start3A_423] : memref<32x500x20xi32, #tpu.memory_space<hbm>> -> memref<1x500x20xi32, #tpu.memory_space<hbm>>
      %dma_start3A_425 = tpu.memref_squeeze %dma_start3A_424 : memref<1x500x20xi32, #tpu.memory_space<hbm>> -> memref<500x20xi32, #tpu.memory_space<hbm>>
      tpu.enqueue_dma source(%dma_start3A_425 : memref<500x20xi32, #tpu.memory_space<hbm>>) target(%arg7 : memref<500x20xi32, #tpu.memory_space<vmem>>) target_semaphore(%run_scoped3A_417 : memref<!tpu.dma_semaphore, #tpu.memory_space<semaphore_mem>>)
      %dma_wait3A_426 = arith.constant 0 : i32
      %dma_wait3A_427 = arith.constant 0 : i32
      %dma_wait3A_428 = tpu.memref_slice %arg3[%add3A, %dma_wait3A_426, %dma_wait3A_427] : memref<32x500x20xi32, #tpu.memory_space<hbm>> -> memref<1x500x20xi32, #tpu.memory_space<hbm>>
      %dma_wait3A_429 = tpu.memref_squeeze %dma_wait3A_428 : memref<1x500x20xi32, #tpu.memory_space<hbm>> -> memref<500x20xi32, #tpu.memory_space<hbm>>
      %dma_wait3A_430 = arith.constant 0 : i32
      %dma_wait3A_431 = arith.constant 0 : i32
      %dma_wait3A_432 = tpu.memref_slice %arg3[%add3A, %dma_wait3A_430, %dma_wait3A_431] : memref<32x500x20xi32, #tpu.memory_space<hbm>> -> memref<1x500x20xi32, #tpu.memory_space<hbm>>
      %dma_wait3A_433 = tpu.memref_squeeze %dma_wait3A_432 : memref<1x500x20xi32, #tpu.memory_space<hbm>> -> memref<500x20xi32, #tpu.memory_space<hbm>>
      tpu.wait_dma2 semaphore(%run_scoped3A_417 : memref<!tpu.dma_semaphore, #tpu.memory_space<semaphore_mem>>) src(%dma_wait3A_433 : memref<500x20xi32, #tpu.memory_space<hbm>>) dst(%arg7 : memref<500x20xi32, #tpu.memory_space<vmem>>)
      tpu.yield
    }) : () -> ()
    "tpu.region"() ({
      %run_scoped3A_417 = tpu.sem_alloc : memref<!tpu.dma_semaphore, #tpu.memory_space<semaphore_mem>>
      %dma_start3A_418 = arith.constant 0 : i32
      %dma_start3A_419 = arith.constant 0 : i32
      %dma_start3A_420 = tpu.memref_slice %arg4[%add3A, %dma_start3A_418, %dma_start3A_419] : memref<32x500x20xi32, #tpu.memory_space<hbm>> -> memref<1x500x20xi32, #tpu.memory_space<hbm>>
      %dma_start3A_421 = tpu.memref_squeeze %dma_start3A_420 : memref<1x500x20xi32, #tpu.memory_space<hbm>> -> memref<500x20xi32, #tpu.memory_space<hbm>>
      %dma_start3A_422 = arith.constant 0 : i32
      %dma_start3A_423 = arith.constant 0 : i32
      %dma_start3A_424 = tpu.memref_slice %arg4[%add3A, %dma_start3A_422, %dma_start3A_423] : memref<32x500x20xi32, #tpu.memory_space<hbm>> -> memref<1x500x20xi32, #tpu.memory_space<hbm>>
      %dma_start3A_425 = tpu.memref_squeeze %dma_start3A_424 : memref<1x500x20xi32, #tpu.memory_space<hbm>> -> memref<500x20xi32, #tpu.memory_space<hbm>>
      tpu.enqueue_dma source(%dma_start3A_425 : memref<500x20xi32, #tpu.memory_space<hbm>>) target(%arg8 : memref<500x20xi32, #tpu.memory_space<vmem>>) target_semaphore(%run_scoped3A_417 : memref<!tpu.dma_semaphore, #tpu.memory_space<semaphore_mem>>)
      %dma_wait3A_426 = arith.constant 0 : i32
      %dma_wait3A_427 = arith.constant 0 : i32
      %dma_wait3A_428 = tpu.memref_slice %arg4[%add3A, %dma_wait3A_426, %dma_wait3A_427] : memref<32x500x20xi32, #tpu.memory_space<hbm>> -> memref<1x500x20xi32, #tpu.memory_space<hbm>>
      %dma_wait3A_429 = tpu.memref_squeeze %dma_wait3A_428 : memref<1x500x20xi32, #tpu.memory_space<hbm>> -> memref<500x20xi32, #tpu.memory_space<hbm>>
      %dma_wait3A_430 = arith.constant 0 : i32
      %dma_wait3A_431 = arith.constant 0 : i32
      %dma_wait3A_432 = tpu.memref_slice %arg4[%add3A, %dma_wait3A_430, %dma_wait3A_431] : memref<32x500x20xi32, #tpu.memory_space<hbm>> -> memref<1x500x20xi32, #tpu.memory_space<hbm>>
      %dma_wait3A_433 = tpu.memref_squeeze %dma_wait3A_432 : memref<1x500x20xi32, #tpu.memory_space<hbm>> -> memref<500x20xi32, #tpu.memory_space<hbm>>
      tpu.wait_dma2 semaphore(%run_scoped3A_417 : memref<!tpu.dma_semaphore, #tpu.memory_space<semaphore_mem>>) src(%dma_wait3A_433 : memref<500x20xi32, #tpu.memory_space<hbm>>) dst(%arg8 : memref<500x20xi32, #tpu.memory_space<vmem>>)
      tpu.yield
    }) : () -> ()
    %broadcast_in_dim3A = arith.constant 0.000000e+00 : f32
    %broadcast_in_dim3A_1 = vector.broadcast %broadcast_in_dim3A : f32 to vector<16xf32>
    %broadcast_in_dim3A_2 = arith.constant 1.000000e+00 : f32
    %broadcast_in_dim3A_3 = vector.broadcast %broadcast_in_dim3A_2 : f32 to vector<16xf32>
    %scan3A = arith.constant 0 : i32
    %scan3A_4 = arith.constant 0 : i32
    %scan3A_5 = arith.constant 16 : i32
    %scan3A_6 = arith.addi %scan3A_4, %scan3A_5 : i32
    %scan3A_7 = arith.constant 1 : i32
    scf.for %scan3A_417 = %scan3A_4 to %scan3A_6 step %scan3A_7  : i32 {
      %swap3A = arith.index_cast %scan3A_417 : i32 to index
      %swap3A_418 = arith.constant 0 : index
      %swap3A_419 = tpu.vector_load %arg13[%swap3A, %swap3A_418] {strides = array<i32>} : memref<16x128xf32, #tpu.memory_space<vmem>>, vector<1x16xf32>,
      %swap3A_420 = vector.shape_cast %swap3A_419 : vector<1x16xf32> to vector<16xf32>
      %swap3A_421 = vector.shape_cast %broadcast_in_dim3A_1 : vector<16xf32> to vector<1x16xf32>
      tpu.vector_store %arg13[%swap3A, %swap3A_418], %swap3A_421 {strides = array<i32>} : memref<16x128xf32, #tpu.memory_space<vmem>>, vector<1x16xf32>,
      %swap3A_422 = arith.index_cast %scan3A_417 : i32 to index
      %swap3A_423 = arith.constant 16 : index
      %swap3A_424 = tpu.vector_load %arg13[%swap3A_422, %swap3A_423] {strides = array<i32>} : memref<16x128xf32, #tpu.memory_space<vmem>>, vector<1x16xf32>,
      %swap3A_425 = vector.shape_cast %swap3A_424 : vector<1x16xf32> to vector<16xf32>
      %swap3A_426 = vector.shape_cast %broadcast_in_dim3A_1 : vector<16xf32> to vector<1x16xf32>
      tpu.vector_store %arg13[%swap3A_422, %swap3A_423], %swap3A_426 {strides = array<i32>} : memref<16x128xf32, #tpu.memory_space<vmem>>, vector<1x16xf32>,
      %swap3A_427 = arith.index_cast %scan3A_417 : i32 to index
      %swap3A_428 = arith.constant 32 : index
      %swap3A_429 = tpu.vector_load %arg13[%swap3A_427, %swap3A_428] {strides = array<i32>} : memref<16x128xf32, #tpu.memory_space<vmem>>, vector<1x16xf32>,
      %swap3A_430 = vector.shape_cast %swap3A_429 : vector<1x16xf32> to vector<16xf32>
      %swap3A_431 = vector.shape_cast %broadcast_in_dim3A_1 : vector<16xf32> to vector<1x16xf32>
      tpu.vector_store %arg13[%swap3A_427, %swap3A_428], %swap3A_431 {strides = array<i32>} : memref<16x128xf32, #tpu.memory_space<vmem>>, vector<1x16xf32>,
      %swap3A_432 = arith.index_cast %scan3A_417 : i32 to index
      %swap3A_433 = arith.constant 48 : index
      %swap3A_434 = tpu.vector_load %arg13[%swap3A_432, %swap3A_433] {strides = array<i32>} : memref<16x128xf32, #tpu.memory_space<vmem>>, vector<1x16xf32>,
      %swap3A_435 = vector.shape_cast %swap3A_434 : vector<1x16xf32> to vector<16xf32>
      %swap3A_436 = vector.shape_cast %broadcast_in_dim3A_1 : vector<16xf32> to vector<1x16xf32>
      tpu.vector_store %arg13[%swap3A_432, %swap3A_433], %swap3A_436 {strides = array<i32>} : memref<16x128xf32, #tpu.memory_space<vmem>>, vector<1x16xf32>,
      %swap3A_437 = arith.index_cast %scan3A_417 : i32 to index
      %swap3A_438 = arith.constant 64 : index
      %swap3A_439 = tpu.vector_load %arg13[%swap3A_437, %swap3A_438] {strides = array<i32>} : memref<16x128xf32, #tpu.memory_space<vmem>>, vector<1x16xf32>,
      %swap3A_440 = vector.shape_cast %swap3A_439 : vector<1x16xf32> to vector<16xf32>
      %swap3A_441 = vector.shape_cast %broadcast_in_dim3A_1 : vector<16xf32> to vector<1x16xf32>
      tpu.vector_store %arg13[%swap3A_437, %swap3A_438], %swap3A_441 {strides = array<i32>} : memref<16x128xf32, #tpu.memory_space<vmem>>, vector<1x16xf32>,
      %swap3A_442 = arith.index_cast %scan3A_417 : i32 to index
      %swap3A_443 = arith.constant 80 : index
      %swap3A_444 = tpu.vector_load %arg13[%swap3A_442, %swap3A_443] {strides = array<i32>} : memref<16x128xf32, #tpu.memory_space<vmem>>, vector<1x16xf32>,
      %swap3A_445 = vector.shape_cast %swap3A_444 : vector<1x16xf32> to vector<16xf32>
      %swap3A_446 = vector.shape_cast %broadcast_in_dim3A_1 : vector<16xf32> to vector<1x16xf32>
      tpu.vector_store %arg13[%swap3A_442, %swap3A_443], %swap3A_446 {strides = array<i32>} : memref<16x128xf32, #tpu.memory_space<vmem>>, vector<1x16xf32>,
      %swap3A_447 = arith.index_cast %scan3A_417 : i32 to index
      %swap3A_448 = arith.constant 96 : index
      %swap3A_449 = tpu.vector_load %arg13[%swap3A_447, %swap3A_448] {strides = array<i32>} : memref<16x128xf32, #tpu.memory_space<vmem>>, vector<1x16xf32>,
      %swap3A_450 = vector.shape_cast %swap3A_449 : vector<1x16xf32> to vector<16xf32>
      %swap3A_451 = vector.shape_cast %broadcast_in_dim3A_1 : vector<16xf32> to vector<1x16xf32>
      tpu.vector_store %arg13[%swap3A_447, %swap3A_448], %swap3A_451 {strides = array<i32>} : memref<16x128xf32, #tpu.memory_space<vmem>>, vector<1x16xf32>,
      %swap3A_452 = arith.index_cast %scan3A_417 : i32 to index
      %swap3A_453 = arith.constant 112 : index
      %swap3A_454 = tpu.vector_load %arg13[%swap3A_452, %swap3A_453] {strides = array<i32>} : memref<16x128xf32, #tpu.memory_space<vmem>>, vector<1x16xf32>,
      %swap3A_455 = vector.shape_cast %swap3A_454 : vector<1x16xf32> to vector<16xf32>
      %swap3A_456 = vector.shape_cast %broadcast_in_dim3A_1 : vector<16xf32> to vector<1x16xf32>
      tpu.vector_store %arg13[%swap3A_452, %swap3A_453], %swap3A_456 {strides = array<i32>} : memref<16x128xf32, #tpu.memory_space<vmem>>, vector<1x16xf32>,
    }
    %scan3A_8 = arith.constant 16 : i32
    %scan3A_9 = arith.constant 0 : i32
    %scan3A_10 = arith.constant 0 : i32
    %scan3A_11 = arith.constant 16 : i32
    %scan3A_12 = arith.addi %scan3A_10, %scan3A_11 : i32
    %scan3A_13 = arith.constant 1 : i32
    scf.for %scan3A_417 = %scan3A_10 to %scan3A_12 step %scan3A_13  : i32 {
      %swap3A = arith.index_cast %scan3A_417 : i32 to index
      %swap3A_418 = arith.constant 0 : index
      %swap3A_419 = tpu.vector_load %arg19[%swap3A, %swap3A_418] {strides = array<i32>} : memref<16x16xf32, #tpu.memory_space<vmem>>, vector<1x16xf32>,
      %swap3A_420 = vector.shape_cast %swap3A_419 : vector<1x16xf32> to vector<16xf32>
      %swap3A_421 = vector.shape_cast %broadcast_in_dim3A_1 : vector<16xf32> to vector<1x16xf32>
      tpu.vector_store %arg19[%swap3A, %swap3A_418], %swap3A_421 {strides = array<i32>} : memref<16x16xf32, #tpu.memory_space<vmem>>, vector<1x16xf32>,
    }
    %scan3A_14 = arith.constant 16 : i32
    %scan3A_15 = arith.constant 0 : i32
    %scan3A_16 = arith.constant 0 : i32
    %scan3A_17 = arith.constant 20 : i32
    %scan3A_18 = arith.addi %scan3A_16, %scan3A_17 : i32
    %scan3A_19 = arith.constant 1 : i32
    scf.for %scan3A_417 = %scan3A_16 to %scan3A_18 step %scan3A_19  : i32 {
      %swap3A = arith.index_cast %scan3A_417 : i32 to index
      %swap3A_418 = arith.constant 0 : index
      %swap3A_419 = tpu.vector_load %arg20[%swap3A, %swap3A_418] {strides = array<i32>} : memref<20x16xf32, #tpu.memory_space<vmem>>, vector<1x16xf32>,
      %swap3A_420 = vector.shape_cast %swap3A_419 : vector<1x16xf32> to vector<16xf32>
      %swap3A_421 = vector.shape_cast %broadcast_in_dim3A_3 : vector<16xf32> to vector<1x16xf32>
      tpu.vector_store %arg20[%swap3A, %swap3A_418], %swap3A_421 {strides = array<i32>} : memref<20x16xf32, #tpu.memory_space<vmem>>, vector<1x16xf32>,
    }
    %scan3A_20 = arith.constant 20 : i32
    %mul3A_21 = arith.constant 640 : i32
    %mul3A_22 = arith.muli %arg1, %mul3A_21 : i32
    %add3A_23 = arith.constant 0 : i32
    %add3A_24 = arith.addi %mul3A_22, %add3A_23 : i32
    "tpu.region"() ({
      %run_scoped3A_417 = tpu.sem_alloc : memref<!tpu.dma_semaphore, #tpu.memory_space<semaphore_mem>>
      %dma_start3A_418 = arith.constant 0 : i32
      %dma_start3A_419 = tpu.memref_slice %arg14[%add3A_24, %dma_start3A_418] : memref<10240x128xf32, #tpu.memory_space<vmem_shared>> -> memref<16x128xf32, #tpu.memory_space<vmem_shared>>
      %dma_start3A_420 = arith.constant 0 : i32
      %dma_start3A_421 = tpu.memref_slice %arg14[%add3A_24, %dma_start3A_420] : memref<10240x128xf32, #tpu.memory_space<vmem_shared>> -> memref<16x128xf32, #tpu.memory_space<vmem_shared>>
      tpu.enqueue_dma source(%arg13 : memref<16x128xf32, #tpu.memory_space<vmem>>) target(%dma_start3A_421 : memref<16x128xf32, #tpu.memory_space<vmem_shared>>) target_semaphore(%run_scoped3A_417 : memref<!tpu.dma_semaphore, #tpu.memory_space<semaphore_mem>>)
      %dma_wait3A_422 = arith.constant 0 : i32
      %dma_wait3A_423 = tpu.memref_slice %arg14[%add3A_24, %dma_wait3A_422] : memref<10240x128xf32, #tpu.memory_space<vmem_shared>> -> memref<16x128xf32, #tpu.memory_space<vmem_shared>>
      %dma_wait3A_424 = arith.constant 0 : i32
      %dma_wait3A_425 = tpu.memref_slice %arg14[%add3A_24, %dma_wait3A_424] : memref<10240x128xf32, #tpu.memory_space<vmem_shared>> -> memref<16x128xf32, #tpu.memory_space<vmem_shared>>
      tpu.wait_dma2 semaphore(%run_scoped3A_417 : memref<!tpu.dma_semaphore, #tpu.memory_space<semaphore_mem>>) src(%arg13 : memref<16x128xf32, #tpu.memory_space<vmem>>) dst(%dma_wait3A_425 : memref<16x128xf32, #tpu.memory_space<vmem_shared>>)
      tpu.yield
    }) : () -> ()
    %mul3A_25 = arith.constant 640 : i32
    %mul3A_26 = arith.muli %arg1, %mul3A_25 : i32
    %add3A_27 = arith.constant 16 : i32
    %add3A_28 = arith.addi %mul3A_26, %add3A_27 : i32
    "tpu.region"() ({
      %run_scoped3A_417 = tpu.sem_alloc : memref<!tpu.dma_semaphore, #tpu.memory_space<semaphore_mem>>
      %dma_start3A_418 = arith.constant 0 : i32
      %dma_start3A_419 = tpu.memref_slice %arg14[%add3A_28, %dma_start3A_418] : memref<10240x128xf32, #tpu.memory_space<vmem_shared>> -> memref<16x128xf32, #tpu.memory_space<vmem_shared>>
      %dma_start3A_420 = arith.constant 0 : i32
      %dma_start3A_421 = tpu.memref_slice %arg14[%add3A_28, %dma_start3A_420] : memref<10240x128xf32, #tpu.memory_space<vmem_shared>> -> memref<16x128xf32, #tpu.memory_space<vmem_shared>>
      tpu.enqueue_dma source(%arg13 : memref<16x128xf32, #tpu.memory_space<vmem>>) target(%dma_start3A_421 : memref<16x128xf32, #tpu.memory_space<vmem_shared>>) target_semaphore(%run_scoped3A_417 : memref<!tpu.dma_semaphore, #tpu.memory_space<semaphore_mem>>)
      %dma_wait3A_422 = arith.constant 0 : i32
      %dma_wait3A_423 = tpu.memref_slice %arg14[%add3A_28, %dma_wait3A_422] : memref<10240x128xf32, #tpu.memory_space<vmem_shared>> -> memref<16x128xf32, #tpu.memory_space<vmem_shared>>
      %dma_wait3A_424 = arith.constant 0 : i32
      %dma_wait3A_425 = tpu.memref_slice %arg14[%add3A_28, %dma_wait3A_424] : memref<10240x128xf32, #tpu.memory_space<vmem_shared>> -> memref<16x128xf32, #tpu.memory_space<vmem_shared>>
      tpu.wait_dma2 semaphore(%run_scoped3A_417 : memref<!tpu.dma_semaphore, #tpu.memory_space<semaphore_mem>>) src(%arg13 : memref<16x128xf32, #tpu.memory_space<vmem>>) dst(%dma_wait3A_425 : memref<16x128xf32, #tpu.memory_space<vmem_shared>>)
      tpu.yield
    }) : () -> ()
    %mul3A_29 = arith.constant 640 : i32
    %mul3A_30 = arith.muli %arg1, %mul3A_29 : i32
    %add3A_31 = arith.constant 32 : i32
    %add3A_32 = arith.addi %mul3A_30, %add3A_31 : i32
    "tpu.region"() ({
      %run_scoped3A_417 = tpu.sem_alloc : memref<!tpu.dma_semaphore, #tpu.memory_space<semaphore_mem>>
      %dma_start3A_418 = arith.constant 0 : i32
      %dma_start3A_419 = tpu.memref_slice %arg14[%add3A_32, %dma_start3A_418] : memref<10240x128xf32, #tpu.memory_space<vmem_shared>> -> memref<16x128xf32, #tpu.memory_space<vmem_shared>>
      %dma_start3A_420 = arith.constant 0 : i32
      %dma_start3A_421 = tpu.memref_slice %arg14[%add3A_32, %dma_start3A_420] : memref<10240x128xf32, #tpu.memory_space<vmem_shared>> -> memref<16x128xf32, #tpu.memory_space<vmem_shared>>
      tpu.enqueue_dma source(%arg13 : memref<16x128xf32, #tpu.memory_space<vmem>>) target(%dma_start3A_421 : memref<16x128xf32, #tpu.memory_space<vmem_shared>>) target_semaphore(%run_scoped3A_417 : memref<!tpu.dma_semaphore, #tpu.memory_space<semaphore_mem>>)
      %dma_wait3A_422 = arith.constant 0 : i32
      %dma_wait3A_423 = tpu.memref_slice %arg14[%add3A_32, %dma_wait3A_422] : memref<10240x128xf32, #tpu.memory_space<vmem_shared>> -> memref<16x128xf32, #tpu.memory_space<vmem_shared>>
      %dma_wait3A_424 = arith.constant 0 : i32
      %dma_wait3A_425 = tpu.memref_slice %arg14[%add3A_32, %dma_wait3A_424] : memref<10240x128xf32, #tpu.memory_space<vmem_shared>> -> memref<16x128xf32, #tpu.memory_space<vmem_shared>>
      tpu.wait_dma2 semaphore(%run_scoped3A_417 : memref<!tpu.dma_semaphore, #tpu.memory_space<semaphore_mem>>) src(%arg13 : memref<16x128xf32, #tpu.memory_space<vmem>>) dst(%dma_wait3A_425 : memref<16x128xf32, #tpu.memory_space<vmem_shared>>)
      tpu.yield
    }) : () -> ()
    %mul3A_33 = arith.constant 640 : i32
    %mul3A_34 = arith.muli %arg1, %mul3A_33 : i32
    %add3A_35 = arith.constant 48 : i32
    %add3A_36 = arith.addi %mul3A_34, %add3A_35 : i32
    "tpu.region"() ({
      %run_scoped3A_417 = tpu.sem_alloc : memref<!tpu.dma_semaphore, #tpu.memory_space<semaphore_mem>>
      %dma_start3A_418 = arith.constant 0 : i32
      %dma_start3A_419 = tpu.memref_slice %arg14[%add3A_36, %dma_start3A_418] : memref<10240x128xf32, #tpu.memory_space<vmem_shared>> -> memref<16x128xf32, #tpu.memory_space<vmem_shared>>
      %dma_start3A_420 = arith.constant 0 : i32
      %dma_start3A_421 = tpu.memref_slice %arg14[%add3A_36, %dma_start3A_420] : memref<10240x128xf32, #tpu.memory_space<vmem_shared>> -> memref<16x128xf32, #tpu.memory_space<vmem_shared>>
      tpu.enqueue_dma source(%arg13 : memref<16x128xf32, #tpu.memory_space<vmem>>) target(%dma_start3A_421 : memref<16x128xf32, #tpu.memory_space<vmem_shared>>) target_semaphore(%run_scoped3A_417 : memref<!tpu.dma_semaphore, #tpu.memory_space<semaphore_mem>>)
      %dma_wait3A_422 = arith.constant 0 : i32
      %dma_wait3A_423 = tpu.memref_slice %arg14[%add3A_36, %dma_wait3A_422] : memref<10240x128xf32, #tpu.memory_space<vmem_shared>> -> memref<16x128xf32, #tpu.memory_space<vmem_shared>>
      %dma_wait3A_424 = arith.constant 0 : i32
      %dma_wait3A_425 = tpu.memref_slice %arg14[%add3A_36, %dma_wait3A_424] : memref<10240x128xf32, #tpu.memory_space<vmem_shared>> -> memref<16x128xf32, #tpu.memory_space<vmem_shared>>
      tpu.wait_dma2 semaphore(%run_scoped3A_417 : memref<!tpu.dma_semaphore, #tpu.memory_space<semaphore_mem>>) src(%arg13 : memref<16x128xf32, #tpu.memory_space<vmem>>) dst(%dma_wait3A_425 : memref<16x128xf32, #tpu.memory_space<vmem_shared>>)
      tpu.yield
    }) : () -> ()
    %mul3A_37 = arith.constant 640 : i32
    %mul3A_38 = arith.muli %arg1, %mul3A_37 : i32
    %add3A_39 = arith.constant 64 : i32
    %add3A_40 = arith.addi %mul3A_38, %add3A_39 : i32
    "tpu.region"() ({
      %run_scoped3A_417 = tpu.sem_alloc : memref<!tpu.dma_semaphore, #tpu.memory_space<semaphore_mem>>
      %dma_start3A_418 = arith.constant 0 : i32
      %dma_start3A_419 = tpu.memref_slice %arg14[%add3A_40, %dma_start3A_418] : memref<10240x128xf32, #tpu.memory_space<vmem_shared>> -> memref<16x128xf32, #tpu.memory_space<vmem_shared>>
      %dma_start3A_420 = arith.constant 0 : i32
      %dma_start3A_421 = tpu.memref_slice %arg14[%add3A_40, %dma_start3A_420] : memref<10240x128xf32, #tpu.memory_space<vmem_shared>> -> memref<16x128xf32, #tpu.memory_space<vmem_shared>>
      tpu.enqueue_dma source(%arg13 : memref<16x128xf32, #tpu.memory_space<vmem>>) target(%dma_start3A_421 : memref<16x128xf32, #tpu.memory_space<vmem_shared>>) target_semaphore(%run_scoped3A_417 : memref<!tpu.dma_semaphore, #tpu.memory_space<semaphore_mem>>)
      %dma_wait3A_422 = arith.constant 0 : i32
      %dma_wait3A_423 = tpu.memref_slice %arg14[%add3A_40, %dma_wait3A_422] : memref<10240x128xf32, #tpu.memory_space<vmem_shared>> -> memref<16x128xf32, #tpu.memory_space<vmem_shared>>
      %dma_wait3A_424 = arith.constant 0 : i32
      %dma_wait3A_425 = tpu.memref_slice %arg14[%add3A_40, %dma_wait3A_424] : memref<10240x128xf32, #tpu.memory_space<vmem_shared>> -> memref<16x128xf32, #tpu.memory_space<vmem_shared>>
      tpu.wait_dma2 semaphore(%run_scoped3A_417 : memref<!tpu.dma_semaphore, #tpu.memory_space<semaphore_mem>>) src(%arg13 : memref<16x128xf32, #tpu.memory_space<vmem>>) dst(%dma_wait3A_425 : memref<16x128xf32, #tpu.memory_space<vmem_shared>>)
      tpu.yield
    }) : () -> ()
    %mul3A_41 = arith.constant 640 : i32
    %mul3A_42 = arith.muli %arg1, %mul3A_41 : i32
    %add3A_43 = arith.constant 80 : i32
    %add3A_44 = arith.addi %mul3A_42, %add3A_43 : i32
    "tpu.region"() ({
      %run_scoped3A_417 = tpu.sem_alloc : memref<!tpu.dma_semaphore, #tpu.memory_space<semaphore_mem>>
      %dma_start3A_418 = arith.constant 0 : i32
      %dma_start3A_419 = tpu.memref_slice %arg14[%add3A_44, %dma_start3A_418] : memref<10240x128xf32, #tpu.memory_space<vmem_shared>> -> memref<16x128xf32, #tpu.memory_space<vmem_shared>>
      %dma_start3A_420 = arith.constant 0 : i32
      %dma_start3A_421 = tpu.memref_slice %arg14[%add3A_44, %dma_start3A_420] : memref<10240x128xf32, #tpu.memory_space<vmem_shared>> -> memref<16x128xf32, #tpu.memory_space<vmem_shared>>
      tpu.enqueue_dma source(%arg13 : memref<16x128xf32, #tpu.memory_space<vmem>>) target(%dma_start3A_421 : memref<16x128xf32, #tpu.memory_space<vmem_shared>>) target_semaphore(%run_scoped3A_417 : memref<!tpu.dma_semaphore, #tpu.memory_space<semaphore_mem>>)
      %dma_wait3A_422 = arith.constant 0 : i32
      %dma_wait3A_423 = tpu.memref_slice %arg14[%add3A_44, %dma_wait3A_422] : memref<10240x128xf32, #tpu.memory_space<vmem_shared>> -> memref<16x128xf32, #tpu.memory_space<vmem_shared>>
      %dma_wait3A_424 = arith.constant 0 : i32
      %dma_wait3A_425 = tpu.memref_slice %arg14[%add3A_44, %dma_wait3A_424] : memref<10240x128xf32, #tpu.memory_space<vmem_shared>> -> memref<16x128xf32, #tpu.memory_space<vmem_shared>>
      tpu.wait_dma2 semaphore(%run_scoped3A_417 : memref<!tpu.dma_semaphore, #tpu.memory_space<semaphore_mem>>) src(%arg13 : memref<16x128xf32, #tpu.memory_space<vmem>>) dst(%dma_wait3A_425 : memref<16x128xf32, #tpu.memory_space<vmem_shared>>)
      tpu.yield
    }) : () -> ()
    %mul3A_45 = arith.constant 640 : i32
    %mul3A_46 = arith.muli %arg1, %mul3A_45 : i32
    %add3A_47 = arith.constant 96 : i32
    %add3A_48 = arith.addi %mul3A_46, %add3A_47 : i32
    "tpu.region"() ({
      %run_scoped3A_417 = tpu.sem_alloc : memref<!tpu.dma_semaphore, #tpu.memory_space<semaphore_mem>>
      %dma_start3A_418 = arith.constant 0 : i32
      %dma_start3A_419 = tpu.memref_slice %arg14[%add3A_48, %dma_start3A_418] : memref<10240x128xf32, #tpu.memory_space<vmem_shared>> -> memref<16x128xf32, #tpu.memory_space<vmem_shared>>
      %dma_start3A_420 = arith.constant 0 : i32
      %dma_start3A_421 = tpu.memref_slice %arg14[%add3A_48, %dma_start3A_420] : memref<10240x128xf32, #tpu.memory_space<vmem_shared>> -> memref<16x128xf32, #tpu.memory_space<vmem_shared>>
      tpu.enqueue_dma source(%arg13 : memref<16x128xf32, #tpu.memory_space<vmem>>) target(%dma_start3A_421 : memref<16x128xf32, #tpu.memory_space<vmem_shared>>) target_semaphore(%run_scoped3A_417 : memref<!tpu.dma_semaphore, #tpu.memory_space<semaphore_mem>>)
      %dma_wait3A_422 = arith.constant 0 : i32
      %dma_wait3A_423 = tpu.memref_slice %arg14[%add3A_48, %dma_wait3A_422] : memref<10240x128xf32, #tpu.memory_space<vmem_shared>> -> memref<16x128xf32, #tpu.memory_space<vmem_shared>>
      %dma_wait3A_424 = arith.constant 0 : i32
      %dma_wait3A_425 = tpu.memref_slice %arg14[%add3A_48, %dma_wait3A_424] : memref<10240x128xf32, #tpu.memory_space<vmem_shared>> -> memref<16x128xf32, #tpu.memory_space<vmem_shared>>
      tpu.wait_dma2 semaphore(%run_scoped3A_417 : memref<!tpu.dma_semaphore, #tpu.memory_space<semaphore_mem>>) src(%arg13 : memref<16x128xf32, #tpu.memory_space<vmem>>) dst(%dma_wait3A_425 : memref<16x128xf32, #tpu.memory_space<vmem_shared>>)
      tpu.yield
    }) : () -> ()
    %mul3A_49 = arith.constant 640 : i32
    %mul3A_50 = arith.muli %arg1, %mul3A_49 : i32
    %add3A_51 = arith.constant 112 : i32
    %add3A_52 = arith.addi %mul3A_50, %add3A_51 : i32
    "tpu.region"() ({
      %run_scoped3A_417 = tpu.sem_alloc : memref<!tpu.dma_semaphore, #tpu.memory_space<semaphore_mem>>
      %dma_start3A_418 = arith.constant 0 : i32
      %dma_start3A_419 = tpu.memref_slice %arg14[%add3A_52, %dma_start3A_418] : memref<10240x128xf32, #tpu.memory_space<vmem_shared>> -> memref<16x128xf32, #tpu.memory_space<vmem_shared>>
      %dma_start3A_420 = arith.constant 0 : i32
      %dma_start3A_421 = tpu.memref_slice %arg14[%add3A_52, %dma_start3A_420] : memref<10240x128xf32, #tpu.memory_space<vmem_shared>> -> memref<16x128xf32, #tpu.memory_space<vmem_shared>>
      tpu.enqueue_dma source(%arg13 : memref<16x128xf32, #tpu.memory_space<vmem>>) target(%dma_start3A_421 : memref<16x128xf32, #tpu.memory_space<vmem_shared>>) target_semaphore(%run_scoped3A_417 : memref<!tpu.dma_semaphore, #tpu.memory_space<semaphore_mem>>)
      %dma_wait3A_422 = arith.constant 0 : i32
      %dma_wait3A_423 = tpu.memref_slice %arg14[%add3A_52, %dma_wait3A_422] : memref<10240x128xf32, #tpu.memory_space<vmem_shared>> -> memref<16x128xf32, #tpu.memory_space<vmem_shared>>
      %dma_wait3A_424 = arith.constant 0 : i32
      %dma_wait3A_425 = tpu.memref_slice %arg14[%add3A_52, %dma_wait3A_424] : memref<10240x128xf32, #tpu.memory_space<vmem_shared>> -> memref<16x128xf32, #tpu.memory_space<vmem_shared>>
      tpu.wait_dma2 semaphore(%run_scoped3A_417 : memref<!tpu.dma_semaphore, #tpu.memory_space<semaphore_mem>>) src(%arg13 : memref<16x128xf32, #tpu.memory_space<vmem>>) dst(%dma_wait3A_425 : memref<16x128xf32, #tpu.memory_space<vmem_shared>>)
      tpu.yield
    }) : () -> ()
    %mul3A_53 = arith.constant 640 : i32
    %mul3A_54 = arith.muli %arg1, %mul3A_53 : i32
    %add3A_55 = arith.constant 128 : i32
    %add3A_56 = arith.addi %mul3A_54, %add3A_55 : i32
    "tpu.region"() ({
      %run_scoped3A_417 = tpu.sem_alloc : memref<!tpu.dma_semaphore, #tpu.memory_space<semaphore_mem>>
      %dma_start3A_418 = arith.constant 0 : i32
      %dma_start3A_419 = tpu.memref_slice %arg14[%add3A_56, %dma_start3A_418] : memref<10240x128xf32, #tpu.memory_space<vmem_shared>> -> memref<16x128xf32, #tpu.memory_space<vmem_shared>>
      %dma_start3A_420 = arith.constant 0 : i32
      %dma_start3A_421 = tpu.memref_slice %arg14[%add3A_56, %dma_start3A_420] : memref<10240x128xf32, #tpu.memory_space<vmem_shared>> -> memref<16x128xf32, #tpu.memory_space<vmem_shared>>
      tpu.enqueue_dma source(%arg13 : memref<16x128xf32, #tpu.memory_space<vmem>>) target(%dma_start3A_421 : memref<16x128xf32, #tpu.memory_space<vmem_shared>>) target_semaphore(%run_scoped3A_417 : memref<!tpu.dma_semaphore, #tpu.memory_space<semaphore_mem>>)
      %dma_wait3A_422 = arith.constant 0 : i32
      %dma_wait3A_423 = tpu.memref_slice %arg14[%add3A_56, %dma_wait3A_422] : memref<10240x128xf32, #tpu.memory_space<vmem_shared>> -> memref<16x128xf32, #tpu.memory_space<vmem_shared>>
      %dma_wait3A_424 = arith.constant 0 : i32
      %dma_wait3A_425 = tpu.memref_slice %arg14[%add3A_56, %dma_wait3A_424] : memref<10240x128xf32, #tpu.memory_space<vmem_shared>> -> memref<16x128xf32, #tpu.memory_space<vmem_shared>>
      tpu.wait_dma2 semaphore(%run_scoped3A_417 : memref<!tpu.dma_semaphore, #tpu.memory_space<semaphore_mem>>) src(%arg13 : memref<16x128xf32, #tpu.memory_space<vmem>>) dst(%dma_wait3A_425 : memref<16x128xf32, #tpu.memory_space<vmem_shared>>)
      tpu.yield
    }) : () -> ()
    %mul3A_57 = arith.constant 640 : i32
    %mul3A_58 = arith.muli %arg1, %mul3A_57 : i32
    %add3A_59 = arith.constant 144 : i32
    %add3A_60 = arith.addi %mul3A_58, %add3A_59 : i32
    "tpu.region"() ({
      %run_scoped3A_417 = tpu.sem_alloc : memref<!tpu.dma_semaphore, #tpu.memory_space<semaphore_mem>>
      %dma_start3A_418 = arith.constant 0 : i32
      %dma_start3A_419 = tpu.memref_slice %arg14[%add3A_60, %dma_start3A_418] : memref<10240x128xf32, #tpu.memory_space<vmem_shared>> -> memref<16x128xf32, #tpu.memory_space<vmem_shared>>
      %dma_start3A_420 = arith.constant 0 : i32
      %dma_start3A_421 = tpu.memref_slice %arg14[%add3A_60, %dma_start3A_420] : memref<10240x128xf32, #tpu.memory_space<vmem_shared>> -> memref<16x128xf32, #tpu.memory_space<vmem_shared>>
      tpu.enqueue_dma source(%arg13 : memref<16x128xf32, #tpu.memory_space<vmem>>) target(%dma_start3A_421 : memref<16x128xf32, #tpu.memory_space<vmem_shared>>) target_semaphore(%run_scoped3A_417 : memref<!tpu.dma_semaphore, #tpu.memory_space<semaphore_mem>>)
      %dma_wait3A_422 = arith.constant 0 : i32
      %dma_wait3A_423 = tpu.memref_slice %arg14[%add3A_60, %dma_wait3A_422] : memref<10240x128xf32, #tpu.memory_space<vmem_shared>> -> memref<16x128xf32, #tpu.memory_space<vmem_shared>>
      %dma_wait3A_424 = arith.constant 0 : i32
      %dma_wait3A_425 = tpu.memref_slice %arg14[%add3A_60, %dma_wait3A_424] : memref<10240x128xf32, #tpu.memory_space<vmem_shared>> -> memref<16x128xf32, #tpu.memory_space<vmem_shared>>
      tpu.wait_dma2 semaphore(%run_scoped3A_417 : memref<!tpu.dma_semaphore, #tpu.memory_space<semaphore_mem>>) src(%arg13 : memref<16x128xf32, #tpu.memory_space<vmem>>) dst(%dma_wait3A_425 : memref<16x128xf32, #tpu.memory_space<vmem_shared>>)
      tpu.yield
    }) : () -> ()
    %mul3A_61 = arith.constant 640 : i32
    %mul3A_62 = arith.muli %arg1, %mul3A_61 : i32
    %add3A_63 = arith.constant 160 : i32
    %add3A_64 = arith.addi %mul3A_62, %add3A_63 : i32
    "tpu.region"() ({
      %run_scoped3A_417 = tpu.sem_alloc : memref<!tpu.dma_semaphore, #tpu.memory_space<semaphore_mem>>
      %dma_start3A_418 = arith.constant 0 : i32
      %dma_start3A_419 = tpu.memref_slice %arg14[%add3A_64, %dma_start3A_418] : memref<10240x128xf32, #tpu.memory_space<vmem_shared>> -> memref<16x128xf32, #tpu.memory_space<vmem_shared>>
      %dma_start3A_420 = arith.constant 0 : i32
      %dma_start3A_421 = tpu.memref_slice %arg14[%add3A_64, %dma_start3A_420] : memref<10240x128xf32, #tpu.memory_space<vmem_shared>> -> memref<16x128xf32, #tpu.memory_space<vmem_shared>>
      tpu.enqueue_dma source(%arg13 : memref<16x128xf32, #tpu.memory_space<vmem>>) target(%dma_start3A_421 : memref<16x128xf32, #tpu.memory_space<vmem_shared>>) target_semaphore(%run_scoped3A_417 : memref<!tpu.dma_semaphore, #tpu.memory_space<semaphore_mem>>)
      %dma_wait3A_422 = arith.constant 0 : i32
      %dma_wait3A_423 = tpu.memref_slice %arg14[%add3A_64, %dma_wait3A_422] : memref<10240x128xf32, #tpu.memory_space<vmem_shared>> -> memref<16x128xf32, #tpu.memory_space<vmem_shared>>
      %dma_wait3A_424 = arith.constant 0 : i32
      %dma_wait3A_425 = tpu.memref_slice %arg14[%add3A_64, %dma_wait3A_424] : memref<10240x128xf32, #tpu.memory_space<vmem_shared>> -> memref<16x128xf32, #tpu.memory_space<vmem_shared>>
      tpu.wait_dma2 semaphore(%run_scoped3A_417 : memref<!tpu.dma_semaphore, #tpu.memory_space<semaphore_mem>>) src(%arg13 : memref<16x128xf32, #tpu.memory_space<vmem>>) dst(%dma_wait3A_425 : memref<16x128xf32, #tpu.memory_space<vmem_shared>>)
      tpu.yield
    }) : () -> ()
    %mul3A_65 = arith.constant 640 : i32
    %mul3A_66 = arith.muli %arg1, %mul3A_65 : i32
    %add3A_67 = arith.constant 176 : i32
    %add3A_68 = arith.addi %mul3A_66, %add3A_67 : i32
    "tpu.region"() ({
      %run_scoped3A_417 = tpu.sem_alloc : memref<!tpu.dma_semaphore, #tpu.memory_space<semaphore_mem>>
      %dma_start3A_418 = arith.constant 0 : i32
      %dma_start3A_419 = tpu.memref_slice %arg14[%add3A_68, %dma_start3A_418] : memref<10240x128xf32, #tpu.memory_space<vmem_shared>> -> memref<16x128xf32, #tpu.memory_space<vmem_shared>>
      %dma_start3A_420 = arith.constant 0 : i32
      %dma_start3A_421 = tpu.memref_slice %arg14[%add3A_68, %dma_start3A_420] : memref<10240x128xf32, #tpu.memory_space<vmem_shared>> -> memref<16x128xf32, #tpu.memory_space<vmem_shared>>
      tpu.enqueue_dma source(%arg13 : memref<16x128xf32, #tpu.memory_space<vmem>>) target(%dma_start3A_421 : memref<16x128xf32, #tpu.memory_space<vmem_shared>>) target_semaphore(%run_scoped3A_417 : memref<!tpu.dma_semaphore, #tpu.memory_space<semaphore_mem>>)
      %dma_wait3A_422 = arith.constant 0 : i32
      %dma_wait3A_423 = tpu.memref_slice %arg14[%add3A_68, %dma_wait3A_422] : memref<10240x128xf32, #tpu.memory_space<vmem_shared>> -> memref<16x128xf32, #tpu.memory_space<vmem_shared>>
      %dma_wait3A_424 = arith.constant 0 : i32
      %dma_wait3A_425 = tpu.memref_slice %arg14[%add3A_68, %dma_wait3A_424] : memref<10240x128xf32, #tpu.memory_space<vmem_shared>> -> memref<16x128xf32, #tpu.memory_space<vmem_shared>>
      tpu.wait_dma2 semaphore(%run_scoped3A_417 : memref<!tpu.dma_semaphore, #tpu.memory_space<semaphore_mem>>) src(%arg13 : memref<16x128xf32, #tpu.memory_space<vmem>>) dst(%dma_wait3A_425 : memref<16x128xf32, #tpu.memory_space<vmem_shared>>)
      tpu.yield
    }) : () -> ()
    %mul3A_69 = arith.constant 640 : i32
    %mul3A_70 = arith.muli %arg1, %mul3A_69 : i32
    %add3A_71 = arith.constant 192 : i32
    %add3A_72 = arith.addi %mul3A_70, %add3A_71 : i32
    "tpu.region"() ({
      %run_scoped3A_417 = tpu.sem_alloc : memref<!tpu.dma_semaphore, #tpu.memory_space<semaphore_mem>>
      %dma_start3A_418 = arith.constant 0 : i32
      %dma_start3A_419 = tpu.memref_slice %arg14[%add3A_72, %dma_start3A_418] : memref<10240x128xf32, #tpu.memory_space<vmem_shared>> -> memref<16x128xf32, #tpu.memory_space<vmem_shared>>
      %dma_start3A_420 = arith.constant 0 : i32
      %dma_start3A_421 = tpu.memref_slice %arg14[%add3A_72, %dma_start3A_420] : memref<10240x128xf32, #tpu.memory_space<vmem_shared>> -> memref<16x128xf32, #tpu.memory_space<vmem_shared>>
      tpu.enqueue_dma source(%arg13 : memref<16x128xf32, #tpu.memory_space<vmem>>) target(%dma_start3A_421 : memref<16x128xf32, #tpu.memory_space<vmem_shared>>) target_semaphore(%run_scoped3A_417 : memref<!tpu.dma_semaphore, #tpu.memory_space<semaphore_mem>>)
      %dma_wait3A_422 = arith.constant 0 : i32
      %dma_wait3A_423 = tpu.memref_slice %arg14[%add3A_72, %dma_wait3A_422] : memref<10240x128xf32, #tpu.memory_space<vmem_shared>> -> memref<16x128xf32, #tpu.memory_space<vmem_shared>>
      %dma_wait3A_424 = arith.constant 0 : i32
      %dma_wait3A_425 = tpu.memref_slice %arg14[%add3A_72, %dma_wait3A_424] : memref<10240x128xf32, #tpu.memory_space<vmem_shared>> -> memref<16x128xf32, #tpu.memory_space<vmem_shared>>
      tpu.wait_dma2 semaphore(%run_scoped3A_417 : memref<!tpu.dma_semaphore, #tpu.memory_space<semaphore_mem>>) src(%arg13 : memref<16x128xf32, #tpu.memory_space<vmem>>) dst(%dma_wait3A_425 : memref<16x128xf32, #tpu.memory_space<vmem_shared>>)
      tpu.yield
    }) : () -> ()
    %mul3A_73 = arith.constant 640 : i32
    %mul3A_74 = arith.muli %arg1, %mul3A_73 : i32
    %add3A_75 = arith.constant 208 : i32
    %add3A_76 = arith.addi %mul3A_74, %add3A_75 : i32
    "tpu.region"() ({
      %run_scoped3A_417 = tpu.sem_alloc : memref<!tpu.dma_semaphore, #tpu.memory_space<semaphore_mem>>
      %dma_start3A_418 = arith.constant 0 : i32
      %dma_start3A_419 = tpu.memref_slice %arg14[%add3A_76, %dma_start3A_418] : memref<10240x128xf32, #tpu.memory_space<vmem_shared>> -> memref<16x128xf32, #tpu.memory_space<vmem_shared>>
      %dma_start3A_420 = arith.constant 0 : i32
      %dma_start3A_421 = tpu.memref_slice %arg14[%add3A_76, %dma_start3A_420] : memref<10240x128xf32, #tpu.memory_space<vmem_shared>> -> memref<16x128xf32, #tpu.memory_space<vmem_shared>>
      tpu.enqueue_dma source(%arg13 : memref<16x128xf32, #tpu.memory_space<vmem>>) target(%dma_start3A_421 : memref<16x128xf32, #tpu.memory_space<vmem_shared>>) target_semaphore(%run_scoped3A_417 : memref<!tpu.dma_semaphore, #tpu.memory_space<semaphore_mem>>)
      %dma_wait3A_422 = arith.constant 0 : i32
      %dma_wait3A_423 = tpu.memref_slice %arg14[%add3A_76, %dma_wait3A_422] : memref<10240x128xf32, #tpu.memory_space<vmem_shared>> -> memref<16x128xf32, #tpu.memory_space<vmem_shared>>
      %dma_wait3A_424 = arith.constant 0 : i32
      %dma_wait3A_425 = tpu.memref_slice %arg14[%add3A_76, %dma_wait3A_424] : memref<10240x128xf32, #tpu.memory_space<vmem_shared>> -> memref<16x128xf32, #tpu.memory_space<vmem_shared>>
      tpu.wait_dma2 semaphore(%run_scoped3A_417 : memref<!tpu.dma_semaphore, #tpu.memory_space<semaphore_mem>>) src(%arg13 : memref<16x128xf32, #tpu.memory_space<vmem>>) dst(%dma_wait3A_425 : memref<16x128xf32, #tpu.memory_space<vmem_shared>>)
      tpu.yield
    }) : () -> ()
    %mul3A_77 = arith.constant 640 : i32
    %mul3A_78 = arith.muli %arg1, %mul3A_77 : i32
    %add3A_79 = arith.constant 224 : i32
    %add3A_80 = arith.addi %mul3A_78, %add3A_79 : i32
    "tpu.region"() ({
      %run_scoped3A_417 = tpu.sem_alloc : memref<!tpu.dma_semaphore, #tpu.memory_space<semaphore_mem>>
      %dma_start3A_418 = arith.constant 0 : i32
      %dma_start3A_419 = tpu.memref_slice %arg14[%add3A_80, %dma_start3A_418] : memref<10240x128xf32, #tpu.memory_space<vmem_shared>> -> memref<16x128xf32, #tpu.memory_space<vmem_shared>>
      %dma_start3A_420 = arith.constant 0 : i32
      %dma_start3A_421 = tpu.memref_slice %arg14[%add3A_80, %dma_start3A_420] : memref<10240x128xf32, #tpu.memory_space<vmem_shared>> -> memref<16x128xf32, #tpu.memory_space<vmem_shared>>
      tpu.enqueue_dma source(%arg13 : memref<16x128xf32, #tpu.memory_space<vmem>>) target(%dma_start3A_421 : memref<16x128xf32, #tpu.memory_space<vmem_shared>>) target_semaphore(%run_scoped3A_417 : memref<!tpu.dma_semaphore, #tpu.memory_space<semaphore_mem>>)
      %dma_wait3A_422 = arith.constant 0 : i32
      %dma_wait3A_423 = tpu.memref_slice %arg14[%add3A_80, %dma_wait3A_422] : memref<10240x128xf32, #tpu.memory_space<vmem_shared>> -> memref<16x128xf32, #tpu.memory_space<vmem_shared>>
      %dma_wait3A_424 = arith.constant 0 : i32
      %dma_wait3A_425 = tpu.memref_slice %arg14[%add3A_80, %dma_wait3A_424] : memref<10240x128xf32, #tpu.memory_space<vmem_shared>> -> memref<16x128xf32, #tpu.memory_space<vmem_shared>>
      tpu.wait_dma2 semaphore(%run_scoped3A_417 : memref<!tpu.dma_semaphore, #tpu.memory_space<semaphore_mem>>) src(%arg13 : memref<16x128xf32, #tpu.memory_space<vmem>>) dst(%dma_wait3A_425 : memref<16x128xf32, #tpu.memory_space<vmem_shared>>)
      tpu.yield
    }) : () -> ()
    %mul3A_81 = arith.constant 640 : i32
    %mul3A_82 = arith.muli %arg1, %mul3A_81 : i32
    %add3A_83 = arith.constant 240 : i32
    %add3A_84 = arith.addi %mul3A_82, %add3A_83 : i32
    "tpu.region"() ({
      %run_scoped3A_417 = tpu.sem_alloc : memref<!tpu.dma_semaphore, #tpu.memory_space<semaphore_mem>>
      %dma_start3A_418 = arith.constant 0 : i32
      %dma_start3A_419 = tpu.memref_slice %arg14[%add3A_84, %dma_start3A_418] : memref<10240x128xf32, #tpu.memory_space<vmem_shared>> -> memref<16x128xf32, #tpu.memory_space<vmem_shared>>
      %dma_start3A_420 = arith.constant 0 : i32
      %dma_start3A_421 = tpu.memref_slice %arg14[%add3A_84, %dma_start3A_420] : memref<10240x128xf32, #tpu.memory_space<vmem_shared>> -> memref<16x128xf32, #tpu.memory_space<vmem_shared>>
      tpu.enqueue_dma source(%arg13 : memref<16x128xf32, #tpu.memory_space<vmem>>) target(%dma_start3A_421 : memref<16x128xf32, #tpu.memory_space<vmem_shared>>) target_semaphore(%run_scoped3A_417 : memref<!tpu.dma_semaphore, #tpu.memory_space<semaphore_mem>>)
      %dma_wait3A_422 = arith.constant 0 : i32
      %dma_wait3A_423 = tpu.memref_slice %arg14[%add3A_84, %dma_wait3A_422] : memref<10240x128xf32, #tpu.memory_space<vmem_shared>> -> memref<16x128xf32, #tpu.memory_space<vmem_shared>>
      %dma_wait3A_424 = arith.constant 0 : i32
      %dma_wait3A_425 = tpu.memref_slice %arg14[%add3A_84, %dma_wait3A_424] : memref<10240x128xf32, #tpu.memory_space<vmem_shared>> -> memref<16x128xf32, #tpu.memory_space<vmem_shared>>
      tpu.wait_dma2 semaphore(%run_scoped3A_417 : memref<!tpu.dma_semaphore, #tpu.memory_space<semaphore_mem>>) src(%arg13 : memref<16x128xf32, #tpu.memory_space<vmem>>) dst(%dma_wait3A_425 : memref<16x128xf32, #tpu.memory_space<vmem_shared>>)
      tpu.yield
    }) : () -> ()
    %mul3A_85 = arith.constant 640 : i32
    %mul3A_86 = arith.muli %arg1, %mul3A_85 : i32
    %add3A_87 = arith.constant 256 : i32
    %add3A_88 = arith.addi %mul3A_86, %add3A_87 : i32
    "tpu.region"() ({
      %run_scoped3A_417 = tpu.sem_alloc : memref<!tpu.dma_semaphore, #tpu.memory_space<semaphore_mem>>
      %dma_start3A_418 = arith.constant 0 : i32
      %dma_start3A_419 = tpu.memref_slice %arg14[%add3A_88, %dma_start3A_418] : memref<10240x128xf32, #tpu.memory_space<vmem_shared>> -> memref<16x128xf32, #tpu.memory_space<vmem_shared>>
      %dma_start3A_420 = arith.constant 0 : i32
      %dma_start3A_421 = tpu.memref_slice %arg14[%add3A_88, %dma_start3A_420] : memref<10240x128xf32, #tpu.memory_space<vmem_shared>> -> memref<16x128xf32, #tpu.memory_space<vmem_shared>>
      tpu.enqueue_dma source(%arg13 : memref<16x128xf32, #tpu.memory_space<vmem>>) target(%dma_start3A_421 : memref<16x128xf32, #tpu.memory_space<vmem_shared>>) target_semaphore(%run_scoped3A_417 : memref<!tpu.dma_semaphore, #tpu.memory_space<semaphore_mem>>)
      %dma_wait3A_422 = arith.constant 0 : i32
      %dma_wait3A_423 = tpu.memref_slice %arg14[%add3A_88, %dma_wait3A_422] : memref<10240x128xf32, #tpu.memory_space<vmem_shared>> -> memref<16x128xf32, #tpu.memory_space<vmem_shared>>
      %dma_wait3A_424 = arith.constant 0 : i32
      %dma_wait3A_425 = tpu.memref_slice %arg14[%add3A_88, %dma_wait3A_424] : memref<10240x128xf32, #tpu.memory_space<vmem_shared>> -> memref<16x128xf32, #tpu.memory_space<vmem_shared>>
      tpu.wait_dma2 semaphore(%run_scoped3A_417 : memref<!tpu.dma_semaphore, #tpu.memory_space<semaphore_mem>>) src(%arg13 : memref<16x128xf32, #tpu.memory_space<vmem>>) dst(%dma_wait3A_425 : memref<16x128xf32, #tpu.memory_space<vmem_shared>>)
      tpu.yield
    }) : () -> ()
    %mul3A_89 = arith.constant 640 : i32
    %mul3A_90 = arith.muli %arg1, %mul3A_89 : i32
    %add3A_91 = arith.constant 272 : i32
    %add3A_92 = arith.addi %mul3A_90, %add3A_91 : i32
    "tpu.region"() ({
      %run_scoped3A_417 = tpu.sem_alloc : memref<!tpu.dma_semaphore, #tpu.memory_space<semaphore_mem>>
      %dma_start3A_418 = arith.constant 0 : i32
      %dma_start3A_419 = tpu.memref_slice %arg14[%add3A_92, %dma_start3A_418] : memref<10240x128xf32, #tpu.memory_space<vmem_shared>> -> memref<16x128xf32, #tpu.memory_space<vmem_shared>>
      %dma_start3A_420 = arith.constant 0 : i32
      %dma_start3A_421 = tpu.memref_slice %arg14[%add3A_92, %dma_start3A_420] : memref<10240x128xf32, #tpu.memory_space<vmem_shared>> -> memref<16x128xf32, #tpu.memory_space<vmem_shared>>
      tpu.enqueue_dma source(%arg13 : memref<16x128xf32, #tpu.memory_space<vmem>>) target(%dma_start3A_421 : memref<16x128xf32, #tpu.memory_space<vmem_shared>>) target_semaphore(%run_scoped3A_417 : memref<!tpu.dma_semaphore, #tpu.memory_space<semaphore_mem>>)
      %dma_wait3A_422 = arith.constant 0 : i32
      %dma_wait3A_423 = tpu.memref_slice %arg14[%add3A_92, %dma_wait3A_422] : memref<10240x128xf32, #tpu.memory_space<vmem_shared>> -> memref<16x128xf32, #tpu.memory_space<vmem_shared>>
      %dma_wait3A_424 = arith.constant 0 : i32
      %dma_wait3A_425 = tpu.memref_slice %arg14[%add3A_92, %dma_wait3A_424] : memref<10240x128xf32, #tpu.memory_space<vmem_shared>> -> memref<16x128xf32, #tpu.memory_space<vmem_shared>>
      tpu.wait_dma2 semaphore(%run_scoped3A_417 : memref<!tpu.dma_semaphore, #tpu.memory_space<semaphore_mem>>) src(%arg13 : memref<16x128xf32, #tpu.memory_space<vmem>>) dst(%dma_wait3A_425 : memref<16x128xf32, #tpu.memory_space<vmem_shared>>)
      tpu.yield
    }) : () -> ()
    %mul3A_93 = arith.constant 640 : i32
    %mul3A_94 = arith.muli %arg1, %mul3A_93 : i32
    %add3A_95 = arith.constant 288 : i32
    %add3A_96 = arith.addi %mul3A_94, %add3A_95 : i32
    "tpu.region"() ({
      %run_scoped3A_417 = tpu.sem_alloc : memref<!tpu.dma_semaphore, #tpu.memory_space<semaphore_mem>>
      %dma_start3A_418 = arith.constant 0 : i32
      %dma_start3A_419 = tpu.memref_slice %arg14[%add3A_96, %dma_start3A_418] : memref<10240x128xf32, #tpu.memory_space<vmem_shared>> -> memref<16x128xf32, #tpu.memory_space<vmem_shared>>
      %dma_start3A_420 = arith.constant 0 : i32
      %dma_start3A_421 = tpu.memref_slice %arg14[%add3A_96, %dma_start3A_420] : memref<10240x128xf32, #tpu.memory_space<vmem_shared>> -> memref<16x128xf32, #tpu.memory_space<vmem_shared>>
      tpu.enqueue_dma source(%arg13 : memref<16x128xf32, #tpu.memory_space<vmem>>) target(%dma_start3A_421 : memref<16x128xf32, #tpu.memory_space<vmem_shared>>) target_semaphore(%run_scoped3A_417 : memref<!tpu.dma_semaphore, #tpu.memory_space<semaphore_mem>>)
      %dma_wait3A_422 = arith.constant 0 : i32
      %dma_wait3A_423 = tpu.memref_slice %arg14[%add3A_96, %dma_wait3A_422] : memref<10240x128xf32, #tpu.memory_space<vmem_shared>> -> memref<16x128xf32, #tpu.memory_space<vmem_shared>>
      %dma_wait3A_424 = arith.constant 0 : i32
      %dma_wait3A_425 = tpu.memref_slice %arg14[%add3A_96, %dma_wait3A_424] : memref<10240x128xf32, #tpu.memory_space<vmem_shared>> -> memref<16x128xf32, #tpu.memory_space<vmem_shared>>
      tpu.wait_dma2 semaphore(%run_scoped3A_417 : memref<!tpu.dma_semaphore, #tpu.memory_space<semaphore_mem>>) src(%arg13 : memref<16x128xf32, #tpu.memory_space<vmem>>) dst(%dma_wait3A_425 : memref<16x128xf32, #tpu.memory_space<vmem_shared>>)
      tpu.yield
    }) : () -> ()
    %mul3A_97 = arith.constant 640 : i32
    %mul3A_98 = arith.muli %arg1, %mul3A_97 : i32
    %add3A_99 = arith.constant 304 : i32
    %add3A_100 = arith.addi %mul3A_98, %add3A_99 : i32
    "tpu.region"() ({
      %run_scoped3A_417 = tpu.sem_alloc : memref<!tpu.dma_semaphore, #tpu.memory_space<semaphore_mem>>
      %dma_start3A_418 = arith.constant 0 : i32
      %dma_start3A_419 = tpu.memref_slice %arg14[%add3A_100, %dma_start3A_418] : memref<10240x128xf32, #tpu.memory_space<vmem_shared>> -> memref<16x128xf32, #tpu.memory_space<vmem_shared>>
      %dma_start3A_420 = arith.constant 0 : i32
      %dma_start3A_421 = tpu.memref_slice %arg14[%add3A_100, %dma_start3A_420] : memref<10240x128xf32, #tpu.memory_space<vmem_shared>> -> memref<16x128xf32, #tpu.memory_space<vmem_shared>>
      tpu.enqueue_dma source(%arg13 : memref<16x128xf32, #tpu.memory_space<vmem>>) target(%dma_start3A_421 : memref<16x128xf32, #tpu.memory_space<vmem_shared>>) target_semaphore(%run_scoped3A_417 : memref<!tpu.dma_semaphore, #tpu.memory_space<semaphore_mem>>)
      %dma_wait3A_422 = arith.constant 0 : i32
      %dma_wait3A_423 = tpu.memref_slice %arg14[%add3A_100, %dma_wait3A_422] : memref<10240x128xf32, #tpu.memory_space<vmem_shared>> -> memref<16x128xf32, #tpu.memory_space<vmem_shared>>
      %dma_wait3A_424 = arith.constant 0 : i32
      %dma_wait3A_425 = tpu.memref_slice %arg14[%add3A_100, %dma_wait3A_424] : memref<10240x128xf32, #tpu.memory_space<vmem_shared>> -> memref<16x128xf32, #tpu.memory_space<vmem_shared>>
      tpu.wait_dma2 semaphore(%run_scoped3A_417 : memref<!tpu.dma_semaphore, #tpu.memory_space<semaphore_mem>>) src(%arg13 : memref<16x128xf32, #tpu.memory_space<vmem>>) dst(%dma_wait3A_425 : memref<16x128xf32, #tpu.memory_space<vmem_shared>>)
      tpu.yield
    }) : () -> ()
    %mul3A_101 = arith.constant 640 : i32
    %mul3A_102 = arith.muli %arg1, %mul3A_101 : i32
    %add3A_103 = arith.constant 320 : i32
    %add3A_104 = arith.addi %mul3A_102, %add3A_103 : i32
    "tpu.region"() ({
      %run_scoped3A_417 = tpu.sem_alloc : memref<!tpu.dma_semaphore, #tpu.memory_space<semaphore_mem>>
      %dma_start3A_418 = arith.constant 0 : i32
      %dma_start3A_419 = tpu.memref_slice %arg14[%add3A_104, %dma_start3A_418] : memref<10240x128xf32, #tpu.memory_space<vmem_shared>> -> memref<16x128xf32, #tpu.memory_space<vmem_shared>>
      %dma_start3A_420 = arith.constant 0 : i32
      %dma_start3A_421 = tpu.memref_slice %arg14[%add3A_104, %dma_start3A_420] : memref<10240x128xf32, #tpu.memory_space<vmem_shared>> -> memref<16x128xf32, #tpu.memory_space<vmem_shared>>
      tpu.enqueue_dma source(%arg13 : memref<16x128xf32, #tpu.memory_space<vmem>>) target(%dma_start3A_421 : memref<16x128xf32, #tpu.memory_space<vmem_shared>>) target_semaphore(%run_scoped3A_417 : memref<!tpu.dma_semaphore, #tpu.memory_space<semaphore_mem>>)
      %dma_wait3A_422 = arith.constant 0 : i32
      %dma_wait3A_423 = tpu.memref_slice %arg14[%add3A_104, %dma_wait3A_422] : memref<10240x128xf32, #tpu.memory_space<vmem_shared>> -> memref<16x128xf32, #tpu.memory_space<vmem_shared>>
      %dma_wait3A_424 = arith.constant 0 : i32
      %dma_wait3A_425 = tpu.memref_slice %arg14[%add3A_104, %dma_wait3A_424] : memref<10240x128xf32, #tpu.memory_space<vmem_shared>> -> memref<16x128xf32, #tpu.memory_space<vmem_shared>>
      tpu.wait_dma2 semaphore(%run_scoped3A_417 : memref<!tpu.dma_semaphore, #tpu.memory_space<semaphore_mem>>) src(%arg13 : memref<16x128xf32, #tpu.memory_space<vmem>>) dst(%dma_wait3A_425 : memref<16x128xf32, #tpu.memory_space<vmem_shared>>)
      tpu.yield
    }) : () -> ()
    %mul3A_105 = arith.constant 640 : i32
    %mul3A_106 = arith.muli %arg1, %mul3A_105 : i32
    %add3A_107 = arith.constant 336 : i32
    %add3A_108 = arith.addi %mul3A_106, %add3A_107 : i32
    "tpu.region"() ({
      %run_scoped3A_417 = tpu.sem_alloc : memref<!tpu.dma_semaphore, #tpu.memory_space<semaphore_mem>>
      %dma_start3A_418 = arith.constant 0 : i32
      %dma_start3A_419 = tpu.memref_slice %arg14[%add3A_108, %dma_start3A_418] : memref<10240x128xf32, #tpu.memory_space<vmem_shared>> -> memref<16x128xf32, #tpu.memory_space<vmem_shared>>
      %dma_start3A_420 = arith.constant 0 : i32
      %dma_start3A_421 = tpu.memref_slice %arg14[%add3A_108, %dma_start3A_420] : memref<10240x128xf32, #tpu.memory_space<vmem_shared>> -> memref<16x128xf32, #tpu.memory_space<vmem_shared>>
      tpu.enqueue_dma source(%arg13 : memref<16x128xf32, #tpu.memory_space<vmem>>) target(%dma_start3A_421 : memref<16x128xf32, #tpu.memory_space<vmem_shared>>) target_semaphore(%run_scoped3A_417 : memref<!tpu.dma_semaphore, #tpu.memory_space<semaphore_mem>>)
      %dma_wait3A_422 = arith.constant 0 : i32
      %dma_wait3A_423 = tpu.memref_slice %arg14[%add3A_108, %dma_wait3A_422] : memref<10240x128xf32, #tpu.memory_space<vmem_shared>> -> memref<16x128xf32, #tpu.memory_space<vmem_shared>>
      %dma_wait3A_424 = arith.constant 0 : i32
      %dma_wait3A_425 = tpu.memref_slice %arg14[%add3A_108, %dma_wait3A_424] : memref<10240x128xf32, #tpu.memory_space<vmem_shared>> -> memref<16x128xf32, #tpu.memory_space<vmem_shared>>
      tpu.wait_dma2 semaphore(%run_scoped3A_417 : memref<!tpu.dma_semaphore, #tpu.memory_space<semaphore_mem>>) src(%arg13 : memref<16x128xf32, #tpu.memory_space<vmem>>) dst(%dma_wait3A_425 : memref<16x128xf32, #tpu.memory_space<vmem_shared>>)
      tpu.yield
    }) : () -> ()
    %mul3A_109 = arith.constant 640 : i32
    %mul3A_110 = arith.muli %arg1, %mul3A_109 : i32
    %add3A_111 = arith.constant 352 : i32
    %add3A_112 = arith.addi %mul3A_110, %add3A_111 : i32
    "tpu.region"() ({
      %run_scoped3A_417 = tpu.sem_alloc : memref<!tpu.dma_semaphore, #tpu.memory_space<semaphore_mem>>
      %dma_start3A_418 = arith.constant 0 : i32
      %dma_start3A_419 = tpu.memref_slice %arg14[%add3A_112, %dma_start3A_418] : memref<10240x128xf32, #tpu.memory_space<vmem_shared>> -> memref<16x128xf32, #tpu.memory_space<vmem_shared>>
      %dma_start3A_420 = arith.constant 0 : i32
      %dma_start3A_421 = tpu.memref_slice %arg14[%add3A_112, %dma_start3A_420] : memref<10240x128xf32, #tpu.memory_space<vmem_shared>> -> memref<16x128xf32, #tpu.memory_space<vmem_shared>>
      tpu.enqueue_dma source(%arg13 : memref<16x128xf32, #tpu.memory_space<vmem>>) target(%dma_start3A_421 : memref<16x128xf32, #tpu.memory_space<vmem_shared>>) target_semaphore(%run_scoped3A_417 : memref<!tpu.dma_semaphore, #tpu.memory_space<semaphore_mem>>)
      %dma_wait3A_422 = arith.constant 0 : i32
      %dma_wait3A_423 = tpu.memref_slice %arg14[%add3A_112, %dma_wait3A_422] : memref<10240x128xf32, #tpu.memory_space<vmem_shared>> -> memref<16x128xf32, #tpu.memory_space<vmem_shared>>
      %dma_wait3A_424 = arith.constant 0 : i32
      %dma_wait3A_425 = tpu.memref_slice %arg14[%add3A_112, %dma_wait3A_424] : memref<10240x128xf32, #tpu.memory_space<vmem_shared>> -> memref<16x128xf32, #tpu.memory_space<vmem_shared>>
      tpu.wait_dma2 semaphore(%run_scoped3A_417 : memref<!tpu.dma_semaphore, #tpu.memory_space<semaphore_mem>>) src(%arg13 : memref<16x128xf32, #tpu.memory_space<vmem>>) dst(%dma_wait3A_425 : memref<16x128xf32, #tpu.memory_space<vmem_shared>>)
      tpu.yield
    }) : () -> ()
    %mul3A_113 = arith.constant 640 : i32
    %mul3A_114 = arith.muli %arg1, %mul3A_113 : i32
    %add3A_115 = arith.constant 368 : i32
    %add3A_116 = arith.addi %mul3A_114, %add3A_115 : i32
    "tpu.region"() ({
      %run_scoped3A_417 = tpu.sem_alloc : memref<!tpu.dma_semaphore, #tpu.memory_space<semaphore_mem>>
      %dma_start3A_418 = arith.constant 0 : i32
      %dma_start3A_419 = tpu.memref_slice %arg14[%add3A_116, %dma_start3A_418] : memref<10240x128xf32, #tpu.memory_space<vmem_shared>> -> memref<16x128xf32, #tpu.memory_space<vmem_shared>>
      %dma_start3A_420 = arith.constant 0 : i32
      %dma_start3A_421 = tpu.memref_slice %arg14[%add3A_116, %dma_start3A_420] : memref<10240x128xf32, #tpu.memory_space<vmem_shared>> -> memref<16x128xf32, #tpu.memory_space<vmem_shared>>
      tpu.enqueue_dma source(%arg13 : memref<16x128xf32, #tpu.memory_space<vmem>>) target(%dma_start3A_421 : memref<16x128xf32, #tpu.memory_space<vmem_shared>>) target_semaphore(%run_scoped3A_417 : memref<!tpu.dma_semaphore, #tpu.memory_space<semaphore_mem>>)
      %dma_wait3A_422 = arith.constant 0 : i32
      %dma_wait3A_423 = tpu.memref_slice %arg14[%add3A_116, %dma_wait3A_422] : memref<10240x128xf32, #tpu.memory_space<vmem_shared>> -> memref<16x128xf32, #tpu.memory_space<vmem_shared>>
      %dma_wait3A_424 = arith.constant 0 : i32
      %dma_wait3A_425 = tpu.memref_slice %arg14[%add3A_116, %dma_wait3A_424] : memref<10240x128xf32, #tpu.memory_space<vmem_shared>> -> memref<16x128xf32, #tpu.memory_space<vmem_shared>>
      tpu.wait_dma2 semaphore(%run_scoped3A_417 : memref<!tpu.dma_semaphore, #tpu.memory_space<semaphore_mem>>) src(%arg13 : memref<16x128xf32, #tpu.memory_space<vmem>>) dst(%dma_wait3A_425 : memref<16x128xf32, #tpu.memory_space<vmem_shared>>)
      tpu.yield
    }) : () -> ()
    %mul3A_117 = arith.constant 640 : i32
    %mul3A_118 = arith.muli %arg1, %mul3A_117 : i32
    %add3A_119 = arith.constant 384 : i32
    %add3A_120 = arith.addi %mul3A_118, %add3A_119 : i32
    "tpu.region"() ({
      %run_scoped3A_417 = tpu.sem_alloc : memref<!tpu.dma_semaphore, #tpu.memory_space<semaphore_mem>>
      %dma_start3A_418 = arith.constant 0 : i32
      %dma_start3A_419 = tpu.memref_slice %arg14[%add3A_120, %dma_start3A_418] : memref<10240x128xf32, #tpu.memory_space<vmem_shared>> -> memref<16x128xf32, #tpu.memory_space<vmem_shared>>
      %dma_start3A_420 = arith.constant 0 : i32
      %dma_start3A_421 = tpu.memref_slice %arg14[%add3A_120, %dma_start3A_420] : memref<10240x128xf32, #tpu.memory_space<vmem_shared>> -> memref<16x128xf32, #tpu.memory_space<vmem_shared>>
      tpu.enqueue_dma source(%arg13 : memref<16x128xf32, #tpu.memory_space<vmem>>) target(%dma_start3A_421 : memref<16x128xf32, #tpu.memory_space<vmem_shared>>) target_semaphore(%run_scoped3A_417 : memref<!tpu.dma_semaphore, #tpu.memory_space<semaphore_mem>>)
      %dma_wait3A_422 = arith.constant 0 : i32
      %dma_wait3A_423 = tpu.memref_slice %arg14[%add3A_120, %dma_wait3A_422] : memref<10240x128xf32, #tpu.memory_space<vmem_shared>> -> memref<16x128xf32, #tpu.memory_space<vmem_shared>>
      %dma_wait3A_424 = arith.constant 0 : i32
      %dma_wait3A_425 = tpu.memref_slice %arg14[%add3A_120, %dma_wait3A_424] : memref<10240x128xf32, #tpu.memory_space<vmem_shared>> -> memref<16x128xf32, #tpu.memory_space<vmem_shared>>
      tpu.wait_dma2 semaphore(%run_scoped3A_417 : memref<!tpu.dma_semaphore, #tpu.memory_space<semaphore_mem>>) src(%arg13 : memref<16x128xf32, #tpu.memory_space<vmem>>) dst(%dma_wait3A_425 : memref<16x128xf32, #tpu.memory_space<vmem_shared>>)
      tpu.yield
    }) : () -> ()
    %mul3A_121 = arith.constant 640 : i32
    %mul3A_122 = arith.muli %arg1, %mul3A_121 : i32
    %add3A_123 = arith.constant 400 : i32
    %add3A_124 = arith.addi %mul3A_122, %add3A_123 : i32
    "tpu.region"() ({
      %run_scoped3A_417 = tpu.sem_alloc : memref<!tpu.dma_semaphore, #tpu.memory_space<semaphore_mem>>
      %dma_start3A_418 = arith.constant 0 : i32
      %dma_start3A_419 = tpu.memref_slice %arg14[%add3A_124, %dma_start3A_418] : memref<10240x128xf32, #tpu.memory_space<vmem_shared>> -> memref<16x128xf32, #tpu.memory_space<vmem_shared>>
      %dma_start3A_420 = arith.constant 0 : i32
      %dma_start3A_421 = tpu.memref_slice %arg14[%add3A_124, %dma_start3A_420] : memref<10240x128xf32, #tpu.memory_space<vmem_shared>> -> memref<16x128xf32, #tpu.memory_space<vmem_shared>>
      tpu.enqueue_dma source(%arg13 : memref<16x128xf32, #tpu.memory_space<vmem>>) target(%dma_start3A_421 : memref<16x128xf32, #tpu.memory_space<vmem_shared>>) target_semaphore(%run_scoped3A_417 : memref<!tpu.dma_semaphore, #tpu.memory_space<semaphore_mem>>)
      %dma_wait3A_422 = arith.constant 0 : i32
      %dma_wait3A_423 = tpu.memref_slice %arg14[%add3A_124, %dma_wait3A_422] : memref<10240x128xf32, #tpu.memory_space<vmem_shared>> -> memref<16x128xf32, #tpu.memory_space<vmem_shared>>
      %dma_wait3A_424 = arith.constant 0 : i32
      %dma_wait3A_425 = tpu.memref_slice %arg14[%add3A_124, %dma_wait3A_424] : memref<10240x128xf32, #tpu.memory_space<vmem_shared>> -> memref<16x128xf32, #tpu.memory_space<vmem_shared>>
      tpu.wait_dma2 semaphore(%run_scoped3A_417 : memref<!tpu.dma_semaphore, #tpu.memory_space<semaphore_mem>>) src(%arg13 : memref<16x128xf32, #tpu.memory_space<vmem>>) dst(%dma_wait3A_425 : memref<16x128xf32, #tpu.memory_space<vmem_shared>>)
      tpu.yield
    }) : () -> ()
    %mul3A_125 = arith.constant 640 : i32
    %mul3A_126 = arith.muli %arg1, %mul3A_125 : i32
    %add3A_127 = arith.constant 416 : i32
    %add3A_128 = arith.addi %mul3A_126, %add3A_127 : i32
    "tpu.region"() ({
      %run_scoped3A_417 = tpu.sem_alloc : memref<!tpu.dma_semaphore, #tpu.memory_space<semaphore_mem>>
      %dma_start3A_418 = arith.constant 0 : i32
      %dma_start3A_419 = tpu.memref_slice %arg14[%add3A_128, %dma_start3A_418] : memref<10240x128xf32, #tpu.memory_space<vmem_shared>> -> memref<16x128xf32, #tpu.memory_space<vmem_shared>>
      %dma_start3A_420 = arith.constant 0 : i32
      %dma_start3A_421 = tpu.memref_slice %arg14[%add3A_128, %dma_start3A_420] : memref<10240x128xf32, #tpu.memory_space<vmem_shared>> -> memref<16x128xf32, #tpu.memory_space<vmem_shared>>
      tpu.enqueue_dma source(%arg13 : memref<16x128xf32, #tpu.memory_space<vmem>>) target(%dma_start3A_421 : memref<16x128xf32, #tpu.memory_space<vmem_shared>>) target_semaphore(%run_scoped3A_417 : memref<!tpu.dma_semaphore, #tpu.memory_space<semaphore_mem>>)
      %dma_wait3A_422 = arith.constant 0 : i32
      %dma_wait3A_423 = tpu.memref_slice %arg14[%add3A_128, %dma_wait3A_422] : memref<10240x128xf32, #tpu.memory_space<vmem_shared>> -> memref<16x128xf32, #tpu.memory_space<vmem_shared>>
      %dma_wait3A_424 = arith.constant 0 : i32
      %dma_wait3A_425 = tpu.memref_slice %arg14[%add3A_128, %dma_wait3A_424] : memref<10240x128xf32, #tpu.memory_space<vmem_shared>> -> memref<16x128xf32, #tpu.memory_space<vmem_shared>>
      tpu.wait_dma2 semaphore(%run_scoped3A_417 : memref<!tpu.dma_semaphore, #tpu.memory_space<semaphore_mem>>) src(%arg13 : memref<16x128xf32, #tpu.memory_space<vmem>>) dst(%dma_wait3A_425 : memref<16x128xf32, #tpu.memory_space<vmem_shared>>)
      tpu.yield
    }) : () -> ()
    %mul3A_129 = arith.constant 640 : i32
    %mul3A_130 = arith.muli %arg1, %mul3A_129 : i32
    %add3A_131 = arith.constant 432 : i32
    %add3A_132 = arith.addi %mul3A_130, %add3A_131 : i32
    "tpu.region"() ({
      %run_scoped3A_417 = tpu.sem_alloc : memref<!tpu.dma_semaphore, #tpu.memory_space<semaphore_mem>>
      %dma_start3A_418 = arith.constant 0 : i32
      %dma_start3A_419 = tpu.memref_slice %arg14[%add3A_132, %dma_start3A_418] : memref<10240x128xf32, #tpu.memory_space<vmem_shared>> -> memref<16x128xf32, #tpu.memory_space<vmem_shared>>
      %dma_start3A_420 = arith.constant 0 : i32
      %dma_start3A_421 = tpu.memref_slice %arg14[%add3A_132, %dma_start3A_420] : memref<10240x128xf32, #tpu.memory_space<vmem_shared>> -> memref<16x128xf32, #tpu.memory_space<vmem_shared>>
      tpu.enqueue_dma source(%arg13 : memref<16x128xf32, #tpu.memory_space<vmem>>) target(%dma_start3A_421 : memref<16x128xf32, #tpu.memory_space<vmem_shared>>) target_semaphore(%run_scoped3A_417 : memref<!tpu.dma_semaphore, #tpu.memory_space<semaphore_mem>>)
      %dma_wait3A_422 = arith.constant 0 : i32
      %dma_wait3A_423 = tpu.memref_slice %arg14[%add3A_132, %dma_wait3A_422] : memref<10240x128xf32, #tpu.memory_space<vmem_shared>> -> memref<16x128xf32, #tpu.memory_space<vmem_shared>>
      %dma_wait3A_424 = arith.constant 0 : i32
      %dma_wait3A_425 = tpu.memref_slice %arg14[%add3A_132, %dma_wait3A_424] : memref<10240x128xf32, #tpu.memory_space<vmem_shared>> -> memref<16x128xf32, #tpu.memory_space<vmem_shared>>
      tpu.wait_dma2 semaphore(%run_scoped3A_417 : memref<!tpu.dma_semaphore, #tpu.memory_space<semaphore_mem>>) src(%arg13 : memref<16x128xf32, #tpu.memory_space<vmem>>) dst(%dma_wait3A_425 : memref<16x128xf32, #tpu.memory_space<vmem_shared>>)
      tpu.yield
    }) : () -> ()
    %mul3A_133 = arith.constant 640 : i32
    %mul3A_134 = arith.muli %arg1, %mul3A_133 : i32
    %add3A_135 = arith.constant 448 : i32
    %add3A_136 = arith.addi %mul3A_134, %add3A_135 : i32
    "tpu.region"() ({
      %run_scoped3A_417 = tpu.sem_alloc : memref<!tpu.dma_semaphore, #tpu.memory_space<semaphore_mem>>
      %dma_start3A_418 = arith.constant 0 : i32
      %dma_start3A_419 = tpu.memref_slice %arg14[%add3A_136, %dma_start3A_418] : memref<10240x128xf32, #tpu.memory_space<vmem_shared>> -> memref<16x128xf32, #tpu.memory_space<vmem_shared>>
      %dma_start3A_420 = arith.constant 0 : i32
      %dma_start3A_421 = tpu.memref_slice %arg14[%add3A_136, %dma_start3A_420] : memref<10240x128xf32, #tpu.memory_space<vmem_shared>> -> memref<16x128xf32, #tpu.memory_space<vmem_shared>>
      tpu.enqueue_dma source(%arg13 : memref<16x128xf32, #tpu.memory_space<vmem>>) target(%dma_start3A_421 : memref<16x128xf32, #tpu.memory_space<vmem_shared>>) target_semaphore(%run_scoped3A_417 : memref<!tpu.dma_semaphore, #tpu.memory_space<semaphore_mem>>)
      %dma_wait3A_422 = arith.constant 0 : i32
      %dma_wait3A_423 = tpu.memref_slice %arg14[%add3A_136, %dma_wait3A_422] : memref<10240x128xf32, #tpu.memory_space<vmem_shared>> -> memref<16x128xf32, #tpu.memory_space<vmem_shared>>
      %dma_wait3A_424 = arith.constant 0 : i32
      %dma_wait3A_425 = tpu.memref_slice %arg14[%add3A_136, %dma_wait3A_424] : memref<10240x128xf32, #tpu.memory_space<vmem_shared>> -> memref<16x128xf32, #tpu.memory_space<vmem_shared>>
      tpu.wait_dma2 semaphore(%run_scoped3A_417 : memref<!tpu.dma_semaphore, #tpu.memory_space<semaphore_mem>>) src(%arg13 : memref<16x128xf32, #tpu.memory_space<vmem>>) dst(%dma_wait3A_425 : memref<16x128xf32, #tpu.memory_space<vmem_shared>>)
      tpu.yield
    }) : () -> ()
    %mul3A_137 = arith.constant 640 : i32
    %mul3A_138 = arith.muli %arg1, %mul3A_137 : i32
    %add3A_139 = arith.constant 464 : i32
    %add3A_140 = arith.addi %mul3A_138, %add3A_139 : i32
    "tpu.region"() ({
      %run_scoped3A_417 = tpu.sem_alloc : memref<!tpu.dma_semaphore, #tpu.memory_space<semaphore_mem>>
      %dma_start3A_418 = arith.constant 0 : i32
      %dma_start3A_419 = tpu.memref_slice %arg14[%add3A_140, %dma_start3A_418] : memref<10240x128xf32, #tpu.memory_space<vmem_shared>> -> memref<16x128xf32, #tpu.memory_space<vmem_shared>>
      %dma_start3A_420 = arith.constant 0 : i32
      %dma_start3A_421 = tpu.memref_slice %arg14[%add3A_140, %dma_start3A_420] : memref<10240x128xf32, #tpu.memory_space<vmem_shared>> -> memref<16x128xf32, #tpu.memory_space<vmem_shared>>
      tpu.enqueue_dma source(%arg13 : memref<16x128xf32, #tpu.memory_space<vmem>>) target(%dma_start3A_421 : memref<16x128xf32, #tpu.memory_space<vmem_shared>>) target_semaphore(%run_scoped3A_417 : memref<!tpu.dma_semaphore, #tpu.memory_space<semaphore_mem>>)
      %dma_wait3A_422 = arith.constant 0 : i32
      %dma_wait3A_423 = tpu.memref_slice %arg14[%add3A_140, %dma_wait3A_422] : memref<10240x128xf32, #tpu.memory_space<vmem_shared>> -> memref<16x128xf32, #tpu.memory_space<vmem_shared>>
      %dma_wait3A_424 = arith.constant 0 : i32
      %dma_wait3A_425 = tpu.memref_slice %arg14[%add3A_140, %dma_wait3A_424] : memref<10240x128xf32, #tpu.memory_space<vmem_shared>> -> memref<16x128xf32, #tpu.memory_space<vmem_shared>>
      tpu.wait_dma2 semaphore(%run_scoped3A_417 : memref<!tpu.dma_semaphore, #tpu.memory_space<semaphore_mem>>) src(%arg13 : memref<16x128xf32, #tpu.memory_space<vmem>>) dst(%dma_wait3A_425 : memref<16x128xf32, #tpu.memory_space<vmem_shared>>)
      tpu.yield
    }) : () -> ()
    %mul3A_141 = arith.constant 640 : i32
    %mul3A_142 = arith.muli %arg1, %mul3A_141 : i32
    %add3A_143 = arith.constant 480 : i32
    %add3A_144 = arith.addi %mul3A_142, %add3A_143 : i32
    "tpu.region"() ({
      %run_scoped3A_417 = tpu.sem_alloc : memref<!tpu.dma_semaphore, #tpu.memory_space<semaphore_mem>>
      %dma_start3A_418 = arith.constant 0 : i32
      %dma_start3A_419 = tpu.memref_slice %arg14[%add3A_144, %dma_start3A_418] : memref<10240x128xf32, #tpu.memory_space<vmem_shared>> -> memref<16x128xf32, #tpu.memory_space<vmem_shared>>
      %dma_start3A_420 = arith.constant 0 : i32
      %dma_start3A_421 = tpu.memref_slice %arg14[%add3A_144, %dma_start3A_420] : memref<10240x128xf32, #tpu.memory_space<vmem_shared>> -> memref<16x128xf32, #tpu.memory_space<vmem_shared>>
      tpu.enqueue_dma source(%arg13 : memref<16x128xf32, #tpu.memory_space<vmem>>) target(%dma_start3A_421 : memref<16x128xf32, #tpu.memory_space<vmem_shared>>) target_semaphore(%run_scoped3A_417 : memref<!tpu.dma_semaphore, #tpu.memory_space<semaphore_mem>>)
      %dma_wait3A_422 = arith.constant 0 : i32
      %dma_wait3A_423 = tpu.memref_slice %arg14[%add3A_144, %dma_wait3A_422] : memref<10240x128xf32, #tpu.memory_space<vmem_shared>> -> memref<16x128xf32, #tpu.memory_space<vmem_shared>>
      %dma_wait3A_424 = arith.constant 0 : i32
      %dma_wait3A_425 = tpu.memref_slice %arg14[%add3A_144, %dma_wait3A_424] : memref<10240x128xf32, #tpu.memory_space<vmem_shared>> -> memref<16x128xf32, #tpu.memory_space<vmem_shared>>
      tpu.wait_dma2 semaphore(%run_scoped3A_417 : memref<!tpu.dma_semaphore, #tpu.memory_space<semaphore_mem>>) src(%arg13 : memref<16x128xf32, #tpu.memory_space<vmem>>) dst(%dma_wait3A_425 : memref<16x128xf32, #tpu.memory_space<vmem_shared>>)
      tpu.yield
    }) : () -> ()
    %mul3A_145 = arith.constant 640 : i32
    %mul3A_146 = arith.muli %arg1, %mul3A_145 : i32
    %add3A_147 = arith.constant 496 : i32
    %add3A_148 = arith.addi %mul3A_146, %add3A_147 : i32
    "tpu.region"() ({
      %run_scoped3A_417 = tpu.sem_alloc : memref<!tpu.dma_semaphore, #tpu.memory_space<semaphore_mem>>
      %dma_start3A_418 = arith.constant 0 : i32
      %dma_start3A_419 = tpu.memref_slice %arg14[%add3A_148, %dma_start3A_418] : memref<10240x128xf32, #tpu.memory_space<vmem_shared>> -> memref<16x128xf32, #tpu.memory_space<vmem_shared>>
      %dma_start3A_420 = arith.constant 0 : i32
      %dma_start3A_421 = tpu.memref_slice %arg14[%add3A_148, %dma_start3A_420] : memref<10240x128xf32, #tpu.memory_space<vmem_shared>> -> memref<16x128xf32, #tpu.memory_space<vmem_shared>>
      tpu.enqueue_dma source(%arg13 : memref<16x128xf32, #tpu.memory_space<vmem>>) target(%dma_start3A_421 : memref<16x128xf32, #tpu.memory_space<vmem_shared>>) target_semaphore(%run_scoped3A_417 : memref<!tpu.dma_semaphore, #tpu.memory_space<semaphore_mem>>)
      %dma_wait3A_422 = arith.constant 0 : i32
      %dma_wait3A_423 = tpu.memref_slice %arg14[%add3A_148, %dma_wait3A_422] : memref<10240x128xf32, #tpu.memory_space<vmem_shared>> -> memref<16x128xf32, #tpu.memory_space<vmem_shared>>
      %dma_wait3A_424 = arith.constant 0 : i32
      %dma_wait3A_425 = tpu.memref_slice %arg14[%add3A_148, %dma_wait3A_424] : memref<10240x128xf32, #tpu.memory_space<vmem_shared>> -> memref<16x128xf32, #tpu.memory_space<vmem_shared>>
      tpu.wait_dma2 semaphore(%run_scoped3A_417 : memref<!tpu.dma_semaphore, #tpu.memory_space<semaphore_mem>>) src(%arg13 : memref<16x128xf32, #tpu.memory_space<vmem>>) dst(%dma_wait3A_425 : memref<16x128xf32, #tpu.memory_space<vmem_shared>>)
      tpu.yield
    }) : () -> ()
    %mul3A_149 = arith.constant 640 : i32
    %mul3A_150 = arith.muli %arg1, %mul3A_149 : i32
    %add3A_151 = arith.constant 512 : i32
    %add3A_152 = arith.addi %mul3A_150, %add3A_151 : i32
    "tpu.region"() ({
      %run_scoped3A_417 = tpu.sem_alloc : memref<!tpu.dma_semaphore, #tpu.memory_space<semaphore_mem>>
      %dma_start3A_418 = arith.constant 0 : i32
      %dma_start3A_419 = tpu.memref_slice %arg14[%add3A_152, %dma_start3A_418] : memref<10240x128xf32, #tpu.memory_space<vmem_shared>> -> memref<16x128xf32, #tpu.memory_space<vmem_shared>>
      %dma_start3A_420 = arith.constant 0 : i32
      %dma_start3A_421 = tpu.memref_slice %arg14[%add3A_152, %dma_start3A_420] : memref<10240x128xf32, #tpu.memory_space<vmem_shared>> -> memref<16x128xf32, #tpu.memory_space<vmem_shared>>
      tpu.enqueue_dma source(%arg13 : memref<16x128xf32, #tpu.memory_space<vmem>>) target(%dma_start3A_421 : memref<16x128xf32, #tpu.memory_space<vmem_shared>>) target_semaphore(%run_scoped3A_417 : memref<!tpu.dma_semaphore, #tpu.memory_space<semaphore_mem>>)
      %dma_wait3A_422 = arith.constant 0 : i32
      %dma_wait3A_423 = tpu.memref_slice %arg14[%add3A_152, %dma_wait3A_422] : memref<10240x128xf32, #tpu.memory_space<vmem_shared>> -> memref<16x128xf32, #tpu.memory_space<vmem_shared>>
      %dma_wait3A_424 = arith.constant 0 : i32
      %dma_wait3A_425 = tpu.memref_slice %arg14[%add3A_152, %dma_wait3A_424] : memref<10240x128xf32, #tpu.memory_space<vmem_shared>> -> memref<16x128xf32, #tpu.memory_space<vmem_shared>>
      tpu.wait_dma2 semaphore(%run_scoped3A_417 : memref<!tpu.dma_semaphore, #tpu.memory_space<semaphore_mem>>) src(%arg13 : memref<16x128xf32, #tpu.memory_space<vmem>>) dst(%dma_wait3A_425 : memref<16x128xf32, #tpu.memory_space<vmem_shared>>)
      tpu.yield
    }) : () -> ()
    %mul3A_153 = arith.constant 640 : i32
    %mul3A_154 = arith.muli %arg1, %mul3A_153 : i32
    %add3A_155 = arith.constant 528 : i32
    %add3A_156 = arith.addi %mul3A_154, %add3A_155 : i32
    "tpu.region"() ({
      %run_scoped3A_417 = tpu.sem_alloc : memref<!tpu.dma_semaphore, #tpu.memory_space<semaphore_mem>>
      %dma_start3A_418 = arith.constant 0 : i32
      %dma_start3A_419 = tpu.memref_slice %arg14[%add3A_156, %dma_start3A_418] : memref<10240x128xf32, #tpu.memory_space<vmem_shared>> -> memref<16x128xf32, #tpu.memory_space<vmem_shared>>
      %dma_start3A_420 = arith.constant 0 : i32
      %dma_start3A_421 = tpu.memref_slice %arg14[%add3A_156, %dma_start3A_420] : memref<10240x128xf32, #tpu.memory_space<vmem_shared>> -> memref<16x128xf32, #tpu.memory_space<vmem_shared>>
      tpu.enqueue_dma source(%arg13 : memref<16x128xf32, #tpu.memory_space<vmem>>) target(%dma_start3A_421 : memref<16x128xf32, #tpu.memory_space<vmem_shared>>) target_semaphore(%run_scoped3A_417 : memref<!tpu.dma_semaphore, #tpu.memory_space<semaphore_mem>>)
      %dma_wait3A_422 = arith.constant 0 : i32
      %dma_wait3A_423 = tpu.memref_slice %arg14[%add3A_156, %dma_wait3A_422] : memref<10240x128xf32, #tpu.memory_space<vmem_shared>> -> memref<16x128xf32, #tpu.memory_space<vmem_shared>>
      %dma_wait3A_424 = arith.constant 0 : i32
      %dma_wait3A_425 = tpu.memref_slice %arg14[%add3A_156, %dma_wait3A_424] : memref<10240x128xf32, #tpu.memory_space<vmem_shared>> -> memref<16x128xf32, #tpu.memory_space<vmem_shared>>
      tpu.wait_dma2 semaphore(%run_scoped3A_417 : memref<!tpu.dma_semaphore, #tpu.memory_space<semaphore_mem>>) src(%arg13 : memref<16x128xf32, #tpu.memory_space<vmem>>) dst(%dma_wait3A_425 : memref<16x128xf32, #tpu.memory_space<vmem_shared>>)
      tpu.yield
    }) : () -> ()
    %mul3A_157 = arith.constant 640 : i32
    %mul3A_158 = arith.muli %arg1, %mul3A_157 : i32
    %add3A_159 = arith.constant 544 : i32
    %add3A_160 = arith.addi %mul3A_158, %add3A_159 : i32
    "tpu.region"() ({
      %run_scoped3A_417 = tpu.sem_alloc : memref<!tpu.dma_semaphore, #tpu.memory_space<semaphore_mem>>
      %dma_start3A_418 = arith.constant 0 : i32
      %dma_start3A_419 = tpu.memref_slice %arg14[%add3A_160, %dma_start3A_418] : memref<10240x128xf32, #tpu.memory_space<vmem_shared>> -> memref<16x128xf32, #tpu.memory_space<vmem_shared>>
      %dma_start3A_420 = arith.constant 0 : i32
      %dma_start3A_421 = tpu.memref_slice %arg14[%add3A_160, %dma_start3A_420] : memref<10240x128xf32, #tpu.memory_space<vmem_shared>> -> memref<16x128xf32, #tpu.memory_space<vmem_shared>>
      tpu.enqueue_dma source(%arg13 : memref<16x128xf32, #tpu.memory_space<vmem>>) target(%dma_start3A_421 : memref<16x128xf32, #tpu.memory_space<vmem_shared>>) target_semaphore(%run_scoped3A_417 : memref<!tpu.dma_semaphore, #tpu.memory_space<semaphore_mem>>)
      %dma_wait3A_422 = arith.constant 0 : i32
      %dma_wait3A_423 = tpu.memref_slice %arg14[%add3A_160, %dma_wait3A_422] : memref<10240x128xf32, #tpu.memory_space<vmem_shared>> -> memref<16x128xf32, #tpu.memory_space<vmem_shared>>
      %dma_wait3A_424 = arith.constant 0 : i32
      %dma_wait3A_425 = tpu.memref_slice %arg14[%add3A_160, %dma_wait3A_424] : memref<10240x128xf32, #tpu.memory_space<vmem_shared>> -> memref<16x128xf32, #tpu.memory_space<vmem_shared>>
      tpu.wait_dma2 semaphore(%run_scoped3A_417 : memref<!tpu.dma_semaphore, #tpu.memory_space<semaphore_mem>>) src(%arg13 : memref<16x128xf32, #tpu.memory_space<vmem>>) dst(%dma_wait3A_425 : memref<16x128xf32, #tpu.memory_space<vmem_shared>>)
      tpu.yield
    }) : () -> ()
    %mul3A_161 = arith.constant 640 : i32
    %mul3A_162 = arith.muli %arg1, %mul3A_161 : i32
    %add3A_163 = arith.constant 560 : i32
    %add3A_164 = arith.addi %mul3A_162, %add3A_163 : i32
    "tpu.region"() ({
      %run_scoped3A_417 = tpu.sem_alloc : memref<!tpu.dma_semaphore, #tpu.memory_space<semaphore_mem>>
      %dma_start3A_418 = arith.constant 0 : i32
      %dma_start3A_419 = tpu.memref_slice %arg14[%add3A_164, %dma_start3A_418] : memref<10240x128xf32, #tpu.memory_space<vmem_shared>> -> memref<16x128xf32, #tpu.memory_space<vmem_shared>>
      %dma_start3A_420 = arith.constant 0 : i32
      %dma_start3A_421 = tpu.memref_slice %arg14[%add3A_164, %dma_start3A_420] : memref<10240x128xf32, #tpu.memory_space<vmem_shared>> -> memref<16x128xf32, #tpu.memory_space<vmem_shared>>
      tpu.enqueue_dma source(%arg13 : memref<16x128xf32, #tpu.memory_space<vmem>>) target(%dma_start3A_421 : memref<16x128xf32, #tpu.memory_space<vmem_shared>>) target_semaphore(%run_scoped3A_417 : memref<!tpu.dma_semaphore, #tpu.memory_space<semaphore_mem>>)
      %dma_wait3A_422 = arith.constant 0 : i32
      %dma_wait3A_423 = tpu.memref_slice %arg14[%add3A_164, %dma_wait3A_422] : memref<10240x128xf32, #tpu.memory_space<vmem_shared>> -> memref<16x128xf32, #tpu.memory_space<vmem_shared>>
      %dma_wait3A_424 = arith.constant 0 : i32
      %dma_wait3A_425 = tpu.memref_slice %arg14[%add3A_164, %dma_wait3A_424] : memref<10240x128xf32, #tpu.memory_space<vmem_shared>> -> memref<16x128xf32, #tpu.memory_space<vmem_shared>>
      tpu.wait_dma2 semaphore(%run_scoped3A_417 : memref<!tpu.dma_semaphore, #tpu.memory_space<semaphore_mem>>) src(%arg13 : memref<16x128xf32, #tpu.memory_space<vmem>>) dst(%dma_wait3A_425 : memref<16x128xf32, #tpu.memory_space<vmem_shared>>)
      tpu.yield
    }) : () -> ()
    %mul3A_165 = arith.constant 640 : i32
    %mul3A_166 = arith.muli %arg1, %mul3A_165 : i32
    %add3A_167 = arith.constant 576 : i32
    %add3A_168 = arith.addi %mul3A_166, %add3A_167 : i32
    "tpu.region"() ({
      %run_scoped3A_417 = tpu.sem_alloc : memref<!tpu.dma_semaphore, #tpu.memory_space<semaphore_mem>>
      %dma_start3A_418 = arith.constant 0 : i32
      %dma_start3A_419 = tpu.memref_slice %arg14[%add3A_168, %dma_start3A_418] : memref<10240x128xf32, #tpu.memory_space<vmem_shared>> -> memref<16x128xf32, #tpu.memory_space<vmem_shared>>
      %dma_start3A_420 = arith.constant 0 : i32
      %dma_start3A_421 = tpu.memref_slice %arg14[%add3A_168, %dma_start3A_420] : memref<10240x128xf32, #tpu.memory_space<vmem_shared>> -> memref<16x128xf32, #tpu.memory_space<vmem_shared>>
      tpu.enqueue_dma source(%arg13 : memref<16x128xf32, #tpu.memory_space<vmem>>) target(%dma_start3A_421 : memref<16x128xf32, #tpu.memory_space<vmem_shared>>) target_semaphore(%run_scoped3A_417 : memref<!tpu.dma_semaphore, #tpu.memory_space<semaphore_mem>>)
      %dma_wait3A_422 = arith.constant 0 : i32
      %dma_wait3A_423 = tpu.memref_slice %arg14[%add3A_168, %dma_wait3A_422] : memref<10240x128xf32, #tpu.memory_space<vmem_shared>> -> memref<16x128xf32, #tpu.memory_space<vmem_shared>>
      %dma_wait3A_424 = arith.constant 0 : i32
      %dma_wait3A_425 = tpu.memref_slice %arg14[%add3A_168, %dma_wait3A_424] : memref<10240x128xf32, #tpu.memory_space<vmem_shared>> -> memref<16x128xf32, #tpu.memory_space<vmem_shared>>
      tpu.wait_dma2 semaphore(%run_scoped3A_417 : memref<!tpu.dma_semaphore, #tpu.memory_space<semaphore_mem>>) src(%arg13 : memref<16x128xf32, #tpu.memory_space<vmem>>) dst(%dma_wait3A_425 : memref<16x128xf32, #tpu.memory_space<vmem_shared>>)
      tpu.yield
    }) : () -> ()
    %mul3A_169 = arith.constant 640 : i32
    %mul3A_170 = arith.muli %arg1, %mul3A_169 : i32
    %add3A_171 = arith.constant 592 : i32
    %add3A_172 = arith.addi %mul3A_170, %add3A_171 : i32
    "tpu.region"() ({
      %run_scoped3A_417 = tpu.sem_alloc : memref<!tpu.dma_semaphore, #tpu.memory_space<semaphore_mem>>
      %dma_start3A_418 = arith.constant 0 : i32
      %dma_start3A_419 = tpu.memref_slice %arg14[%add3A_172, %dma_start3A_418] : memref<10240x128xf32, #tpu.memory_space<vmem_shared>> -> memref<16x128xf32, #tpu.memory_space<vmem_shared>>
      %dma_start3A_420 = arith.constant 0 : i32
      %dma_start3A_421 = tpu.memref_slice %arg14[%add3A_172, %dma_start3A_420] : memref<10240x128xf32, #tpu.memory_space<vmem_shared>> -> memref<16x128xf32, #tpu.memory_space<vmem_shared>>
      tpu.enqueue_dma source(%arg13 : memref<16x128xf32, #tpu.memory_space<vmem>>) target(%dma_start3A_421 : memref<16x128xf32, #tpu.memory_space<vmem_shared>>) target_semaphore(%run_scoped3A_417 : memref<!tpu.dma_semaphore, #tpu.memory_space<semaphore_mem>>)
      %dma_wait3A_422 = arith.constant 0 : i32
      %dma_wait3A_423 = tpu.memref_slice %arg14[%add3A_172, %dma_wait3A_422] : memref<10240x128xf32, #tpu.memory_space<vmem_shared>> -> memref<16x128xf32, #tpu.memory_space<vmem_shared>>
      %dma_wait3A_424 = arith.constant 0 : i32
      %dma_wait3A_425 = tpu.memref_slice %arg14[%add3A_172, %dma_wait3A_424] : memref<10240x128xf32, #tpu.memory_space<vmem_shared>> -> memref<16x128xf32, #tpu.memory_space<vmem_shared>>
      tpu.wait_dma2 semaphore(%run_scoped3A_417 : memref<!tpu.dma_semaphore, #tpu.memory_space<semaphore_mem>>) src(%arg13 : memref<16x128xf32, #tpu.memory_space<vmem>>) dst(%dma_wait3A_425 : memref<16x128xf32, #tpu.memory_space<vmem_shared>>)
      tpu.yield
    }) : () -> ()
    %mul3A_173 = arith.constant 640 : i32
    %mul3A_174 = arith.muli %arg1, %mul3A_173 : i32
    %add3A_175 = arith.constant 608 : i32
    %add3A_176 = arith.addi %mul3A_174, %add3A_175 : i32
    "tpu.region"() ({
      %run_scoped3A_417 = tpu.sem_alloc : memref<!tpu.dma_semaphore, #tpu.memory_space<semaphore_mem>>
      %dma_start3A_418 = arith.constant 0 : i32
      %dma_start3A_419 = tpu.memref_slice %arg14[%add3A_176, %dma_start3A_418] : memref<10240x128xf32, #tpu.memory_space<vmem_shared>> -> memref<16x128xf32, #tpu.memory_space<vmem_shared>>
      %dma_start3A_420 = arith.constant 0 : i32
      %dma_start3A_421 = tpu.memref_slice %arg14[%add3A_176, %dma_start3A_420] : memref<10240x128xf32, #tpu.memory_space<vmem_shared>> -> memref<16x128xf32, #tpu.memory_space<vmem_shared>>
      tpu.enqueue_dma source(%arg13 : memref<16x128xf32, #tpu.memory_space<vmem>>) target(%dma_start3A_421 : memref<16x128xf32, #tpu.memory_space<vmem_shared>>) target_semaphore(%run_scoped3A_417 : memref<!tpu.dma_semaphore, #tpu.memory_space<semaphore_mem>>)
      %dma_wait3A_422 = arith.constant 0 : i32
      %dma_wait3A_423 = tpu.memref_slice %arg14[%add3A_176, %dma_wait3A_422] : memref<10240x128xf32, #tpu.memory_space<vmem_shared>> -> memref<16x128xf32, #tpu.memory_space<vmem_shared>>
      %dma_wait3A_424 = arith.constant 0 : i32
      %dma_wait3A_425 = tpu.memref_slice %arg14[%add3A_176, %dma_wait3A_424] : memref<10240x128xf32, #tpu.memory_space<vmem_shared>> -> memref<16x128xf32, #tpu.memory_space<vmem_shared>>
      tpu.wait_dma2 semaphore(%run_scoped3A_417 : memref<!tpu.dma_semaphore, #tpu.memory_space<semaphore_mem>>) src(%arg13 : memref<16x128xf32, #tpu.memory_space<vmem>>) dst(%dma_wait3A_425 : memref<16x128xf32, #tpu.memory_space<vmem_shared>>)
      tpu.yield
    }) : () -> ()
    %mul3A_177 = arith.constant 640 : i32
    %mul3A_178 = arith.muli %arg1, %mul3A_177 : i32
    %add3A_179 = arith.constant 624 : i32
    %add3A_180 = arith.addi %mul3A_178, %add3A_179 : i32
    "tpu.region"() ({
      %run_scoped3A_417 = tpu.sem_alloc : memref<!tpu.dma_semaphore, #tpu.memory_space<semaphore_mem>>
      %dma_start3A_418 = arith.constant 0 : i32
      %dma_start3A_419 = tpu.memref_slice %arg14[%add3A_180, %dma_start3A_418] : memref<10240x128xf32, #tpu.memory_space<vmem_shared>> -> memref<16x128xf32, #tpu.memory_space<vmem_shared>>
      %dma_start3A_420 = arith.constant 0 : i32
      %dma_start3A_421 = tpu.memref_slice %arg14[%add3A_180, %dma_start3A_420] : memref<10240x128xf32, #tpu.memory_space<vmem_shared>> -> memref<16x128xf32, #tpu.memory_space<vmem_shared>>
      tpu.enqueue_dma source(%arg13 : memref<16x128xf32, #tpu.memory_space<vmem>>) target(%dma_start3A_421 : memref<16x128xf32, #tpu.memory_space<vmem_shared>>) target_semaphore(%run_scoped3A_417 : memref<!tpu.dma_semaphore, #tpu.memory_space<semaphore_mem>>)
      %dma_wait3A_422 = arith.constant 0 : i32
      %dma_wait3A_423 = tpu.memref_slice %arg14[%add3A_180, %dma_wait3A_422] : memref<10240x128xf32, #tpu.memory_space<vmem_shared>> -> memref<16x128xf32, #tpu.memory_space<vmem_shared>>
      %dma_wait3A_424 = arith.constant 0 : i32
      %dma_wait3A_425 = tpu.memref_slice %arg14[%add3A_180, %dma_wait3A_424] : memref<10240x128xf32, #tpu.memory_space<vmem_shared>> -> memref<16x128xf32, #tpu.memory_space<vmem_shared>>
      tpu.wait_dma2 semaphore(%run_scoped3A_417 : memref<!tpu.dma_semaphore, #tpu.memory_space<semaphore_mem>>) src(%arg13 : memref<16x128xf32, #tpu.memory_space<vmem>>) dst(%dma_wait3A_425 : memref<16x128xf32, #tpu.memory_space<vmem_shared>>)
      tpu.yield
    }) : () -> ()
    %mul3A_181 = arith.constant 640 : i32
    %mul3A_182 = arith.muli %arg1, %mul3A_181 : i32
    %add3A_183 = arith.constant 0 : i32
    %add3A_184 = arith.addi %mul3A_182, %add3A_183 : i32
    "tpu.region"() ({
      %run_scoped3A_417 = tpu.sem_alloc : memref<!tpu.dma_semaphore, #tpu.memory_space<semaphore_mem>>
      %dma_start3A_418 = arith.constant 0 : i32
      %dma_start3A_419 = tpu.memref_slice %arg21[%add3A_184, %dma_start3A_418] : memref<10240x16xf32, #tpu.memory_space<vmem_shared>> -> memref<16x16xf32, #tpu.memory_space<vmem_shared>>
      %dma_start3A_420 = arith.constant 0 : i32
      %dma_start3A_421 = tpu.memref_slice %arg21[%add3A_184, %dma_start3A_420] : memref<10240x16xf32, #tpu.memory_space<vmem_shared>> -> memref<16x16xf32, #tpu.memory_space<vmem_shared>>
      tpu.enqueue_dma source(%arg19 : memref<16x16xf32, #tpu.memory_space<vmem>>) target(%dma_start3A_421 : memref<16x16xf32, #tpu.memory_space<vmem_shared>>) target_semaphore(%run_scoped3A_417 : memref<!tpu.dma_semaphore, #tpu.memory_space<semaphore_mem>>)
      %dma_wait3A_422 = arith.constant 0 : i32
      %dma_wait3A_423 = tpu.memref_slice %arg21[%add3A_184, %dma_wait3A_422] : memref<10240x16xf32, #tpu.memory_space<vmem_shared>> -> memref<16x16xf32, #tpu.memory_space<vmem_shared>>
      %dma_wait3A_424 = arith.constant 0 : i32
      %dma_wait3A_425 = tpu.memref_slice %arg21[%add3A_184, %dma_wait3A_424] : memref<10240x16xf32, #tpu.memory_space<vmem_shared>> -> memref<16x16xf32, #tpu.memory_space<vmem_shared>>
      tpu.wait_dma2 semaphore(%run_scoped3A_417 : memref<!tpu.dma_semaphore, #tpu.memory_space<semaphore_mem>>) src(%arg19 : memref<16x16xf32, #tpu.memory_space<vmem>>) dst(%dma_wait3A_425 : memref<16x16xf32, #tpu.memory_space<vmem_shared>>)
      tpu.yield
    }) : () -> ()
    %mul3A_185 = arith.constant 640 : i32
    %mul3A_186 = arith.muli %arg1, %mul3A_185 : i32
    %add3A_187 = arith.constant 16 : i32
    %add3A_188 = arith.addi %mul3A_186, %add3A_187 : i32
    "tpu.region"() ({
      %run_scoped3A_417 = tpu.sem_alloc : memref<!tpu.dma_semaphore, #tpu.memory_space<semaphore_mem>>
      %dma_start3A_418 = arith.constant 0 : i32
      %dma_start3A_419 = tpu.memref_slice %arg21[%add3A_188, %dma_start3A_418] : memref<10240x16xf32, #tpu.memory_space<vmem_shared>> -> memref<16x16xf32, #tpu.memory_space<vmem_shared>>
      %dma_start3A_420 = arith.constant 0 : i32
      %dma_start3A_421 = tpu.memref_slice %arg21[%add3A_188, %dma_start3A_420] : memref<10240x16xf32, #tpu.memory_space<vmem_shared>> -> memref<16x16xf32, #tpu.memory_space<vmem_shared>>
      tpu.enqueue_dma source(%arg19 : memref<16x16xf32, #tpu.memory_space<vmem>>) target(%dma_start3A_421 : memref<16x16xf32, #tpu.memory_space<vmem_shared>>) target_semaphore(%run_scoped3A_417 : memref<!tpu.dma_semaphore, #tpu.memory_space<semaphore_mem>>)
      %dma_wait3A_422 = arith.constant 0 : i32
      %dma_wait3A_423 = tpu.memref_slice %arg21[%add3A_188, %dma_wait3A_422] : memref<10240x16xf32, #tpu.memory_space<vmem_shared>> -> memref<16x16xf32, #tpu.memory_space<vmem_shared>>
      %dma_wait3A_424 = arith.constant 0 : i32
      %dma_wait3A_425 = tpu.memref_slice %arg21[%add3A_188, %dma_wait3A_424] : memref<10240x16xf32, #tpu.memory_space<vmem_shared>> -> memref<16x16xf32, #tpu.memory_space<vmem_shared>>
      tpu.wait_dma2 semaphore(%run_scoped3A_417 : memref<!tpu.dma_semaphore, #tpu.memory_space<semaphore_mem>>) src(%arg19 : memref<16x16xf32, #tpu.memory_space<vmem>>) dst(%dma_wait3A_425 : memref<16x16xf32, #tpu.memory_space<vmem_shared>>)
      tpu.yield
    }) : () -> ()
    %mul3A_189 = arith.constant 640 : i32
    %mul3A_190 = arith.muli %arg1, %mul3A_189 : i32
    %add3A_191 = arith.constant 32 : i32
    %add3A_192 = arith.addi %mul3A_190, %add3A_191 : i32
    "tpu.region"() ({
      %run_scoped3A_417 = tpu.sem_alloc : memref<!tpu.dma_semaphore, #tpu.memory_space<semaphore_mem>>
      %dma_start3A_418 = arith.constant 0 : i32
      %dma_start3A_419 = tpu.memref_slice %arg21[%add3A_192, %dma_start3A_418] : memref<10240x16xf32, #tpu.memory_space<vmem_shared>> -> memref<16x16xf32, #tpu.memory_space<vmem_shared>>
      %dma_start3A_420 = arith.constant 0 : i32
      %dma_start3A_421 = tpu.memref_slice %arg21[%add3A_192, %dma_start3A_420] : memref<10240x16xf32, #tpu.memory_space<vmem_shared>> -> memref<16x16xf32, #tpu.memory_space<vmem_shared>>
      tpu.enqueue_dma source(%arg19 : memref<16x16xf32, #tpu.memory_space<vmem>>) target(%dma_start3A_421 : memref<16x16xf32, #tpu.memory_space<vmem_shared>>) target_semaphore(%run_scoped3A_417 : memref<!tpu.dma_semaphore, #tpu.memory_space<semaphore_mem>>)
      %dma_wait3A_422 = arith.constant 0 : i32
      %dma_wait3A_423 = tpu.memref_slice %arg21[%add3A_192, %dma_wait3A_422] : memref<10240x16xf32, #tpu.memory_space<vmem_shared>> -> memref<16x16xf32, #tpu.memory_space<vmem_shared>>
      %dma_wait3A_424 = arith.constant 0 : i32
      %dma_wait3A_425 = tpu.memref_slice %arg21[%add3A_192, %dma_wait3A_424] : memref<10240x16xf32, #tpu.memory_space<vmem_shared>> -> memref<16x16xf32, #tpu.memory_space<vmem_shared>>
      tpu.wait_dma2 semaphore(%run_scoped3A_417 : memref<!tpu.dma_semaphore, #tpu.memory_space<semaphore_mem>>) src(%arg19 : memref<16x16xf32, #tpu.memory_space<vmem>>) dst(%dma_wait3A_425 : memref<16x16xf32, #tpu.memory_space<vmem_shared>>)
      tpu.yield
    }) : () -> ()
    %mul3A_193 = arith.constant 640 : i32
    %mul3A_194 = arith.muli %arg1, %mul3A_193 : i32
    %add3A_195 = arith.constant 48 : i32
    %add3A_196 = arith.addi %mul3A_194, %add3A_195 : i32
    "tpu.region"() ({
      %run_scoped3A_417 = tpu.sem_alloc : memref<!tpu.dma_semaphore, #tpu.memory_space<semaphore_mem>>
      %dma_start3A_418 = arith.constant 0 : i32
      %dma_start3A_419 = tpu.memref_slice %arg21[%add3A_196, %dma_start3A_418] : memref<10240x16xf32, #tpu.memory_space<vmem_shared>> -> memref<16x16xf32, #tpu.memory_space<vmem_shared>>
      %dma_start3A_420 = arith.constant 0 : i32
      %dma_start3A_421 = tpu.memref_slice %arg21[%add3A_196, %dma_start3A_420] : memref<10240x16xf32, #tpu.memory_space<vmem_shared>> -> memref<16x16xf32, #tpu.memory_space<vmem_shared>>
      tpu.enqueue_dma source(%arg19 : memref<16x16xf32, #tpu.memory_space<vmem>>) target(%dma_start3A_421 : memref<16x16xf32, #tpu.memory_space<vmem_shared>>) target_semaphore(%run_scoped3A_417 : memref<!tpu.dma_semaphore, #tpu.memory_space<semaphore_mem>>)
      %dma_wait3A_422 = arith.constant 0 : i32
      %dma_wait3A_423 = tpu.memref_slice %arg21[%add3A_196, %dma_wait3A_422] : memref<10240x16xf32, #tpu.memory_space<vmem_shared>> -> memref<16x16xf32, #tpu.memory_space<vmem_shared>>
      %dma_wait3A_424 = arith.constant 0 : i32
      %dma_wait3A_425 = tpu.memref_slice %arg21[%add3A_196, %dma_wait3A_424] : memref<10240x16xf32, #tpu.memory_space<vmem_shared>> -> memref<16x16xf32, #tpu.memory_space<vmem_shared>>
      tpu.wait_dma2 semaphore(%run_scoped3A_417 : memref<!tpu.dma_semaphore, #tpu.memory_space<semaphore_mem>>) src(%arg19 : memref<16x16xf32, #tpu.memory_space<vmem>>) dst(%dma_wait3A_425 : memref<16x16xf32, #tpu.memory_space<vmem_shared>>)
      tpu.yield
    }) : () -> ()
    %mul3A_197 = arith.constant 640 : i32
    %mul3A_198 = arith.muli %arg1, %mul3A_197 : i32
    %add3A_199 = arith.constant 64 : i32
    %add3A_200 = arith.addi %mul3A_198, %add3A_199 : i32
    "tpu.region"() ({
      %run_scoped3A_417 = tpu.sem_alloc : memref<!tpu.dma_semaphore, #tpu.memory_space<semaphore_mem>>
      %dma_start3A_418 = arith.constant 0 : i32
      %dma_start3A_419 = tpu.memref_slice %arg21[%add3A_200, %dma_start3A_418] : memref<10240x16xf32, #tpu.memory_space<vmem_shared>> -> memref<16x16xf32, #tpu.memory_space<vmem_shared>>
      %dma_start3A_420 = arith.constant 0 : i32
      %dma_start3A_421 = tpu.memref_slice %arg21[%add3A_200, %dma_start3A_420] : memref<10240x16xf32, #tpu.memory_space<vmem_shared>> -> memref<16x16xf32, #tpu.memory_space<vmem_shared>>
      tpu.enqueue_dma source(%arg19 : memref<16x16xf32, #tpu.memory_space<vmem>>) target(%dma_start3A_421 : memref<16x16xf32, #tpu.memory_space<vmem_shared>>) target_semaphore(%run_scoped3A_417 : memref<!tpu.dma_semaphore, #tpu.memory_space<semaphore_mem>>)
      %dma_wait3A_422 = arith.constant 0 : i32
      %dma_wait3A_423 = tpu.memref_slice %arg21[%add3A_200, %dma_wait3A_422] : memref<10240x16xf32, #tpu.memory_space<vmem_shared>> -> memref<16x16xf32, #tpu.memory_space<vmem_shared>>
      %dma_wait3A_424 = arith.constant 0 : i32
      %dma_wait3A_425 = tpu.memref_slice %arg21[%add3A_200, %dma_wait3A_424] : memref<10240x16xf32, #tpu.memory_space<vmem_shared>> -> memref<16x16xf32, #tpu.memory_space<vmem_shared>>
      tpu.wait_dma2 semaphore(%run_scoped3A_417 : memref<!tpu.dma_semaphore, #tpu.memory_space<semaphore_mem>>) src(%arg19 : memref<16x16xf32, #tpu.memory_space<vmem>>) dst(%dma_wait3A_425 : memref<16x16xf32, #tpu.memory_space<vmem_shared>>)
      tpu.yield
    }) : () -> ()
    %mul3A_201 = arith.constant 640 : i32
    %mul3A_202 = arith.muli %arg1, %mul3A_201 : i32
    %add3A_203 = arith.constant 80 : i32
    %add3A_204 = arith.addi %mul3A_202, %add3A_203 : i32
    "tpu.region"() ({
      %run_scoped3A_417 = tpu.sem_alloc : memref<!tpu.dma_semaphore, #tpu.memory_space<semaphore_mem>>
      %dma_start3A_418 = arith.constant 0 : i32
      %dma_start3A_419 = tpu.memref_slice %arg21[%add3A_204, %dma_start3A_418] : memref<10240x16xf32, #tpu.memory_space<vmem_shared>> -> memref<16x16xf32, #tpu.memory_space<vmem_shared>>
      %dma_start3A_420 = arith.constant 0 : i32
      %dma_start3A_421 = tpu.memref_slice %arg21[%add3A_204, %dma_start3A_420] : memref<10240x16xf32, #tpu.memory_space<vmem_shared>> -> memref<16x16xf32, #tpu.memory_space<vmem_shared>>
      tpu.enqueue_dma source(%arg19 : memref<16x16xf32, #tpu.memory_space<vmem>>) target(%dma_start3A_421 : memref<16x16xf32, #tpu.memory_space<vmem_shared>>) target_semaphore(%run_scoped3A_417 : memref<!tpu.dma_semaphore, #tpu.memory_space<semaphore_mem>>)
      %dma_wait3A_422 = arith.constant 0 : i32
      %dma_wait3A_423 = tpu.memref_slice %arg21[%add3A_204, %dma_wait3A_422] : memref<10240x16xf32, #tpu.memory_space<vmem_shared>> -> memref<16x16xf32, #tpu.memory_space<vmem_shared>>
      %dma_wait3A_424 = arith.constant 0 : i32
      %dma_wait3A_425 = tpu.memref_slice %arg21[%add3A_204, %dma_wait3A_424] : memref<10240x16xf32, #tpu.memory_space<vmem_shared>> -> memref<16x16xf32, #tpu.memory_space<vmem_shared>>
      tpu.wait_dma2 semaphore(%run_scoped3A_417 : memref<!tpu.dma_semaphore, #tpu.memory_space<semaphore_mem>>) src(%arg19 : memref<16x16xf32, #tpu.memory_space<vmem>>) dst(%dma_wait3A_425 : memref<16x16xf32, #tpu.memory_space<vmem_shared>>)
      tpu.yield
    }) : () -> ()
    %mul3A_205 = arith.constant 640 : i32
    %mul3A_206 = arith.muli %arg1, %mul3A_205 : i32
    %add3A_207 = arith.constant 96 : i32
    %add3A_208 = arith.addi %mul3A_206, %add3A_207 : i32
    "tpu.region"() ({
      %run_scoped3A_417 = tpu.sem_alloc : memref<!tpu.dma_semaphore, #tpu.memory_space<semaphore_mem>>
      %dma_start3A_418 = arith.constant 0 : i32
      %dma_start3A_419 = tpu.memref_slice %arg21[%add3A_208, %dma_start3A_418] : memref<10240x16xf32, #tpu.memory_space<vmem_shared>> -> memref<16x16xf32, #tpu.memory_space<vmem_shared>>
      %dma_start3A_420 = arith.constant 0 : i32
      %dma_start3A_421 = tpu.memref_slice %arg21[%add3A_208, %dma_start3A_420] : memref<10240x16xf32, #tpu.memory_space<vmem_shared>> -> memref<16x16xf32, #tpu.memory_space<vmem_shared>>
      tpu.enqueue_dma source(%arg19 : memref<16x16xf32, #tpu.memory_space<vmem>>) target(%dma_start3A_421 : memref<16x16xf32, #tpu.memory_space<vmem_shared>>) target_semaphore(%run_scoped3A_417 : memref<!tpu.dma_semaphore, #tpu.memory_space<semaphore_mem>>)
      %dma_wait3A_422 = arith.constant 0 : i32
      %dma_wait3A_423 = tpu.memref_slice %arg21[%add3A_208, %dma_wait3A_422] : memref<10240x16xf32, #tpu.memory_space<vmem_shared>> -> memref<16x16xf32, #tpu.memory_space<vmem_shared>>
      %dma_wait3A_424 = arith.constant 0 : i32
      %dma_wait3A_425 = tpu.memref_slice %arg21[%add3A_208, %dma_wait3A_424] : memref<10240x16xf32, #tpu.memory_space<vmem_shared>> -> memref<16x16xf32, #tpu.memory_space<vmem_shared>>
      tpu.wait_dma2 semaphore(%run_scoped3A_417 : memref<!tpu.dma_semaphore, #tpu.memory_space<semaphore_mem>>) src(%arg19 : memref<16x16xf32, #tpu.memory_space<vmem>>) dst(%dma_wait3A_425 : memref<16x16xf32, #tpu.memory_space<vmem_shared>>)
      tpu.yield
    }) : () -> ()
    %mul3A_209 = arith.constant 640 : i32
    %mul3A_210 = arith.muli %arg1, %mul3A_209 : i32
    %add3A_211 = arith.constant 112 : i32
    %add3A_212 = arith.addi %mul3A_210, %add3A_211 : i32
    "tpu.region"() ({
      %run_scoped3A_417 = tpu.sem_alloc : memref<!tpu.dma_semaphore, #tpu.memory_space<semaphore_mem>>
      %dma_start3A_418 = arith.constant 0 : i32
      %dma_start3A_419 = tpu.memref_slice %arg21[%add3A_212, %dma_start3A_418] : memref<10240x16xf32, #tpu.memory_space<vmem_shared>> -> memref<16x16xf32, #tpu.memory_space<vmem_shared>>
      %dma_start3A_420 = arith.constant 0 : i32
      %dma_start3A_421 = tpu.memref_slice %arg21[%add3A_212, %dma_start3A_420] : memref<10240x16xf32, #tpu.memory_space<vmem_shared>> -> memref<16x16xf32, #tpu.memory_space<vmem_shared>>
      tpu.enqueue_dma source(%arg19 : memref<16x16xf32, #tpu.memory_space<vmem>>) target(%dma_start3A_421 : memref<16x16xf32, #tpu.memory_space<vmem_shared>>) target_semaphore(%run_scoped3A_417 : memref<!tpu.dma_semaphore, #tpu.memory_space<semaphore_mem>>)
      %dma_wait3A_422 = arith.constant 0 : i32
      %dma_wait3A_423 = tpu.memref_slice %arg21[%add3A_212, %dma_wait3A_422] : memref<10240x16xf32, #tpu.memory_space<vmem_shared>> -> memref<16x16xf32, #tpu.memory_space<vmem_shared>>
      %dma_wait3A_424 = arith.constant 0 : i32
      %dma_wait3A_425 = tpu.memref_slice %arg21[%add3A_212, %dma_wait3A_424] : memref<10240x16xf32, #tpu.memory_space<vmem_shared>> -> memref<16x16xf32, #tpu.memory_space<vmem_shared>>
      tpu.wait_dma2 semaphore(%run_scoped3A_417 : memref<!tpu.dma_semaphore, #tpu.memory_space<semaphore_mem>>) src(%arg19 : memref<16x16xf32, #tpu.memory_space<vmem>>) dst(%dma_wait3A_425 : memref<16x16xf32, #tpu.memory_space<vmem_shared>>)
      tpu.yield
    }) : () -> ()
    %mul3A_213 = arith.constant 640 : i32
    %mul3A_214 = arith.muli %arg1, %mul3A_213 : i32
    %add3A_215 = arith.constant 128 : i32
    %add3A_216 = arith.addi %mul3A_214, %add3A_215 : i32
    "tpu.region"() ({
      %run_scoped3A_417 = tpu.sem_alloc : memref<!tpu.dma_semaphore, #tpu.memory_space<semaphore_mem>>
      %dma_start3A_418 = arith.constant 0 : i32
      %dma_start3A_419 = tpu.memref_slice %arg21[%add3A_216, %dma_start3A_418] : memref<10240x16xf32, #tpu.memory_space<vmem_shared>> -> memref<16x16xf32, #tpu.memory_space<vmem_shared>>
      %dma_start3A_420 = arith.constant 0 : i32
      %dma_start3A_421 = tpu.memref_slice %arg21[%add3A_216, %dma_start3A_420] : memref<10240x16xf32, #tpu.memory_space<vmem_shared>> -> memref<16x16xf32, #tpu.memory_space<vmem_shared>>
      tpu.enqueue_dma source(%arg19 : memref<16x16xf32, #tpu.memory_space<vmem>>) target(%dma_start3A_421 : memref<16x16xf32, #tpu.memory_space<vmem_shared>>) target_semaphore(%run_scoped3A_417 : memref<!tpu.dma_semaphore, #tpu.memory_space<semaphore_mem>>)
      %dma_wait3A_422 = arith.constant 0 : i32
      %dma_wait3A_423 = tpu.memref_slice %arg21[%add3A_216, %dma_wait3A_422] : memref<10240x16xf32, #tpu.memory_space<vmem_shared>> -> memref<16x16xf32, #tpu.memory_space<vmem_shared>>
      %dma_wait3A_424 = arith.constant 0 : i32
      %dma_wait3A_425 = tpu.memref_slice %arg21[%add3A_216, %dma_wait3A_424] : memref<10240x16xf32, #tpu.memory_space<vmem_shared>> -> memref<16x16xf32, #tpu.memory_space<vmem_shared>>
      tpu.wait_dma2 semaphore(%run_scoped3A_417 : memref<!tpu.dma_semaphore, #tpu.memory_space<semaphore_mem>>) src(%arg19 : memref<16x16xf32, #tpu.memory_space<vmem>>) dst(%dma_wait3A_425 : memref<16x16xf32, #tpu.memory_space<vmem_shared>>)
      tpu.yield
    }) : () -> ()
    %mul3A_217 = arith.constant 640 : i32
    %mul3A_218 = arith.muli %arg1, %mul3A_217 : i32
    %add3A_219 = arith.constant 144 : i32
    %add3A_220 = arith.addi %mul3A_218, %add3A_219 : i32
    "tpu.region"() ({
      %run_scoped3A_417 = tpu.sem_alloc : memref<!tpu.dma_semaphore, #tpu.memory_space<semaphore_mem>>
      %dma_start3A_418 = arith.constant 0 : i32
      %dma_start3A_419 = tpu.memref_slice %arg21[%add3A_220, %dma_start3A_418] : memref<10240x16xf32, #tpu.memory_space<vmem_shared>> -> memref<16x16xf32, #tpu.memory_space<vmem_shared>>
      %dma_start3A_420 = arith.constant 0 : i32
      %dma_start3A_421 = tpu.memref_slice %arg21[%add3A_220, %dma_start3A_420] : memref<10240x16xf32, #tpu.memory_space<vmem_shared>> -> memref<16x16xf32, #tpu.memory_space<vmem_shared>>
      tpu.enqueue_dma source(%arg19 : memref<16x16xf32, #tpu.memory_space<vmem>>) target(%dma_start3A_421 : memref<16x16xf32, #tpu.memory_space<vmem_shared>>) target_semaphore(%run_scoped3A_417 : memref<!tpu.dma_semaphore, #tpu.memory_space<semaphore_mem>>)
      %dma_wait3A_422 = arith.constant 0 : i32
      %dma_wait3A_423 = tpu.memref_slice %arg21[%add3A_220, %dma_wait3A_422] : memref<10240x16xf32, #tpu.memory_space<vmem_shared>> -> memref<16x16xf32, #tpu.memory_space<vmem_shared>>
      %dma_wait3A_424 = arith.constant 0 : i32
      %dma_wait3A_425 = tpu.memref_slice %arg21[%add3A_220, %dma_wait3A_424] : memref<10240x16xf32, #tpu.memory_space<vmem_shared>> -> memref<16x16xf32, #tpu.memory_space<vmem_shared>>
      tpu.wait_dma2 semaphore(%run_scoped3A_417 : memref<!tpu.dma_semaphore, #tpu.memory_space<semaphore_mem>>) src(%arg19 : memref<16x16xf32, #tpu.memory_space<vmem>>) dst(%dma_wait3A_425 : memref<16x16xf32, #tpu.memory_space<vmem_shared>>)
      tpu.yield
    }) : () -> ()
    %mul3A_221 = arith.constant 640 : i32
    %mul3A_222 = arith.muli %arg1, %mul3A_221 : i32
    %add3A_223 = arith.constant 160 : i32
    %add3A_224 = arith.addi %mul3A_222, %add3A_223 : i32
    "tpu.region"() ({
      %run_scoped3A_417 = tpu.sem_alloc : memref<!tpu.dma_semaphore, #tpu.memory_space<semaphore_mem>>
      %dma_start3A_418 = arith.constant 0 : i32
      %dma_start3A_419 = tpu.memref_slice %arg21[%add3A_224, %dma_start3A_418] : memref<10240x16xf32, #tpu.memory_space<vmem_shared>> -> memref<16x16xf32, #tpu.memory_space<vmem_shared>>
      %dma_start3A_420 = arith.constant 0 : i32
      %dma_start3A_421 = tpu.memref_slice %arg21[%add3A_224, %dma_start3A_420] : memref<10240x16xf32, #tpu.memory_space<vmem_shared>> -> memref<16x16xf32, #tpu.memory_space<vmem_shared>>
      tpu.enqueue_dma source(%arg19 : memref<16x16xf32, #tpu.memory_space<vmem>>) target(%dma_start3A_421 : memref<16x16xf32, #tpu.memory_space<vmem_shared>>) target_semaphore(%run_scoped3A_417 : memref<!tpu.dma_semaphore, #tpu.memory_space<semaphore_mem>>)
      %dma_wait3A_422 = arith.constant 0 : i32
      %dma_wait3A_423 = tpu.memref_slice %arg21[%add3A_224, %dma_wait3A_422] : memref<10240x16xf32, #tpu.memory_space<vmem_shared>> -> memref<16x16xf32, #tpu.memory_space<vmem_shared>>
      %dma_wait3A_424 = arith.constant 0 : i32
      %dma_wait3A_425 = tpu.memref_slice %arg21[%add3A_224, %dma_wait3A_424] : memref<10240x16xf32, #tpu.memory_space<vmem_shared>> -> memref<16x16xf32, #tpu.memory_space<vmem_shared>>
      tpu.wait_dma2 semaphore(%run_scoped3A_417 : memref<!tpu.dma_semaphore, #tpu.memory_space<semaphore_mem>>) src(%arg19 : memref<16x16xf32, #tpu.memory_space<vmem>>) dst(%dma_wait3A_425 : memref<16x16xf32, #tpu.memory_space<vmem_shared>>)
      tpu.yield
    }) : () -> ()
    %mul3A_225 = arith.constant 640 : i32
    %mul3A_226 = arith.muli %arg1, %mul3A_225 : i32
    %add3A_227 = arith.constant 176 : i32
    %add3A_228 = arith.addi %mul3A_226, %add3A_227 : i32
    "tpu.region"() ({
      %run_scoped3A_417 = tpu.sem_alloc : memref<!tpu.dma_semaphore, #tpu.memory_space<semaphore_mem>>
      %dma_start3A_418 = arith.constant 0 : i32
      %dma_start3A_419 = tpu.memref_slice %arg21[%add3A_228, %dma_start3A_418] : memref<10240x16xf32, #tpu.memory_space<vmem_shared>> -> memref<16x16xf32, #tpu.memory_space<vmem_shared>>
      %dma_start3A_420 = arith.constant 0 : i32
      %dma_start3A_421 = tpu.memref_slice %arg21[%add3A_228, %dma_start3A_420] : memref<10240x16xf32, #tpu.memory_space<vmem_shared>> -> memref<16x16xf32, #tpu.memory_space<vmem_shared>>
      tpu.enqueue_dma source(%arg19 : memref<16x16xf32, #tpu.memory_space<vmem>>) target(%dma_start3A_421 : memref<16x16xf32, #tpu.memory_space<vmem_shared>>) target_semaphore(%run_scoped3A_417 : memref<!tpu.dma_semaphore, #tpu.memory_space<semaphore_mem>>)
      %dma_wait3A_422 = arith.constant 0 : i32
      %dma_wait3A_423 = tpu.memref_slice %arg21[%add3A_228, %dma_wait3A_422] : memref<10240x16xf32, #tpu.memory_space<vmem_shared>> -> memref<16x16xf32, #tpu.memory_space<vmem_shared>>
      %dma_wait3A_424 = arith.constant 0 : i32
      %dma_wait3A_425 = tpu.memref_slice %arg21[%add3A_228, %dma_wait3A_424] : memref<10240x16xf32, #tpu.memory_space<vmem_shared>> -> memref<16x16xf32, #tpu.memory_space<vmem_shared>>
      tpu.wait_dma2 semaphore(%run_scoped3A_417 : memref<!tpu.dma_semaphore, #tpu.memory_space<semaphore_mem>>) src(%arg19 : memref<16x16xf32, #tpu.memory_space<vmem>>) dst(%dma_wait3A_425 : memref<16x16xf32, #tpu.memory_space<vmem_shared>>)
      tpu.yield
    }) : () -> ()
    %mul3A_229 = arith.constant 640 : i32
    %mul3A_230 = arith.muli %arg1, %mul3A_229 : i32
    %add3A_231 = arith.constant 192 : i32
    %add3A_232 = arith.addi %mul3A_230, %add3A_231 : i32
    "tpu.region"() ({
      %run_scoped3A_417 = tpu.sem_alloc : memref<!tpu.dma_semaphore, #tpu.memory_space<semaphore_mem>>
      %dma_start3A_418 = arith.constant 0 : i32
      %dma_start3A_419 = tpu.memref_slice %arg21[%add3A_232, %dma_start3A_418] : memref<10240x16xf32, #tpu.memory_space<vmem_shared>> -> memref<16x16xf32, #tpu.memory_space<vmem_shared>>
      %dma_start3A_420 = arith.constant 0 : i32
      %dma_start3A_421 = tpu.memref_slice %arg21[%add3A_232, %dma_start3A_420] : memref<10240x16xf32, #tpu.memory_space<vmem_shared>> -> memref<16x16xf32, #tpu.memory_space<vmem_shared>>
      tpu.enqueue_dma source(%arg19 : memref<16x16xf32, #tpu.memory_space<vmem>>) target(%dma_start3A_421 : memref<16x16xf32, #tpu.memory_space<vmem_shared>>) target_semaphore(%run_scoped3A_417 : memref<!tpu.dma_semaphore, #tpu.memory_space<semaphore_mem>>)
      %dma_wait3A_422 = arith.constant 0 : i32
      %dma_wait3A_423 = tpu.memref_slice %arg21[%add3A_232, %dma_wait3A_422] : memref<10240x16xf32, #tpu.memory_space<vmem_shared>> -> memref<16x16xf32, #tpu.memory_space<vmem_shared>>
      %dma_wait3A_424 = arith.constant 0 : i32
      %dma_wait3A_425 = tpu.memref_slice %arg21[%add3A_232, %dma_wait3A_424] : memref<10240x16xf32, #tpu.memory_space<vmem_shared>> -> memref<16x16xf32, #tpu.memory_space<vmem_shared>>
      tpu.wait_dma2 semaphore(%run_scoped3A_417 : memref<!tpu.dma_semaphore, #tpu.memory_space<semaphore_mem>>) src(%arg19 : memref<16x16xf32, #tpu.memory_space<vmem>>) dst(%dma_wait3A_425 : memref<16x16xf32, #tpu.memory_space<vmem_shared>>)
      tpu.yield
    }) : () -> ()
    %mul3A_233 = arith.constant 640 : i32
    %mul3A_234 = arith.muli %arg1, %mul3A_233 : i32
    %add3A_235 = arith.constant 208 : i32
    %add3A_236 = arith.addi %mul3A_234, %add3A_235 : i32
    "tpu.region"() ({
      %run_scoped3A_417 = tpu.sem_alloc : memref<!tpu.dma_semaphore, #tpu.memory_space<semaphore_mem>>
      %dma_start3A_418 = arith.constant 0 : i32
      %dma_start3A_419 = tpu.memref_slice %arg21[%add3A_236, %dma_start3A_418] : memref<10240x16xf32, #tpu.memory_space<vmem_shared>> -> memref<16x16xf32, #tpu.memory_space<vmem_shared>>
      %dma_start3A_420 = arith.constant 0 : i32
      %dma_start3A_421 = tpu.memref_slice %arg21[%add3A_236, %dma_start3A_420] : memref<10240x16xf32, #tpu.memory_space<vmem_shared>> -> memref<16x16xf32, #tpu.memory_space<vmem_shared>>
      tpu.enqueue_dma source(%arg19 : memref<16x16xf32, #tpu.memory_space<vmem>>) target(%dma_start3A_421 : memref<16x16xf32, #tpu.memory_space<vmem_shared>>) target_semaphore(%run_scoped3A_417 : memref<!tpu.dma_semaphore, #tpu.memory_space<semaphore_mem>>)
      %dma_wait3A_422 = arith.constant 0 : i32
      %dma_wait3A_423 = tpu.memref_slice %arg21[%add3A_236, %dma_wait3A_422] : memref<10240x16xf32, #tpu.memory_space<vmem_shared>> -> memref<16x16xf32, #tpu.memory_space<vmem_shared>>
      %dma_wait3A_424 = arith.constant 0 : i32
      %dma_wait3A_425 = tpu.memref_slice %arg21[%add3A_236, %dma_wait3A_424] : memref<10240x16xf32, #tpu.memory_space<vmem_shared>> -> memref<16x16xf32, #tpu.memory_space<vmem_shared>>
      tpu.wait_dma2 semaphore(%run_scoped3A_417 : memref<!tpu.dma_semaphore, #tpu.memory_space<semaphore_mem>>) src(%arg19 : memref<16x16xf32, #tpu.memory_space<vmem>>) dst(%dma_wait3A_425 : memref<16x16xf32, #tpu.memory_space<vmem_shared>>)
      tpu.yield
    }) : () -> ()
    %mul3A_237 = arith.constant 640 : i32
    %mul3A_238 = arith.muli %arg1, %mul3A_237 : i32
    %add3A_239 = arith.constant 224 : i32
    %add3A_240 = arith.addi %mul3A_238, %add3A_239 : i32
    "tpu.region"() ({
      %run_scoped3A_417 = tpu.sem_alloc : memref<!tpu.dma_semaphore, #tpu.memory_space<semaphore_mem>>
      %dma_start3A_418 = arith.constant 0 : i32
      %dma_start3A_419 = tpu.memref_slice %arg21[%add3A_240, %dma_start3A_418] : memref<10240x16xf32, #tpu.memory_space<vmem_shared>> -> memref<16x16xf32, #tpu.memory_space<vmem_shared>>
      %dma_start3A_420 = arith.constant 0 : i32
      %dma_start3A_421 = tpu.memref_slice %arg21[%add3A_240, %dma_start3A_420] : memref<10240x16xf32, #tpu.memory_space<vmem_shared>> -> memref<16x16xf32, #tpu.memory_space<vmem_shared>>
      tpu.enqueue_dma source(%arg19 : memref<16x16xf32, #tpu.memory_space<vmem>>) target(%dma_start3A_421 : memref<16x16xf32, #tpu.memory_space<vmem_shared>>) target_semaphore(%run_scoped3A_417 : memref<!tpu.dma_semaphore, #tpu.memory_space<semaphore_mem>>)
      %dma_wait3A_422 = arith.constant 0 : i32
      %dma_wait3A_423 = tpu.memref_slice %arg21[%add3A_240, %dma_wait3A_422] : memref<10240x16xf32, #tpu.memory_space<vmem_shared>> -> memref<16x16xf32, #tpu.memory_space<vmem_shared>>
      %dma_wait3A_424 = arith.constant 0 : i32
      %dma_wait3A_425 = tpu.memref_slice %arg21[%add3A_240, %dma_wait3A_424] : memref<10240x16xf32, #tpu.memory_space<vmem_shared>> -> memref<16x16xf32, #tpu.memory_space<vmem_shared>>
      tpu.wait_dma2 semaphore(%run_scoped3A_417 : memref<!tpu.dma_semaphore, #tpu.memory_space<semaphore_mem>>) src(%arg19 : memref<16x16xf32, #tpu.memory_space<vmem>>) dst(%dma_wait3A_425 : memref<16x16xf32, #tpu.memory_space<vmem_shared>>)
      tpu.yield
    }) : () -> ()
    %mul3A_241 = arith.constant 640 : i32
    %mul3A_242 = arith.muli %arg1, %mul3A_241 : i32
    %add3A_243 = arith.constant 240 : i32
    %add3A_244 = arith.addi %mul3A_242, %add3A_243 : i32
    "tpu.region"() ({
      %run_scoped3A_417 = tpu.sem_alloc : memref<!tpu.dma_semaphore, #tpu.memory_space<semaphore_mem>>
      %dma_start3A_418 = arith.constant 0 : i32
      %dma_start3A_419 = tpu.memref_slice %arg21[%add3A_244, %dma_start3A_418] : memref<10240x16xf32, #tpu.memory_space<vmem_shared>> -> memref<16x16xf32, #tpu.memory_space<vmem_shared>>
      %dma_start3A_420 = arith.constant 0 : i32
      %dma_start3A_421 = tpu.memref_slice %arg21[%add3A_244, %dma_start3A_420] : memref<10240x16xf32, #tpu.memory_space<vmem_shared>> -> memref<16x16xf32, #tpu.memory_space<vmem_shared>>
      tpu.enqueue_dma source(%arg19 : memref<16x16xf32, #tpu.memory_space<vmem>>) target(%dma_start3A_421 : memref<16x16xf32, #tpu.memory_space<vmem_shared>>) target_semaphore(%run_scoped3A_417 : memref<!tpu.dma_semaphore, #tpu.memory_space<semaphore_mem>>)
      %dma_wait3A_422 = arith.constant 0 : i32
      %dma_wait3A_423 = tpu.memref_slice %arg21[%add3A_244, %dma_wait3A_422] : memref<10240x16xf32, #tpu.memory_space<vmem_shared>> -> memref<16x16xf32, #tpu.memory_space<vmem_shared>>
      %dma_wait3A_424 = arith.constant 0 : i32
      %dma_wait3A_425 = tpu.memref_slice %arg21[%add3A_244, %dma_wait3A_424] : memref<10240x16xf32, #tpu.memory_space<vmem_shared>> -> memref<16x16xf32, #tpu.memory_space<vmem_shared>>
      tpu.wait_dma2 semaphore(%run_scoped3A_417 : memref<!tpu.dma_semaphore, #tpu.memory_space<semaphore_mem>>) src(%arg19 : memref<16x16xf32, #tpu.memory_space<vmem>>) dst(%dma_wait3A_425 : memref<16x16xf32, #tpu.memory_space<vmem_shared>>)
      tpu.yield
    }) : () -> ()
    %mul3A_245 = arith.constant 640 : i32
    %mul3A_246 = arith.muli %arg1, %mul3A_245 : i32
    %add3A_247 = arith.constant 256 : i32
    %add3A_248 = arith.addi %mul3A_246, %add3A_247 : i32
    "tpu.region"() ({
      %run_scoped3A_417 = tpu.sem_alloc : memref<!tpu.dma_semaphore, #tpu.memory_space<semaphore_mem>>
      %dma_start3A_418 = arith.constant 0 : i32
      %dma_start3A_419 = tpu.memref_slice %arg21[%add3A_248, %dma_start3A_418] : memref<10240x16xf32, #tpu.memory_space<vmem_shared>> -> memref<16x16xf32, #tpu.memory_space<vmem_shared>>
      %dma_start3A_420 = arith.constant 0 : i32
      %dma_start3A_421 = tpu.memref_slice %arg21[%add3A_248, %dma_start3A_420] : memref<10240x16xf32, #tpu.memory_space<vmem_shared>> -> memref<16x16xf32, #tpu.memory_space<vmem_shared>>
      tpu.enqueue_dma source(%arg19 : memref<16x16xf32, #tpu.memory_space<vmem>>) target(%dma_start3A_421 : memref<16x16xf32, #tpu.memory_space<vmem_shared>>) target_semaphore(%run_scoped3A_417 : memref<!tpu.dma_semaphore, #tpu.memory_space<semaphore_mem>>)
      %dma_wait3A_422 = arith.constant 0 : i32
      %dma_wait3A_423 = tpu.memref_slice %arg21[%add3A_248, %dma_wait3A_422] : memref<10240x16xf32, #tpu.memory_space<vmem_shared>> -> memref<16x16xf32, #tpu.memory_space<vmem_shared>>
      %dma_wait3A_424 = arith.constant 0 : i32
      %dma_wait3A_425 = tpu.memref_slice %arg21[%add3A_248, %dma_wait3A_424] : memref<10240x16xf32, #tpu.memory_space<vmem_shared>> -> memref<16x16xf32, #tpu.memory_space<vmem_shared>>
      tpu.wait_dma2 semaphore(%run_scoped3A_417 : memref<!tpu.dma_semaphore, #tpu.memory_space<semaphore_mem>>) src(%arg19 : memref<16x16xf32, #tpu.memory_space<vmem>>) dst(%dma_wait3A_425 : memref<16x16xf32, #tpu.memory_space<vmem_shared>>)
      tpu.yield
    }) : () -> ()
    %mul3A_249 = arith.constant 640 : i32
    %mul3A_250 = arith.muli %arg1, %mul3A_249 : i32
    %add3A_251 = arith.constant 272 : i32
    %add3A_252 = arith.addi %mul3A_250, %add3A_251 : i32
    "tpu.region"() ({
      %run_scoped3A_417 = tpu.sem_alloc : memref<!tpu.dma_semaphore, #tpu.memory_space<semaphore_mem>>
      %dma_start3A_418 = arith.constant 0 : i32
      %dma_start3A_419 = tpu.memref_slice %arg21[%add3A_252, %dma_start3A_418] : memref<10240x16xf32, #tpu.memory_space<vmem_shared>> -> memref<16x16xf32, #tpu.memory_space<vmem_shared>>
      %dma_start3A_420 = arith.constant 0 : i32
      %dma_start3A_421 = tpu.memref_slice %arg21[%add3A_252, %dma_start3A_420] : memref<10240x16xf32, #tpu.memory_space<vmem_shared>> -> memref<16x16xf32, #tpu.memory_space<vmem_shared>>
      tpu.enqueue_dma source(%arg19 : memref<16x16xf32, #tpu.memory_space<vmem>>) target(%dma_start3A_421 : memref<16x16xf32, #tpu.memory_space<vmem_shared>>) target_semaphore(%run_scoped3A_417 : memref<!tpu.dma_semaphore, #tpu.memory_space<semaphore_mem>>)
      %dma_wait3A_422 = arith.constant 0 : i32
      %dma_wait3A_423 = tpu.memref_slice %arg21[%add3A_252, %dma_wait3A_422] : memref<10240x16xf32, #tpu.memory_space<vmem_shared>> -> memref<16x16xf32, #tpu.memory_space<vmem_shared>>
      %dma_wait3A_424 = arith.constant 0 : i32
      %dma_wait3A_425 = tpu.memref_slice %arg21[%add3A_252, %dma_wait3A_424] : memref<10240x16xf32, #tpu.memory_space<vmem_shared>> -> memref<16x16xf32, #tpu.memory_space<vmem_shared>>
      tpu.wait_dma2 semaphore(%run_scoped3A_417 : memref<!tpu.dma_semaphore, #tpu.memory_space<semaphore_mem>>) src(%arg19 : memref<16x16xf32, #tpu.memory_space<vmem>>) dst(%dma_wait3A_425 : memref<16x16xf32, #tpu.memory_space<vmem_shared>>)
      tpu.yield
    }) : () -> ()
    %mul3A_253 = arith.constant 640 : i32
    %mul3A_254 = arith.muli %arg1, %mul3A_253 : i32
    %add3A_255 = arith.constant 288 : i32
    %add3A_256 = arith.addi %mul3A_254, %add3A_255 : i32
    "tpu.region"() ({
      %run_scoped3A_417 = tpu.sem_alloc : memref<!tpu.dma_semaphore, #tpu.memory_space<semaphore_mem>>
      %dma_start3A_418 = arith.constant 0 : i32
      %dma_start3A_419 = tpu.memref_slice %arg21[%add3A_256, %dma_start3A_418] : memref<10240x16xf32, #tpu.memory_space<vmem_shared>> -> memref<16x16xf32, #tpu.memory_space<vmem_shared>>
      %dma_start3A_420 = arith.constant 0 : i32
      %dma_start3A_421 = tpu.memref_slice %arg21[%add3A_256, %dma_start3A_420] : memref<10240x16xf32, #tpu.memory_space<vmem_shared>> -> memref<16x16xf32, #tpu.memory_space<vmem_shared>>
      tpu.enqueue_dma source(%arg19 : memref<16x16xf32, #tpu.memory_space<vmem>>) target(%dma_start3A_421 : memref<16x16xf32, #tpu.memory_space<vmem_shared>>) target_semaphore(%run_scoped3A_417 : memref<!tpu.dma_semaphore, #tpu.memory_space<semaphore_mem>>)
      %dma_wait3A_422 = arith.constant 0 : i32
      %dma_wait3A_423 = tpu.memref_slice %arg21[%add3A_256, %dma_wait3A_422] : memref<10240x16xf32, #tpu.memory_space<vmem_shared>> -> memref<16x16xf32, #tpu.memory_space<vmem_shared>>
      %dma_wait3A_424 = arith.constant 0 : i32
      %dma_wait3A_425 = tpu.memref_slice %arg21[%add3A_256, %dma_wait3A_424] : memref<10240x16xf32, #tpu.memory_space<vmem_shared>> -> memref<16x16xf32, #tpu.memory_space<vmem_shared>>
      tpu.wait_dma2 semaphore(%run_scoped3A_417 : memref<!tpu.dma_semaphore, #tpu.memory_space<semaphore_mem>>) src(%arg19 : memref<16x16xf32, #tpu.memory_space<vmem>>) dst(%dma_wait3A_425 : memref<16x16xf32, #tpu.memory_space<vmem_shared>>)
      tpu.yield
    }) : () -> ()
    %mul3A_257 = arith.constant 640 : i32
    %mul3A_258 = arith.muli %arg1, %mul3A_257 : i32
    %add3A_259 = arith.constant 304 : i32
    %add3A_260 = arith.addi %mul3A_258, %add3A_259 : i32
    "tpu.region"() ({
      %run_scoped3A_417 = tpu.sem_alloc : memref<!tpu.dma_semaphore, #tpu.memory_space<semaphore_mem>>
      %dma_start3A_418 = arith.constant 0 : i32
      %dma_start3A_419 = tpu.memref_slice %arg21[%add3A_260, %dma_start3A_418] : memref<10240x16xf32, #tpu.memory_space<vmem_shared>> -> memref<16x16xf32, #tpu.memory_space<vmem_shared>>
      %dma_start3A_420 = arith.constant 0 : i32
      %dma_start3A_421 = tpu.memref_slice %arg21[%add3A_260, %dma_start3A_420] : memref<10240x16xf32, #tpu.memory_space<vmem_shared>> -> memref<16x16xf32, #tpu.memory_space<vmem_shared>>
      tpu.enqueue_dma source(%arg19 : memref<16x16xf32, #tpu.memory_space<vmem>>) target(%dma_start3A_421 : memref<16x16xf32, #tpu.memory_space<vmem_shared>>) target_semaphore(%run_scoped3A_417 : memref<!tpu.dma_semaphore, #tpu.memory_space<semaphore_mem>>)
      %dma_wait3A_422 = arith.constant 0 : i32
      %dma_wait3A_423 = tpu.memref_slice %arg21[%add3A_260, %dma_wait3A_422] : memref<10240x16xf32, #tpu.memory_space<vmem_shared>> -> memref<16x16xf32, #tpu.memory_space<vmem_shared>>
      %dma_wait3A_424 = arith.constant 0 : i32
      %dma_wait3A_425 = tpu.memref_slice %arg21[%add3A_260, %dma_wait3A_424] : memref<10240x16xf32, #tpu.memory_space<vmem_shared>> -> memref<16x16xf32, #tpu.memory_space<vmem_shared>>
      tpu.wait_dma2 semaphore(%run_scoped3A_417 : memref<!tpu.dma_semaphore, #tpu.memory_space<semaphore_mem>>) src(%arg19 : memref<16x16xf32, #tpu.memory_space<vmem>>) dst(%dma_wait3A_425 : memref<16x16xf32, #tpu.memory_space<vmem_shared>>)
      tpu.yield
    }) : () -> ()
    %mul3A_261 = arith.constant 640 : i32
    %mul3A_262 = arith.muli %arg1, %mul3A_261 : i32
    %add3A_263 = arith.constant 320 : i32
    %add3A_264 = arith.addi %mul3A_262, %add3A_263 : i32
    "tpu.region"() ({
      %run_scoped3A_417 = tpu.sem_alloc : memref<!tpu.dma_semaphore, #tpu.memory_space<semaphore_mem>>
      %dma_start3A_418 = arith.constant 0 : i32
      %dma_start3A_419 = tpu.memref_slice %arg21[%add3A_264, %dma_start3A_418] : memref<10240x16xf32, #tpu.memory_space<vmem_shared>> -> memref<16x16xf32, #tpu.memory_space<vmem_shared>>
      %dma_start3A_420 = arith.constant 0 : i32
      %dma_start3A_421 = tpu.memref_slice %arg21[%add3A_264, %dma_start3A_420] : memref<10240x16xf32, #tpu.memory_space<vmem_shared>> -> memref<16x16xf32, #tpu.memory_space<vmem_shared>>
      tpu.enqueue_dma source(%arg19 : memref<16x16xf32, #tpu.memory_space<vmem>>) target(%dma_start3A_421 : memref<16x16xf32, #tpu.memory_space<vmem_shared>>) target_semaphore(%run_scoped3A_417 : memref<!tpu.dma_semaphore, #tpu.memory_space<semaphore_mem>>)
      %dma_wait3A_422 = arith.constant 0 : i32
      %dma_wait3A_423 = tpu.memref_slice %arg21[%add3A_264, %dma_wait3A_422] : memref<10240x16xf32, #tpu.memory_space<vmem_shared>> -> memref<16x16xf32, #tpu.memory_space<vmem_shared>>
      %dma_wait3A_424 = arith.constant 0 : i32
      %dma_wait3A_425 = tpu.memref_slice %arg21[%add3A_264, %dma_wait3A_424] : memref<10240x16xf32, #tpu.memory_space<vmem_shared>> -> memref<16x16xf32, #tpu.memory_space<vmem_shared>>
      tpu.wait_dma2 semaphore(%run_scoped3A_417 : memref<!tpu.dma_semaphore, #tpu.memory_space<semaphore_mem>>) src(%arg19 : memref<16x16xf32, #tpu.memory_space<vmem>>) dst(%dma_wait3A_425 : memref<16x16xf32, #tpu.memory_space<vmem_shared>>)
      tpu.yield
    }) : () -> ()
    %mul3A_265 = arith.constant 640 : i32
    %mul3A_266 = arith.muli %arg1, %mul3A_265 : i32
    %add3A_267 = arith.constant 336 : i32
    %add3A_268 = arith.addi %mul3A_266, %add3A_267 : i32
    "tpu.region"() ({
      %run_scoped3A_417 = tpu.sem_alloc : memref<!tpu.dma_semaphore, #tpu.memory_space<semaphore_mem>>
      %dma_start3A_418 = arith.constant 0 : i32
      %dma_start3A_419 = tpu.memref_slice %arg21[%add3A_268, %dma_start3A_418] : memref<10240x16xf32, #tpu.memory_space<vmem_shared>> -> memref<16x16xf32, #tpu.memory_space<vmem_shared>>
      %dma_start3A_420 = arith.constant 0 : i32
      %dma_start3A_421 = tpu.memref_slice %arg21[%add3A_268, %dma_start3A_420] : memref<10240x16xf32, #tpu.memory_space<vmem_shared>> -> memref<16x16xf32, #tpu.memory_space<vmem_shared>>
      tpu.enqueue_dma source(%arg19 : memref<16x16xf32, #tpu.memory_space<vmem>>) target(%dma_start3A_421 : memref<16x16xf32, #tpu.memory_space<vmem_shared>>) target_semaphore(%run_scoped3A_417 : memref<!tpu.dma_semaphore, #tpu.memory_space<semaphore_mem>>)
      %dma_wait3A_422 = arith.constant 0 : i32
      %dma_wait3A_423 = tpu.memref_slice %arg21[%add3A_268, %dma_wait3A_422] : memref<10240x16xf32, #tpu.memory_space<vmem_shared>> -> memref<16x16xf32, #tpu.memory_space<vmem_shared>>
      %dma_wait3A_424 = arith.constant 0 : i32
      %dma_wait3A_425 = tpu.memref_slice %arg21[%add3A_268, %dma_wait3A_424] : memref<10240x16xf32, #tpu.memory_space<vmem_shared>> -> memref<16x16xf32, #tpu.memory_space<vmem_shared>>
      tpu.wait_dma2 semaphore(%run_scoped3A_417 : memref<!tpu.dma_semaphore, #tpu.memory_space<semaphore_mem>>) src(%arg19 : memref<16x16xf32, #tpu.memory_space<vmem>>) dst(%dma_wait3A_425 : memref<16x16xf32, #tpu.memory_space<vmem_shared>>)
      tpu.yield
    }) : () -> ()
    %mul3A_269 = arith.constant 640 : i32
    %mul3A_270 = arith.muli %arg1, %mul3A_269 : i32
    %add3A_271 = arith.constant 352 : i32
    %add3A_272 = arith.addi %mul3A_270, %add3A_271 : i32
    "tpu.region"() ({
      %run_scoped3A_417 = tpu.sem_alloc : memref<!tpu.dma_semaphore, #tpu.memory_space<semaphore_mem>>
      %dma_start3A_418 = arith.constant 0 : i32
      %dma_start3A_419 = tpu.memref_slice %arg21[%add3A_272, %dma_start3A_418] : memref<10240x16xf32, #tpu.memory_space<vmem_shared>> -> memref<16x16xf32, #tpu.memory_space<vmem_shared>>
      %dma_start3A_420 = arith.constant 0 : i32
      %dma_start3A_421 = tpu.memref_slice %arg21[%add3A_272, %dma_start3A_420] : memref<10240x16xf32, #tpu.memory_space<vmem_shared>> -> memref<16x16xf32, #tpu.memory_space<vmem_shared>>
      tpu.enqueue_dma source(%arg19 : memref<16x16xf32, #tpu.memory_space<vmem>>) target(%dma_start3A_421 : memref<16x16xf32, #tpu.memory_space<vmem_shared>>) target_semaphore(%run_scoped3A_417 : memref<!tpu.dma_semaphore, #tpu.memory_space<semaphore_mem>>)
      %dma_wait3A_422 = arith.constant 0 : i32
      %dma_wait3A_423 = tpu.memref_slice %arg21[%add3A_272, %dma_wait3A_422] : memref<10240x16xf32, #tpu.memory_space<vmem_shared>> -> memref<16x16xf32, #tpu.memory_space<vmem_shared>>
      %dma_wait3A_424 = arith.constant 0 : i32
      %dma_wait3A_425 = tpu.memref_slice %arg21[%add3A_272, %dma_wait3A_424] : memref<10240x16xf32, #tpu.memory_space<vmem_shared>> -> memref<16x16xf32, #tpu.memory_space<vmem_shared>>
      tpu.wait_dma2 semaphore(%run_scoped3A_417 : memref<!tpu.dma_semaphore, #tpu.memory_space<semaphore_mem>>) src(%arg19 : memref<16x16xf32, #tpu.memory_space<vmem>>) dst(%dma_wait3A_425 : memref<16x16xf32, #tpu.memory_space<vmem_shared>>)
      tpu.yield
    }) : () -> ()
    %mul3A_273 = arith.constant 640 : i32
    %mul3A_274 = arith.muli %arg1, %mul3A_273 : i32
    %add3A_275 = arith.constant 368 : i32
    %add3A_276 = arith.addi %mul3A_274, %add3A_275 : i32
    "tpu.region"() ({
      %run_scoped3A_417 = tpu.sem_alloc : memref<!tpu.dma_semaphore, #tpu.memory_space<semaphore_mem>>
      %dma_start3A_418 = arith.constant 0 : i32
      %dma_start3A_419 = tpu.memref_slice %arg21[%add3A_276, %dma_start3A_418] : memref<10240x16xf32, #tpu.memory_space<vmem_shared>> -> memref<16x16xf32, #tpu.memory_space<vmem_shared>>
      %dma_start3A_420 = arith.constant 0 : i32
      %dma_start3A_421 = tpu.memref_slice %arg21[%add3A_276, %dma_start3A_420] : memref<10240x16xf32, #tpu.memory_space<vmem_shared>> -> memref<16x16xf32, #tpu.memory_space<vmem_shared>>
      tpu.enqueue_dma source(%arg19 : memref<16x16xf32, #tpu.memory_space<vmem>>) target(%dma_start3A_421 : memref<16x16xf32, #tpu.memory_space<vmem_shared>>) target_semaphore(%run_scoped3A_417 : memref<!tpu.dma_semaphore, #tpu.memory_space<semaphore_mem>>)
      %dma_wait3A_422 = arith.constant 0 : i32
      %dma_wait3A_423 = tpu.memref_slice %arg21[%add3A_276, %dma_wait3A_422] : memref<10240x16xf32, #tpu.memory_space<vmem_shared>> -> memref<16x16xf32, #tpu.memory_space<vmem_shared>>
      %dma_wait3A_424 = arith.constant 0 : i32
      %dma_wait3A_425 = tpu.memref_slice %arg21[%add3A_276, %dma_wait3A_424] : memref<10240x16xf32, #tpu.memory_space<vmem_shared>> -> memref<16x16xf32, #tpu.memory_space<vmem_shared>>
      tpu.wait_dma2 semaphore(%run_scoped3A_417 : memref<!tpu.dma_semaphore, #tpu.memory_space<semaphore_mem>>) src(%arg19 : memref<16x16xf32, #tpu.memory_space<vmem>>) dst(%dma_wait3A_425 : memref<16x16xf32, #tpu.memory_space<vmem_shared>>)
      tpu.yield
    }) : () -> ()
    %mul3A_277 = arith.constant 640 : i32
    %mul3A_278 = arith.muli %arg1, %mul3A_277 : i32
    %add3A_279 = arith.constant 384 : i32
    %add3A_280 = arith.addi %mul3A_278, %add3A_279 : i32
    "tpu.region"() ({
      %run_scoped3A_417 = tpu.sem_alloc : memref<!tpu.dma_semaphore, #tpu.memory_space<semaphore_mem>>
      %dma_start3A_418 = arith.constant 0 : i32
      %dma_start3A_419 = tpu.memref_slice %arg21[%add3A_280, %dma_start3A_418] : memref<10240x16xf32, #tpu.memory_space<vmem_shared>> -> memref<16x16xf32, #tpu.memory_space<vmem_shared>>
      %dma_start3A_420 = arith.constant 0 : i32
      %dma_start3A_421 = tpu.memref_slice %arg21[%add3A_280, %dma_start3A_420] : memref<10240x16xf32, #tpu.memory_space<vmem_shared>> -> memref<16x16xf32, #tpu.memory_space<vmem_shared>>
      tpu.enqueue_dma source(%arg19 : memref<16x16xf32, #tpu.memory_space<vmem>>) target(%dma_start3A_421 : memref<16x16xf32, #tpu.memory_space<vmem_shared>>) target_semaphore(%run_scoped3A_417 : memref<!tpu.dma_semaphore, #tpu.memory_space<semaphore_mem>>)
      %dma_wait3A_422 = arith.constant 0 : i32
      %dma_wait3A_423 = tpu.memref_slice %arg21[%add3A_280, %dma_wait3A_422] : memref<10240x16xf32, #tpu.memory_space<vmem_shared>> -> memref<16x16xf32, #tpu.memory_space<vmem_shared>>
      %dma_wait3A_424 = arith.constant 0 : i32
      %dma_wait3A_425 = tpu.memref_slice %arg21[%add3A_280, %dma_wait3A_424] : memref<10240x16xf32, #tpu.memory_space<vmem_shared>> -> memref<16x16xf32, #tpu.memory_space<vmem_shared>>
      tpu.wait_dma2 semaphore(%run_scoped3A_417 : memref<!tpu.dma_semaphore, #tpu.memory_space<semaphore_mem>>) src(%arg19 : memref<16x16xf32, #tpu.memory_space<vmem>>) dst(%dma_wait3A_425 : memref<16x16xf32, #tpu.memory_space<vmem_shared>>)
      tpu.yield
    }) : () -> ()
    %mul3A_281 = arith.constant 640 : i32
    %mul3A_282 = arith.muli %arg1, %mul3A_281 : i32
    %add3A_283 = arith.constant 400 : i32
    %add3A_284 = arith.addi %mul3A_282, %add3A_283 : i32
    "tpu.region"() ({
      %run_scoped3A_417 = tpu.sem_alloc : memref<!tpu.dma_semaphore, #tpu.memory_space<semaphore_mem>>
      %dma_start3A_418 = arith.constant 0 : i32
      %dma_start3A_419 = tpu.memref_slice %arg21[%add3A_284, %dma_start3A_418] : memref<10240x16xf32, #tpu.memory_space<vmem_shared>> -> memref<16x16xf32, #tpu.memory_space<vmem_shared>>
      %dma_start3A_420 = arith.constant 0 : i32
      %dma_start3A_421 = tpu.memref_slice %arg21[%add3A_284, %dma_start3A_420] : memref<10240x16xf32, #tpu.memory_space<vmem_shared>> -> memref<16x16xf32, #tpu.memory_space<vmem_shared>>
      tpu.enqueue_dma source(%arg19 : memref<16x16xf32, #tpu.memory_space<vmem>>) target(%dma_start3A_421 : memref<16x16xf32, #tpu.memory_space<vmem_shared>>) target_semaphore(%run_scoped3A_417 : memref<!tpu.dma_semaphore, #tpu.memory_space<semaphore_mem>>)
      %dma_wait3A_422 = arith.constant 0 : i32
      %dma_wait3A_423 = tpu.memref_slice %arg21[%add3A_284, %dma_wait3A_422] : memref<10240x16xf32, #tpu.memory_space<vmem_shared>> -> memref<16x16xf32, #tpu.memory_space<vmem_shared>>
      %dma_wait3A_424 = arith.constant 0 : i32
      %dma_wait3A_425 = tpu.memref_slice %arg21[%add3A_284, %dma_wait3A_424] : memref<10240x16xf32, #tpu.memory_space<vmem_shared>> -> memref<16x16xf32, #tpu.memory_space<vmem_shared>>
      tpu.wait_dma2 semaphore(%run_scoped3A_417 : memref<!tpu.dma_semaphore, #tpu.memory_space<semaphore_mem>>) src(%arg19 : memref<16x16xf32, #tpu.memory_space<vmem>>) dst(%dma_wait3A_425 : memref<16x16xf32, #tpu.memory_space<vmem_shared>>)
      tpu.yield
    }) : () -> ()
    %mul3A_285 = arith.constant 640 : i32
    %mul3A_286 = arith.muli %arg1, %mul3A_285 : i32
    %add3A_287 = arith.constant 416 : i32
    %add3A_288 = arith.addi %mul3A_286, %add3A_287 : i32
    "tpu.region"() ({
      %run_scoped3A_417 = tpu.sem_alloc : memref<!tpu.dma_semaphore, #tpu.memory_space<semaphore_mem>>
      %dma_start3A_418 = arith.constant 0 : i32
      %dma_start3A_419 = tpu.memref_slice %arg21[%add3A_288, %dma_start3A_418] : memref<10240x16xf32, #tpu.memory_space<vmem_shared>> -> memref<16x16xf32, #tpu.memory_space<vmem_shared>>
      %dma_start3A_420 = arith.constant 0 : i32
      %dma_start3A_421 = tpu.memref_slice %arg21[%add3A_288, %dma_start3A_420] : memref<10240x16xf32, #tpu.memory_space<vmem_shared>> -> memref<16x16xf32, #tpu.memory_space<vmem_shared>>
      tpu.enqueue_dma source(%arg19 : memref<16x16xf32, #tpu.memory_space<vmem>>) target(%dma_start3A_421 : memref<16x16xf32, #tpu.memory_space<vmem_shared>>) target_semaphore(%run_scoped3A_417 : memref<!tpu.dma_semaphore, #tpu.memory_space<semaphore_mem>>)
      %dma_wait3A_422 = arith.constant 0 : i32
      %dma_wait3A_423 = tpu.memref_slice %arg21[%add3A_288, %dma_wait3A_422] : memref<10240x16xf32, #tpu.memory_space<vmem_shared>> -> memref<16x16xf32, #tpu.memory_space<vmem_shared>>
      %dma_wait3A_424 = arith.constant 0 : i32
      %dma_wait3A_425 = tpu.memref_slice %arg21[%add3A_288, %dma_wait3A_424] : memref<10240x16xf32, #tpu.memory_space<vmem_shared>> -> memref<16x16xf32, #tpu.memory_space<vmem_shared>>
      tpu.wait_dma2 semaphore(%run_scoped3A_417 : memref<!tpu.dma_semaphore, #tpu.memory_space<semaphore_mem>>) src(%arg19 : memref<16x16xf32, #tpu.memory_space<vmem>>) dst(%dma_wait3A_425 : memref<16x16xf32, #tpu.memory_space<vmem_shared>>)
      tpu.yield
    }) : () -> ()
    %mul3A_289 = arith.constant 640 : i32
    %mul3A_290 = arith.muli %arg1, %mul3A_289 : i32
    %add3A_291 = arith.constant 432 : i32
    %add3A_292 = arith.addi %mul3A_290, %add3A_291 : i32
    "tpu.region"() ({
      %run_scoped3A_417 = tpu.sem_alloc : memref<!tpu.dma_semaphore, #tpu.memory_space<semaphore_mem>>
      %dma_start3A_418 = arith.constant 0 : i32
      %dma_start3A_419 = tpu.memref_slice %arg21[%add3A_292, %dma_start3A_418] : memref<10240x16xf32, #tpu.memory_space<vmem_shared>> -> memref<16x16xf32, #tpu.memory_space<vmem_shared>>
      %dma_start3A_420 = arith.constant 0 : i32
      %dma_start3A_421 = tpu.memref_slice %arg21[%add3A_292, %dma_start3A_420] : memref<10240x16xf32, #tpu.memory_space<vmem_shared>> -> memref<16x16xf32, #tpu.memory_space<vmem_shared>>
      tpu.enqueue_dma source(%arg19 : memref<16x16xf32, #tpu.memory_space<vmem>>) target(%dma_start3A_421 : memref<16x16xf32, #tpu.memory_space<vmem_shared>>) target_semaphore(%run_scoped3A_417 : memref<!tpu.dma_semaphore, #tpu.memory_space<semaphore_mem>>)
      %dma_wait3A_422 = arith.constant 0 : i32
      %dma_wait3A_423 = tpu.memref_slice %arg21[%add3A_292, %dma_wait3A_422] : memref<10240x16xf32, #tpu.memory_space<vmem_shared>> -> memref<16x16xf32, #tpu.memory_space<vmem_shared>>
      %dma_wait3A_424 = arith.constant 0 : i32
      %dma_wait3A_425 = tpu.memref_slice %arg21[%add3A_292, %dma_wait3A_424] : memref<10240x16xf32, #tpu.memory_space<vmem_shared>> -> memref<16x16xf32, #tpu.memory_space<vmem_shared>>
      tpu.wait_dma2 semaphore(%run_scoped3A_417 : memref<!tpu.dma_semaphore, #tpu.memory_space<semaphore_mem>>) src(%arg19 : memref<16x16xf32, #tpu.memory_space<vmem>>) dst(%dma_wait3A_425 : memref<16x16xf32, #tpu.memory_space<vmem_shared>>)
      tpu.yield
    }) : () -> ()
    %mul3A_293 = arith.constant 640 : i32
    %mul3A_294 = arith.muli %arg1, %mul3A_293 : i32
    %add3A_295 = arith.constant 448 : i32
    %add3A_296 = arith.addi %mul3A_294, %add3A_295 : i32
    "tpu.region"() ({
      %run_scoped3A_417 = tpu.sem_alloc : memref<!tpu.dma_semaphore, #tpu.memory_space<semaphore_mem>>
      %dma_start3A_418 = arith.constant 0 : i32
      %dma_start3A_419 = tpu.memref_slice %arg21[%add3A_296, %dma_start3A_418] : memref<10240x16xf32, #tpu.memory_space<vmem_shared>> -> memref<16x16xf32, #tpu.memory_space<vmem_shared>>
      %dma_start3A_420 = arith.constant 0 : i32
      %dma_start3A_421 = tpu.memref_slice %arg21[%add3A_296, %dma_start3A_420] : memref<10240x16xf32, #tpu.memory_space<vmem_shared>> -> memref<16x16xf32, #tpu.memory_space<vmem_shared>>
      tpu.enqueue_dma source(%arg19 : memref<16x16xf32, #tpu.memory_space<vmem>>) target(%dma_start3A_421 : memref<16x16xf32, #tpu.memory_space<vmem_shared>>) target_semaphore(%run_scoped3A_417 : memref<!tpu.dma_semaphore, #tpu.memory_space<semaphore_mem>>)
      %dma_wait3A_422 = arith.constant 0 : i32
      %dma_wait3A_423 = tpu.memref_slice %arg21[%add3A_296, %dma_wait3A_422] : memref<10240x16xf32, #tpu.memory_space<vmem_shared>> -> memref<16x16xf32, #tpu.memory_space<vmem_shared>>
      %dma_wait3A_424 = arith.constant 0 : i32
      %dma_wait3A_425 = tpu.memref_slice %arg21[%add3A_296, %dma_wait3A_424] : memref<10240x16xf32, #tpu.memory_space<vmem_shared>> -> memref<16x16xf32, #tpu.memory_space<vmem_shared>>
      tpu.wait_dma2 semaphore(%run_scoped3A_417 : memref<!tpu.dma_semaphore, #tpu.memory_space<semaphore_mem>>) src(%arg19 : memref<16x16xf32, #tpu.memory_space<vmem>>) dst(%dma_wait3A_425 : memref<16x16xf32, #tpu.memory_space<vmem_shared>>)
      tpu.yield
    }) : () -> ()
    %mul3A_297 = arith.constant 640 : i32
    %mul3A_298 = arith.muli %arg1, %mul3A_297 : i32
    %add3A_299 = arith.constant 464 : i32
    %add3A_300 = arith.addi %mul3A_298, %add3A_299 : i32
    "tpu.region"() ({
      %run_scoped3A_417 = tpu.sem_alloc : memref<!tpu.dma_semaphore, #tpu.memory_space<semaphore_mem>>
      %dma_start3A_418 = arith.constant 0 : i32
      %dma_start3A_419 = tpu.memref_slice %arg21[%add3A_300, %dma_start3A_418] : memref<10240x16xf32, #tpu.memory_space<vmem_shared>> -> memref<16x16xf32, #tpu.memory_space<vmem_shared>>
      %dma_start3A_420 = arith.constant 0 : i32
      %dma_start3A_421 = tpu.memref_slice %arg21[%add3A_300, %dma_start3A_420] : memref<10240x16xf32, #tpu.memory_space<vmem_shared>> -> memref<16x16xf32, #tpu.memory_space<vmem_shared>>
      tpu.enqueue_dma source(%arg19 : memref<16x16xf32, #tpu.memory_space<vmem>>) target(%dma_start3A_421 : memref<16x16xf32, #tpu.memory_space<vmem_shared>>) target_semaphore(%run_scoped3A_417 : memref<!tpu.dma_semaphore, #tpu.memory_space<semaphore_mem>>)
      %dma_wait3A_422 = arith.constant 0 : i32
      %dma_wait3A_423 = tpu.memref_slice %arg21[%add3A_300, %dma_wait3A_422] : memref<10240x16xf32, #tpu.memory_space<vmem_shared>> -> memref<16x16xf32, #tpu.memory_space<vmem_shared>>
      %dma_wait3A_424 = arith.constant 0 : i32
      %dma_wait3A_425 = tpu.memref_slice %arg21[%add3A_300, %dma_wait3A_424] : memref<10240x16xf32, #tpu.memory_space<vmem_shared>> -> memref<16x16xf32, #tpu.memory_space<vmem_shared>>
      tpu.wait_dma2 semaphore(%run_scoped3A_417 : memref<!tpu.dma_semaphore, #tpu.memory_space<semaphore_mem>>) src(%arg19 : memref<16x16xf32, #tpu.memory_space<vmem>>) dst(%dma_wait3A_425 : memref<16x16xf32, #tpu.memory_space<vmem_shared>>)
      tpu.yield
    }) : () -> ()
    %mul3A_301 = arith.constant 640 : i32
    %mul3A_302 = arith.muli %arg1, %mul3A_301 : i32
    %add3A_303 = arith.constant 480 : i32
    %add3A_304 = arith.addi %mul3A_302, %add3A_303 : i32
    "tpu.region"() ({
      %run_scoped3A_417 = tpu.sem_alloc : memref<!tpu.dma_semaphore, #tpu.memory_space<semaphore_mem>>
      %dma_start3A_418 = arith.constant 0 : i32
      %dma_start3A_419 = tpu.memref_slice %arg21[%add3A_304, %dma_start3A_418] : memref<10240x16xf32, #tpu.memory_space<vmem_shared>> -> memref<16x16xf32, #tpu.memory_space<vmem_shared>>
      %dma_start3A_420 = arith.constant 0 : i32
      %dma_start3A_421 = tpu.memref_slice %arg21[%add3A_304, %dma_start3A_420] : memref<10240x16xf32, #tpu.memory_space<vmem_shared>> -> memref<16x16xf32, #tpu.memory_space<vmem_shared>>
      tpu.enqueue_dma source(%arg19 : memref<16x16xf32, #tpu.memory_space<vmem>>) target(%dma_start3A_421 : memref<16x16xf32, #tpu.memory_space<vmem_shared>>) target_semaphore(%run_scoped3A_417 : memref<!tpu.dma_semaphore, #tpu.memory_space<semaphore_mem>>)
      %dma_wait3A_422 = arith.constant 0 : i32
      %dma_wait3A_423 = tpu.memref_slice %arg21[%add3A_304, %dma_wait3A_422] : memref<10240x16xf32, #tpu.memory_space<vmem_shared>> -> memref<16x16xf32, #tpu.memory_space<vmem_shared>>
      %dma_wait3A_424 = arith.constant 0 : i32
      %dma_wait3A_425 = tpu.memref_slice %arg21[%add3A_304, %dma_wait3A_424] : memref<10240x16xf32, #tpu.memory_space<vmem_shared>> -> memref<16x16xf32, #tpu.memory_space<vmem_shared>>
      tpu.wait_dma2 semaphore(%run_scoped3A_417 : memref<!tpu.dma_semaphore, #tpu.memory_space<semaphore_mem>>) src(%arg19 : memref<16x16xf32, #tpu.memory_space<vmem>>) dst(%dma_wait3A_425 : memref<16x16xf32, #tpu.memory_space<vmem_shared>>)
      tpu.yield
    }) : () -> ()
    %mul3A_305 = arith.constant 640 : i32
    %mul3A_306 = arith.muli %arg1, %mul3A_305 : i32
    %add3A_307 = arith.constant 496 : i32
    %add3A_308 = arith.addi %mul3A_306, %add3A_307 : i32
    "tpu.region"() ({
      %run_scoped3A_417 = tpu.sem_alloc : memref<!tpu.dma_semaphore, #tpu.memory_space<semaphore_mem>>
      %dma_start3A_418 = arith.constant 0 : i32
      %dma_start3A_419 = tpu.memref_slice %arg21[%add3A_308, %dma_start3A_418] : memref<10240x16xf32, #tpu.memory_space<vmem_shared>> -> memref<16x16xf32, #tpu.memory_space<vmem_shared>>
      %dma_start3A_420 = arith.constant 0 : i32
      %dma_start3A_421 = tpu.memref_slice %arg21[%add3A_308, %dma_start3A_420] : memref<10240x16xf32, #tpu.memory_space<vmem_shared>> -> memref<16x16xf32, #tpu.memory_space<vmem_shared>>
      tpu.enqueue_dma source(%arg19 : memref<16x16xf32, #tpu.memory_space<vmem>>) target(%dma_start3A_421 : memref<16x16xf32, #tpu.memory_space<vmem_shared>>) target_semaphore(%run_scoped3A_417 : memref<!tpu.dma_semaphore, #tpu.memory_space<semaphore_mem>>)
      %dma_wait3A_422 = arith.constant 0 : i32
      %dma_wait3A_423 = tpu.memref_slice %arg21[%add3A_308, %dma_wait3A_422] : memref<10240x16xf32, #tpu.memory_space<vmem_shared>> -> memref<16x16xf32, #tpu.memory_space<vmem_shared>>
      %dma_wait3A_424 = arith.constant 0 : i32
      %dma_wait3A_425 = tpu.memref_slice %arg21[%add3A_308, %dma_wait3A_424] : memref<10240x16xf32, #tpu.memory_space<vmem_shared>> -> memref<16x16xf32, #tpu.memory_space<vmem_shared>>
      tpu.wait_dma2 semaphore(%run_scoped3A_417 : memref<!tpu.dma_semaphore, #tpu.memory_space<semaphore_mem>>) src(%arg19 : memref<16x16xf32, #tpu.memory_space<vmem>>) dst(%dma_wait3A_425 : memref<16x16xf32, #tpu.memory_space<vmem_shared>>)
      tpu.yield
    }) : () -> ()
    %mul3A_309 = arith.constant 640 : i32
    %mul3A_310 = arith.muli %arg1, %mul3A_309 : i32
    %add3A_311 = arith.constant 512 : i32
    %add3A_312 = arith.addi %mul3A_310, %add3A_311 : i32
    "tpu.region"() ({
      %run_scoped3A_417 = tpu.sem_alloc : memref<!tpu.dma_semaphore, #tpu.memory_space<semaphore_mem>>
      %dma_start3A_418 = arith.constant 0 : i32
      %dma_start3A_419 = tpu.memref_slice %arg21[%add3A_312, %dma_start3A_418] : memref<10240x16xf32, #tpu.memory_space<vmem_shared>> -> memref<16x16xf32, #tpu.memory_space<vmem_shared>>
      %dma_start3A_420 = arith.constant 0 : i32
      %dma_start3A_421 = tpu.memref_slice %arg21[%add3A_312, %dma_start3A_420] : memref<10240x16xf32, #tpu.memory_space<vmem_shared>> -> memref<16x16xf32, #tpu.memory_space<vmem_shared>>
      tpu.enqueue_dma source(%arg19 : memref<16x16xf32, #tpu.memory_space<vmem>>) target(%dma_start3A_421 : memref<16x16xf32, #tpu.memory_space<vmem_shared>>) target_semaphore(%run_scoped3A_417 : memref<!tpu.dma_semaphore, #tpu.memory_space<semaphore_mem>>)
      %dma_wait3A_422 = arith.constant 0 : i32
      %dma_wait3A_423 = tpu.memref_slice %arg21[%add3A_312, %dma_wait3A_422] : memref<10240x16xf32, #tpu.memory_space<vmem_shared>> -> memref<16x16xf32, #tpu.memory_space<vmem_shared>>
      %dma_wait3A_424 = arith.constant 0 : i32
      %dma_wait3A_425 = tpu.memref_slice %arg21[%add3A_312, %dma_wait3A_424] : memref<10240x16xf32, #tpu.memory_space<vmem_shared>> -> memref<16x16xf32, #tpu.memory_space<vmem_shared>>
      tpu.wait_dma2 semaphore(%run_scoped3A_417 : memref<!tpu.dma_semaphore, #tpu.memory_space<semaphore_mem>>) src(%arg19 : memref<16x16xf32, #tpu.memory_space<vmem>>) dst(%dma_wait3A_425 : memref<16x16xf32, #tpu.memory_space<vmem_shared>>)
      tpu.yield
    }) : () -> ()
    %mul3A_313 = arith.constant 640 : i32
    %mul3A_314 = arith.muli %arg1, %mul3A_313 : i32
    %add3A_315 = arith.constant 528 : i32
    %add3A_316 = arith.addi %mul3A_314, %add3A_315 : i32
    "tpu.region"() ({
      %run_scoped3A_417 = tpu.sem_alloc : memref<!tpu.dma_semaphore, #tpu.memory_space<semaphore_mem>>
      %dma_start3A_418 = arith.constant 0 : i32
      %dma_start3A_419 = tpu.memref_slice %arg21[%add3A_316, %dma_start3A_418] : memref<10240x16xf32, #tpu.memory_space<vmem_shared>> -> memref<16x16xf32, #tpu.memory_space<vmem_shared>>
      %dma_start3A_420 = arith.constant 0 : i32
      %dma_start3A_421 = tpu.memref_slice %arg21[%add3A_316, %dma_start3A_420] : memref<10240x16xf32, #tpu.memory_space<vmem_shared>> -> memref<16x16xf32, #tpu.memory_space<vmem_shared>>
      tpu.enqueue_dma source(%arg19 : memref<16x16xf32, #tpu.memory_space<vmem>>) target(%dma_start3A_421 : memref<16x16xf32, #tpu.memory_space<vmem_shared>>) target_semaphore(%run_scoped3A_417 : memref<!tpu.dma_semaphore, #tpu.memory_space<semaphore_mem>>)
      %dma_wait3A_422 = arith.constant 0 : i32
      %dma_wait3A_423 = tpu.memref_slice %arg21[%add3A_316, %dma_wait3A_422] : memref<10240x16xf32, #tpu.memory_space<vmem_shared>> -> memref<16x16xf32, #tpu.memory_space<vmem_shared>>
      %dma_wait3A_424 = arith.constant 0 : i32
      %dma_wait3A_425 = tpu.memref_slice %arg21[%add3A_316, %dma_wait3A_424] : memref<10240x16xf32, #tpu.memory_space<vmem_shared>> -> memref<16x16xf32, #tpu.memory_space<vmem_shared>>
      tpu.wait_dma2 semaphore(%run_scoped3A_417 : memref<!tpu.dma_semaphore, #tpu.memory_space<semaphore_mem>>) src(%arg19 : memref<16x16xf32, #tpu.memory_space<vmem>>) dst(%dma_wait3A_425 : memref<16x16xf32, #tpu.memory_space<vmem_shared>>)
      tpu.yield
    }) : () -> ()
    %mul3A_317 = arith.constant 640 : i32
    %mul3A_318 = arith.muli %arg1, %mul3A_317 : i32
    %add3A_319 = arith.constant 544 : i32
    %add3A_320 = arith.addi %mul3A_318, %add3A_319 : i32
    "tpu.region"() ({
      %run_scoped3A_417 = tpu.sem_alloc : memref<!tpu.dma_semaphore, #tpu.memory_space<semaphore_mem>>
      %dma_start3A_418 = arith.constant 0 : i32
      %dma_start3A_419 = tpu.memref_slice %arg21[%add3A_320, %dma_start3A_418] : memref<10240x16xf32, #tpu.memory_space<vmem_shared>> -> memref<16x16xf32, #tpu.memory_space<vmem_shared>>
      %dma_start3A_420 = arith.constant 0 : i32
      %dma_start3A_421 = tpu.memref_slice %arg21[%add3A_320, %dma_start3A_420] : memref<10240x16xf32, #tpu.memory_space<vmem_shared>> -> memref<16x16xf32, #tpu.memory_space<vmem_shared>>
      tpu.enqueue_dma source(%arg19 : memref<16x16xf32, #tpu.memory_space<vmem>>) target(%dma_start3A_421 : memref<16x16xf32, #tpu.memory_space<vmem_shared>>) target_semaphore(%run_scoped3A_417 : memref<!tpu.dma_semaphore, #tpu.memory_space<semaphore_mem>>)
      %dma_wait3A_422 = arith.constant 0 : i32
      %dma_wait3A_423 = tpu.memref_slice %arg21[%add3A_320, %dma_wait3A_422] : memref<10240x16xf32, #tpu.memory_space<vmem_shared>> -> memref<16x16xf32, #tpu.memory_space<vmem_shared>>
      %dma_wait3A_424 = arith.constant 0 : i32
      %dma_wait3A_425 = tpu.memref_slice %arg21[%add3A_320, %dma_wait3A_424] : memref<10240x16xf32, #tpu.memory_space<vmem_shared>> -> memref<16x16xf32, #tpu.memory_space<vmem_shared>>
      tpu.wait_dma2 semaphore(%run_scoped3A_417 : memref<!tpu.dma_semaphore, #tpu.memory_space<semaphore_mem>>) src(%arg19 : memref<16x16xf32, #tpu.memory_space<vmem>>) dst(%dma_wait3A_425 : memref<16x16xf32, #tpu.memory_space<vmem_shared>>)
      tpu.yield
    }) : () -> ()
    %mul3A_321 = arith.constant 640 : i32
    %mul3A_322 = arith.muli %arg1, %mul3A_321 : i32
    %add3A_323 = arith.constant 560 : i32
    %add3A_324 = arith.addi %mul3A_322, %add3A_323 : i32
    "tpu.region"() ({
      %run_scoped3A_417 = tpu.sem_alloc : memref<!tpu.dma_semaphore, #tpu.memory_space<semaphore_mem>>
      %dma_start3A_418 = arith.constant 0 : i32
      %dma_start3A_419 = tpu.memref_slice %arg21[%add3A_324, %dma_start3A_418] : memref<10240x16xf32, #tpu.memory_space<vmem_shared>> -> memref<16x16xf32, #tpu.memory_space<vmem_shared>>
      %dma_start3A_420 = arith.constant 0 : i32
      %dma_start3A_421 = tpu.memref_slice %arg21[%add3A_324, %dma_start3A_420] : memref<10240x16xf32, #tpu.memory_space<vmem_shared>> -> memref<16x16xf32, #tpu.memory_space<vmem_shared>>
      tpu.enqueue_dma source(%arg19 : memref<16x16xf32, #tpu.memory_space<vmem>>) target(%dma_start3A_421 : memref<16x16xf32, #tpu.memory_space<vmem_shared>>) target_semaphore(%run_scoped3A_417 : memref<!tpu.dma_semaphore, #tpu.memory_space<semaphore_mem>>)
      %dma_wait3A_422 = arith.constant 0 : i32
      %dma_wait3A_423 = tpu.memref_slice %arg21[%add3A_324, %dma_wait3A_422] : memref<10240x16xf32, #tpu.memory_space<vmem_shared>> -> memref<16x16xf32, #tpu.memory_space<vmem_shared>>
      %dma_wait3A_424 = arith.constant 0 : i32
      %dma_wait3A_425 = tpu.memref_slice %arg21[%add3A_324, %dma_wait3A_424] : memref<10240x16xf32, #tpu.memory_space<vmem_shared>> -> memref<16x16xf32, #tpu.memory_space<vmem_shared>>
      tpu.wait_dma2 semaphore(%run_scoped3A_417 : memref<!tpu.dma_semaphore, #tpu.memory_space<semaphore_mem>>) src(%arg19 : memref<16x16xf32, #tpu.memory_space<vmem>>) dst(%dma_wait3A_425 : memref<16x16xf32, #tpu.memory_space<vmem_shared>>)
      tpu.yield
    }) : () -> ()
    %mul3A_325 = arith.constant 640 : i32
    %mul3A_326 = arith.muli %arg1, %mul3A_325 : i32
    %add3A_327 = arith.constant 576 : i32
    %add3A_328 = arith.addi %mul3A_326, %add3A_327 : i32
    "tpu.region"() ({
      %run_scoped3A_417 = tpu.sem_alloc : memref<!tpu.dma_semaphore, #tpu.memory_space<semaphore_mem>>
      %dma_start3A_418 = arith.constant 0 : i32
      %dma_start3A_419 = tpu.memref_slice %arg21[%add3A_328, %dma_start3A_418] : memref<10240x16xf32, #tpu.memory_space<vmem_shared>> -> memref<16x16xf32, #tpu.memory_space<vmem_shared>>
      %dma_start3A_420 = arith.constant 0 : i32
      %dma_start3A_421 = tpu.memref_slice %arg21[%add3A_328, %dma_start3A_420] : memref<10240x16xf32, #tpu.memory_space<vmem_shared>> -> memref<16x16xf32, #tpu.memory_space<vmem_shared>>
      tpu.enqueue_dma source(%arg19 : memref<16x16xf32, #tpu.memory_space<vmem>>) target(%dma_start3A_421 : memref<16x16xf32, #tpu.memory_space<vmem_shared>>) target_semaphore(%run_scoped3A_417 : memref<!tpu.dma_semaphore, #tpu.memory_space<semaphore_mem>>)
      %dma_wait3A_422 = arith.constant 0 : i32
      %dma_wait3A_423 = tpu.memref_slice %arg21[%add3A_328, %dma_wait3A_422] : memref<10240x16xf32, #tpu.memory_space<vmem_shared>> -> memref<16x16xf32, #tpu.memory_space<vmem_shared>>
      %dma_wait3A_424 = arith.constant 0 : i32
      %dma_wait3A_425 = tpu.memref_slice %arg21[%add3A_328, %dma_wait3A_424] : memref<10240x16xf32, #tpu.memory_space<vmem_shared>> -> memref<16x16xf32, #tpu.memory_space<vmem_shared>>
      tpu.wait_dma2 semaphore(%run_scoped3A_417 : memref<!tpu.dma_semaphore, #tpu.memory_space<semaphore_mem>>) src(%arg19 : memref<16x16xf32, #tpu.memory_space<vmem>>) dst(%dma_wait3A_425 : memref<16x16xf32, #tpu.memory_space<vmem_shared>>)
      tpu.yield
    }) : () -> ()
    %mul3A_329 = arith.constant 640 : i32
    %mul3A_330 = arith.muli %arg1, %mul3A_329 : i32
    %add3A_331 = arith.constant 592 : i32
    %add3A_332 = arith.addi %mul3A_330, %add3A_331 : i32
    "tpu.region"() ({
      %run_scoped3A_417 = tpu.sem_alloc : memref<!tpu.dma_semaphore, #tpu.memory_space<semaphore_mem>>
      %dma_start3A_418 = arith.constant 0 : i32
      %dma_start3A_419 = tpu.memref_slice %arg21[%add3A_332, %dma_start3A_418] : memref<10240x16xf32, #tpu.memory_space<vmem_shared>> -> memref<16x16xf32, #tpu.memory_space<vmem_shared>>
      %dma_start3A_420 = arith.constant 0 : i32
      %dma_start3A_421 = tpu.memref_slice %arg21[%add3A_332, %dma_start3A_420] : memref<10240x16xf32, #tpu.memory_space<vmem_shared>> -> memref<16x16xf32, #tpu.memory_space<vmem_shared>>
      tpu.enqueue_dma source(%arg19 : memref<16x16xf32, #tpu.memory_space<vmem>>) target(%dma_start3A_421 : memref<16x16xf32, #tpu.memory_space<vmem_shared>>) target_semaphore(%run_scoped3A_417 : memref<!tpu.dma_semaphore, #tpu.memory_space<semaphore_mem>>)
      %dma_wait3A_422 = arith.constant 0 : i32
      %dma_wait3A_423 = tpu.memref_slice %arg21[%add3A_332, %dma_wait3A_422] : memref<10240x16xf32, #tpu.memory_space<vmem_shared>> -> memref<16x16xf32, #tpu.memory_space<vmem_shared>>
      %dma_wait3A_424 = arith.constant 0 : i32
      %dma_wait3A_425 = tpu.memref_slice %arg21[%add3A_332, %dma_wait3A_424] : memref<10240x16xf32, #tpu.memory_space<vmem_shared>> -> memref<16x16xf32, #tpu.memory_space<vmem_shared>>
      tpu.wait_dma2 semaphore(%run_scoped3A_417 : memref<!tpu.dma_semaphore, #tpu.memory_space<semaphore_mem>>) src(%arg19 : memref<16x16xf32, #tpu.memory_space<vmem>>) dst(%dma_wait3A_425 : memref<16x16xf32, #tpu.memory_space<vmem_shared>>)
      tpu.yield
    }) : () -> ()
    %mul3A_333 = arith.constant 640 : i32
    %mul3A_334 = arith.muli %arg1, %mul3A_333 : i32
    %add3A_335 = arith.constant 608 : i32
    %add3A_336 = arith.addi %mul3A_334, %add3A_335 : i32
    "tpu.region"() ({
      %run_scoped3A_417 = tpu.sem_alloc : memref<!tpu.dma_semaphore, #tpu.memory_space<semaphore_mem>>
      %dma_start3A_418 = arith.constant 0 : i32
      %dma_start3A_419 = tpu.memref_slice %arg21[%add3A_336, %dma_start3A_418] : memref<10240x16xf32, #tpu.memory_space<vmem_shared>> -> memref<16x16xf32, #tpu.memory_space<vmem_shared>>
      %dma_start3A_420 = arith.constant 0 : i32
      %dma_start3A_421 = tpu.memref_slice %arg21[%add3A_336, %dma_start3A_420] : memref<10240x16xf32, #tpu.memory_space<vmem_shared>> -> memref<16x16xf32, #tpu.memory_space<vmem_shared>>
      tpu.enqueue_dma source(%arg19 : memref<16x16xf32, #tpu.memory_space<vmem>>) target(%dma_start3A_421 : memref<16x16xf32, #tpu.memory_space<vmem_shared>>) target_semaphore(%run_scoped3A_417 : memref<!tpu.dma_semaphore, #tpu.memory_space<semaphore_mem>>)
      %dma_wait3A_422 = arith.constant 0 : i32
      %dma_wait3A_423 = tpu.memref_slice %arg21[%add3A_336, %dma_wait3A_422] : memref<10240x16xf32, #tpu.memory_space<vmem_shared>> -> memref<16x16xf32, #tpu.memory_space<vmem_shared>>
      %dma_wait3A_424 = arith.constant 0 : i32
      %dma_wait3A_425 = tpu.memref_slice %arg21[%add3A_336, %dma_wait3A_424] : memref<10240x16xf32, #tpu.memory_space<vmem_shared>> -> memref<16x16xf32, #tpu.memory_space<vmem_shared>>
      tpu.wait_dma2 semaphore(%run_scoped3A_417 : memref<!tpu.dma_semaphore, #tpu.memory_space<semaphore_mem>>) src(%arg19 : memref<16x16xf32, #tpu.memory_space<vmem>>) dst(%dma_wait3A_425 : memref<16x16xf32, #tpu.memory_space<vmem_shared>>)
      tpu.yield
    }) : () -> ()
    %mul3A_337 = arith.constant 640 : i32
    %mul3A_338 = arith.muli %arg1, %mul3A_337 : i32
    %add3A_339 = arith.constant 624 : i32
    %add3A_340 = arith.addi %mul3A_338, %add3A_339 : i32
    "tpu.region"() ({
      %run_scoped3A_417 = tpu.sem_alloc : memref<!tpu.dma_semaphore, #tpu.memory_space<semaphore_mem>>
      %dma_start3A_418 = arith.constant 0 : i32
      %dma_start3A_419 = tpu.memref_slice %arg21[%add3A_340, %dma_start3A_418] : memref<10240x16xf32, #tpu.memory_space<vmem_shared>> -> memref<16x16xf32, #tpu.memory_space<vmem_shared>>
      %dma_start3A_420 = arith.constant 0 : i32
      %dma_start3A_421 = tpu.memref_slice %arg21[%add3A_340, %dma_start3A_420] : memref<10240x16xf32, #tpu.memory_space<vmem_shared>> -> memref<16x16xf32, #tpu.memory_space<vmem_shared>>
      tpu.enqueue_dma source(%arg19 : memref<16x16xf32, #tpu.memory_space<vmem>>) target(%dma_start3A_421 : memref<16x16xf32, #tpu.memory_space<vmem_shared>>) target_semaphore(%run_scoped3A_417 : memref<!tpu.dma_semaphore, #tpu.memory_space<semaphore_mem>>)
      %dma_wait3A_422 = arith.constant 0 : i32
      %dma_wait3A_423 = tpu.memref_slice %arg21[%add3A_340, %dma_wait3A_422] : memref<10240x16xf32, #tpu.memory_space<vmem_shared>> -> memref<16x16xf32, #tpu.memory_space<vmem_shared>>
      %dma_wait3A_424 = arith.constant 0 : i32
      %dma_wait3A_425 = tpu.memref_slice %arg21[%add3A_340, %dma_wait3A_424] : memref<10240x16xf32, #tpu.memory_space<vmem_shared>> -> memref<16x16xf32, #tpu.memory_space<vmem_shared>>
      tpu.wait_dma2 semaphore(%run_scoped3A_417 : memref<!tpu.dma_semaphore, #tpu.memory_space<semaphore_mem>>) src(%arg19 : memref<16x16xf32, #tpu.memory_space<vmem>>) dst(%dma_wait3A_425 : memref<16x16xf32, #tpu.memory_space<vmem_shared>>)
      tpu.yield
    }) : () -> ()
    %barrier3A = arith.constant 0 : index
    tpu.barrier barrier_id(%barrier3A)
    %dma_start3A = arith.constant 0 : i32
    %dma_start3A_341 = arith.constant 0 : i32
    %dma_start3A_342 = tpu.memref_slice %arg7[%dma_start3A, %dma_start3A_341] : memref<500x20xi32, #tpu.memory_space<vmem>> -> memref<1x20xi32, #tpu.memory_space<vmem>>
    %dma_start3A_343 = tpu.memref_squeeze %dma_start3A_342 : memref<1x20xi32, #tpu.memory_space<vmem>> -> memref<20xi32, #tpu.memory_space<vmem>>
    %dma_start3A_344 = arith.constant 0 : i32
    %dma_start3A_345 = arith.constant 0 : i32
    %dma_start3A_346 = tpu.memref_slice %arg2[%dma_start3A_344, %dma_start3A_345] : memref<10000x128xf32, #tpu.memory_space<hbm>> -> memref<10000x128xf32, #tpu.memory_space<hbm>>
    tpu.enqueue_indirect_dma source(%dma_start3A_346 : memref<10000x128xf32, #tpu.memory_space<hbm>>) target(%arg9 : memref<20x128xf32, #tpu.memory_space<vmem>>) offsets(%dma_start3A_343 : memref<20xi32, #tpu.memory_space<vmem>>) semaphore(%arg15 : memref<!tpu.dma_semaphore, #tpu.memory_space<semaphore_mem>>)
    %dma_start3A_347 = arith.constant 1 : i32
    %dma_start3A_348 = arith.constant 0 : i32
    %dma_start3A_349 = tpu.memref_slice %arg7[%dma_start3A_347, %dma_start3A_348] : memref<500x20xi32, #tpu.memory_space<vmem>> -> memref<1x20xi32, #tpu.memory_space<vmem>>
    %dma_start3A_350 = tpu.memref_squeeze %dma_start3A_349 : memref<1x20xi32, #tpu.memory_space<vmem>> -> memref<20xi32, #tpu.memory_space<vmem>>
    %dma_start3A_351 = arith.constant 0 : i32
    %dma_start3A_352 = arith.constant 0 : i32
    %dma_start3A_353 = tpu.memref_slice %arg2[%dma_start3A_351, %dma_start3A_352] : memref<10000x128xf32, #tpu.memory_space<hbm>> -> memref<10000x128xf32, #tpu.memory_space<hbm>>
    tpu.enqueue_indirect_dma source(%dma_start3A_353 : memref<10000x128xf32, #tpu.memory_space<hbm>>) target(%arg10 : memref<20x128xf32, #tpu.memory_space<vmem>>) offsets(%dma_start3A_350 : memref<20xi32, #tpu.memory_space<vmem>>) semaphore(%arg16 : memref<!tpu.dma_semaphore, #tpu.memory_space<semaphore_mem>>)
    %dma_start3A_354 = arith.constant 2 : i32
    %dma_start3A_355 = arith.constant 0 : i32
    %dma_start3A_356 = tpu.memref_slice %arg7[%dma_start3A_354, %dma_start3A_355] : memref<500x20xi32, #tpu.memory_space<vmem>> -> memref<1x20xi32, #tpu.memory_space<vmem>>
    %dma_start3A_357 = tpu.memref_squeeze %dma_start3A_356 : memref<1x20xi32, #tpu.memory_space<vmem>> -> memref<20xi32, #tpu.memory_space<vmem>>
    %dma_start3A_358 = arith.constant 0 : i32
    %dma_start3A_359 = arith.constant 0 : i32
    %dma_start3A_360 = tpu.memref_slice %arg2[%dma_start3A_358, %dma_start3A_359] : memref<10000x128xf32, #tpu.memory_space<hbm>> -> memref<10000x128xf32, #tpu.memory_space<hbm>>
    tpu.enqueue_indirect_dma source(%dma_start3A_360 : memref<10000x128xf32, #tpu.memory_space<hbm>>) target(%arg11 : memref<20x128xf32, #tpu.memory_space<vmem>>) offsets(%dma_start3A_357 : memref<20xi32, #tpu.memory_space<vmem>>) semaphore(%arg17 : memref<!tpu.dma_semaphore, #tpu.memory_space<semaphore_mem>>)
    %dma_start3A_361 = arith.constant 3 : i32
    %dma_start3A_362 = arith.constant 0 : i32
    %dma_start3A_363 = tpu.memref_slice %arg7[%dma_start3A_361, %dma_start3A_362] : memref<500x20xi32, #tpu.memory_space<vmem>> -> memref<1x20xi32, #tpu.memory_space<vmem>>
    %dma_start3A_364 = tpu.memref_squeeze %dma_start3A_363 : memref<1x20xi32, #tpu.memory_space<vmem>> -> memref<20xi32, #tpu.memory_space<vmem>>
    %dma_start3A_365 = arith.constant 0 : i32
    %dma_start3A_366 = arith.constant 0 : i32
    %dma_start3A_367 = tpu.memref_slice %arg2[%dma_start3A_365, %dma_start3A_366] : memref<10000x128xf32, #tpu.memory_space<hbm>> -> memref<10000x128xf32, #tpu.memory_space<hbm>>
    tpu.enqueue_indirect_dma source(%dma_start3A_367 : memref<10000x128xf32, #tpu.memory_space<hbm>>) target(%arg12 : memref<20x128xf32, #tpu.memory_space<vmem>>) offsets(%dma_start3A_364 : memref<20xi32, #tpu.memory_space<vmem>>) semaphore(%arg18 : memref<!tpu.dma_semaphore, #tpu.memory_space<semaphore_mem>>)
    %scan3A_368 = arith.constant 0 : i32
    %scan3A_369 = arith.constant 0 : i32
    %scan3A_370 = arith.constant 124 : i32
    %scan3A_371 = arith.addi %scan3A_369, %scan3A_370 : i32
    %scan3A_372 = arith.constant 1 : i32
    scf.for %scan3A_417 = %scan3A_369 to %scan3A_371 step %scan3A_372  : i32 {
      %mul3A_418 = arith.constant 4 : i32
      %mul3A_419 = arith.muli %mul3A_418, %scan3A_417 : i32
      %add3A_420 = arith.constant 0 : i32
      %add3A_421 = arith.addi %mul3A_419, %add3A_420 : i32
      %dma_wait3A_422 = arith.constant 0 : i32
      %dma_wait3A_423 = arith.constant 0 : i32
      %dma_wait3A_424 = tpu.memref_slice %arg7[%dma_wait3A_422, %dma_wait3A_423] : memref<500x20xi32, #tpu.memory_space<vmem>> -> memref<1x20xi32, #tpu.memory_space<vmem>>
      %dma_wait3A_425 = tpu.memref_squeeze %dma_wait3A_424 : memref<1x20xi32, #tpu.memory_space<vmem>> -> memref<20xi32, #tpu.memory_space<vmem>>
      %dma_wait3A_426 = arith.constant 0 : i32
      %dma_wait3A_427 = arith.constant 0 : i32
      %dma_wait3A_428 = tpu.memref_slice %arg2[%dma_wait3A_426, %dma_wait3A_427] : memref<10000x128xf32, #tpu.memory_space<hbm>> -> memref<10000x128xf32, #tpu.memory_space<hbm>>
      tpu.wait_indirect_dma semaphore(%arg15 : memref<!tpu.dma_semaphore, #tpu.memory_space<semaphore_mem>>) src(%dma_wait3A_428 : memref<10000x128xf32, #tpu.memory_space<hbm>>) dst(%arg9 : memref<20x128xf32, #tpu.memory_space<vmem>>)
      "tpu.region"() ({
        %run_scoped3A_488 = tpu.sem_alloc : memref<!tpu.dma_semaphore, #tpu.memory_space<semaphore_mem>>
        %dma_start3A_489 = arith.constant 0 : i32
        %dma_start3A_490 = tpu.memref_slice %arg8[%add3A_421, %dma_start3A_489] : memref<500x20xi32, #tpu.memory_space<vmem>> -> memref<1x20xi32, #tpu.memory_space<vmem>>
        %dma_start3A_491 = tpu.memref_squeeze %dma_start3A_490 : memref<1x20xi32, #tpu.memory_space<vmem>> -> memref<20xi32, #tpu.memory_space<vmem>>
        %dma_start3A_492 = arith.constant 0 : i32
        %dma_start3A_493 = arith.constant 0 : i32
        %dma_start3A_494 = tpu.memref_slice %arg14[%dma_start3A_492, %dma_start3A_493] : memref<10240x128xf32, #tpu.memory_space<vmem_shared>> -> memref<10240x128xf32, #tpu.memory_space<vmem_shared>>
        tpu.enqueue_indirect_dma source(%arg9 : memref<20x128xf32, #tpu.memory_space<vmem>>) target(%dma_start3A_494 : memref<10240x128xf32, #tpu.memory_space<vmem_shared>>) offsets(%dma_start3A_491 : memref<20xi32, #tpu.memory_space<vmem>>) semaphore(%run_scoped3A_488 : memref<!tpu.dma_semaphore, #tpu.memory_space<semaphore_mem>>) {add = true}
        %dma_wait3A_495 = arith.constant 0 : i32
        %dma_wait3A_496 = tpu.memref_slice %arg8[%add3A_421, %dma_wait3A_495] : memref<500x20xi32, #tpu.memory_space<vmem>> -> memref<1x20xi32, #tpu.memory_space<vmem>>
        %dma_wait3A_497 = tpu.memref_squeeze %dma_wait3A_496 : memref<1x20xi32, #tpu.memory_space<vmem>> -> memref<20xi32, #tpu.memory_space<vmem>>
        %dma_wait3A_498 = arith.constant 0 : i32
        %dma_wait3A_499 = arith.constant 0 : i32
        %dma_wait3A_500 = tpu.memref_slice %arg14[%dma_wait3A_498, %dma_wait3A_499] : memref<10240x128xf32, #tpu.memory_space<vmem_shared>> -> memref<10240x128xf32, #tpu.memory_space<vmem_shared>>
        tpu.wait_indirect_dma semaphore(%run_scoped3A_488 : memref<!tpu.dma_semaphore, #tpu.memory_space<semaphore_mem>>) src(%arg9 : memref<20x128xf32, #tpu.memory_space<vmem>>) dst(%dma_wait3A_500 : memref<10240x128xf32, #tpu.memory_space<vmem_shared>>)
        tpu.yield
      }) : () -> ()
      "tpu.region"() ({
        %run_scoped3A_488 = tpu.sem_alloc : memref<!tpu.dma_semaphore, #tpu.memory_space<semaphore_mem>>
        %dma_start3A_489 = arith.constant 0 : i32
        %dma_start3A_490 = tpu.memref_slice %arg8[%add3A_421, %dma_start3A_489] : memref<500x20xi32, #tpu.memory_space<vmem>> -> memref<1x20xi32, #tpu.memory_space<vmem>>
        %dma_start3A_491 = tpu.memref_squeeze %dma_start3A_490 : memref<1x20xi32, #tpu.memory_space<vmem>> -> memref<20xi32, #tpu.memory_space<vmem>>
        %dma_start3A_492 = arith.constant 0 : i32
        %dma_start3A_493 = arith.constant 0 : i32
        %dma_start3A_494 = tpu.memref_slice %arg21[%dma_start3A_492, %dma_start3A_493] : memref<10240x16xf32, #tpu.memory_space<vmem_shared>> -> memref<10240x16xf32, #tpu.memory_space<vmem_shared>>
        tpu.enqueue_indirect_dma source(%arg20 : memref<20x16xf32, #tpu.memory_space<vmem>>) target(%dma_start3A_494 : memref<10240x16xf32, #tpu.memory_space<vmem_shared>>) offsets(%dma_start3A_491 : memref<20xi32, #tpu.memory_space<vmem>>) semaphore(%run_scoped3A_488 : memref<!tpu.dma_semaphore, #tpu.memory_space<semaphore_mem>>) {add = true}
        %dma_wait3A_495 = arith.constant 0 : i32
        %dma_wait3A_496 = tpu.memref_slice %arg8[%add3A_421, %dma_wait3A_495] : memref<500x20xi32, #tpu.memory_space<vmem>> -> memref<1x20xi32, #tpu.memory_space<vmem>>
        %dma_wait3A_497 = tpu.memref_squeeze %dma_wait3A_496 : memref<1x20xi32, #tpu.memory_space<vmem>> -> memref<20xi32, #tpu.memory_space<vmem>>
        %dma_wait3A_498 = arith.constant 0 : i32
        %dma_wait3A_499 = arith.constant 0 : i32
        %dma_wait3A_500 = tpu.memref_slice %arg21[%dma_wait3A_498, %dma_wait3A_499] : memref<10240x16xf32, #tpu.memory_space<vmem_shared>> -> memref<10240x16xf32, #tpu.memory_space<vmem_shared>>
        tpu.wait_indirect_dma semaphore(%run_scoped3A_488 : memref<!tpu.dma_semaphore, #tpu.memory_space<semaphore_mem>>) src(%arg20 : memref<20x16xf32, #tpu.memory_space<vmem>>) dst(%dma_wait3A_500 : memref<10240x16xf32, #tpu.memory_space<vmem_shared>>)
        tpu.yield
      }) : () -> ()
      %add3A_429 = arith.constant 4 : i32
      %add3A_430 = arith.addi %add3A_421, %add3A_429 : i32
      %dma_start3A_431 = arith.constant 0 : i32
      %dma_start3A_432 = tpu.memref_slice %arg7[%add3A_430, %dma_start3A_431] : memref<500x20xi32, #tpu.memory_space<vmem>> -> memref<1x20xi32, #tpu.memory_space<vmem>>
      %dma_start3A_433 = tpu.memref_squeeze %dma_start3A_432 : memref<1x20xi32, #tpu.memory_space<vmem>> -> memref<20xi32, #tpu.memory_space<vmem>>
      %dma_start3A_434 = arith.constant 0 : i32
      %dma_start3A_435 = arith.constant 0 : i32
      %dma_start3A_436 = tpu.memref_slice %arg2[%dma_start3A_434, %dma_start3A_435] : memref<10000x128xf32, #tpu.memory_space<hbm>> -> memref<10000x128xf32, #tpu.memory_space<hbm>>
      tpu.enqueue_indirect_dma source(%dma_start3A_436 : memref<10000x128xf32, #tpu.memory_space<hbm>>) target(%arg9 : memref<20x128xf32, #tpu.memory_space<vmem>>) offsets(%dma_start3A_433 : memref<20xi32, #tpu.memory_space<vmem>>) semaphore(%arg15 : memref<!tpu.dma_semaphore, #tpu.memory_space<semaphore_mem>>)
      %add3A_437 = arith.constant 1 : i32
      %add3A_438 = arith.addi %mul3A_419, %add3A_437 : i32
      %dma_wait3A_439 = arith.constant 0 : i32
      %dma_wait3A_440 = arith.constant 0 : i32
      %dma_wait3A_441 = tpu.memref_slice %arg7[%dma_wait3A_439, %dma_wait3A_440] : memref<500x20xi32, #tpu.memory_space<vmem>> -> memref<1x20xi32, #tpu.memory_space<vmem>>
      %dma_wait3A_442 = tpu.memref_squeeze %dma_wait3A_441 : memref<1x20xi32, #tpu.memory_space<vmem>> -> memref<20xi32, #tpu.memory_space<vmem>>
      %dma_wait3A_443 = arith.constant 0 : i32
      %dma_wait3A_444 = arith.constant 0 : i32
      %dma_wait3A_445 = tpu.memref_slice %arg2[%dma_wait3A_443, %dma_wait3A_444] : memref<10000x128xf32, #tpu.memory_space<hbm>> -> memref<10000x128xf32, #tpu.memory_space<hbm>>
      tpu.wait_indirect_dma semaphore(%arg16 : memref<!tpu.dma_semaphore, #tpu.memory_space<semaphore_mem>>) src(%dma_wait3A_445 : memref<10000x128xf32, #tpu.memory_space<hbm>>) dst(%arg10 : memref<20x128xf32, #tpu.memory_space<vmem>>)
      "tpu.region"() ({
        %run_scoped3A_488 = tpu.sem_alloc : memref<!tpu.dma_semaphore, #tpu.memory_space<semaphore_mem>>
        %dma_start3A_489 = arith.constant 0 : i32
        %dma_start3A_490 = tpu.memref_slice %arg8[%add3A_438, %dma_start3A_489] : memref<500x20xi32, #tpu.memory_space<vmem>> -> memref<1x20xi32, #tpu.memory_space<vmem>>
        %dma_start3A_491 = tpu.memref_squeeze %dma_start3A_490 : memref<1x20xi32, #tpu.memory_space<vmem>> -> memref<20xi32, #tpu.memory_space<vmem>>
        %dma_start3A_492 = arith.constant 0 : i32
        %dma_start3A_493 = arith.constant 0 : i32
        %dma_start3A_494 = tpu.memref_slice %arg14[%dma_start3A_492, %dma_start3A_493] : memref<10240x128xf32, #tpu.memory_space<vmem_shared>> -> memref<10240x128xf32, #tpu.memory_space<vmem_shared>>
        tpu.enqueue_indirect_dma source(%arg10 : memref<20x128xf32, #tpu.memory_space<vmem>>) target(%dma_start3A_494 : memref<10240x128xf32, #tpu.memory_space<vmem_shared>>) offsets(%dma_start3A_491 : memref<20xi32, #tpu.memory_space<vmem>>) semaphore(%run_scoped3A_488 : memref<!tpu.dma_semaphore, #tpu.memory_space<semaphore_mem>>) {add = true}
        %dma_wait3A_495 = arith.constant 0 : i32
        %dma_wait3A_496 = tpu.memref_slice %arg8[%add3A_438, %dma_wait3A_495] : memref<500x20xi32, #tpu.memory_space<vmem>> -> memref<1x20xi32, #tpu.memory_space<vmem>>
        %dma_wait3A_497 = tpu.memref_squeeze %dma_wait3A_496 : memref<1x20xi32, #tpu.memory_space<vmem>> -> memref<20xi32, #tpu.memory_space<vmem>>
        %dma_wait3A_498 = arith.constant 0 : i32
        %dma_wait3A_499 = arith.constant 0 : i32
        %dma_wait3A_500 = tpu.memref_slice %arg14[%dma_wait3A_498, %dma_wait3A_499] : memref<10240x128xf32, #tpu.memory_space<vmem_shared>> -> memref<10240x128xf32, #tpu.memory_space<vmem_shared>>
        tpu.wait_indirect_dma semaphore(%run_scoped3A_488 : memref<!tpu.dma_semaphore, #tpu.memory_space<semaphore_mem>>) src(%arg10 : memref<20x128xf32, #tpu.memory_space<vmem>>) dst(%dma_wait3A_500 : memref<10240x128xf32, #tpu.memory_space<vmem_shared>>)
        tpu.yield
      }) : () -> ()
      "tpu.region"() ({
        %run_scoped3A_488 = tpu.sem_alloc : memref<!tpu.dma_semaphore, #tpu.memory_space<semaphore_mem>>
        %dma_start3A_489 = arith.constant 0 : i32
        %dma_start3A_490 = tpu.memref_slice %arg8[%add3A_438, %dma_start3A_489] : memref<500x20xi32, #tpu.memory_space<vmem>> -> memref<1x20xi32, #tpu.memory_space<vmem>>
        %dma_start3A_491 = tpu.memref_squeeze %dma_start3A_490 : memref<1x20xi32, #tpu.memory_space<vmem>> -> memref<20xi32, #tpu.memory_space<vmem>>
        %dma_start3A_492 = arith.constant 0 : i32
        %dma_start3A_493 = arith.constant 0 : i32
        %dma_start3A_494 = tpu.memref_slice %arg21[%dma_start3A_492, %dma_start3A_493] : memref<10240x16xf32, #tpu.memory_space<vmem_shared>> -> memref<10240x16xf32, #tpu.memory_space<vmem_shared>>
        tpu.enqueue_indirect_dma source(%arg20 : memref<20x16xf32, #tpu.memory_space<vmem>>) target(%dma_start3A_494 : memref<10240x16xf32, #tpu.memory_space<vmem_shared>>) offsets(%dma_start3A_491 : memref<20xi32, #tpu.memory_space<vmem>>) semaphore(%run_scoped3A_488 : memref<!tpu.dma_semaphore, #tpu.memory_space<semaphore_mem>>) {add = true}
        %dma_wait3A_495 = arith.constant 0 : i32
        %dma_wait3A_496 = tpu.memref_slice %arg8[%add3A_438, %dma_wait3A_495] : memref<500x20xi32, #tpu.memory_space<vmem>> -> memref<1x20xi32, #tpu.memory_space<vmem>>
        %dma_wait3A_497 = tpu.memref_squeeze %dma_wait3A_496 : memref<1x20xi32, #tpu.memory_space<vmem>> -> memref<20xi32, #tpu.memory_space<vmem>>
        %dma_wait3A_498 = arith.constant 0 : i32
        %dma_wait3A_499 = arith.constant 0 : i32
        %dma_wait3A_500 = tpu.memref_slice %arg21[%dma_wait3A_498, %dma_wait3A_499] : memref<10240x16xf32, #tpu.memory_space<vmem_shared>> -> memref<10240x16xf32, #tpu.memory_space<vmem_shared>>
        tpu.wait_indirect_dma semaphore(%run_scoped3A_488 : memref<!tpu.dma_semaphore, #tpu.memory_space<semaphore_mem>>) src(%arg20 : memref<20x16xf32, #tpu.memory_space<vmem>>) dst(%dma_wait3A_500 : memref<10240x16xf32, #tpu.memory_space<vmem_shared>>)
        tpu.yield
      }) : () -> ()
      %add3A_446 = arith.constant 4 : i32
      %add3A_447 = arith.addi %add3A_438, %add3A_446 : i32
      %dma_start3A_448 = arith.constant 0 : i32
      %dma_start3A_449 = tpu.memref_slice %arg7[%add3A_447, %dma_start3A_448] : memref<500x20xi32, #tpu.memory_space<vmem>> -> memref<1x20xi32, #tpu.memory_space<vmem>>
      %dma_start3A_450 = tpu.memref_squeeze %dma_start3A_449 : memref<1x20xi32, #tpu.memory_space<vmem>> -> memref<20xi32, #tpu.memory_space<vmem>>
      %dma_start3A_451 = arith.constant 0 : i32
      %dma_start3A_452 = arith.constant 0 : i32
      %dma_start3A_453 = tpu.memref_slice %arg2[%dma_start3A_451, %dma_start3A_452] : memref<10000x128xf32, #tpu.memory_space<hbm>> -> memref<10000x128xf32, #tpu.memory_space<hbm>>
      tpu.enqueue_indirect_dma source(%dma_start3A_453 : memref<10000x128xf32, #tpu.memory_space<hbm>>) target(%arg10 : memref<20x128xf32, #tpu.memory_space<vmem>>) offsets(%dma_start3A_450 : memref<20xi32, #tpu.memory_space<vmem>>) semaphore(%arg16 : memref<!tpu.dma_semaphore, #tpu.memory_space<semaphore_mem>>)
      %add3A_454 = arith.constant 2 : i32
      %add3A_455 = arith.addi %mul3A_419, %add3A_454 : i32
      %dma_wait3A_456 = arith.constant 0 : i32
      %dma_wait3A_457 = arith.constant 0 : i32
      %dma_wait3A_458 = tpu.memref_slice %arg7[%dma_wait3A_456, %dma_wait3A_457] : memref<500x20xi32, #tpu.memory_space<vmem>> -> memref<1x20xi32, #tpu.memory_space<vmem>>
      %dma_wait3A_459 = tpu.memref_squeeze %dma_wait3A_458 : memref<1x20xi32, #tpu.memory_space<vmem>> -> memref<20xi32, #tpu.memory_space<vmem>>
      %dma_wait3A_460 = arith.constant 0 : i32
      %dma_wait3A_461 = arith.constant 0 : i32
      %dma_wait3A_462 = tpu.memref_slice %arg2[%dma_wait3A_460, %dma_wait3A_461] : memref<10000x128xf32, #tpu.memory_space<hbm>> -> memref<10000x128xf32, #tpu.memory_space<hbm>>
      tpu.wait_indirect_dma semaphore(%arg17 : memref<!tpu.dma_semaphore, #tpu.memory_space<semaphore_mem>>) src(%dma_wait3A_462 : memref<10000x128xf32, #tpu.memory_space<hbm>>) dst(%arg11 : memref<20x128xf32, #tpu.memory_space<vmem>>)
      "tpu.region"() ({
        %run_scoped3A_488 = tpu.sem_alloc : memref<!tpu.dma_semaphore, #tpu.memory_space<semaphore_mem>>
        %dma_start3A_489 = arith.constant 0 : i32
        %dma_start3A_490 = tpu.memref_slice %arg8[%add3A_455, %dma_start3A_489] : memref<500x20xi32, #tpu.memory_space<vmem>> -> memref<1x20xi32, #tpu.memory_space<vmem>>
        %dma_start3A_491 = tpu.memref_squeeze %dma_start3A_490 : memref<1x20xi32, #tpu.memory_space<vmem>> -> memref<20xi32, #tpu.memory_space<vmem>>
        %dma_start3A_492 = arith.constant 0 : i32
        %dma_start3A_493 = arith.constant 0 : i32
        %dma_start3A_494 = tpu.memref_slice %arg14[%dma_start3A_492, %dma_start3A_493] : memref<10240x128xf32, #tpu.memory_space<vmem_shared>> -> memref<10240x128xf32, #tpu.memory_space<vmem_shared>>
        tpu.enqueue_indirect_dma source(%arg11 : memref<20x128xf32, #tpu.memory_space<vmem>>) target(%dma_start3A_494 : memref<10240x128xf32, #tpu.memory_space<vmem_shared>>) offsets(%dma_start3A_491 : memref<20xi32, #tpu.memory_space<vmem>>) semaphore(%run_scoped3A_488 : memref<!tpu.dma_semaphore, #tpu.memory_space<semaphore_mem>>) {add = true}
        %dma_wait3A_495 = arith.constant 0 : i32
        %dma_wait3A_496 = tpu.memref_slice %arg8[%add3A_455, %dma_wait3A_495] : memref<500x20xi32, #tpu.memory_space<vmem>> -> memref<1x20xi32, #tpu.memory_space<vmem>>
        %dma_wait3A_497 = tpu.memref_squeeze %dma_wait3A_496 : memref<1x20xi32, #tpu.memory_space<vmem>> -> memref<20xi32, #tpu.memory_space<vmem>>
        %dma_wait3A_498 = arith.constant 0 : i32
        %dma_wait3A_499 = arith.constant 0 : i32
        %dma_wait3A_500 = tpu.memref_slice %arg14[%dma_wait3A_498, %dma_wait3A_499] : memref<10240x128xf32, #tpu.memory_space<vmem_shared>> -> memref<10240x128xf32, #tpu.memory_space<vmem_shared>>
        tpu.wait_indirect_dma semaphore(%run_scoped3A_488 : memref<!tpu.dma_semaphore, #tpu.memory_space<semaphore_mem>>) src(%arg11 : memref<20x128xf32, #tpu.memory_space<vmem>>) dst(%dma_wait3A_500 : memref<10240x128xf32, #tpu.memory_space<vmem_shared>>)
        tpu.yield
      }) : () -> ()
      "tpu.region"() ({
        %run_scoped3A_488 = tpu.sem_alloc : memref<!tpu.dma_semaphore, #tpu.memory_space<semaphore_mem>>
        %dma_start3A_489 = arith.constant 0 : i32
        %dma_start3A_490 = tpu.memref_slice %arg8[%add3A_455, %dma_start3A_489] : memref<500x20xi32, #tpu.memory_space<vmem>> -> memref<1x20xi32, #tpu.memory_space<vmem>>
        %dma_start3A_491 = tpu.memref_squeeze %dma_start3A_490 : memref<1x20xi32, #tpu.memory_space<vmem>> -> memref<20xi32, #tpu.memory_space<vmem>>
        %dma_start3A_492 = arith.constant 0 : i32
        %dma_start3A_493 = arith.constant 0 : i32
        %dma_start3A_494 = tpu.memref_slice %arg21[%dma_start3A_492, %dma_start3A_493] : memref<10240x16xf32, #tpu.memory_space<vmem_shared>> -> memref<10240x16xf32, #tpu.memory_space<vmem_shared>>
        tpu.enqueue_indirect_dma source(%arg20 : memref<20x16xf32, #tpu.memory_space<vmem>>) target(%dma_start3A_494 : memref<10240x16xf32, #tpu.memory_space<vmem_shared>>) offsets(%dma_start3A_491 : memref<20xi32, #tpu.memory_space<vmem>>) semaphore(%run_scoped3A_488 : memref<!tpu.dma_semaphore, #tpu.memory_space<semaphore_mem>>) {add = true}
        %dma_wait3A_495 = arith.constant 0 : i32
        %dma_wait3A_496 = tpu.memref_slice %arg8[%add3A_455, %dma_wait3A_495] : memref<500x20xi32, #tpu.memory_space<vmem>> -> memref<1x20xi32, #tpu.memory_space<vmem>>
        %dma_wait3A_497 = tpu.memref_squeeze %dma_wait3A_496 : memref<1x20xi32, #tpu.memory_space<vmem>> -> memref<20xi32, #tpu.memory_space<vmem>>
        %dma_wait3A_498 = arith.constant 0 : i32
        %dma_wait3A_499 = arith.constant 0 : i32
        %dma_wait3A_500 = tpu.memref_slice %arg21[%dma_wait3A_498, %dma_wait3A_499] : memref<10240x16xf32, #tpu.memory_space<vmem_shared>> -> memref<10240x16xf32, #tpu.memory_space<vmem_shared>>
        tpu.wait_indirect_dma semaphore(%run_scoped3A_488 : memref<!tpu.dma_semaphore, #tpu.memory_space<semaphore_mem>>) src(%arg20 : memref<20x16xf32, #tpu.memory_space<vmem>>) dst(%dma_wait3A_500 : memref<10240x16xf32, #tpu.memory_space<vmem_shared>>)
        tpu.yield
      }) : () -> ()
      %add3A_463 = arith.constant 4 : i32
      %add3A_464 = arith.addi %add3A_455, %add3A_463 : i32
      %dma_start3A_465 = arith.constant 0 : i32
      %dma_start3A_466 = tpu.memref_slice %arg7[%add3A_464, %dma_start3A_465] : memref<500x20xi32, #tpu.memory_space<vmem>> -> memref<1x20xi32, #tpu.memory_space<vmem>>
      %dma_start3A_467 = tpu.memref_squeeze %dma_start3A_466 : memref<1x20xi32, #tpu.memory_space<vmem>> -> memref<20xi32, #tpu.memory_space<vmem>>
      %dma_start3A_468 = arith.constant 0 : i32
      %dma_start3A_469 = arith.constant 0 : i32
      %dma_start3A_470 = tpu.memref_slice %arg2[%dma_start3A_468, %dma_start3A_469] : memref<10000x128xf32, #tpu.memory_space<hbm>> -> memref<10000x128xf32, #tpu.memory_space<hbm>>
      tpu.enqueue_indirect_dma source(%dma_start3A_470 : memref<10000x128xf32, #tpu.memory_space<hbm>>) target(%arg11 : memref<20x128xf32, #tpu.memory_space<vmem>>) offsets(%dma_start3A_467 : memref<20xi32, #tpu.memory_space<vmem>>) semaphore(%arg17 : memref<!tpu.dma_semaphore, #tpu.memory_space<semaphore_mem>>)
      %add3A_471 = arith.constant 3 : i32
      %add3A_472 = arith.addi %mul3A_419, %add3A_471 : i32
      %dma_wait3A_473 = arith.constant 0 : i32
      %dma_wait3A_474 = arith.constant 0 : i32
      %dma_wait3A_475 = tpu.memref_slice %arg7[%dma_wait3A_473, %dma_wait3A_474] : memref<500x20xi32, #tpu.memory_space<vmem>> -> memref<1x20xi32, #tpu.memory_space<vmem>>
      %dma_wait3A_476 = tpu.memref_squeeze %dma_wait3A_475 : memref<1x20xi32, #tpu.memory_space<vmem>> -> memref<20xi32, #tpu.memory_space<vmem>>
      %dma_wait3A_477 = arith.constant 0 : i32
      %dma_wait3A_478 = arith.constant 0 : i32
      %dma_wait3A_479 = tpu.memref_slice %arg2[%dma_wait3A_477, %dma_wait3A_478] : memref<10000x128xf32, #tpu.memory_space<hbm>> -> memref<10000x128xf32, #tpu.memory_space<hbm>>
      tpu.wait_indirect_dma semaphore(%arg18 : memref<!tpu.dma_semaphore, #tpu.memory_space<semaphore_mem>>) src(%dma_wait3A_479 : memref<10000x128xf32, #tpu.memory_space<hbm>>) dst(%arg12 : memref<20x128xf32, #tpu.memory_space<vmem>>)
      "tpu.region"() ({
        %run_scoped3A_488 = tpu.sem_alloc : memref<!tpu.dma_semaphore, #tpu.memory_space<semaphore_mem>>
        %dma_start3A_489 = arith.constant 0 : i32
        %dma_start3A_490 = tpu.memref_slice %arg8[%add3A_472, %dma_start3A_489] : memref<500x20xi32, #tpu.memory_space<vmem>> -> memref<1x20xi32, #tpu.memory_space<vmem>>
        %dma_start3A_491 = tpu.memref_squeeze %dma_start3A_490 : memref<1x20xi32, #tpu.memory_space<vmem>> -> memref<20xi32, #tpu.memory_space<vmem>>
        %dma_start3A_492 = arith.constant 0 : i32
        %dma_start3A_493 = arith.constant 0 : i32
        %dma_start3A_494 = tpu.memref_slice %arg14[%dma_start3A_492, %dma_start3A_493] : memref<10240x128xf32, #tpu.memory_space<vmem_shared>> -> memref<10240x128xf32, #tpu.memory_space<vmem_shared>>
        tpu.enqueue_indirect_dma source(%arg12 : memref<20x128xf32, #tpu.memory_space<vmem>>) target(%dma_start3A_494 : memref<10240x128xf32, #tpu.memory_space<vmem_shared>>) offsets(%dma_start3A_491 : memref<20xi32, #tpu.memory_space<vmem>>) semaphore(%run_scoped3A_488 : memref<!tpu.dma_semaphore, #tpu.memory_space<semaphore_mem>>) {add = true}
        %dma_wait3A_495 = arith.constant 0 : i32
        %dma_wait3A_496 = tpu.memref_slice %arg8[%add3A_472, %dma_wait3A_495] : memref<500x20xi32, #tpu.memory_space<vmem>> -> memref<1x20xi32, #tpu.memory_space<vmem>>
        %dma_wait3A_497 = tpu.memref_squeeze %dma_wait3A_496 : memref<1x20xi32, #tpu.memory_space<vmem>> -> memref<20xi32, #tpu.memory_space<vmem>>
        %dma_wait3A_498 = arith.constant 0 : i32
        %dma_wait3A_499 = arith.constant 0 : i32
        %dma_wait3A_500 = tpu.memref_slice %arg14[%dma_wait3A_498, %dma_wait3A_499] : memref<10240x128xf32, #tpu.memory_space<vmem_shared>> -> memref<10240x128xf32, #tpu.memory_space<vmem_shared>>
        tpu.wait_indirect_dma semaphore(%run_scoped3A_488 : memref<!tpu.dma_semaphore, #tpu.memory_space<semaphore_mem>>) src(%arg12 : memref<20x128xf32, #tpu.memory_space<vmem>>) dst(%dma_wait3A_500 : memref<10240x128xf32, #tpu.memory_space<vmem_shared>>)
        tpu.yield
      }) : () -> ()
      "tpu.region"() ({
        %run_scoped3A_488 = tpu.sem_alloc : memref<!tpu.dma_semaphore, #tpu.memory_space<semaphore_mem>>
        %dma_start3A_489 = arith.constant 0 : i32
        %dma_start3A_490 = tpu.memref_slice %arg8[%add3A_472, %dma_start3A_489] : memref<500x20xi32, #tpu.memory_space<vmem>> -> memref<1x20xi32, #tpu.memory_space<vmem>>
        %dma_start3A_491 = tpu.memref_squeeze %dma_start3A_490 : memref<1x20xi32, #tpu.memory_space<vmem>> -> memref<20xi32, #tpu.memory_space<vmem>>
        %dma_start3A_492 = arith.constant 0 : i32
        %dma_start3A_493 = arith.constant 0 : i32
        %dma_start3A_494 = tpu.memref_slice %arg21[%dma_start3A_492, %dma_start3A_493] : memref<10240x16xf32, #tpu.memory_space<vmem_shared>> -> memref<10240x16xf32, #tpu.memory_space<vmem_shared>>
        tpu.enqueue_indirect_dma source(%arg20 : memref<20x16xf32, #tpu.memory_space<vmem>>) target(%dma_start3A_494 : memref<10240x16xf32, #tpu.memory_space<vmem_shared>>) offsets(%dma_start3A_491 : memref<20xi32, #tpu.memory_space<vmem>>) semaphore(%run_scoped3A_488 : memref<!tpu.dma_semaphore, #tpu.memory_space<semaphore_mem>>) {add = true}
        %dma_wait3A_495 = arith.constant 0 : i32
        %dma_wait3A_496 = tpu.memref_slice %arg8[%add3A_472, %dma_wait3A_495] : memref<500x20xi32, #tpu.memory_space<vmem>> -> memref<1x20xi32, #tpu.memory_space<vmem>>
        %dma_wait3A_497 = tpu.memref_squeeze %dma_wait3A_496 : memref<1x20xi32, #tpu.memory_space<vmem>> -> memref<20xi32, #tpu.memory_space<vmem>>
        %dma_wait3A_498 = arith.constant 0 : i32
        %dma_wait3A_499 = arith.constant 0 : i32
        %dma_wait3A_500 = tpu.memref_slice %arg21[%dma_wait3A_498, %dma_wait3A_499] : memref<10240x16xf32, #tpu.memory_space<vmem_shared>> -> memref<10240x16xf32, #tpu.memory_space<vmem_shared>>
        tpu.wait_indirect_dma semaphore(%run_scoped3A_488 : memref<!tpu.dma_semaphore, #tpu.memory_space<semaphore_mem>>) src(%arg20 : memref<20x16xf32, #tpu.memory_space<vmem>>) dst(%dma_wait3A_500 : memref<10240x16xf32, #tpu.memory_space<vmem_shared>>)
        tpu.yield
      }) : () -> ()
      %add3A_480 = arith.constant 4 : i32
      %add3A_481 = arith.addi %add3A_472, %add3A_480 : i32
      %dma_start3A_482 = arith.constant 0 : i32
      %dma_start3A_483 = tpu.memref_slice %arg7[%add3A_481, %dma_start3A_482] : memref<500x20xi32, #tpu.memory_space<vmem>> -> memref<1x20xi32, #tpu.memory_space<vmem>>
      %dma_start3A_484 = tpu.memref_squeeze %dma_start3A_483 : memref<1x20xi32, #tpu.memory_space<vmem>> -> memref<20xi32, #tpu.memory_space<vmem>>
      %dma_start3A_485 = arith.constant 0 : i32
      %dma_start3A_486 = arith.constant 0 : i32
      %dma_start3A_487 = tpu.memref_slice %arg2[%dma_start3A_485, %dma_start3A_486] : memref<10000x128xf32, #tpu.memory_space<hbm>> -> memref<10000x128xf32, #tpu.memory_space<hbm>>
      tpu.enqueue_indirect_dma source(%dma_start3A_487 : memref<10000x128xf32, #tpu.memory_space<hbm>>) target(%arg12 : memref<20x128xf32, #tpu.memory_space<vmem>>) offsets(%dma_start3A_484 : memref<20xi32, #tpu.memory_space<vmem>>) semaphore(%arg18 : memref<!tpu.dma_semaphore, #tpu.memory_space<semaphore_mem>>)
    }
    %scan3A_373 = arith.constant 124 : i32
    %dma_wait3A = arith.constant 0 : i32
    %dma_wait3A_374 = arith.constant 0 : i32
    %dma_wait3A_375 = tpu.memref_slice %arg7[%dma_wait3A, %dma_wait3A_374] : memref<500x20xi32, #tpu.memory_space<vmem>> -> memref<1x20xi32, #tpu.memory_space<vmem>>
    %dma_wait3A_376 = tpu.memref_squeeze %dma_wait3A_375 : memref<1x20xi32, #tpu.memory_space<vmem>> -> memref<20xi32, #tpu.memory_space<vmem>>
    %dma_wait3A_377 = arith.constant 0 : i32
    %dma_wait3A_378 = arith.constant 0 : i32
    %dma_wait3A_379 = tpu.memref_slice %arg2[%dma_wait3A_377, %dma_wait3A_378] : memref<10000x128xf32, #tpu.memory_space<hbm>> -> memref<10000x128xf32, #tpu.memory_space<hbm>>
    tpu.wait_indirect_dma semaphore(%arg15 : memref<!tpu.dma_semaphore, #tpu.memory_space<semaphore_mem>>) src(%dma_wait3A_379 : memref<10000x128xf32, #tpu.memory_space<hbm>>) dst(%arg9 : memref<20x128xf32, #tpu.memory_space<vmem>>)
    %run_scoped3A = arith.constant 496 : i32
    "tpu.region"() ({
      %run_scoped3A_417 = tpu.sem_alloc : memref<!tpu.dma_semaphore, #tpu.memory_space<semaphore_mem>>
      %dma_start3A_418 = arith.constant 0 : i32
      %dma_start3A_419 = tpu.memref_slice %arg8[%run_scoped3A, %dma_start3A_418] : memref<500x20xi32, #tpu.memory_space<vmem>> -> memref<1x20xi32, #tpu.memory_space<vmem>>
      %dma_start3A_420 = tpu.memref_squeeze %dma_start3A_419 : memref<1x20xi32, #tpu.memory_space<vmem>> -> memref<20xi32, #tpu.memory_space<vmem>>
      %dma_start3A_421 = arith.constant 0 : i32
      %dma_start3A_422 = arith.constant 0 : i32
      %dma_start3A_423 = tpu.memref_slice %arg14[%dma_start3A_421, %dma_start3A_422] : memref<10240x128xf32, #tpu.memory_space<vmem_shared>> -> memref<10240x128xf32, #tpu.memory_space<vmem_shared>>
      tpu.enqueue_indirect_dma source(%arg9 : memref<20x128xf32, #tpu.memory_space<vmem>>) target(%dma_start3A_423 : memref<10240x128xf32, #tpu.memory_space<vmem_shared>>) offsets(%dma_start3A_420 : memref<20xi32, #tpu.memory_space<vmem>>) semaphore(%run_scoped3A_417 : memref<!tpu.dma_semaphore, #tpu.memory_space<semaphore_mem>>) {add = true}
      %dma_wait3A_424 = arith.constant 0 : i32
      %dma_wait3A_425 = tpu.memref_slice %arg8[%run_scoped3A, %dma_wait3A_424] : memref<500x20xi32, #tpu.memory_space<vmem>> -> memref<1x20xi32, #tpu.memory_space<vmem>>
      %dma_wait3A_426 = tpu.memref_squeeze %dma_wait3A_425 : memref<1x20xi32, #tpu.memory_space<vmem>> -> memref<20xi32, #tpu.memory_space<vmem>>
      %dma_wait3A_427 = arith.constant 0 : i32
      %dma_wait3A_428 = arith.constant 0 : i32
      %dma_wait3A_429 = tpu.memref_slice %arg14[%dma_wait3A_427, %dma_wait3A_428] : memref<10240x128xf32, #tpu.memory_space<vmem_shared>> -> memref<10240x128xf32, #tpu.memory_space<vmem_shared>>
      tpu.wait_indirect_dma semaphore(%run_scoped3A_417 : memref<!tpu.dma_semaphore, #tpu.memory_space<semaphore_mem>>) src(%arg9 : memref<20x128xf32, #tpu.memory_space<vmem>>) dst(%dma_wait3A_429 : memref<10240x128xf32, #tpu.memory_space<vmem_shared>>)
      tpu.yield
    }) : () -> ()
    %run_scoped3A_380 = arith.constant 496 : i32
    "tpu.region"() ({
      %run_scoped3A_417 = tpu.sem_alloc : memref<!tpu.dma_semaphore, #tpu.memory_space<semaphore_mem>>
      %dma_start3A_418 = arith.constant 0 : i32
      %dma_start3A_419 = tpu.memref_slice %arg8[%run_scoped3A_380, %dma_start3A_418] : memref<500x20xi32, #tpu.memory_space<vmem>> -> memref<1x20xi32, #tpu.memory_space<vmem>>
      %dma_start3A_420 = tpu.memref_squeeze %dma_start3A_419 : memref<1x20xi32, #tpu.memory_space<vmem>> -> memref<20xi32, #tpu.memory_space<vmem>>
      %dma_start3A_421 = arith.constant 0 : i32
      %dma_start3A_422 = arith.constant 0 : i32
      %dma_start3A_423 = tpu.memref_slice %arg21[%dma_start3A_421, %dma_start3A_422] : memref<10240x16xf32, #tpu.memory_space<vmem_shared>> -> memref<10240x16xf32, #tpu.memory_space<vmem_shared>>
      tpu.enqueue_indirect_dma source(%arg20 : memref<20x16xf32, #tpu.memory_space<vmem>>) target(%dma_start3A_423 : memref<10240x16xf32, #tpu.memory_space<vmem_shared>>) offsets(%dma_start3A_420 : memref<20xi32, #tpu.memory_space<vmem>>) semaphore(%run_scoped3A_417 : memref<!tpu.dma_semaphore, #tpu.memory_space<semaphore_mem>>) {add = true}
      %dma_wait3A_424 = arith.constant 0 : i32
      %dma_wait3A_425 = tpu.memref_slice %arg8[%run_scoped3A_380, %dma_wait3A_424] : memref<500x20xi32, #tpu.memory_space<vmem>> -> memref<1x20xi32, #tpu.memory_space<vmem>>
      %dma_wait3A_426 = tpu.memref_squeeze %dma_wait3A_425 : memref<1x20xi32, #tpu.memory_space<vmem>> -> memref<20xi32, #tpu.memory_space<vmem>>
      %dma_wait3A_427 = arith.constant 0 : i32
      %dma_wait3A_428 = arith.constant 0 : i32
      %dma_wait3A_429 = tpu.memref_slice %arg21[%dma_wait3A_427, %dma_wait3A_428] : memref<10240x16xf32, #tpu.memory_space<vmem_shared>> -> memref<10240x16xf32, #tpu.memory_space<vmem_shared>>
      tpu.wait_indirect_dma semaphore(%run_scoped3A_417 : memref<!tpu.dma_semaphore, #tpu.memory_space<semaphore_mem>>) src(%arg20 : memref<20x16xf32, #tpu.memory_space<vmem>>) dst(%dma_wait3A_429 : memref<10240x16xf32, #tpu.memory_space<vmem_shared>>)
      tpu.yield
    }) : () -> ()
    %dma_wait3A_381 = arith.constant 0 : i32
    %dma_wait3A_382 = arith.constant 0 : i32
    %dma_wait3A_383 = tpu.memref_slice %arg7[%dma_wait3A_381, %dma_wait3A_382] : memref<500x20xi32, #tpu.memory_space<vmem>> -> memref<1x20xi32, #tpu.memory_space<vmem>>
    %dma_wait3A_384 = tpu.memref_squeeze %dma_wait3A_383 : memref<1x20xi32, #tpu.memory_space<vmem>> -> memref<20xi32, #tpu.memory_space<vmem>>
    %dma_wait3A_385 = arith.constant 0 : i32
    %dma_wait3A_386 = arith.constant 0 : i32
    %dma_wait3A_387 = tpu.memref_slice %arg2[%dma_wait3A_385, %dma_wait3A_386] : memref<10000x128xf32, #tpu.memory_space<hbm>> -> memref<10000x128xf32, #tpu.memory_space<hbm>>
    tpu.wait_indirect_dma semaphore(%arg16 : memref<!tpu.dma_semaphore, #tpu.memory_space<semaphore_mem>>) src(%dma_wait3A_387 : memref<10000x128xf32, #tpu.memory_space<hbm>>) dst(%arg10 : memref<20x128xf32, #tpu.memory_space<vmem>>)
    %run_scoped3A_388 = arith.constant 497 : i32
    "tpu.region"() ({
      %run_scoped3A_417 = tpu.sem_alloc : memref<!tpu.dma_semaphore, #tpu.memory_space<semaphore_mem>>
      %dma_start3A_418 = arith.constant 0 : i32
      %dma_start3A_419 = tpu.memref_slice %arg8[%run_scoped3A_388, %dma_start3A_418] : memref<500x20xi32, #tpu.memory_space<vmem>> -> memref<1x20xi32, #tpu.memory_space<vmem>>
      %dma_start3A_420 = tpu.memref_squeeze %dma_start3A_419 : memref<1x20xi32, #tpu.memory_space<vmem>> -> memref<20xi32, #tpu.memory_space<vmem>>
      %dma_start3A_421 = arith.constant 0 : i32
      %dma_start3A_422 = arith.constant 0 : i32
      %dma_start3A_423 = tpu.memref_slice %arg14[%dma_start3A_421, %dma_start3A_422] : memref<10240x128xf32, #tpu.memory_space<vmem_shared>> -> memref<10240x128xf32, #tpu.memory_space<vmem_shared>>
      tpu.enqueue_indirect_dma source(%arg10 : memref<20x128xf32, #tpu.memory_space<vmem>>) target(%dma_start3A_423 : memref<10240x128xf32, #tpu.memory_space<vmem_shared>>) offsets(%dma_start3A_420 : memref<20xi32, #tpu.memory_space<vmem>>) semaphore(%run_scoped3A_417 : memref<!tpu.dma_semaphore, #tpu.memory_space<semaphore_mem>>) {add = true}
      %dma_wait3A_424 = arith.constant 0 : i32
      %dma_wait3A_425 = tpu.memref_slice %arg8[%run_scoped3A_388, %dma_wait3A_424] : memref<500x20xi32, #tpu.memory_space<vmem>> -> memref<1x20xi32, #tpu.memory_space<vmem>>
      %dma_wait3A_426 = tpu.memref_squeeze %dma_wait3A_425 : memref<1x20xi32, #tpu.memory_space<vmem>> -> memref<20xi32, #tpu.memory_space<vmem>>
      %dma_wait3A_427 = arith.constant 0 : i32
      %dma_wait3A_428 = arith.constant 0 : i32
      %dma_wait3A_429 = tpu.memref_slice %arg14[%dma_wait3A_427, %dma_wait3A_428] : memref<10240x128xf32, #tpu.memory_space<vmem_shared>> -> memref<10240x128xf32, #tpu.memory_space<vmem_shared>>
      tpu.wait_indirect_dma semaphore(%run_scoped3A_417 : memref<!tpu.dma_semaphore, #tpu.memory_space<semaphore_mem>>) src(%arg10 : memref<20x128xf32, #tpu.memory_space<vmem>>) dst(%dma_wait3A_429 : memref<10240x128xf32, #tpu.memory_space<vmem_shared>>)
      tpu.yield
    }) : () -> ()
    %run_scoped3A_389 = arith.constant 497 : i32
    "tpu.region"() ({
      %run_scoped3A_417 = tpu.sem_alloc : memref<!tpu.dma_semaphore, #tpu.memory_space<semaphore_mem>>
      %dma_start3A_418 = arith.constant 0 : i32
      %dma_start3A_419 = tpu.memref_slice %arg8[%run_scoped3A_389, %dma_start3A_418] : memref<500x20xi32, #tpu.memory_space<vmem>> -> memref<1x20xi32, #tpu.memory_space<vmem>>
      %dma_start3A_420 = tpu.memref_squeeze %dma_start3A_419 : memref<1x20xi32, #tpu.memory_space<vmem>> -> memref<20xi32, #tpu.memory_space<vmem>>
      %dma_start3A_421 = arith.constant 0 : i32
      %dma_start3A_422 = arith.constant 0 : i32
      %dma_start3A_423 = tpu.memref_slice %arg21[%dma_start3A_421, %dma_start3A_422] : memref<10240x16xf32, #tpu.memory_space<vmem_shared>> -> memref<10240x16xf32, #tpu.memory_space<vmem_shared>>
      tpu.enqueue_indirect_dma source(%arg20 : memref<20x16xf32, #tpu.memory_space<vmem>>) target(%dma_start3A_423 : memref<10240x16xf32, #tpu.memory_space<vmem_shared>>) offsets(%dma_start3A_420 : memref<20xi32, #tpu.memory_space<vmem>>) semaphore(%run_scoped3A_417 : memref<!tpu.dma_semaphore, #tpu.memory_space<semaphore_mem>>) {add = true}
      %dma_wait3A_424 = arith.constant 0 : i32
      %dma_wait3A_425 = tpu.memref_slice %arg8[%run_scoped3A_389, %dma_wait3A_424] : memref<500x20xi32, #tpu.memory_space<vmem>> -> memref<1x20xi32, #tpu.memory_space<vmem>>
      %dma_wait3A_426 = tpu.memref_squeeze %dma_wait3A_425 : memref<1x20xi32, #tpu.memory_space<vmem>> -> memref<20xi32, #tpu.memory_space<vmem>>
      %dma_wait3A_427 = arith.constant 0 : i32
      %dma_wait3A_428 = arith.constant 0 : i32
      %dma_wait3A_429 = tpu.memref_slice %arg21[%dma_wait3A_427, %dma_wait3A_428] : memref<10240x16xf32, #tpu.memory_space<vmem_shared>> -> memref<10240x16xf32, #tpu.memory_space<vmem_shared>>
      tpu.wait_indirect_dma semaphore(%run_scoped3A_417 : memref<!tpu.dma_semaphore, #tpu.memory_space<semaphore_mem>>) src(%arg20 : memref<20x16xf32, #tpu.memory_space<vmem>>) dst(%dma_wait3A_429 : memref<10240x16xf32, #tpu.memory_space<vmem_shared>>)
      tpu.yield
    }) : () -> ()
    %dma_wait3A_390 = arith.constant 0 : i32
    %dma_wait3A_391 = arith.constant 0 : i32
    %dma_wait3A_392 = tpu.memref_slice %arg7[%dma_wait3A_390, %dma_wait3A_391] : memref<500x20xi32, #tpu.memory_space<vmem>> -> memref<1x20xi32, #tpu.memory_space<vmem>>
    %dma_wait3A_393 = tpu.memref_squeeze %dma_wait3A_392 : memref<1x20xi32, #tpu.memory_space<vmem>> -> memref<20xi32, #tpu.memory_space<vmem>>
    %dma_wait3A_394 = arith.constant 0 : i32
    %dma_wait3A_395 = arith.constant 0 : i32
    %dma_wait3A_396 = tpu.memref_slice %arg2[%dma_wait3A_394, %dma_wait3A_395] : memref<10000x128xf32, #tpu.memory_space<hbm>> -> memref<10000x128xf32, #tpu.memory_space<hbm>>
    tpu.wait_indirect_dma semaphore(%arg17 : memref<!tpu.dma_semaphore, #tpu.memory_space<semaphore_mem>>) src(%dma_wait3A_396 : memref<10000x128xf32, #tpu.memory_space<hbm>>) dst(%arg11 : memref<20x128xf32, #tpu.memory_space<vmem>>)
    %run_scoped3A_397 = arith.constant 498 : i32
    "tpu.region"() ({
      %run_scoped3A_417 = tpu.sem_alloc : memref<!tpu.dma_semaphore, #tpu.memory_space<semaphore_mem>>
      %dma_start3A_418 = arith.constant 0 : i32
      %dma_start3A_419 = tpu.memref_slice %arg8[%run_scoped3A_397, %dma_start3A_418] : memref<500x20xi32, #tpu.memory_space<vmem>> -> memref<1x20xi32, #tpu.memory_space<vmem>>
      %dma_start3A_420 = tpu.memref_squeeze %dma_start3A_419 : memref<1x20xi32, #tpu.memory_space<vmem>> -> memref<20xi32, #tpu.memory_space<vmem>>
      %dma_start3A_421 = arith.constant 0 : i32
      %dma_start3A_422 = arith.constant 0 : i32
      %dma_start3A_423 = tpu.memref_slice %arg14[%dma_start3A_421, %dma_start3A_422] : memref<10240x128xf32, #tpu.memory_space<vmem_shared>> -> memref<10240x128xf32, #tpu.memory_space<vmem_shared>>
      tpu.enqueue_indirect_dma source(%arg11 : memref<20x128xf32, #tpu.memory_space<vmem>>) target(%dma_start3A_423 : memref<10240x128xf32, #tpu.memory_space<vmem_shared>>) offsets(%dma_start3A_420 : memref<20xi32, #tpu.memory_space<vmem>>) semaphore(%run_scoped3A_417 : memref<!tpu.dma_semaphore, #tpu.memory_space<semaphore_mem>>) {add = true}
      %dma_wait3A_424 = arith.constant 0 : i32
      %dma_wait3A_425 = tpu.memref_slice %arg8[%run_scoped3A_397, %dma_wait3A_424] : memref<500x20xi32, #tpu.memory_space<vmem>> -> memref<1x20xi32, #tpu.memory_space<vmem>>
      %dma_wait3A_426 = tpu.memref_squeeze %dma_wait3A_425 : memref<1x20xi32, #tpu.memory_space<vmem>> -> memref<20xi32, #tpu.memory_space<vmem>>
      %dma_wait3A_427 = arith.constant 0 : i32
      %dma_wait3A_428 = arith.constant 0 : i32
      %dma_wait3A_429 = tpu.memref_slice %arg14[%dma_wait3A_427, %dma_wait3A_428] : memref<10240x128xf32, #tpu.memory_space<vmem_shared>> -> memref<10240x128xf32, #tpu.memory_space<vmem_shared>>
      tpu.wait_indirect_dma semaphore(%run_scoped3A_417 : memref<!tpu.dma_semaphore, #tpu.memory_space<semaphore_mem>>) src(%arg11 : memref<20x128xf32, #tpu.memory_space<vmem>>) dst(%dma_wait3A_429 : memref<10240x128xf32, #tpu.memory_space<vmem_shared>>)
      tpu.yield
    }) : () -> ()
    %run_scoped3A_398 = arith.constant 498 : i32
    "tpu.region"() ({
      %run_scoped3A_417 = tpu.sem_alloc : memref<!tpu.dma_semaphore, #tpu.memory_space<semaphore_mem>>
      %dma_start3A_418 = arith.constant 0 : i32
      %dma_start3A_419 = tpu.memref_slice %arg8[%run_scoped3A_398, %dma_start3A_418] : memref<500x20xi32, #tpu.memory_space<vmem>> -> memref<1x20xi32, #tpu.memory_space<vmem>>
      %dma_start3A_420 = tpu.memref_squeeze %dma_start3A_419 : memref<1x20xi32, #tpu.memory_space<vmem>> -> memref<20xi32, #tpu.memory_space<vmem>>
      %dma_start3A_421 = arith.constant 0 : i32
      %dma_start3A_422 = arith.constant 0 : i32
      %dma_start3A_423 = tpu.memref_slice %arg21[%dma_start3A_421, %dma_start3A_422] : memref<10240x16xf32, #tpu.memory_space<vmem_shared>> -> memref<10240x16xf32, #tpu.memory_space<vmem_shared>>
      tpu.enqueue_indirect_dma source(%arg20 : memref<20x16xf32, #tpu.memory_space<vmem>>) target(%dma_start3A_423 : memref<10240x16xf32, #tpu.memory_space<vmem_shared>>) offsets(%dma_start3A_420 : memref<20xi32, #tpu.memory_space<vmem>>) semaphore(%run_scoped3A_417 : memref<!tpu.dma_semaphore, #tpu.memory_space<semaphore_mem>>) {add = true}
      %dma_wait3A_424 = arith.constant 0 : i32
      %dma_wait3A_425 = tpu.memref_slice %arg8[%run_scoped3A_398, %dma_wait3A_424] : memref<500x20xi32, #tpu.memory_space<vmem>> -> memref<1x20xi32, #tpu.memory_space<vmem>>
      %dma_wait3A_426 = tpu.memref_squeeze %dma_wait3A_425 : memref<1x20xi32, #tpu.memory_space<vmem>> -> memref<20xi32, #tpu.memory_space<vmem>>
      %dma_wait3A_427 = arith.constant 0 : i32
      %dma_wait3A_428 = arith.constant 0 : i32
      %dma_wait3A_429 = tpu.memref_slice %arg21[%dma_wait3A_427, %dma_wait3A_428] : memref<10240x16xf32, #tpu.memory_space<vmem_shared>> -> memref<10240x16xf32, #tpu.memory_space<vmem_shared>>
      tpu.wait_indirect_dma semaphore(%run_scoped3A_417 : memref<!tpu.dma_semaphore, #tpu.memory_space<semaphore_mem>>) src(%arg20 : memref<20x16xf32, #tpu.memory_space<vmem>>) dst(%dma_wait3A_429 : memref<10240x16xf32, #tpu.memory_space<vmem_shared>>)
      tpu.yield
    }) : () -> ()
    %dma_wait3A_399 = arith.constant 0 : i32
    %dma_wait3A_400 = arith.constant 0 : i32
    %dma_wait3A_401 = tpu.memref_slice %arg7[%dma_wait3A_399, %dma_wait3A_400] : memref<500x20xi32, #tpu.memory_space<vmem>> -> memref<1x20xi32, #tpu.memory_space<vmem>>
    %dma_wait3A_402 = tpu.memref_squeeze %dma_wait3A_401 : memref<1x20xi32, #tpu.memory_space<vmem>> -> memref<20xi32, #tpu.memory_space<vmem>>
    %dma_wait3A_403 = arith.constant 0 : i32
    %dma_wait3A_404 = arith.constant 0 : i32
    %dma_wait3A_405 = tpu.memref_slice %arg2[%dma_wait3A_403, %dma_wait3A_404] : memref<10000x128xf32, #tpu.memory_space<hbm>> -> memref<10000x128xf32, #tpu.memory_space<hbm>>
    tpu.wait_indirect_dma semaphore(%arg18 : memref<!tpu.dma_semaphore, #tpu.memory_space<semaphore_mem>>) src(%dma_wait3A_405 : memref<10000x128xf32, #tpu.memory_space<hbm>>) dst(%arg12 : memref<20x128xf32, #tpu.memory_space<vmem>>)
    %run_scoped3A_406 = arith.constant 499 : i32
    "tpu.region"() ({
      %run_scoped3A_417 = tpu.sem_alloc : memref<!tpu.dma_semaphore, #tpu.memory_space<semaphore_mem>>
      %dma_start3A_418 = arith.constant 0 : i32
      %dma_start3A_419 = tpu.memref_slice %arg8[%run_scoped3A_406, %dma_start3A_418] : memref<500x20xi32, #tpu.memory_space<vmem>> -> memref<1x20xi32, #tpu.memory_space<vmem>>
      %dma_start3A_420 = tpu.memref_squeeze %dma_start3A_419 : memref<1x20xi32, #tpu.memory_space<vmem>> -> memref<20xi32, #tpu.memory_space<vmem>>
      %dma_start3A_421 = arith.constant 0 : i32
      %dma_start3A_422 = arith.constant 0 : i32
      %dma_start3A_423 = tpu.memref_slice %arg14[%dma_start3A_421, %dma_start3A_422] : memref<10240x128xf32, #tpu.memory_space<vmem_shared>> -> memref<10240x128xf32, #tpu.memory_space<vmem_shared>>
      tpu.enqueue_indirect_dma source(%arg12 : memref<20x128xf32, #tpu.memory_space<vmem>>) target(%dma_start3A_423 : memref<10240x128xf32, #tpu.memory_space<vmem_shared>>) offsets(%dma_start3A_420 : memref<20xi32, #tpu.memory_space<vmem>>) semaphore(%run_scoped3A_417 : memref<!tpu.dma_semaphore, #tpu.memory_space<semaphore_mem>>) {add = true}
      %dma_wait3A_424 = arith.constant 0 : i32
      %dma_wait3A_425 = tpu.memref_slice %arg8[%run_scoped3A_406, %dma_wait3A_424] : memref<500x20xi32, #tpu.memory_space<vmem>> -> memref<1x20xi32, #tpu.memory_space<vmem>>
      %dma_wait3A_426 = tpu.memref_squeeze %dma_wait3A_425 : memref<1x20xi32, #tpu.memory_space<vmem>> -> memref<20xi32, #tpu.memory_space<vmem>>
      %dma_wait3A_427 = arith.constant 0 : i32
      %dma_wait3A_428 = arith.constant 0 : i32
      %dma_wait3A_429 = tpu.memref_slice %arg14[%dma_wait3A_427, %dma_wait3A_428] : memref<10240x128xf32, #tpu.memory_space<vmem_shared>> -> memref<10240x128xf32, #tpu.memory_space<vmem_shared>>
      tpu.wait_indirect_dma semaphore(%run_scoped3A_417 : memref<!tpu.dma_semaphore, #tpu.memory_space<semaphore_mem>>) src(%arg12 : memref<20x128xf32, #tpu.memory_space<vmem>>) dst(%dma_wait3A_429 : memref<10240x128xf32, #tpu.memory_space<vmem_shared>>)
      tpu.yield
    }) : () -> ()
    %run_scoped3A_407 = arith.constant 499 : i32
    "tpu.region"() ({
      %run_scoped3A_417 = tpu.sem_alloc : memref<!tpu.dma_semaphore, #tpu.memory_space<semaphore_mem>>
      %dma_start3A_418 = arith.constant 0 : i32
      %dma_start3A_419 = tpu.memref_slice %arg8[%run_scoped3A_407, %dma_start3A_418] : memref<500x20xi32, #tpu.memory_space<vmem>> -> memref<1x20xi32, #tpu.memory_space<vmem>>
      %dma_start3A_420 = tpu.memref_squeeze %dma_start3A_419 : memref<1x20xi32, #tpu.memory_space<vmem>> -> memref<20xi32, #tpu.memory_space<vmem>>
      %dma_start3A_421 = arith.constant 0 : i32
      %dma_start3A_422 = arith.constant 0 : i32
      %dma_start3A_423 = tpu.memref_slice %arg21[%dma_start3A_421, %dma_start3A_422] : memref<10240x16xf32, #tpu.memory_space<vmem_shared>> -> memref<10240x16xf32, #tpu.memory_space<vmem_shared>>
      tpu.enqueue_indirect_dma source(%arg20 : memref<20x16xf32, #tpu.memory_space<vmem>>) target(%dma_start3A_423 : memref<10240x16xf32, #tpu.memory_space<vmem_shared>>) offsets(%dma_start3A_420 : memref<20xi32, #tpu.memory_space<vmem>>) semaphore(%run_scoped3A_417 : memref<!tpu.dma_semaphore, #tpu.memory_space<semaphore_mem>>) {add = true}
      %dma_wait3A_424 = arith.constant 0 : i32
      %dma_wait3A_425 = tpu.memref_slice %arg8[%run_scoped3A_407, %dma_wait3A_424] : memref<500x20xi32, #tpu.memory_space<vmem>> -> memref<1x20xi32, #tpu.memory_space<vmem>>
      %dma_wait3A_426 = tpu.memref_squeeze %dma_wait3A_425 : memref<1x20xi32, #tpu.memory_space<vmem>> -> memref<20xi32, #tpu.memory_space<vmem>>
      %dma_wait3A_427 = arith.constant 0 : i32
      %dma_wait3A_428 = arith.constant 0 : i32
      %dma_wait3A_429 = tpu.memref_slice %arg21[%dma_wait3A_427, %dma_wait3A_428] : memref<10240x16xf32, #tpu.memory_space<vmem_shared>> -> memref<10240x16xf32, #tpu.memory_space<vmem_shared>>
      tpu.wait_indirect_dma semaphore(%run_scoped3A_417 : memref<!tpu.dma_semaphore, #tpu.memory_space<semaphore_mem>>) src(%arg20 : memref<20x16xf32, #tpu.memory_space<vmem>>) dst(%dma_wait3A_429 : memref<10240x16xf32, #tpu.memory_space<vmem_shared>>)
      tpu.yield
    }) : () -> ()
    %barrier3A_408 = arith.constant 0 : index
    tpu.barrier barrier_id(%barrier3A_408)
    %mul3A_409 = arith.constant 640 : i32
    %mul3A_410 = arith.muli %arg1, %mul3A_409 : i32
    %mul3A_411 = arith.constant 640 : i32
    %mul3A_412 = arith.muli %arg1, %mul3A_411 : i32
    "tpu.region"() ({
      %run_scoped3A_417 = tpu.sem_alloc : memref<!tpu.dma_semaphore, #tpu.memory_space<semaphore_mem>>
      %dma_start3A_418 = arith.constant 0 : i32
      %dma_start3A_419 = tpu.memref_slice %arg5[%arg0, %mul3A_412, %dma_start3A_418] : memref<2x10240x128xf32, #tpu.memory_space<hbm>> -> memref<1x640x128xf32, #tpu.memory_space<hbm>>
      %dma_start3A_420 = tpu.memref_squeeze %dma_start3A_419 : memref<1x640x128xf32, #tpu.memory_space<hbm>> -> memref<640x128xf32, #tpu.memory_space<hbm>>
      %dma_start3A_421 = arith.constant 0 : i32
      %dma_start3A_422 = tpu.memref_slice %arg14[%mul3A_410, %dma_start3A_421] : memref<10240x128xf32, #tpu.memory_space<vmem_shared>> -> memref<640x128xf32, #tpu.memory_space<vmem_shared>>
      tpu.enqueue_dma source(%dma_start3A_422 : memref<640x128xf32, #tpu.memory_space<vmem_shared>>) target(%dma_start3A_420 : memref<640x128xf32, #tpu.memory_space<hbm>>) target_semaphore(%run_scoped3A_417 : memref<!tpu.dma_semaphore, #tpu.memory_space<semaphore_mem>>)
      %dma_wait3A_423 = arith.constant 0 : i32
      %dma_wait3A_424 = tpu.memref_slice %arg5[%arg0, %mul3A_412, %dma_wait3A_423] : memref<2x10240x128xf32, #tpu.memory_space<hbm>> -> memref<1x640x128xf32, #tpu.memory_space<hbm>>
      %dma_wait3A_425 = tpu.memref_squeeze %dma_wait3A_424 : memref<1x640x128xf32, #tpu.memory_space<hbm>> -> memref<640x128xf32, #tpu.memory_space<hbm>>
      %dma_wait3A_426 = arith.constant 0 : i32
      %dma_wait3A_427 = tpu.memref_slice %arg14[%mul3A_410, %dma_wait3A_426] : memref<10240x128xf32, #tpu.memory_space<vmem_shared>> -> memref<640x128xf32, #tpu.memory_space<vmem_shared>>
      tpu.wait_dma2 semaphore(%run_scoped3A_417 : memref<!tpu.dma_semaphore, #tpu.memory_space<semaphore_mem>>) src(%dma_wait3A_427 : memref<640x128xf32, #tpu.memory_space<vmem_shared>>) dst(%dma_wait3A_425 : memref<640x128xf32, #tpu.memory_space<hbm>>)
      tpu.yield
    }) : () -> ()
    %mul3A_413 = arith.constant 640 : i32
    %mul3A_414 = arith.muli %arg1, %mul3A_413 : i32
    %mul3A_415 = arith.constant 640 : i32
    %mul3A_416 = arith.muli %arg1, %mul3A_415 : i32
    "tpu.region"() ({
      %run_scoped3A_417 = tpu.sem_alloc : memref<!tpu.dma_semaphore, #tpu.memory_space<semaphore_mem>>
      %dma_start3A_418 = arith.constant 0 : i32
      %dma_start3A_419 = tpu.memref_slice %arg6[%arg0, %mul3A_416, %dma_start3A_418] : memref<2x10240x16xf32, #tpu.memory_space<hbm>> -> memref<1x640x16xf32, #tpu.memory_space<hbm>>
      %dma_start3A_420 = tpu.memref_squeeze %dma_start3A_419 : memref<1x640x16xf32, #tpu.memory_space<hbm>> -> memref<640x16xf32, #tpu.memory_space<hbm>>
      %dma_start3A_421 = arith.constant 0 : i32
      %dma_start3A_422 = tpu.memref_slice %arg21[%mul3A_414, %dma_start3A_421] : memref<10240x16xf32, #tpu.memory_space<vmem_shared>> -> memref<640x16xf32, #tpu.memory_space<vmem_shared>>
      tpu.enqueue_dma source(%dma_start3A_422 : memref<640x16xf32, #tpu.memory_space<vmem_shared>>) target(%dma_start3A_420 : memref<640x16xf32, #tpu.memory_space<hbm>>) target_semaphore(%run_scoped3A_417 : memref<!tpu.dma_semaphore, #tpu.memory_space<semaphore_mem>>)
      %dma_wait3A_423 = arith.constant 0 : i32
      %dma_wait3A_424 = tpu.memref_slice %arg6[%arg0, %mul3A_416, %dma_wait3A_423] : memref<2x10240x16xf32, #tpu.memory_space<hbm>> -> memref<1x640x16xf32, #tpu.memory_space<hbm>>
      %dma_wait3A_425 = tpu.memref_squeeze %dma_wait3A_424 : memref<1x640x16xf32, #tpu.memory_space<hbm>> -> memref<640x16xf32, #tpu.memory_space<hbm>>
      %dma_wait3A_426 = arith.constant 0 : i32
      %dma_wait3A_427 = tpu.memref_slice %arg21[%mul3A_414, %dma_wait3A_426] : memref<10240x16xf32, #tpu.memory_space<vmem_shared>> -> memref<640x16xf32, #tpu.memory_space<vmem_shared>>
      tpu.wait_dma2 semaphore(%run_scoped3A_417 : memref<!tpu.dma_semaphore, #tpu.memory_space<semaphore_mem>>) src(%dma_wait3A_427 : memref<640x16xf32, #tpu.memory_space<vmem_shared>>) dst(%dma_wait3A_425 : memref<640x16xf32, #tpu.memory_space<hbm>>)
      tpu.yield
    }) : () -> ()
    return
  }
}

module attributes {stable_mosaic.version = 14 : i64} {
  func.func @_tc_body(%arg0: i32, %arg1: memref<2x1000x128xf32, #tpu.memory_space<vmem>>, %arg2: memref<2x1000x16xf32, #tpu.memory_space<vmem>>, %arg3: memref<1000x128xf32, #tpu.memory_space<vmem>>, %arg4: memref<128x128xf32, #tpu.memory_space<vmem>>, %arg5: memref<1x128xf32, #tpu.memory_space<vmem>>, %arg6: memref<128x128xf32, #tpu.memory_space<vmem>>, %arg7: memref<1000x128xf32, #tpu.memory_space<vmem>>) attributes {dimension_semantics = [#tpu.dimension_semantics<arbitrary>], iteration_bounds = array<i64: 10>, scalar_prefetch = 0 : i64, scratch_operands = 0 : i64, tpu.core_type = #tpu.core_type<tc>, window_params = [{transform_indices = @transform_0, window_bounds = array<i64: 2, 1000, 128>}, {transform_indices = @transform_1, window_bounds = array<i64: 2, 1000, 16>}, {transform_indices = @transform_2, window_bounds = array<i64: 1000, 128>}, {pipeline_mode = #tpu.pipeline_mode<synchronous>, transform_indices = @transform_3, window_bounds = array<i64: 128, 128>}, {pipeline_mode = #tpu.pipeline_mode<synchronous>, transform_indices = @transform_4, window_bounds = array<i64: 1, 128>}, {pipeline_mode = #tpu.pipeline_mode<synchronous>, transform_indices = @transform_5, window_bounds = array<i64: 128, 128>}, {transform_indices = @transform_6, window_bounds = array<i64: 1000, 128>}]} {
    %get3A = arith.constant 0 : index
    %get3A_0 = arith.constant 0 : index
    %get3A_1 = arith.constant 0 : index
    %get3A_2 = vector.load %arg1[%get3A, %get3A_0, %get3A_1] : memref<2x1000x128xf32, #tpu.memory_space<vmem>>, vector<1x1000x128xf32>
    %get3A_3 = vector.shape_cast %get3A_2 : vector<1x1000x128xf32> to vector<1000x128xf32>
    %get3A_4 = arith.constant 1 : index
    %get3A_5 = arith.constant 0 : index
    %get3A_6 = arith.constant 0 : index
    %get3A_7 = vector.load %arg1[%get3A_4, %get3A_5, %get3A_6] : memref<2x1000x128xf32, #tpu.memory_space<vmem>>, vector<1x1000x128xf32>
    %get3A_8 = vector.shape_cast %get3A_7 : vector<1x1000x128xf32> to vector<1000x128xf32>
    %add3A = arith.addf %get3A_3, %get3A_8 : vector<1000x128xf32>
    %get3A_9 = arith.constant 0 : index
    %get3A_10 = arith.constant 0 : index
    %get3A_11 = arith.constant 0 : index
    %get3A_12 = vector.load %arg2[%get3A_9, %get3A_10, %get3A_11] : memref<2x1000x16xf32, #tpu.memory_space<vmem>>, vector<2x1000x16xf32>
    %slice3A = vector.extract_strided_slice %get3A_12 {offsets = [0, 0, 0], sizes = [1, 1000, 1], strides = [1, 1, 1]} : vector<2x1000x16xf32> to vector<1x1000x1xf32>
    %squeeze3A = vector.shape_cast %slice3A : vector<1x1000x1xf32> to vector<1000x1xf32>
    %slice3A_13 = vector.extract_strided_slice %get3A_12 {offsets = [1, 0, 0], sizes = [1, 1000, 1], strides = [1, 1, 1]} : vector<2x1000x16xf32> to vector<1x1000x1xf32>
    %squeeze3A_14 = vector.shape_cast %slice3A_13 : vector<1x1000x1xf32> to vector<1000x1xf32>
    %add3A_15 = arith.addf %squeeze3A, %squeeze3A_14 : vector<1000x1xf32>
    %max3A = arith.constant 1.000000e+00 : f32
    %max3A_16 = vector.broadcast %max3A : f32 to vector<1000x1xf32>
    %max3A_17 = arith.maximumf %add3A_15, %max3A_16 : vector<1000x1xf32>
    %div3A = vector.broadcast %max3A_17 : vector<1000x1xf32> to vector<1000x128xf32>
    %div3A_18 = arith.divf %add3A, %div3A : vector<1000x128xf32>
    %get3A_19 = arith.constant 0 : index
    %get3A_20 = arith.constant 0 : index
    %get3A_21 = vector.load %arg4[%get3A_19, %get3A_20] : memref<128x128xf32, #tpu.memory_space<vmem>>, vector<128x128xf32>
    %dot_general3A = arith.constant dense<0.000000e+00> : vector<1000x128xf32>
    %dot_general3A_22 = tpu.matmul %div3A_18, %get3A_21, %dot_general3A {dimension_numbers = #tpu.dot_dimension_numbers<[1], [0], [0], [1], [0, 0, 1, 1], [], []>, transpose_lhs_hint = false} : vector<1000x128xf32>, vector<128x128xf32>, vector<1000x128xf32> -> vector<1000x128xf32>
    %get3A_23 = arith.constant 0 : index
    %get3A_24 = arith.constant 0 : index
    %get3A_25 = vector.load %arg3[%get3A_23, %get3A_24] : memref<1000x128xf32, #tpu.memory_space<vmem>>, vector<1000x128xf32>
    %get3A_26 = arith.constant 0 : index
    %get3A_27 = arith.constant 0 : index
    %get3A_28 = vector.load %arg6[%get3A_26, %get3A_27] : memref<128x128xf32, #tpu.memory_space<vmem>>, vector<128x128xf32>
    %dot_general3A_29 = arith.constant dense<0.000000e+00> : vector<1000x128xf32>
    %dot_general3A_30 = tpu.matmul %get3A_25, %get3A_28, %dot_general3A_29 {dimension_numbers = #tpu.dot_dimension_numbers<[1], [0], [0], [1], [0, 0, 1, 1], [], []>, transpose_lhs_hint = false} : vector<1000x128xf32>, vector<128x128xf32>, vector<1000x128xf32> -> vector<1000x128xf32>
    %add3A_31 = arith.addf %dot_general3A_22, %dot_general3A_30 : vector<1000x128xf32>
    %get3A_32 = arith.constant 0 : index
    %get3A_33 = arith.constant 0 : index
    %get3A_34 = vector.load %arg5[%get3A_32, %get3A_33] : memref<1x128xf32, #tpu.memory_space<vmem>>, vector<1x128xf32>
    %add3A_35 = vector.broadcast %get3A_34 : vector<1x128xf32> to vector<1000x128xf32>
    %add3A_36 = arith.addf %add3A_31, %add3A_35 : vector<1000x128xf32>
    %max3A_37 = arith.constant 0.000000e+00 : f32
    %max3A_38 = vector.broadcast %max3A_37 : f32 to vector<1000x128xf32>
    %max3A_39 = arith.maximumf %add3A_36, %max3A_38 : vector<1000x128xf32>
    %swap3A = arith.constant 0 : index
    %swap3A_40 = arith.constant 0 : index
    %swap3A_41 = vector.load %arg7[%swap3A, %swap3A_40] : memref<1000x128xf32, #tpu.memory_space<vmem>>, vector<1000x128xf32>
    tpu.vector_store %arg7[%swap3A, %swap3A_40], %max3A_39 {strides = array<i32>} : memref<1000x128xf32, #tpu.memory_space<vmem>>, vector<1000x128xf32>,
    return
  }
  func.func @transform_0(%arg0: i32) -> (i32, i32, i32) {
    %c0_i32 = arith.constant 0 : i32
    %c0_i32_0 = arith.constant 0 : i32
    %c0_i32_1 = arith.constant 0 : i32
    return %c0_i32, %arg0, %c0_i32_0 : i32, i32, i32
  }
  func.func @transform_1(%arg0: i32) -> (i32, i32, i32) {
    %c0_i32 = arith.constant 0 : i32
    %c0_i32_0 = arith.constant 0 : i32
    %c0_i32_1 = arith.constant 0 : i32
    return %c0_i32, %arg0, %c0_i32_0 : i32, i32, i32
  }
  func.func @transform_2(%arg0: i32) -> (i32, i32) {
    %c0_i32 = arith.constant 0 : i32
    %c0_i32_0 = arith.constant 0 : i32
    return %arg0, %c0_i32 : i32, i32
  }
  func.func @transform_3(%arg0: i32) -> (i32, i32) {
    %c0_i32 = arith.constant 0 : i32
    %c0_i32_0 = arith.constant 0 : i32
    %c0_i32_1 = arith.constant 0 : i32
    return %c0_i32, %c0_i32_0 : i32, i32
  }
  func.func @transform_4(%arg0: i32) -> (i32, i32) {
    %c0_i32 = arith.constant 0 : i32
    %c0_i32_0 = arith.constant 0 : i32
    %c0_i32_1 = arith.constant 0 : i32
    return %c0_i32, %c0_i32_0 : i32, i32
  }
  func.func @transform_5(%arg0: i32) -> (i32, i32) {
    %c0_i32 = arith.constant 0 : i32
    %c0_i32_0 = arith.constant 0 : i32
    %c0_i32_1 = arith.constant 0 : i32
    return %c0_i32, %c0_i32_0 : i32, i32
  }
  func.func @transform_6(%arg0: i32) -> (i32, i32) {
    %c0_i32 = arith.constant 0 : i32
    %c0_i32_0 = arith.constant 0 : i32
    return %arg0, %c0_i32 : i32, i32
  }
}

module attributes {stable_mosaic.version = 14 : i64} {
  func.func @_tc_body(%arg0: i32, %arg1: memref<2x1000x128xf32, #tpu.memory_space<vmem>>, %arg2: memref<2x1000x16xf32, #tpu.memory_space<vmem>>, %arg3: memref<1000x128xf32, #tpu.memory_space<vmem>>, %arg4: memref<128x128xf32, #tpu.memory_space<vmem>>, %arg5: memref<1x128xf32, #tpu.memory_space<vmem>>, %arg6: memref<128x128xf32, #tpu.memory_space<vmem>>, %arg7: memref<1000x128xf32, #tpu.memory_space<vmem>>) attributes {dimension_semantics = [#tpu.dimension_semantics<arbitrary>], iteration_bounds = array<i64: 10>, scalar_prefetch = 0 : i64, scratch_operands = 0 : i64, tpu.core_type = #tpu.core_type<tc>, window_params = [{transform_indices = @transform_0, window_bounds = array<i64: 2, 1000, 128>}, {transform_indices = @transform_1, window_bounds = array<i64: 2, 1000, 16>}, {transform_indices = @transform_2, window_bounds = array<i64: 1000, 128>}, {pipeline_mode = #tpu.pipeline_mode<synchronous>, transform_indices = @transform_3, window_bounds = array<i64: 128, 128>}, {pipeline_mode = #tpu.pipeline_mode<synchronous>, transform_indices = @transform_4, window_bounds = array<i64: 1, 128>}, {pipeline_mode = #tpu.pipeline_mode<synchronous>, transform_indices = @transform_5, window_bounds = array<i64: 128, 128>}, {transform_indices = @transform_6, window_bounds = array<i64: 1000, 128>}]} {
    %get3A = arith.constant 0 : index
    %get3A_0 = arith.constant 0 : index
    %get3A_1 = arith.constant 0 : index
    %get3A_2 = vector.load %arg1[%get3A, %get3A_0, %get3A_1] : memref<2x1000x128xf32, #tpu.memory_space<vmem>>, vector<1x1000x128xf32>
    %get3A_3 = vector.shape_cast %get3A_2 : vector<1x1000x128xf32> to vector<1000x128xf32>
    %get3A_4 = arith.constant 1 : index
    %get3A_5 = arith.constant 0 : index
    %get3A_6 = arith.constant 0 : index
    %get3A_7 = vector.load %arg1[%get3A_4, %get3A_5, %get3A_6] : memref<2x1000x128xf32, #tpu.memory_space<vmem>>, vector<1x1000x128xf32>
    %get3A_8 = vector.shape_cast %get3A_7 : vector<1x1000x128xf32> to vector<1000x128xf32>
    %add3A = arith.addf %get3A_3, %get3A_8 : vector<1000x128xf32>
    %get3A_9 = arith.constant 0 : index
    %get3A_10 = arith.constant 0 : index
    %get3A_11 = arith.constant 0 : index
    %get3A_12 = vector.load %arg2[%get3A_9, %get3A_10, %get3A_11] : memref<2x1000x16xf32, #tpu.memory_space<vmem>>, vector<2x1000x16xf32>
    %slice3A = vector.extract_strided_slice %get3A_12 {offsets = [0, 0, 0], sizes = [1, 1000, 1], strides = [1, 1, 1]} : vector<2x1000x16xf32> to vector<1x1000x1xf32>
    %squeeze3A = vector.shape_cast %slice3A : vector<1x1000x1xf32> to vector<1000x1xf32>
    %slice3A_13 = vector.extract_strided_slice %get3A_12 {offsets = [1, 0, 0], sizes = [1, 1000, 1], strides = [1, 1, 1]} : vector<2x1000x16xf32> to vector<1x1000x1xf32>
    %squeeze3A_14 = vector.shape_cast %slice3A_13 : vector<1x1000x1xf32> to vector<1000x1xf32>
    %add3A_15 = arith.addf %squeeze3A, %squeeze3A_14 : vector<1000x1xf32>
    %max3A = arith.constant 1.000000e+00 : f32
    %max3A_16 = vector.broadcast %max3A : f32 to vector<1000x1xf32>
    %max3A_17 = arith.maximumf %add3A_15, %max3A_16 : vector<1000x1xf32>
    %div3A = vector.broadcast %max3A_17 : vector<1000x1xf32> to vector<1000x128xf32>
    %div3A_18 = arith.divf %add3A, %div3A : vector<1000x128xf32>
    %get3A_19 = arith.constant 0 : index
    %get3A_20 = arith.constant 0 : index
    %get3A_21 = vector.load %arg4[%get3A_19, %get3A_20] : memref<128x128xf32, #tpu.memory_space<vmem>>, vector<128x128xf32>
    %dot_general3A = arith.constant dense<0.000000e+00> : vector<1000x128xf32>
    %dot_general3A_22 = tpu.matmul %div3A_18, %get3A_21, %dot_general3A {dimension_numbers = #tpu.dot_dimension_numbers<[1], [0], [0], [1], [0, 0, 1, 1], [], []>, transpose_lhs_hint = false} : vector<1000x128xf32>, vector<128x128xf32>, vector<1000x128xf32> -> vector<1000x128xf32>
    %get3A_23 = arith.constant 0 : index
    %get3A_24 = arith.constant 0 : index
    %get3A_25 = vector.load %arg3[%get3A_23, %get3A_24] : memref<1000x128xf32, #tpu.memory_space<vmem>>, vector<1000x128xf32>
    %get3A_26 = arith.constant 0 : index
    %get3A_27 = arith.constant 0 : index
    %get3A_28 = vector.load %arg6[%get3A_26, %get3A_27] : memref<128x128xf32, #tpu.memory_space<vmem>>, vector<128x128xf32>
    %dot_general3A_29 = arith.constant dense<0.000000e+00> : vector<1000x128xf32>
    %dot_general3A_30 = tpu.matmul %get3A_25, %get3A_28, %dot_general3A_29 {dimension_numbers = #tpu.dot_dimension_numbers<[1], [0], [0], [1], [0, 0, 1, 1], [], []>, transpose_lhs_hint = false} : vector<1000x128xf32>, vector<128x128xf32>, vector<1000x128xf32> -> vector<1000x128xf32>
    %add3A_31 = arith.addf %dot_general3A_22, %dot_general3A_30 : vector<1000x128xf32>
    %get3A_32 = arith.constant 0 : index
    %get3A_33 = arith.constant 0 : index
    %get3A_34 = vector.load %arg5[%get3A_32, %get3A_33] : memref<1x128xf32, #tpu.memory_space<vmem>>, vector<1x128xf32>
    %add3A_35 = vector.broadcast %get3A_34 : vector<1x128xf32> to vector<1000x128xf32>
    %add3A_36 = arith.addf %add3A_31, %add3A_35 : vector<1000x128xf32>
    %swap3A = arith.constant 0 : index
    %swap3A_37 = arith.constant 0 : index
    %swap3A_38 = vector.load %arg7[%swap3A, %swap3A_37] : memref<1000x128xf32, #tpu.memory_space<vmem>>, vector<1000x128xf32>
    tpu.vector_store %arg7[%swap3A, %swap3A_37], %add3A_36 {strides = array<i32>} : memref<1000x128xf32, #tpu.memory_space<vmem>>, vector<1000x128xf32>,
    return
  }
  func.func @transform_0(%arg0: i32) -> (i32, i32, i32) {
    %c0_i32 = arith.constant 0 : i32
    %c0_i32_0 = arith.constant 0 : i32
    %c0_i32_1 = arith.constant 0 : i32
    return %c0_i32, %arg0, %c0_i32_0 : i32, i32, i32
  }
  func.func @transform_1(%arg0: i32) -> (i32, i32, i32) {
    %c0_i32 = arith.constant 0 : i32
    %c0_i32_0 = arith.constant 0 : i32
    %c0_i32_1 = arith.constant 0 : i32
    return %c0_i32, %arg0, %c0_i32_0 : i32, i32, i32
  }
  func.func @transform_2(%arg0: i32) -> (i32, i32) {
    %c0_i32 = arith.constant 0 : i32
    %c0_i32_0 = arith.constant 0 : i32
    return %arg0, %c0_i32 : i32, i32
  }
  func.func @transform_3(%arg0: i32) -> (i32, i32) {
    %c0_i32 = arith.constant 0 : i32
    %c0_i32_0 = arith.constant 0 : i32
    %c0_i32_1 = arith.constant 0 : i32
    return %c0_i32, %c0_i32_0 : i32, i32
  }
  func.func @transform_4(%arg0: i32) -> (i32, i32) {
    %c0_i32 = arith.constant 0 : i32
    %c0_i32_0 = arith.constant 0 : i32
    %c0_i32_1 = arith.constant 0 : i32
    return %c0_i32, %c0_i32_0 : i32, i32
  }
  func.func @transform_5(%arg0: i32) -> (i32, i32) {
    %c0_i32 = arith.constant 0 : i32
    %c0_i32_0 = arith.constant 0 : i32
    %c0_i32_1 = arith.constant 0 : i32
    return %c0_i32, %c0_i32_0 : i32, i32
  }
  func.func @transform_6(%arg0: i32) -> (i32, i32) {
    %c0_i32 = arith.constant 0 : i32
    %c0_i32_0 = arith.constant 0 : i32
    return %arg0, %c0_i32 : i32, i32
  }
}

</mosaic_0001>

<sc_bundles>
// kernel: kernel.6.cloned.1.call-start
scs
__scs_entry_jumppad:
0x0: {  	(pc) =	sbr.rel $0x88, $3  }
0x1: {  	(tag) =	ssettag $0x0;
	lr =	simm.s32 $0x1  }
0x2: {  	[smem:$0x3F99] =	sst lr;
	_ =	strace $0xD0000000  }
0x3: {  	_ = 	snop  }
0x4: {  	_ = 	snop  }
0x5: {  	_ = 	snop  }
0x6: {  	_ = 	snop  }
0x7: {  	_ = 	snop  }
__scs_overlays_trampoline_lowered:
0x8: {  	[smem:$0x3FA8] =	sst s0  }
0x9: {  	[smem:$0x3FA9] =	sst s1  }
0xa: {  	[smem:$0x3FAA] =	sst s2  }
0xb: {  	[smem:$0x3FAB] =	sst s3  }
0xc: {  	[smem:$0x3FAC] =	sst s4  }
0xd: {  	[smem:$0x3FAD] =	sst s5  }
0xe: {  	[smem:$0x3FAE] =	sst s6  }
0xf: {  	[smem:$0x3FAF] =	sst s7  }
0x10: {  	[smem:$0x3FB0] =	sst s8  }
0x11: {  	[smem:$0x3FB1] =	sst s9;
	s0 =	simm.s32 @!p0 $0x0  }
0x12: {  	s1 =	sld [smem:$0x3F97];
	s0 =	simm.s32 @p0 $0x1  }
0x13: {  	[smem:$0x3FB2] =	sst s0;
	s0 =	simm.s32 @!p1 $0x0  }
0x14: {  	s2 =	sld [smem:$0x3F96];
	s0 =	simm.s32 @p1 $0x1  }
0x15: {  	[smem:$0x3FB3] =	sst s0;
	s0 =	simm.s32 @!p2 $0x0  }
0x16: {  	s3 =	sld [smem:$0x3FDB];
	s0 =	simm.s32 @p2 $0x1  }
0x17: {  	s4 =	simm.s32 $0x1BF5;
	[smem:$0x3FB5] =	sst s0  }
0x18: {  	s0 =	sld [smem:$0x3F98];
	_ =	swait.ge [sflag:s4], $0x0  }
0x19: {  	s7 =	sld [smem:$0x3F99]  }
0x1a: {  	s8 =	sadd.s32 $0xFFFFE003, lr  }
0x1b: {  	s9 =	sadd.s32 $0xFFFFFEF7, lr;
	s5 =	simm.s32 $0xFFFFFFFF;
	p2 =	slt.u32 s8, $0xFFFFF086  }
0x1c: {  	p1 =	slt.u32 s9, $0xF7A;
	s5 =	simm.s32 @!p2 $0x0  }
0x1d: {  	s5 =	simm.s32 @p1 $0x1;
	p0 =	seq.s32 s7, s2  }
0x1e: {  	s7 =	smul.u32 @!p0 $0xF7A, s2;
	p2 =	seq.s32 @!p0 s5, $0x0  }
0x1f: {  	s9 =	smul.u32 $0xF7A, s1;
	s8 =	simm.s32 @!p0 $0x1BF5;
	p2 =	por !p2, p0  }
0x20: {  	[sflag:s8] =	ssyncset.s32 @!p0 $0xFFFFF086;
	s6 =	sadd.s32 @!p0 s3, s7;
	s7 =	simm.s32 @!p0 $0x108  }
0x21: {  	s3 =	sadd.s32 s3, s9;
	s6 =	sadd.s32 @!p0 $0x88, s6;
	s7 =	simm.s32 @p2 $0x1082  }
0x22: {  	[simem:s7], [sflag:s8] =	dma.local @!p0 [hbm:s6], $0xF7A  }
0x23: {  	s9 =	sor.u32 $0xD0000000, s2;
	s6 =	simm.s32 $0x108;
	_ =	swait.ge @!p0 [sflag:s8], $0x0  }
0x24: {  	s3 =	sadd.s32 $0x88, s3;
	s6 =	simm.s32 @!p1 $0x1082;
	[sflag:s4] =	ssyncset.s32 $0xFFFFF086  }
0x25: {  	[simem:s6], [sflag:s4] =	dma.local [hbm:s3], $0xF7A  }
0x26: {  	[smem:$0x3F99] =	sst s1;
	(tag) =	ssettag s2;
	_ =	strace s9  }
0x27: {  	s1 =	sld [smem:$0x3FA9]  }
0x28: {  	s2 =	sld [smem:$0x3FAA]  }
0x29: {  	s4 =	sld [smem:$0x3FAC]  }
0x2a: {  	p0 =	seq.s32 s5, $0x0;
	s5 =	sld [smem:$0x3FAD]  }
0x2b: {  	s6 =	sld [smem:$0x3FAE]  }
0x2c: {  	s7 =	sld [smem:$0x3FAF]  }
0x2d: {  	s3 =	simm.s32 $0x108;
	s8 =	sld [smem:$0x3FB0]  }
0x2e: {  	s3 =	simm.s32 @!p0 $0x1082;
	s9 =	sld [smem:$0x3FB1]  }
0x2f: {  	lr =	sadd.s32 s0, s3;
	s0 =	sld [smem:$0x3FA8]  }
0x30: {  	s3 =	sld [smem:$0x3FAB]  }
0x31: {  	[smem:$0x3FB4] =	sst s10  }
0x32: {  	s10 =	sld [smem:$0x3FB2];
	_ =	sdelay $0x3  }
0x33: {  	p0 =	seq.s32 s10, $0x1;
	s10 =	sld [smem:$0x3FB4];
	_ =	sdelay $0x3  }
0x34: {  	[smem:$0x3FB4] =	sst s10  }
0x35: {  	s10 =	sld [smem:$0x3FB3];
	_ =	sdelay $0x3  }
0x36: {  	p1 =	seq.s32 s10, $0x1;
	s10 =	sld [smem:$0x3FB4];
	_ =	sdelay $0x3  }
0x37: {  	[smem:$0x3FB4] =	sst s10  }
0x38: {  	s10 =	sld [smem:$0x3FB5]  }
0x39: {  	_ = 	snop;
	(pc) =	sbr.ind lr, $3  }
0x3a: {  	_ = 	snop  }
0x3b: {  	_ = 	snop  }
0x3c: {  	p2 =	seq.s32 s10, $0x1;
	s10 =	sld [smem:$0x3FB4]  }
0x3d: {  	_ =	shalt  }
0x3e: {  	_ =	shalt  }
0x3f: {  	_ =	shalt  }
0x40: {  	_ =	shalt  }
0x41: {  	_ =	shalt  }
0x42: {  	_ =	shalt  }
0x43: {  	_ =	shalt  }
0x44: {  	_ =	shalt  }
0x45: {  	_ =	shalt  }
0x46: {  	_ =	shalt  }
0x47: {  	_ =	shalt  }
0x48: {  	_ =	shalt  }
0x49: {  	_ =	shalt  }
0x4a: {  	_ =	shalt  }
0x4b: {  	_ =	shalt  }
0x4c: {  	_ =	shalt  }
0x4d: {  	_ =	shalt  }
0x4e: {  	_ =	shalt  }
0x4f: {  	_ =	shalt  }
0x50: {  	_ =	shalt  }
0x51: {  	_ =	shalt  }
0x52: {  	_ =	shalt  }
0x53: {  	_ =	shalt  }
0x54: {  	_ =	shalt  }
0x55: {  	_ =	shalt  }
0x56: {  	_ =	shalt  }
0x57: {  	_ =	shalt  }
0x58: {  	_ =	shalt  }
0x59: {  	_ =	shalt  }
0x5a: {  	_ =	shalt  }
0x5b: {  	_ =	shalt  }
0x5c: {  	_ =	shalt  }
0x5d: {  	_ =	shalt  }
0x5e: {  	_ =	shalt  }
0x5f: {  	_ =	shalt  }
0x60: {  	_ =	shalt  }
0x61: {  	_ =	shalt  }
0x62: {  	_ =	shalt  }
0x63: {  	_ =	shalt  }
0x64: {  	_ =	shalt  }
0x65: {  	_ =	shalt  }
0x66: {  	_ =	shalt  }
0x67: {  	_ =	shalt  }
0x68: {  	_ =	shalt  }
0x69: {  	_ =	shalt  }
0x6a: {  	_ =	shalt  }
0x6b: {  	_ =	shalt  }
0x6c: {  	_ =	shalt  }
0x6d: {  	_ =	shalt  }
0x6e: {  	_ =	shalt  }
0x6f: {  	_ =	shalt  }
0x70: {  	_ =	shalt  }
0x71: {  	_ =	shalt  }
0x72: {  	_ =	shalt  }
0x73: {  	_ =	shalt  }
0x74: {  	_ =	shalt  }
0x75: {  	_ =	shalt  }
0x76: {  	_ =	shalt  }
0x77: {  	_ =	shalt  }
0x78: {  	_ =	shalt  }
0x79: {  	_ =	shalt  }
0x7a: {  	_ =	shalt  }
0x7b: {  	_ =	shalt  }
0x7c: {  	_ =	shalt  }
0x7d: {  	_ =	shalt  }
0x7e: {  	_ =	shalt  }
0x7f: {  	_ =	shalt  }
0x80: {  	_ =	shalt  }
0x81: {  	_ =	shalt  }
0x82: {  	_ =	shalt  }
0x83: {  	_ =	shalt  }
0x84: {  	_ =	shalt  }
0x85: {  	_ =	shalt  }
0x86: {  	_ =	shalt  }
0x87: {  	_ =	shalt  }
.Lfunc_end0:
.L_simem_size_0:
called_computation_lowered:
.L_overlay_start_0:
0x88: {  	s2 =	sld [smem:$0x3FD9]  }
0x89: {  	s3 =	sld [smem:$0x3FFE];
	_ =	sdelay $0x1  }
0x8a: {  	s1 =	srdreg.scid  }
0x8b: {  	s0 =	sand.u32 $0x1, s1  }
0x8c: {  	s17 =	sshll.u32 s0, $0xA;
	s2 =	sadd.s32 s3, s2  }
0x8d: {  	s2 =	sadd.s32 s2, s17  }
0x8e: {  	[smem:$0x3FC0] =	sst s2  }
0x8f: {  	_ = 	snop  }
0x90: {  	s2 =	sld [smem:$0x3FC9]  }
0x91: {  	s18 =	sld [smem:$0x3FD0];
	(tm) =	ssettm $0x1  }
0x92: {  	s4 =	sld [smem:$0x3FFB];
	_ =	sdelay $0x3  }
0x93: {  	_ =	strace s4  }
0x94: {  	s4 =	sld [smem:$0x3FFC];
	_ =	sdelay $0x3  }
0x95: {  	_ =	strace s4  }
0x96: {  	s4 =	sld [smem:$0x3FFD];
	_ =	sdelay $0x3  }
0x97: {  	_ =	strace s4  }
0x98: {  	_ =	strace $0x8FFFFFFF  }
0x99: {  	s19 =	sld [smem:$0x3FDB];
	_ =	sdelay $0x1  }
0x9a: {  	s5 =	simm.s32 $_scs_section_size  }
0x9b: {  	s6 =	simm.s32 $_size__tile_overlayer_lowered;
	s7 =	simm.s32 $_tile_overlayer_lowered  }
0x9c: {  	s22 =	simm.s32 $0x1BFF;
	s21 =	sshll.u32 s7, $0x1;
	s4 =	sadd.s32 s5, s19  }
0x9d: {  	s8 =	simm.s32 $0x0;
	s20 =	sshll.u32 s6, $0x1;
	s6 =	sadd.s32 s21, s4  }
0x9e: {  	[timem:s8], [sflag:s22] =	dma.local [hbm:s6], s20  }
0x9f: {  	_ =	swait.ge [sflag:s22], s20  }
0xa0: {  	s5 =	ssub.s32 $0x0, s20;
	[sflag:s22] =	ssyncset.done $0x0  }
0xa1: {  	[sflag:s22] =	ssyncadd.s32 s5;
	_ =	sdelay $0x1  }
0xa2: {  	s23 =	simm.s32 $0x1B8B  }
0xa3: {  	_ =	swait.ge [sflag:s23], $0x1  }
0xa4: {  	[sflag:s23] =	ssyncset.done $0x0  }
0xa5: {  	s25 =	simm.s32 $0x1B8E;
	s24 =	sld [smem:$0x3FFE];
	[sflag:s23] =	ssyncadd.s32 $0xFFFFFFFF  }
0xa6: {  	s26 =	simm.s32 $execute0_lowered;
	[smem:$0x3FD2] =	sst s25  }
0xa7: {  	s6 =	sshll.u32 s26, $0x1;
	_ =	strace $0x80000046;
	[dreg:$0x1] =	wrdreg $0xFFFFFFFF  }
0xa8: {  	s28 =	simm.s32 $_size_execute0_lowered;
	s4 =	sadd.s32 s4, s6;
	[dreg:$0x0] =	wrdreg $0x0  }
0xa9: {  	s6 =	sshll.u32 s28, $0x1;
	[dreg:$0x2] =	wrdreg s4  }
0xaa: {  	[dreg:$0x3] =	wrdreg s6  }
0xab: {  	[dreg:$0x4] =	wrdreg $0xC0  }
0xac: {  	_ =	task [dreg:s8], $0x5FFFF  }
0xad: {  	[dreg:$0x1] =	wrdreg $0xFFFFFFFF  }
0xae: {  	[dreg:$0x0] =	wrdreg $0x60  }
0xaf: {  	[dreg:$0x2] =	wrdreg s2  }
0xb0: {  	[dreg:$0x3] =	wrdreg s24  }
0xb1: {  	[dreg:$0x4] =	wrdreg s18  }
0xb2: {  	[dreg:$0x5] =	wrdreg $0x8DC00  }
0xb3: {  	[dreg:$0x6] =	wrdreg $0x1D0000  }
0xb4: {  	[dreg:$0x7] =	wrdreg $0x9  }
0xb5: {  	_ =	task.clear_ibuf [dreg:s8], $0x8FFFF;
	_ =	strace $0x90000046  }
0xb6: {  	s29 =	simm.s32 $0x9;
	_ =	strace $0x80000048  }
0xb7: {  	_ =	swait.ge [sflag:s29], $0x1  }
0xb8: {  	[sflag:s29] =	ssyncadd.s32 $0xFFFFFFFF  }
0xb9: {  	_ =	strace $0x90000048  }
0xba: {  	_ =	sfence  }
0xbb: {  	s30 =	sld [smem:$0x0];
	_ =	sdelay $0x2  }
0xbc: {  	s31 =	sshll.u32 s1, $0xD;
	s1 =	sshrl.u32 s1, $0x2  }
0xbd: {  	s3 =	sand.u32 $0x4000, s31;
	s1 =	sadd.s32 s1, s30  }
0xbe: {  	s0 =	sor.u32 s3, s0;
	s1 =	sshll.u32 s1, $0x11  }
0xbf: {  	s0 =	sor.u32 s1, s0  }
0xc0: {  	s0 =	sadd.s32 $0x8F2B, s0  }
0xc1: {  	[sflag:s0] =	ssyncadd.remote.s32 $0x1  }
0xc2: {  	_ =	sfence.sel $0xFFFF  }
0xc3: {  	[dreg:$0x0] =	wrdreg $0xFFFFFFFF;
	(pc) =	sbr.abs _section_cstart, $3  }
0xc4: {  	[dreg:$0x1] =	wrdreg $0xFFFFFFFF  }
0xc5: {  	_ =	task.clear_ibuf [dreg:s8], $0x2FFFF;
	_ =	strace $0x9FFFFFFF  }
0xc6: {  	(tm) =	ssettm $0x7FFFFFFF  }
0xc7: {  	_ =	shalt  }
tec
execute0_lowered:
.L_overlay_start_1:
0x0: {  	(tag) =	ssettag $0x1  }
0x1: {  	s1 =	rddreg [dreg:$0x0]  }
0x2: {  	s0 =	rddreg [dreg:$0x1]  }
0x3: {  	s5 =	rddreg [dreg:$0x2]  }
0x4: {  	s2 =	srdreg.scid;
	s12 =	stileid.u32  }
0x5: {  	s6 =	sand.u32 $0x1, s2;
	s7 =	smul.u32 $0x14000, s12;
	s20 =	sshll.u32 s12, $0x1  }
0x6: {  	s3 =	rddreg [dreg:$0x3];
	s21 =	smul.u32 $0x140000, s6;
	s2 =	sor.u32 s6, s20  }
0x7: {  	s8 =	simm.s32 $0x0;
	s23 =	ssub.s32 $0x2, s6;
	s9 =	smul.u32 $0x5DC, s2  }
0x8: {  	[smem:$0x7FF] =	sst s8;
	s11 =	sshrl.u32 s23, $0x1;
	s2 =	smul.u32 $0x280, s12  }
0x9: {  	s4 =	rddreg [dreg:$0x4];
	_ =	strace $0x80000047;
	s24 =	ssub.s32 s23, s11  }
0xa: {  	s22 =	sadd.s32 s7, s21;
	[smem:$0x7FD] =	sst s24;
	s31 =	sor.u32 $0x10, s2  }
0xb: {  	s10 =	sshrl.u32 s22, $0x3;
	s11 =	sor.u32 $0x30, s2;
	[smem:$0x7C8] =	sst s31  }
0xc: {  	s22 =	smul.u32 $0x2800, s12;
	s12 =	sor.u32 $0x40, s2;
	[smem:$0x7CA] =	sst s11  }
0xd: {  	s6 =	smul.u32 $0x28000, s6;
	s17 =	sor.u32 $0x50, s2;
	[smem:$0x7CE] =	sst s12  }
0xe: {  	s8 =	sadd.s32 s7, s3;
	s18 =	sor.u32 $0x60, s2;
	[smem:$0x7CF] =	sst s17  }
0xf: {  	s9 =	sadd.s32 s9, s0;
	s21 =	sor.u32 $0x70, s2;
	[smem:$0x7D0] =	sst s18  }
0x10: {  	s23 =	sadd.s32 $0x80, s2;
	s24 =	sadd.s32 $0x90, s2;
	[smem:$0x7D4] =	sst s21  }
0x11: {  	s7 =	sadd.s32 $0xC0, s2;
	s28 =	sadd.s32 $0x130, s2;
	[smem:$0x7D5] =	sst s23  }
0x12: {  	s29 =	sadd.s32 $0x140, s2;
	s30 =	sadd.s32 $0x150, s2;
	[smem:$0x7D6] =	sst s24  }
0x13: {  	s0 =	sadd.s32 s10, s0;
	s25 =	sadd.s32 $0xE200, s9;
	[smem:$0x7DC] =	sst s7  }
0x14: {  	s26 =	sadd.s32 $0x2600, s9;
	s9 =	sor.u32 $0x20, s2;
	[smem:$0x7FC] =	sst s0  }
0x15: {  	s13 =	sshll.u32 s11, $0x7;
	s14 =	sshll.u32 s12, $0x7;
	[dreg:$0x6] =	wrdreg s25  }
0x16: {  	s19 =	sshll.u32 s18, $0x7;
	s12 =	sadd.s32 $0xD0, s2;
	[dreg:$0x7] =	wrdreg s26  }
0x17: {  	s18 =	sadd.s32 $0x100, s2;
	s0 =	sshll.u32 s31, $0x7;
	[smem:$0x7C9] =	sst s9  }
0x18: {  	s10 =	sshll.u32 s9, $0x7;
	s15 =	sadd.s32 s14, s3;
	[smem:$0x7E0] =	sst s12  }
0x19: {  	s16 =	sadd.s32 s22, s6;
	s6 =	sshll.u32 s17, $0x7;
	[smem:$0x7E6] =	sst s18  }
0x1a: {  	s25 =	sshll.u32 s23, $0x7;
	s14 =	sadd.s32 $0xF0, s2;
	[dreg:$0xb] =	wrdreg s15  }
0x1b: {  	s26 =	sshll.u32 s24, $0x7;
	s0 =	sadd.s32 s0, s3;
	[smem:$0x7E2] =	sst s14  }
0x1c: {  	s23 =	sshll.u32 s28, $0x7;
	s20 =	sadd.s32 s6, s3;
	[dreg:$0x8] =	wrdreg s0  }
0x1d: {  	s24 =	sshll.u32 s29, $0x7;
	s31 =	sadd.s32 s26, s3;
	[dreg:$0xd] =	wrdreg s20  }
0x1e: {  	s6 =	sadd.s32 $0xB0, s2;
	s26 =	sadd.s32 $0x120, s2;
	[dreg:$0x11] =	wrdreg s31  }
0x1f: {  	s0 =	sadd.s32 s10, s3;
	[smem:$0x7DB] =	sst s6;
	s9 =	sshll.u32 s6, $0x7  }
0x20: {  	s10 =	sshll.u32 s7, $0x7;
	[dreg:$0x9] =	wrdreg s0;
	s0 =	sadd.s32 s13, s3  }
0x21: {  	s20 =	sshll.u32 s26, $0x7;
	s11 =	sadd.s32 s10, s3;
	[dreg:$0xa] =	wrdreg s0  }
0x22: {  	s13 =	sadd.s32 $0xE0, s2;
	s0 =	sshrl.u32 s16, $0x3;
	[dreg:$0x14] =	wrdreg s11  }
0x23: {  	s31 =	sshll.u32 s30, $0x7;
	[smem:$0x7E1] =	sst s13;
	s0 =	sadd.s32 s5, s0  }
0x24: {  	s16 =	sshll.u32 s14, $0x7;
	s5 =	sadd.s32 $0xA0, s2;
	[dreg:$0xc] =	wrdreg s0  }
0x25: {  	s15 =	sshll.u32 s13, $0x7;
	s17 =	sadd.s32 s16, s3;
	[smem:$0x7DA] =	sst s5  }
0x26: {  	s16 =	sadd.s32 $0x1E0, s2;
	s0 =	sadd.s32 s19, s3;
	[dreg:$0x17] =	wrdreg s17  }
0x27: {  	s17 =	sadd.s32 $0x1D0, s2;
	[dreg:$0xe] =	wrdreg s0;
	s0 =	sshll.u32 s21, $0x7  }
0x28: {  	s21 =	sadd.s32 s20, s3;
	s20 =	sadd.s32 $0x1B0, s2;
	s0 =	sadd.s32 s0, s3  }
0x29: {  	[dreg:$0x1a] =	wrdreg s21;
	s21 =	sadd.s32 $0x190, s2;
	s13 =	sshll.u32 s20, $0x7  }
0x2a: {  	[dreg:$0xf] =	wrdreg s0;
	s0 =	sadd.s32 s25, s3;
	s25 =	sadd.s32 $0x110, s2  }
0x2b: {  	s14 =	sadd.s32 s13, s3;
	[dreg:$0x10] =	wrdreg s0;
	s0 =	sshll.u32 s5, $0x7  }
0x2c: {  	s11 =	sshll.u32 s21, $0x7;
	[smem:$0x7BB] =	sst s14;
	s0 =	sadd.s32 s0, s3  }
0x2d: {  	s13 =	sadd.s32 $0x200, s2;
	[dreg:$0x12] =	wrdreg s0;
	s0 =	sadd.s32 s9, s3  }
0x2e: {  	s5 =	sadd.s32 s31, s3;
	[dreg:$0x13] =	wrdreg s0;
	s0 =	sshll.u32 s12, $0x7  }
0x2f: {  	s19 =	sshll.u32 s25, $0x7;
	[dreg:$0x1d] =	wrdreg s5;
	s0 =	sadd.s32 s0, s3  }
0x30: {  	s31 =	sadd.s32 $0x160, s2;
	[dreg:$0x15] =	wrdreg s0;
	s0 =	sadd.s32 s15, s3  }
0x31: {  	s14 =	sadd.s32 $0x210, s2;
	[dreg:$0x16] =	wrdreg s0;
	s0 =	sshll.u32 s18, $0x7  }
0x32: {  	s6 =	sshll.u32 s31, $0x7;
	s5 =	sshll.u32 s17, $0x7;
	s0 =	sadd.s32 s0, s3  }
0x33: {  	s18 =	sadd.s32 $0x1C0, s2;
	[dreg:$0x18] =	wrdreg s0;
	s0 =	sadd.s32 s19, s3  }
0x34: {  	s15 =	sshll.u32 s18, $0x7;
	s19 =	sadd.s32 $0x1A0, s2;
	[dreg:$0x19] =	wrdreg s0  }
0x35: {  	s0 =	sadd.s32 s23, s3;
	s23 =	sadd.s32 $0x170, s2;
	s12 =	sshll.u32 s19, $0x7  }
0x36: {  	[dreg:$0x1b] =	wrdreg s0;
	s0 =	sadd.s32 s24, s3;
	s24 =	sadd.s32 $0x180, s2  }
0x37: {  	s7 =	sshll.u32 s23, $0x7;
	[dreg:$0x1c] =	wrdreg s0;
	s0 =	sadd.s32 s6, s3  }
0x38: {  	s9 =	sshll.u32 s24, $0x7;
	[dreg:$0x1e] =	wrdreg s0;
	s0 =	sadd.s32 s7, s3  }
0x39: {  	s6 =	sshll.u32 s16, $0x7;
	s10 =	sadd.s32 s9, s3;
	[dreg:$0x1f] =	wrdreg s0  }
0x3a: {  	s7 =	sadd.s32 s6, s3;
	[smem:$0x7B8] =	sst s10;
	s0 =	sadd.s32 s11, s3  }
0x3b: {  	[smem:$0x7BE] =	sst s7;
	s10 =	sshll.u32 s13, $0x7;
	s11 =	sshll.u32 s14, $0x7  }
0x3c: {  	[smem:$0x7B9] =	sst s0;
	s0 =	sadd.s32 s12, s3;
	s12 =	sadd.s32 s11, s3  }
0x3d: {  	s11 =	sadd.s32 $0x230, s2;
	[smem:$0x7BA] =	sst s0;
	s0 =	sadd.s32 s15, s3  }
0x3e: {  	s15 =	sadd.s32 $0x1F0, s2;
	[smem:$0x7C1] =	sst s12;
	s12 =	sadd.s32 $0x220, s2  }
0x3f: {  	[smem:$0x7BC] =	sst s0;
	s0 =	sadd.s32 s5, s3;
	s9 =	sshll.u32 s15, $0x7  }
0x40: {  	s6 =	sshll.u32 s11, $0x7;
	[smem:$0x7BD] =	sst s0;
	s0 =	sadd.s32 s9, s3  }
0x41: {  	s5 =	sshll.u32 s12, $0x7;
	[smem:$0x7BF] =	sst s0;
	s0 =	sadd.s32 s10, s3  }
0x42: {  	s10 =	sadd.s32 $0x240, s2;
	[smem:$0x7C0] =	sst s0;
	s0 =	sadd.s32 s5, s3  }
0x43: {  	s7 =	sshll.u32 s10, $0x7;
	[smem:$0x7C2] =	sst s0;
	s0 =	sadd.s32 s6, s3  }
0x44: {  	s9 =	sadd.s32 s7, s3;
	s7 =	sadd.s32 $0x250, s2;
	[smem:$0x7C3] =	sst s0  }
0x45: {  	[smem:$0x7C4] =	sst s9;
	s9 =	sadd.s32 $0x260, s2;
	s0 =	sshll.u32 s7, $0x7  }
0x46: {  	s5 =	sadd.s32 s0, s3;
	s0 =	sshll.u32 s9, $0x7  }
0x47: {  	s6 =	sadd.s32 $0x270, s2;
	[smem:$0x7C5] =	sst s5;
	s2 =	sadd.s32 s0, s3  }
0x48: {  	[smem:$0x7C6] =	sst s2  }
0x49: {  	s5 =	sshll.u32 s6, $0x7;
	s2 =	sld [smem:$0x7C8]  }
0x4a: {  	s0 =	sadd.s32 s5, s3;
	s5 =	sld [smem:$0x7C9];
	_ =	sdelay $0x1  }
0x4b: {  	[smem:$0x7C7] =	sst s0  }
0x4c: {  	s0 =	sshll.u32 s2, $0x4;
	s2 =	sshll.u32 s5, $0x4;
	s5 =	sld [smem:$0x7CA]  }
0x4d: {  	_ = 	snop  }
0x4e: {  	s2 =	sadd.s32 s2, s4  }
0x4f: {  	[smem:$0x7CC] =	sst s2;
	s5 =	sshll.u32 s5, $0x4  }
0x50: {  	s2 =	sld [smem:$0x7CE];
	s5 =	sadd.s32 s5, s4  }
0x51: {  	[smem:$0x7CD] =	sst s5  }
0x52: {  	s5 =	sld [smem:$0x7CF]  }
0x53: {  	s0 =	sadd.s32 s0, s4  }
0x54: {  	[smem:$0x7CB] =	sst s0  }
0x55: {  	s0 =	sshll.u32 s2, $0x4;
	s2 =	sshll.u32 s5, $0x4;
	s5 =	sld [smem:$0x7D0]  }
0x56: {  	_ = 	snop  }
0x57: {  	s2 =	sadd.s32 s2, s4  }
0x58: {  	[smem:$0x7D2] =	sst s2;
	s5 =	sshll.u32 s5, $0x4  }
0x59: {  	s2 =	sld [smem:$0x7D4];
	s5 =	sadd.s32 s5, s4  }
0x5a: {  	[smem:$0x7D3] =	sst s5  }
0x5b: {  	s5 =	sld [smem:$0x7D5]  }
0x5c: {  	s0 =	sadd.s32 s0, s4  }
0x5d: {  	[smem:$0x7D1] =	sst s0  }
0x5e: {  	s0 =	sshll.u32 s2, $0x4;
	s2 =	sshll.u32 s5, $0x4;
	s5 =	sld [smem:$0x7D6]  }
0x5f: {  	_ = 	snop  }
0x60: {  	s2 =	sadd.s32 s2, s4  }
0x61: {  	[smem:$0x7D8] =	sst s2;
	s5 =	sshll.u32 s5, $0x4  }
0x62: {  	s2 =	sld [smem:$0x7DA];
	s5 =	sadd.s32 s5, s4  }
0x63: {  	[smem:$0x7D9] =	sst s5  }
0x64: {  	s5 =	sld [smem:$0x7DB]  }
0x65: {  	s0 =	sadd.s32 s0, s4  }
0x66: {  	[smem:$0x7D7] =	sst s0  }
0x67: {  	s0 =	sshll.u32 s2, $0x4;
	s2 =	sshll.u32 s5, $0x4;
	s5 =	sld [smem:$0x7DC]  }
0x68: {  	_ = 	snop  }
0x69: {  	s2 =	sadd.s32 s2, s4  }
0x6a: {  	[smem:$0x7DE] =	sst s2;
	s5 =	sshll.u32 s5, $0x4  }
0x6b: {  	s2 =	sld [smem:$0x7E0];
	s5 =	sadd.s32 s5, s4  }
0x6c: {  	[smem:$0x7DF] =	sst s5  }
0x6d: {  	s5 =	sld [smem:$0x7E1]  }
0x6e: {  	s22 =	sadd.s32 s22, s4;
	s26 =	sshll.u32 s26, $0x4;
	s0 =	sadd.s32 s0, s4  }
0x6f: {  	s26 =	sadd.s32 s26, s4;
	s25 =	sshll.u32 s25, $0x4;
	[smem:$0x7DD] =	sst s0  }
0x70: {  	s0 =	sshll.u32 s2, $0x4;
	s2 =	sshll.u32 s5, $0x4;
	s5 =	sld [smem:$0x7E2]  }
0x71: {  	[smem:$0x7E9] =	sst s26;
	s20 =	sshll.u32 s20, $0x4;
	s25 =	sadd.s32 s25, s4  }
0x72: {  	[smem:$0x7E8] =	sst s25;
	s25 =	sshll.u32 s30, $0x4;
	s2 =	sadd.s32 s2, s4  }
0x73: {  	s30 =	simm.s32 $0x0;
	[smem:$0x7E4] =	sst s2;
	s5 =	sshll.u32 s5, $0x4  }
0x74: {  	s0 =	sadd.s32 s0, s4;
	s2 =	sadd.s32 s5, s4;
	s5 =	sld [smem:$0x7E6]  }
0x75: {  	s19 =	sshll.u32 s19, $0x4;
	s13 =	sshll.u32 s13, $0x4;
	[smem:$0x7E3] =	sst s0  }
0x76: {  	s14 =	sshll.u32 s14, $0x4;
	[smem:$0x7E5] =	sst s2;
	s2 =	sshll.u32 s28, $0x4  }
0x77: {  	s28 =	simm.s32 $0x5D90;
	s0 =	sshll.u32 s5, $0x4;
	s5 =	sshll.u32 s29, $0x4  }
0x78: {  	s29 =	simm.s32 $0x5DA8;
	s0 =	sadd.s32 s0, s4;
	s26 =	sadd.s32 s5, s4  }
0x79: {  	s5 =	sshll.u32 s31, $0x4;
	[smem:$0x7E7] =	sst s0;
	s0 =	sadd.s32 s2, s4  }
0x7a: {  	[smem:$0x7EB] =	sst s26;
	s2 =	sadd.s32 s25, s4;
	s25 =	sshll.u32 s23, $0x4  }
0x7b: {  	s26 =	sshll.u32 s24, $0x4;
	s23 =	sadd.s32 s20, s4;
	s24 =	sshll.u32 s18, $0x4  }
0x7c: {  	s18 =	sshll.u32 s11, $0x4;
	s11 =	simm.s32 $0x5;
	[smem:$0x7EA] =	sst s0  }
0x7d: {  	[smem:$0x7EC] =	sst s2;
	s0 =	sadd.s32 s5, s4;
	s31 =	sadd.s32 s25, s4  }
0x7e: {  	s2 =	sadd.s32 s26, s4;
	s5 =	sshll.u32 s21, $0x4;
	[smem:$0x7F2] =	sst s23  }
0x7f: {  	s21 =	sadd.s32 s19, s4;
	s25 =	sshll.u32 s17, $0x4;
	[smem:$0x7ED] =	sst s0  }
0x80: {  	s26 =	sshll.u32 s16, $0x4;
	s16 =	sadd.s32 s14, s4;
	[smem:$0x7EE] =	sst s31  }
0x81: {  	s17 =	sshll.u32 s12, $0x4;
	s19 =	sshll.u32 s10, $0x4;
	[smem:$0x7EF] =	sst s2  }
0x82: {  	s20 =	sadd.s32 s18, s4;
	s23 =	sshll.u32 s7, $0x4;
	[smem:$0x7F1] =	sst s21  }
0x83: {  	s12 =	simm.s32 $0x85C0;
	s14 =	simm.s32 $0x14;
	[smem:$0x7F8] =	sst s16  }
0x84: {  	s18 =	simm.s32 $0x7BC0;
	s0 =	sadd.s32 s5, s4;
	[smem:$0x7FA] =	sst s20  }
0x85: {  	s31 =	sadd.s32 s25, s4;
	s2 =	sadd.s32 s26, s4;
	s26 =	sld [smem:$0x7FC]  }
0x86: {  	s5 =	sshll.u32 s15, $0x4;
	s15 =	sadd.s32 s13, s4;
	[smem:$0x7F0] =	sst s0  }
0x87: {  	s21 =	sadd.s32 s19, s4;
	s25 =	sshll.u32 s6, $0x4;
	[smem:$0x7F4] =	sst s31  }
0x88: {  	s13 =	simm.s32 $0x1CDC0;
	s16 =	simm.s32 $0x67C0;
	[smem:$0x7F5] =	sst s2  }
0x89: {  	s19 =	simm.s32 $0x1;
	s20 =	simm.s32 $0x1CEC0;
	[smem:$0x7F7] =	sst s15  }
0x8a: {  	s0 =	sadd.s32 s24, s4;
	[smem:$0x7FB] =	sst s21;
	s24 =	sshll.u32 s9, $0x4  }
0x8b: {  	s7 =	sadd.s32 s25, s4;
	s31 =	sld [smem:$0x7FD];
	s15 =	simm.s32 $0x5DC0  }
0x8c: {  	s21 =	simm.s32 $0x2;
	s25 =	simm.s32 $0x5D60;
	[smem:$0x7F3] =	sst s0  }
0x8d: {  	s0 =	sadd.s32 s5, s4;
	s5 =	sadd.s32 s23, s4;
	s6 =	sadd.s32 s24, s4  }
0x8e: {  	s23 =	simm.s32 $0x3;
	s24 =	simm.s32 $0x4;
	[smem:$0x7F6] =	sst s0  }
0x8f: {  	s0 =	sadd.s32 s17, s4;
	s9 =	sadd.s32 $0x19E00, s26;
	s17 =	simm.s32 $0x71C0  }
0x90: {  	v0 =	vimm.f32 $0.0e+00;
	v1 =	vimm.f32 $1.000000000e+00;
	s26 =	simm.s32 $0x5D78;
	[smem:$0x7F9] =	sst s0;
	s10 =	smax.u32 s31, $0x1  }
.LBB2_1:
0x91: {  	s0 =	simm.s32 $0x0;
	s2 =	rddreg [dreg:$0x6]  }
0x92: {  	[tilespmem:s0], [sflag:$0x5] =	stream.linear.gather [hbm4b:s2+s0], $0x2EE0, $0x38;
	[tilespmem:$0x1F800] =	vst v63  }
0x93: {  	_ =	swait.ge [sflag:s11], $0x2EE0  }
0x94: {  	[sflag:s11] =	ssyncset.done $0x0  }
0x95: {  	s31 =	simm.s32 $0x2EE0;
	s2 =	rddreg [dreg:$0x7];
	[sflag:s11] =	ssyncadd.s32 $0xFFFFD120  }
0x96: {  	[tilespmem:s31], [sflag:$0x5] =	stream.linear.gather [hbm4b:s2+s0], $0x2EE0, $0x38;
	[tilespmem:$0x1F800] =	vst v63  }
0x97: {  	_ =	swait.ge [sflag:s11], $0x2EE0  }
0x98: {  	[sflag:s11] =	ssyncset.done $0x0  }
0x99: {  	s0 =	simm.s32 $0x0;
	s31 =	simm.s32 $0x200;
	[sflag:s11] =	ssyncadd.s32 $0xFFFFD120  }
.LBB2_2:
0x9a: {  	p0 =	sne.s32 s31, $0x1E00;
	[tilespmem:s0+$0x8630] =	vst v0  }
0x9b: {  	[tilespmem:s0+$0x85C0] =	vst v0  }
0x9c: {  	[tilespmem:s0+$0x85D0] =	vst v0  }
.Ltmp0:
0x9d: {  	[tilespmem:s0+$0x85E0] =	vst v0;
	(pc) =	sbr.rel @p0 .LBB2_2-.Ltmp0, $4  }
0x9e: {  	[tilespmem:s0+$0x85F0] =	vst v0  }
0x9f: {  	[tilespmem:s0+$0x8600] =	vst v0  }
0xa0: {  	[tilespmem:s0+$0x8610] =	vst v0  }
0xa1: {  	[tilespmem:s0+$0x8620] =	vst v0;
	s0 =	sshra.s32 s31, $0x2;
	s31 =	sadd.s32 $0x200, s31  }
0xa2: {  	[tilespmem:s0+$0x8630] =	vst v0  }
0xa3: {  	[tilespmem:s0+$0x85C0] =	vst v0  }
0xa4: {  	[tilespmem:s0+$0x85D0] =	vst v0  }
0xa5: {  	[tilespmem:s0+$0x85E0] =	vst v0  }
0xa6: {  	[tilespmem:s0+$0x85F0] =	vst v0  }
0xa7: {  	[tilespmem:s0+$0x8600] =	vst v0  }
0xa8: {  	[tilespmem:s0+$0x8610] =	vst v0  }
0xa9: {  	[tilespmem:s0+$0x8620] =	vst v0  }
0xaa: {  	[tilespmem:$0x1CDC0] =	vst v0  }
0xab: {  	[tilespmem:$0x1CDD0] =	vst v0  }
0xac: {  	[tilespmem:$0x1CDE0] =	vst v0  }
0xad: {  	[tilespmem:$0x1CDF0] =	vst v0  }
0xae: {  	[tilespmem:$0x1CE00] =	vst v0  }
0xaf: {  	[tilespmem:$0x1CE10] =	vst v0  }
0xb0: {  	[tilespmem:$0x1CE20] =	vst v0  }
0xb1: {  	[tilespmem:$0x1CE30] =	vst v0  }
0xb2: {  	[tilespmem:$0x1CE40] =	vst v0  }
0xb3: {  	[tilespmem:$0x1CE50] =	vst v0  }
0xb4: {  	[tilespmem:$0x1CE60] =	vst v0  }
0xb5: {  	[tilespmem:$0x1CE70] =	vst v0  }
0xb6: {  	[tilespmem:$0x1CE80] =	vst v0  }
0xb7: {  	[tilespmem:$0x1CE90] =	vst v0  }
0xb8: {  	[tilespmem:$0x1CEA0] =	vst v0  }
0xb9: {  	[tilespmem:$0x1CEB0] =	vst v0  }
0xba: {  	[tilespmem:$0x1CEC0] =	vst v1  }
0xbb: {  	[tilespmem:$0x1CED0] =	vst v1  }
0xbc: {  	[tilespmem:$0x1CEE0] =	vst v1  }
0xbd: {  	[tilespmem:$0x1CEF0] =	vst v1  }
0xbe: {  	[tilespmem:$0x1CF00] =	vst v1  }
0xbf: {  	[tilespmem:$0x1CF10] =	vst v1  }
0xc0: {  	[tilespmem:$0x1CF20] =	vst v1  }
0xc1: {  	[tilespmem:$0x1CF30] =	vst v1  }
0xc2: {  	[tilespmem:$0x1CF40] =	vst v1  }
0xc3: {  	[tilespmem:$0x1CF50] =	vst v1  }
0xc4: {  	[tilespmem:$0x1CF60] =	vst v1  }
0xc5: {  	[tilespmem:$0x1CF70] =	vst v1  }
0xc6: {  	[tilespmem:$0x1CF80] =	vst v1  }
0xc7: {  	[tilespmem:$0x1CF90] =	vst v1  }
0xc8: {  	[tilespmem:$0x1CFA0] =	vst v1  }
0xc9: {  	[tilespmem:$0x1CFB0] =	vst v1  }
0xca: {  	[tilespmem:$0x1CFC0] =	vst v1  }
0xcb: {  	[tilespmem:$0x1CFD0] =	vst v1  }
0xcc: {  	[tilespmem:$0x1CFE0] =	vst v1  }
0xcd: {  	[tilespmem:$0x1CFF0] =	vst v1  }
0xce: {  	[spmem:s8] =	stream.linear.scatter [tilespmem:s12], [sflag:$0x5], $0x800, $0x38;
	[tilespmem:$0x1F800] =	vst v63  }
0xcf: {  	_ =	swait.ge [sflag:s11], $0x800  }
0xd0: {  	[sflag:s11] =	ssyncset.done $0x0  }
0xd1: {  	s2 =	rddreg [dreg:$0x8];
	[sflag:s11] =	ssyncadd.s32 $0xFFFFF800  }
0xd2: {  	[spmem:s2] =	stream.linear.scatter [tilespmem:s12], [sflag:$0x5], $0x800, $0x38;
	[tilespmem:$0x1F800] =	vst v63  }
0xd3: {  	_ =	swait.ge [sflag:s11], $0x800  }
0xd4: {  	[sflag:s11] =	ssyncset.done $0x0  }
0xd5: {  	s2 =	rddreg [dreg:$0x9];
	[sflag:s11] =	ssyncadd.s32 $0xFFFFF800  }
0xd6: {  	[spmem:s2] =	stream.linear.scatter [tilespmem:s12], [sflag:$0x5], $0x800, $0x38;
	[tilespmem:$0x1F800] =	vst v63  }
0xd7: {  	_ =	swait.ge [sflag:s11], $0x800  }
0xd8: {  	[sflag:s11] =	ssyncset.done $0x0  }
0xd9: {  	s2 =	rddreg [dreg:$0xa];
	[sflag:s11] =	ssyncadd.s32 $0xFFFFF800  }
0xda: {  	[spmem:s2] =	stream.linear.scatter [tilespmem:s12], [sflag:$0x5], $0x800, $0x38;
	[tilespmem:$0x1F800] =	vst v63  }
0xdb: {  	_ =	swait.ge [sflag:s11], $0x800  }
0xdc: {  	[sflag:s11] =	ssyncset.done $0x0  }
0xdd: {  	s2 =	rddreg [dreg:$0xb];
	[sflag:s11] =	ssyncadd.s32 $0xFFFFF800  }
0xde: {  	[spmem:s2] =	stream.linear.scatter [tilespmem:s12], [sflag:$0x5], $0x800, $0x38;
	[tilespmem:$0x1F800] =	vst v63  }
0xdf: {  	_ =	swait.ge [sflag:s11], $0x800  }
0xe0: {  	[sflag:s11] =	ssyncset.done $0x0  }
0xe1: {  	s2 =	rddreg [dreg:$0xd];
	[sflag:s11] =	ssyncadd.s32 $0xFFFFF800  }
0xe2: {  	[spmem:s2] =	stream.linear.scatter [tilespmem:s12], [sflag:$0x5], $0x800, $0x38;
	[tilespmem:$0x1F800] =	vst v63  }
0xe3: {  	_ =	swait.ge [sflag:s11], $0x800  }
0xe4: {  	[sflag:s11] =	ssyncset.done $0x0  }
0xe5: {  	s2 =	rddreg [dreg:$0xe];
	[sflag:s11] =	ssyncadd.s32 $0xFFFFF800  }
0xe6: {  	[spmem:s2] =	stream.linear.scatter [tilespmem:s12], [sflag:$0x5], $0x800, $0x38;
	[tilespmem:$0x1F800] =	vst v63  }
0xe7: {  	_ =	swait.ge [sflag:s11], $0x800  }
0xe8: {  	[sflag:s11] =	ssyncset.done $0x0  }
0xe9: {  	s2 =	rddreg [dreg:$0xf];
	[sflag:s11] =	ssyncadd.s32 $0xFFFFF800  }
0xea: {  	[spmem:s2] =	stream.linear.scatter [tilespmem:s12], [sflag:$0x5], $0x800, $0x38;
	[tilespmem:$0x1F800] =	vst v63  }
0xeb: {  	_ =	swait.ge [sflag:s11], $0x800  }
0xec: {  	[sflag:s11] =	ssyncset.done $0x0  }
0xed: {  	s2 =	rddreg [dreg:$0x10];
	[sflag:s11] =	ssyncadd.s32 $0xFFFFF800  }
0xee: {  	[spmem:s2] =	stream.linear.scatter [tilespmem:s12], [sflag:$0x5], $0x800, $0x38;
	[tilespmem:$0x1F800] =	vst v63  }
0xef: {  	_ =	swait.ge [sflag:s11], $0x800  }
0xf0: {  	[sflag:s11] =	ssyncset.done $0x0  }
0xf1: {  	s2 =	rddreg [dreg:$0x11];
	[sflag:s11] =	ssyncadd.s32 $0xFFFFF800  }
0xf2: {  	[spmem:s2] =	stream.linear.scatter [tilespmem:s12], [sflag:$0x5], $0x800, $0x38;
	[tilespmem:$0x1F800] =	vst v63  }
0xf3: {  	_ =	swait.ge [sflag:s11], $0x800  }
0xf4: {  	[sflag:s11] =	ssyncset.done $0x0  }
0xf5: {  	s2 =	rddreg [dreg:$0x12];
	[sflag:s11] =	ssyncadd.s32 $0xFFFFF800  }
0xf6: {  	[spmem:s2] =	stream.linear.scatter [tilespmem:s12], [sflag:$0x5], $0x800, $0x38;
	[tilespmem:$0x1F800] =	vst v63  }
0xf7: {  	_ =	swait.ge [sflag:s11], $0x800  }
0xf8: {  	[sflag:s11] =	ssyncset.done $0x0  }
0xf9: {  	s2 =	rddreg [dreg:$0x13];
	[sflag:s11] =	ssyncadd.s32 $0xFFFFF800  }
0xfa: {  	[spmem:s2] =	stream.linear.scatter [tilespmem:s12], [sflag:$0x5], $0x800, $0x38;
	[tilespmem:$0x1F800] =	vst v63  }
0xfb: {  	_ =	swait.ge [sflag:s11], $0x800  }
0xfc: {  	[sflag:s11] =	ssyncset.done $0x0  }
0xfd: {  	s2 =	rddreg [dreg:$0x14];
	[sflag:s11] =	ssyncadd.s32 $0xFFFFF800  }
0xfe: {  	[spmem:s2] =	stream.linear.scatter [tilespmem:s12], [sflag:$0x5], $0x800, $0x38;
	[tilespmem:$0x1F800] =	vst v63  }
0xff: {  	_ =	swait.ge [sflag:s11], $0x800  }
0x100: {  	[sflag:s11] =	ssyncset.done $0x0  }
0x101: {  	s2 =	rddreg [dreg:$0x15];
	[sflag:s11] =	ssyncadd.s32 $0xFFFFF800  }
0x102: {  	[spmem:s2] =	stream.linear.scatter [tilespmem:s12], [sflag:$0x5], $0x800, $0x38;
	[tilespmem:$0x1F800] =	vst v63  }
0x103: {  	_ =	swait.ge [sflag:s11], $0x800  }
0x104: {  	[sflag:s11] =	ssyncset.done $0x0  }
0x105: {  	s2 =	rddreg [dreg:$0x16];
	[sflag:s11] =	ssyncadd.s32 $0xFFFFF800  }
0x106: {  	[spmem:s2] =	stream.linear.scatter [tilespmem:s12], [sflag:$0x5], $0x800, $0x38;
	[tilespmem:$0x1F800] =	vst v63  }
0x107: {  	_ =	swait.ge [sflag:s11], $0x800  }
0x108: {  	[sflag:s11] =	ssyncset.done $0x0  }
0x109: {  	s2 =	rddreg [dreg:$0x17];
	[sflag:s11] =	ssyncadd.s32 $0xFFFFF800  }
0x10a: {  	[spmem:s2] =	stream.linear.scatter [tilespmem:s12], [sflag:$0x5], $0x800, $0x38;
	[tilespmem:$0x1F800] =	vst v63  }
0x10b: {  	_ =	swait.ge [sflag:s11], $0x800  }
0x10c: {  	[sflag:s11] =	ssyncset.done $0x0  }
0x10d: {  	s2 =	rddreg [dreg:$0x18];
	[sflag:s11] =	ssyncadd.s32 $0xFFFFF800  }
0x10e: {  	[spmem:s2] =	stream.linear.scatter [tilespmem:s12], [sflag:$0x5], $0x800, $0x38;
	[tilespmem:$0x1F800] =	vst v63  }
0x10f: {  	_ =	swait.ge [sflag:s11], $0x800  }
0x110: {  	[sflag:s11] =	ssyncset.done $0x0  }
0x111: {  	s2 =	rddreg [dreg:$0x19];
	[sflag:s11] =	ssyncadd.s32 $0xFFFFF800  }
0x112: {  	[spmem:s2] =	stream.linear.scatter [tilespmem:s12], [sflag:$0x5], $0x800, $0x38;
	[tilespmem:$0x1F800] =	vst v63  }
0x113: {  	_ =	swait.ge [sflag:s11], $0x800  }
0x114: {  	[sflag:s11] =	ssyncset.done $0x0  }
0x115: {  	s2 =	rddreg [dreg:$0x1a];
	[sflag:s11] =	ssyncadd.s32 $0xFFFFF800  }
0x116: {  	[spmem:s2] =	stream.linear.scatter [tilespmem:s12], [sflag:$0x5], $0x800, $0x38;
	[tilespmem:$0x1F800] =	vst v63  }
0x117: {  	_ =	swait.ge [sflag:s11], $0x800  }
0x118: {  	[sflag:s11] =	ssyncset.done $0x0  }
0x119: {  	s2 =	rddreg [dreg:$0x1b];
	[sflag:s11] =	ssyncadd.s32 $0xFFFFF800  }
0x11a: {  	[spmem:s2] =	stream.linear.scatter [tilespmem:s12], [sflag:$0x5], $0x800, $0x38;
	[tilespmem:$0x1F800] =	vst v63  }
0x11b: {  	_ =	swait.ge [sflag:s11], $0x800  }
0x11c: {  	[sflag:s11] =	ssyncset.done $0x0  }
0x11d: {  	s2 =	rddreg [dreg:$0x1c];
	[sflag:s11] =	ssyncadd.s32 $0xFFFFF800  }
0x11e: {  	[spmem:s2] =	stream.linear.scatter [tilespmem:s12], [sflag:$0x5], $0x800, $0x38;
	[tilespmem:$0x1F800] =	vst v63  }
0x11f: {  	_ =	swait.ge [sflag:s11], $0x800  }
0x120: {  	[sflag:s11] =	ssyncset.done $0x0  }
0x121: {  	s2 =	rddreg [dreg:$0x1d];
	[sflag:s11] =	ssyncadd.s32 $0xFFFFF800  }
0x122: {  	[spmem:s2] =	stream.linear.scatter [tilespmem:s12], [sflag:$0x5], $0x800, $0x38;
	[tilespmem:$0x1F800] =	vst v63  }
0x123: {  	_ =	swait.ge [sflag:s11], $0x800  }
0x124: {  	[sflag:s11] =	ssyncset.done $0x0  }
0x125: {  	s2 =	rddreg [dreg:$0x1e];
	[sflag:s11] =	ssyncadd.s32 $0xFFFFF800  }
0x126: {  	[spmem:s2] =	stream.linear.scatter [tilespmem:s12], [sflag:$0x5], $0x800, $0x38;
	[tilespmem:$0x1F800] =	vst v63  }
0x127: {  	_ =	swait.ge [sflag:s11], $0x800  }
0x128: {  	[sflag:s11] =	ssyncset.done $0x0  }
0x129: {  	s2 =	rddreg [dreg:$0x1f];
	[sflag:s11] =	ssyncadd.s32 $0xFFFFF800  }
0x12a: {  	[spmem:s2] =	stream.linear.scatter [tilespmem:s12], [sflag:$0x5], $0x800, $0x38;
	[tilespmem:$0x1F800] =	vst v63  }
0x12b: {  	_ =	swait.ge [sflag:s11], $0x800  }
0x12c: {  	s2 =	sld [smem:$0x7B8]  }
0x12d: {  	[sflag:s11] =	ssyncset.done $0x0  }
0x12e: {  	[sflag:s11] =	ssyncadd.s32 $0xFFFFF800  }
0x12f: {  	[spmem:s2] =	stream.linear.scatter [tilespmem:s12], [sflag:$0x5], $0x800, $0x38;
	[tilespmem:$0x1F800] =	vst v63  }
0x130: {  	_ =	swait.ge [sflag:s11], $0x800  }
0x131: {  	s2 =	sld [smem:$0x7B9]  }
0x132: {  	[sflag:s11] =	ssyncset.done $0x0  }
0x133: {  	[sflag:s11] =	ssyncadd.s32 $0xFFFFF800  }
0x134: {  	[spmem:s2] =	stream.linear.scatter [tilespmem:s12], [sflag:$0x5], $0x800, $0x38;
	[tilespmem:$0x1F800] =	vst v63  }
0x135: {  	_ =	swait.ge [sflag:s11], $0x800  }
0x136: {  	s2 =	sld [smem:$0x7BA]  }
0x137: {  	[sflag:s11] =	ssyncset.done $0x0  }
0x138: {  	[sflag:s11] =	ssyncadd.s32 $0xFFFFF800  }
0x139: {  	[spmem:s2] =	stream.linear.scatter [tilespmem:s12], [sflag:$0x5], $0x800, $0x38;
	[tilespmem:$0x1F800] =	vst v63  }
0x13a: {  	_ =	swait.ge [sflag:s11], $0x800  }
0x13b: {  	s2 =	sld [smem:$0x7BB]  }
0x13c: {  	[sflag:s11] =	ssyncset.done $0x0  }
0x13d: {  	[sflag:s11] =	ssyncadd.s32 $0xFFFFF800  }
0x13e: {  	[spmem:s2] =	stream.linear.scatter [tilespmem:s12], [sflag:$0x5], $0x800, $0x38;
	[tilespmem:$0x1F800] =	vst v63  }
0x13f: {  	_ =	swait.ge [sflag:s11], $0x800  }
0x140: {  	s2 =	sld [smem:$0x7BC]  }
0x141: {  	[sflag:s11] =	ssyncset.done $0x0  }
0x142: {  	[sflag:s11] =	ssyncadd.s32 $0xFFFFF800  }
0x143: {  	[spmem:s2] =	stream.linear.scatter [tilespmem:s12], [sflag:$0x5], $0x800, $0x38;
	[tilespmem:$0x1F800] =	vst v63  }
0x144: {  	_ =	swait.ge [sflag:s11], $0x800  }
0x145: {  	s2 =	sld [smem:$0x7BD]  }
0x146: {  	[sflag:s11] =	ssyncset.done $0x0  }
0x147: {  	[sflag:s11] =	ssyncadd.s32 $0xFFFFF800  }
0x148: {  	[spmem:s2] =	stream.linear.scatter [tilespmem:s12], [sflag:$0x5], $0x800, $0x38;
	[tilespmem:$0x1F800] =	vst v63  }
0x149: {  	_ =	swait.ge [sflag:s11], $0x800  }
0x14a: {  	s2 =	sld [smem:$0x7BE]  }
0x14b: {  	[sflag:s11] =	ssyncset.done $0x0  }
0x14c: {  	[sflag:s11] =	ssyncadd.s32 $0xFFFFF800  }
0x14d: {  	[spmem:s2] =	stream.linear.scatter [tilespmem:s12], [sflag:$0x5], $0x800, $0x38;
	[tilespmem:$0x1F800] =	vst v63  }
0x14e: {  	_ =	swait.ge [sflag:s11], $0x800  }
0x14f: {  	s2 =	sld [smem:$0x7BF]  }
0x150: {  	[sflag:s11] =	ssyncset.done $0x0  }
0x151: {  	[sflag:s11] =	ssyncadd.s32 $0xFFFFF800  }
0x152: {  	[spmem:s2] =	stream.linear.scatter [tilespmem:s12], [sflag:$0x5], $0x800, $0x38;
	[tilespmem:$0x1F800] =	vst v63  }
0x153: {  	_ =	swait.ge [sflag:s11], $0x800  }
0x154: {  	s2 =	sld [smem:$0x7C0]  }
0x155: {  	[sflag:s11] =	ssyncset.done $0x0  }
0x156: {  	[sflag:s11] =	ssyncadd.s32 $0xFFFFF800  }
0x157: {  	[spmem:s2] =	stream.linear.scatter [tilespmem:s12], [sflag:$0x5], $0x800, $0x38;
	[tilespmem:$0x1F800] =	vst v63  }
0x158: {  	_ =	swait.ge [sflag:s11], $0x800  }
0x159: {  	s2 =	sld [smem:$0x7C1]  }
0x15a: {  	[sflag:s11] =	ssyncset.done $0x0  }
0x15b: {  	[sflag:s11] =	ssyncadd.s32 $0xFFFFF800  }
0x15c: {  	[spmem:s2] =	stream.linear.scatter [tilespmem:s12], [sflag:$0x5], $0x800, $0x38;
	[tilespmem:$0x1F800] =	vst v63  }
0x15d: {  	_ =	swait.ge [sflag:s11], $0x800  }
0x15e: {  	s2 =	sld [smem:$0x7C2]  }
0x15f: {  	[sflag:s11] =	ssyncset.done $0x0  }
0x160: {  	[sflag:s11] =	ssyncadd.s32 $0xFFFFF800  }
0x161: {  	[spmem:s2] =	stream.linear.scatter [tilespmem:s12], [sflag:$0x5], $0x800, $0x38;
	[tilespmem:$0x1F800] =	vst v63  }
0x162: {  	_ =	swait.ge [sflag:s11], $0x800  }
0x163: {  	s2 =	sld [smem:$0x7C3]  }
0x164: {  	[sflag:s11] =	ssyncset.done $0x0  }
0x165: {  	[sflag:s11] =	ssyncadd.s32 $0xFFFFF800  }
0x166: {  	[spmem:s2] =	stream.linear.scatter [tilespmem:s12], [sflag:$0x5], $0x800, $0x38;
	[tilespmem:$0x1F800] =	vst v63  }
0x167: {  	_ =	swait.ge [sflag:s11], $0x800  }
0x168: {  	s2 =	sld [smem:$0x7C4]  }
0x169: {  	[sflag:s11] =	ssyncset.done $0x0  }
0x16a: {  	[sflag:s11] =	ssyncadd.s32 $0xFFFFF800  }
0x16b: {  	[spmem:s2] =	stream.linear.scatter [tilespmem:s12], [sflag:$0x5], $0x800, $0x38;
	[tilespmem:$0x1F800] =	vst v63  }
0x16c: {  	_ =	swait.ge [sflag:s11], $0x800  }
0x16d: {  	s2 =	sld [smem:$0x7C5]  }
0x16e: {  	[sflag:s11] =	ssyncset.done $0x0  }
0x16f: {  	[sflag:s11] =	ssyncadd.s32 $0xFFFFF800  }
0x170: {  	[spmem:s2] =	stream.linear.scatter [tilespmem:s12], [sflag:$0x5], $0x800, $0x38;
	[tilespmem:$0x1F800] =	vst v63  }
0x171: {  	_ =	swait.ge [sflag:s11], $0x800  }
0x172: {  	s2 =	sld [smem:$0x7C6]  }
0x173: {  	[sflag:s11] =	ssyncset.done $0x0  }
0x174: {  	[sflag:s11] =	ssyncadd.s32 $0xFFFFF800  }
0x175: {  	[spmem:s2] =	stream.linear.scatter [tilespmem:s12], [sflag:$0x5], $0x800, $0x38;
	[tilespmem:$0x1F800] =	vst v63  }
0x176: {  	_ =	swait.ge [sflag:s11], $0x800  }
0x177: {  	s2 =	sld [smem:$0x7C7]  }
0x178: {  	[sflag:s11] =	ssyncset.done $0x0  }
0x179: {  	[sflag:s11] =	ssyncadd.s32 $0xFFFFF800  }
0x17a: {  	[spmem:s2] =	stream.linear.scatter [tilespmem:s12], [sflag:$0x5], $0x800, $0x38;
	[tilespmem:$0x1F800] =	vst v63  }
0x17b: {  	_ =	swait.ge [sflag:s11], $0x800  }
0x17c: {  	[sflag:s11] =	ssyncset.done $0x0  }
0x17d: {  	[sflag:s11] =	ssyncadd.s32 $0xFFFFF800  }
0x17e: {  	[spmem:s22] =	stream.linear.scatter [tilespmem:s13], [sflag:$0x5], $0x100, $0x38;
	[tilespmem:$0x1F800] =	vst v63  }
0x17f: {  	_ =	swait.ge [sflag:s11], $0x100  }
0x180: {  	s2 =	sld [smem:$0x7CB]  }
0x181: {  	[sflag:s11] =	ssyncset.done $0x0  }
0x182: {  	[sflag:s11] =	ssyncadd.s32 $0xFFFFFF00  }
0x183: {  	[spmem:s2] =	stream.linear.scatter [tilespmem:s13], [sflag:$0x5], $0x100, $0x38;
	[tilespmem:$0x1F800] =	vst v63  }
0x184: {  	_ =	swait.ge [sflag:s11], $0x100  }
0x185: {  	s2 =	sld [smem:$0x7CC]  }
0x186: {  	[sflag:s11] =	ssyncset.done $0x0  }
0x187: {  	[sflag:s11] =	ssyncadd.s32 $0xFFFFFF00  }
0x188: {  	[spmem:s2] =	stream.linear.scatter [tilespmem:s13], [sflag:$0x5], $0x100, $0x38;
	[tilespmem:$0x1F800] =	vst v63  }
0x189: {  	_ =	swait.ge [sflag:s11], $0x100  }
0x18a: {  	s2 =	sld [smem:$0x7CD]  }
0x18b: {  	[sflag:s11] =	ssyncset.done $0x0  }
0x18c: {  	[sflag:s11] =	ssyncadd.s32 $0xFFFFFF00  }
0x18d: {  	[spmem:s2] =	stream.linear.scatter [tilespmem:s13], [sflag:$0x5], $0x100, $0x38;
	[tilespmem:$0x1F800] =	vst v63  }
0x18e: {  	_ =	swait.ge [sflag:s11], $0x100  }
0x18f: {  	s2 =	sld [smem:$0x7D1]  }
0x190: {  	[sflag:s11] =	ssyncset.done $0x0  }
0x191: {  	[sflag:s11] =	ssyncadd.s32 $0xFFFFFF00  }
0x192: {  	[spmem:s2] =	stream.linear.scatter [tilespmem:s13], [sflag:$0x5], $0x100, $0x38;
	[tilespmem:$0x1F800] =	vst v63  }
0x193: {  	_ =	swait.ge [sflag:s11], $0x100  }
0x194: {  	s2 =	sld [smem:$0x7D2]  }
0x195: {  	[sflag:s11] =	ssyncset.done $0x0  }
0x196: {  	[sflag:s11] =	ssyncadd.s32 $0xFFFFFF00  }
0x197: {  	[spmem:s2] =	stream.linear.scatter [tilespmem:s13], [sflag:$0x5], $0x100, $0x38;
	[tilespmem:$0x1F800] =	vst v63  }
0x198: {  	_ =	swait.ge [sflag:s11], $0x100  }
0x199: {  	s2 =	sld [smem:$0x7D3]  }
0x19a: {  	[sflag:s11] =	ssyncset.done $0x0  }
0x19b: {  	[sflag:s11] =	ssyncadd.s32 $0xFFFFFF00  }
0x19c: {  	[spmem:s2] =	stream.linear.scatter [tilespmem:s13], [sflag:$0x5], $0x100, $0x38;
	[tilespmem:$0x1F800] =	vst v63  }
0x19d: {  	_ =	swait.ge [sflag:s11], $0x100  }
0x19e: {  	s2 =	sld [smem:$0x7D7]  }
0x19f: {  	[sflag:s11] =	ssyncset.done $0x0  }
0x1a0: {  	[sflag:s11] =	ssyncadd.s32 $0xFFFFFF00  }
0x1a1: {  	[spmem:s2] =	stream.linear.scatter [tilespmem:s13], [sflag:$0x5], $0x100, $0x38;
	[tilespmem:$0x1F800] =	vst v63  }
0x1a2: {  	_ =	swait.ge [sflag:s11], $0x100  }
0x1a3: {  	s2 =	sld [smem:$0x7D8]  }
0x1a4: {  	[sflag:s11] =	ssyncset.done $0x0  }
0x1a5: {  	[sflag:s11] =	ssyncadd.s32 $0xFFFFFF00  }
0x1a6: {  	[spmem:s2] =	stream.linear.scatter [tilespmem:s13], [sflag:$0x5], $0x100, $0x38;
	[tilespmem:$0x1F800] =	vst v63  }
0x1a7: {  	_ =	swait.ge [sflag:s11], $0x100  }
0x1a8: {  	s2 =	sld [smem:$0x7D9]  }
0x1a9: {  	[sflag:s11] =	ssyncset.done $0x0  }
0x1aa: {  	[sflag:s11] =	ssyncadd.s32 $0xFFFFFF00  }
0x1ab: {  	[spmem:s2] =	stream.linear.scatter [tilespmem:s13], [sflag:$0x5], $0x100, $0x38;
	[tilespmem:$0x1F800] =	vst v63  }
0x1ac: {  	_ =	swait.ge [sflag:s11], $0x100  }
0x1ad: {  	s2 =	sld [smem:$0x7DD]  }
0x1ae: {  	[sflag:s11] =	ssyncset.done $0x0  }
0x1af: {  	[sflag:s11] =	ssyncadd.s32 $0xFFFFFF00  }
0x1b0: {  	[spmem:s2] =	stream.linear.scatter [tilespmem:s13], [sflag:$0x5], $0x100, $0x38;
	[tilespmem:$0x1F800] =	vst v63  }
0x1b1: {  	_ =	swait.ge [sflag:s11], $0x100  }
0x1b2: {  	s2 =	sld [smem:$0x7DE]  }
0x1b3: {  	[sflag:s11] =	ssyncset.done $0x0  }
0x1b4: {  	[sflag:s11] =	ssyncadd.s32 $0xFFFFFF00  }
0x1b5: {  	[spmem:s2] =	stream.linear.scatter [tilespmem:s13], [sflag:$0x5], $0x100, $0x38;
	[tilespmem:$0x1F800] =	vst v63  }
0x1b6: {  	_ =	swait.ge [sflag:s11], $0x100  }
0x1b7: {  	s2 =	sld [smem:$0x7DF]  }
0x1b8: {  	[sflag:s11] =	ssyncset.done $0x0  }
0x1b9: {  	[sflag:s11] =	ssyncadd.s32 $0xFFFFFF00  }
0x1ba: {  	[spmem:s2] =	stream.linear.scatter [tilespmem:s13], [sflag:$0x5], $0x100, $0x38;
	[tilespmem:$0x1F800] =	vst v63  }
0x1bb: {  	_ =	swait.ge [sflag:s11], $0x100  }
0x1bc: {  	s2 =	sld [smem:$0x7E3]  }
0x1bd: {  	[sflag:s11] =	ssyncset.done $0x0  }
0x1be: {  	[sflag:s11] =	ssyncadd.s32 $0xFFFFFF00  }
0x1bf: {  	[spmem:s2] =	stream.linear.scatter [tilespmem:s13], [sflag:$0x5], $0x100, $0x38;
	[tilespmem:$0x1F800] =	vst v63  }
0x1c0: {  	_ =	swait.ge [sflag:s11], $0x100  }
0x1c1: {  	s2 =	sld [smem:$0x7E4]  }
0x1c2: {  	[sflag:s11] =	ssyncset.done $0x0  }
0x1c3: {  	[sflag:s11] =	ssyncadd.s32 $0xFFFFFF00  }
0x1c4: {  	[spmem:s2] =	stream.linear.scatter [tilespmem:s13], [sflag:$0x5], $0x100, $0x38;
	[tilespmem:$0x1F800] =	vst v63  }
0x1c5: {  	_ =	swait.ge [sflag:s11], $0x100  }
0x1c6: {  	s2 =	sld [smem:$0x7E5]  }
0x1c7: {  	[sflag:s11] =	ssyncset.done $0x0  }
0x1c8: {  	[sflag:s11] =	ssyncadd.s32 $0xFFFFFF00  }
0x1c9: {  	[spmem:s2] =	stream.linear.scatter [tilespmem:s13], [sflag:$0x5], $0x100, $0x38;
	[tilespmem:$0x1F800] =	vst v63  }
0x1ca: {  	_ =	swait.ge [sflag:s11], $0x100  }
0x1cb: {  	s2 =	sld [smem:$0x7E7]  }
0x1cc: {  	[sflag:s11] =	ssyncset.done $0x0  }
0x1cd: {  	[sflag:s11] =	ssyncadd.s32 $0xFFFFFF00  }
0x1ce: {  	[spmem:s2] =	stream.linear.scatter [tilespmem:s13], [sflag:$0x5], $0x100, $0x38;
	[tilespmem:$0x1F800] =	vst v63  }
0x1cf: {  	_ =	swait.ge [sflag:s11], $0x100  }
0x1d0: {  	s2 =	sld [smem:$0x7E8]  }
0x1d1: {  	[sflag:s11] =	ssyncset.done $0x0  }
0x1d2: {  	[sflag:s11] =	ssyncadd.s32 $0xFFFFFF00  }
0x1d3: {  	[spmem:s2] =	stream.linear.scatter [tilespmem:s13], [sflag:$0x5], $0x100, $0x38;
	[tilespmem:$0x1F800] =	vst v63  }
0x1d4: {  	_ =	swait.ge [sflag:s11], $0x100  }
0x1d5: {  	s2 =	sld [smem:$0x7E9]  }
0x1d6: {  	[sflag:s11] =	ssyncset.done $0x0  }
0x1d7: {  	[sflag:s11] =	ssyncadd.s32 $0xFFFFFF00  }
0x1d8: {  	[spmem:s2] =	stream.linear.scatter [tilespmem:s13], [sflag:$0x5], $0x100, $0x38;
	[tilespmem:$0x1F800] =	vst v63  }
0x1d9: {  	_ =	swait.ge [sflag:s11], $0x100  }
0x1da: {  	s2 =	sld [smem:$0x7EA]  }
0x1db: {  	[sflag:s11] =	ssyncset.done $0x0  }
0x1dc: {  	[sflag:s11] =	ssyncadd.s32 $0xFFFFFF00  }
0x1dd: {  	[spmem:s2] =	stream.linear.scatter [tilespmem:s13], [sflag:$0x5], $0x100, $0x38;
	[tilespmem:$0x1F800] =	vst v63  }
0x1de: {  	_ =	swait.ge [sflag:s11], $0x100  }
0x1df: {  	s2 =	sld [smem:$0x7EB]  }
0x1e0: {  	[sflag:s11] =	ssyncset.done $0x0  }
0x1e1: {  	[sflag:s11] =	ssyncadd.s32 $0xFFFFFF00  }
0x1e2: {  	[spmem:s2] =	stream.linear.scatter [tilespmem:s13], [sflag:$0x5], $0x100, $0x38;
	[tilespmem:$0x1F800] =	vst v63  }
0x1e3: {  	_ =	swait.ge [sflag:s11], $0x100  }
0x1e4: {  	s2 =	sld [smem:$0x7EC]  }
0x1e5: {  	[sflag:s11] =	ssyncset.done $0x0  }
0x1e6: {  	[sflag:s11] =	ssyncadd.s32 $0xFFFFFF00  }
0x1e7: {  	[spmem:s2] =	stream.linear.scatter [tilespmem:s13], [sflag:$0x5], $0x100, $0x38;
	[tilespmem:$0x1F800] =	vst v63  }
0x1e8: {  	_ =	swait.ge [sflag:s11], $0x100  }
0x1e9: {  	s2 =	sld [smem:$0x7ED]  }
0x1ea: {  	[sflag:s11] =	ssyncset.done $0x0  }
0x1eb: {  	[sflag:s11] =	ssyncadd.s32 $0xFFFFFF00  }
0x1ec: {  	[spmem:s2] =	stream.linear.scatter [tilespmem:s13], [sflag:$0x5], $0x100, $0x38;
	[tilespmem:$0x1F800] =	vst v63  }
0x1ed: {  	_ =	swait.ge [sflag:s11], $0x100  }
0x1ee: {  	s2 =	sld [smem:$0x7EE]  }
0x1ef: {  	[sflag:s11] =	ssyncset.done $0x0  }
0x1f0: {  	[sflag:s11] =	ssyncadd.s32 $0xFFFFFF00  }
0x1f1: {  	[spmem:s2] =	stream.linear.scatter [tilespmem:s13], [sflag:$0x5], $0x100, $0x38;
	[tilespmem:$0x1F800] =	vst v63  }
0x1f2: {  	_ =	swait.ge [sflag:s11], $0x100  }
0x1f3: {  	s2 =	sld [smem:$0x7EF]  }
0x1f4: {  	[sflag:s11] =	ssyncset.done $0x0  }
0x1f5: {  	[sflag:s11] =	ssyncadd.s32 $0xFFFFFF00  }
0x1f6: {  	[spmem:s2] =	stream.linear.scatter [tilespmem:s13], [sflag:$0x5], $0x100, $0x38;
	[tilespmem:$0x1F800] =	vst v63  }
0x1f7: {  	_ =	swait.ge [sflag:s11], $0x100  }
0x1f8: {  	s2 =	sld [smem:$0x7F0]  }
0x1f9: {  	[sflag:s11] =	ssyncset.done $0x0  }
0x1fa: {  	[sflag:s11] =	ssyncadd.s32 $0xFFFFFF00  }
0x1fb: {  	[spmem:s2] =	stream.linear.scatter [tilespmem:s13], [sflag:$0x5], $0x100, $0x38;
	[tilespmem:$0x1F800] =	vst v63  }
0x1fc: {  	_ =	swait.ge [sflag:s11], $0x100  }
0x1fd: {  	s2 =	sld [smem:$0x7F1]  }
0x1fe: {  	[sflag:s11] =	ssyncset.done $0x0  }
0x1ff: {  	[sflag:s11] =	ssyncadd.s32 $0xFFFFFF00  }
0x200: {  	[spmem:s2] =	stream.linear.scatter [tilespmem:s13], [sflag:$0x5], $0x100, $0x38;
	[tilespmem:$0x1F800] =	vst v63  }
0x201: {  	_ =	swait.ge [sflag:s11], $0x100  }
0x202: {  	s2 =	sld [smem:$0x7F2]  }
0x203: {  	[sflag:s11] =	ssyncset.done $0x0  }
0x204: {  	[sflag:s11] =	ssyncadd.s32 $0xFFFFFF00  }
0x205: {  	[spmem:s2] =	stream.linear.scatter [tilespmem:s13], [sflag:$0x5], $0x100, $0x38;
	[tilespmem:$0x1F800] =	vst v63  }
0x206: {  	_ =	swait.ge [sflag:s11], $0x100  }
0x207: {  	s2 =	sld [smem:$0x7F3]  }
0x208: {  	[sflag:s11] =	ssyncset.done $0x0  }
0x209: {  	[sflag:s11] =	ssyncadd.s32 $0xFFFFFF00  }
0x20a: {  	[spmem:s2] =	stream.linear.scatter [tilespmem:s13], [sflag:$0x5], $0x100, $0x38;
	[tilespmem:$0x1F800] =	vst v63  }
0x20b: {  	_ =	swait.ge [sflag:s11], $0x100  }
0x20c: {  	s2 =	sld [smem:$0x7F4]  }
0x20d: {  	[sflag:s11] =	ssyncset.done $0x0  }
0x20e: {  	[sflag:s11] =	ssyncadd.s32 $0xFFFFFF00  }
0x20f: {  	[spmem:s2] =	stream.linear.scatter [tilespmem:s13], [sflag:$0x5], $0x100, $0x38;
	[tilespmem:$0x1F800] =	vst v63  }
0x210: {  	_ =	swait.ge [sflag:s11], $0x100  }
0x211: {  	s2 =	sld [smem:$0x7F5]  }
0x212: {  	[sflag:s11] =	ssyncset.done $0x0  }
0x213: {  	[sflag:s11] =	ssyncadd.s32 $0xFFFFFF00  }
0x214: {  	[spmem:s2] =	stream.linear.scatter [tilespmem:s13], [sflag:$0x5], $0x100, $0x38;
	[tilespmem:$0x1F800] =	vst v63  }
0x215: {  	_ =	swait.ge [sflag:s11], $0x100  }
0x216: {  	s2 =	sld [smem:$0x7F6]  }
0x217: {  	[sflag:s11] =	ssyncset.done $0x0  }
0x218: {  	[sflag:s11] =	ssyncadd.s32 $0xFFFFFF00  }
0x219: {  	[spmem:s2] =	stream.linear.scatter [tilespmem:s13], [sflag:$0x5], $0x100, $0x38;
	[tilespmem:$0x1F800] =	vst v63  }
0x21a: {  	_ =	swait.ge [sflag:s11], $0x100  }
0x21b: {  	s2 =	sld [smem:$0x7F7]  }
0x21c: {  	[sflag:s11] =	ssyncset.done $0x0  }
0x21d: {  	[sflag:s11] =	ssyncadd.s32 $0xFFFFFF00  }
0x21e: {  	[spmem:s2] =	stream.linear.scatter [tilespmem:s13], [sflag:$0x5], $0x100, $0x38;
	[tilespmem:$0x1F800] =	vst v63  }
0x21f: {  	_ =	swait.ge [sflag:s11], $0x100  }
0x220: {  	s2 =	sld [smem:$0x7F8]  }
0x221: {  	[sflag:s11] =	ssyncset.done $0x0  }
0x222: {  	[sflag:s11] =	ssyncadd.s32 $0xFFFFFF00  }
0x223: {  	[spmem:s2] =	stream.linear.scatter [tilespmem:s13], [sflag:$0x5], $0x100, $0x38;
	[tilespmem:$0x1F800] =	vst v63  }
0x224: {  	_ =	swait.ge [sflag:s11], $0x100  }
0x225: {  	s2 =	sld [smem:$0x7F9]  }
0x226: {  	[sflag:s11] =	ssyncset.done $0x0  }
0x227: {  	[sflag:s11] =	ssyncadd.s32 $0xFFFFFF00  }
0x228: {  	[spmem:s2] =	stream.linear.scatter [tilespmem:s13], [sflag:$0x5], $0x100, $0x38;
	[tilespmem:$0x1F800] =	vst v63  }
0x229: {  	_ =	swait.ge [sflag:s11], $0x100  }
0x22a: {  	s2 =	sld [smem:$0x7FA]  }
0x22b: {  	[sflag:s11] =	ssyncset.done $0x0  }
0x22c: {  	[sflag:s11] =	ssyncadd.s32 $0xFFFFFF00  }
0x22d: {  	[spmem:s2] =	stream.linear.scatter [tilespmem:s13], [sflag:$0x5], $0x100, $0x38;
	[tilespmem:$0x1F800] =	vst v63  }
0x22e: {  	_ =	swait.ge [sflag:s11], $0x100  }
0x22f: {  	s2 =	sld [smem:$0x7FB]  }
0x230: {  	[sflag:s11] =	ssyncset.done $0x0  }
0x231: {  	[sflag:s11] =	ssyncadd.s32 $0xFFFFFF00  }
0x232: {  	[spmem:s2] =	stream.linear.scatter [tilespmem:s13], [sflag:$0x5], $0x100, $0x38;
	[tilespmem:$0x1F800] =	vst v63  }
0x233: {  	_ =	swait.ge [sflag:s11], $0x100  }
0x234: {  	[sflag:s11] =	ssyncset.done $0x0  }
0x235: {  	[sflag:s11] =	ssyncadd.s32 $0xFFFFFF00  }
0x236: {  	[spmem:s5] =	stream.linear.scatter [tilespmem:s13], [sflag:$0x5], $0x100, $0x38;
	[tilespmem:$0x1F800] =	vst v63  }
0x237: {  	_ =	swait.ge [sflag:s11], $0x100  }
0x238: {  	[sflag:s11] =	ssyncset.done $0x0  }
0x239: {  	[sflag:s11] =	ssyncadd.s32 $0xFFFFFF00  }
0x23a: {  	[spmem:s6] =	stream.linear.scatter [tilespmem:s13], [sflag:$0x5], $0x100, $0x38;
	[tilespmem:$0x1F800] =	vst v63  }
0x23b: {  	_ =	swait.ge [sflag:s11], $0x100  }
0x23c: {  	[sflag:s11] =	ssyncset.done $0x0  }
0x23d: {  	[sflag:s11] =	ssyncadd.s32 $0xFFFFFF00  }
0x23e: {  	[spmem:s7] =	stream.linear.scatter [tilespmem:s13], [sflag:$0x5], $0x100, $0x38;
	[tilespmem:$0x1F800] =	vst v63  }
0x23f: {  	_ =	swait.ge [sflag:s11], $0x100  }
0x240: {  	[sflag:s11] =	ssyncset.done $0x0  }
0x241: {  	[sflag:s11] =	ssyncadd.s32 $0xFFFFFF00  }
0x242: {  	s2 =	simm.s32 $0x0;
	[bflag:$0x0] =	sbarrier.arrive $0xFFFF  }
0x243: {  	[tilespmem:s15], [sflag:$0x1] =	stream.indirect.gather [hbm4b:s1+s14], $0x80, s2, s14, $0xb8;
	[tilespmem:$0x1F800] =	vst v63  }
0x244: {  	s2 =	simm.s32 $0x18  }
0x245: {  	[tilespmem:s16], [sflag:$0x2] =	stream.indirect.gather [hbm4b:s1+s14], $0x80, s2, s14, $0xb8;
	[tilespmem:$0x1F800] =	vst v63  }
0x246: {  	s2 =	simm.s32 $0x30  }
0x247: {  	[tilespmem:s17], [sflag:$0x3] =	stream.indirect.gather [hbm4b:s1+s14], $0x80, s2, s14, $0xb8;
	[tilespmem:$0x1F800] =	vst v63  }
0x248: {  	s2 =	simm.s32 $0x48  }
0x249: {  	[tilespmem:s18], [sflag:$0x4] =	stream.indirect.gather [hbm4b:s1+s14], $0x80, s2, s14, $0xb8;
	[tilespmem:$0x1F800] =	vst v63  }
0x24a: {  	_ =	swait.ge [sflag:s19], $0xA00  }
0x24b: {  	[sflag:s19] =	ssyncset.done $0x0  }
0x24c: {  	s2 =	simm.s32 $0x2EE0;
	[sflag:s19] =	ssyncadd.s32 $0xFFFFF600  }
0x24d: {  	[spmem:s3] =	stream.indirect.scatter.add.f32 [tilespmem:s15], [sflag:$0x5], $0x80, s2, s14, $0xb8;
	[tilespmem:$0x1F800] =	vst v63  }
0x24e: {  	_ =	swait.ge [sflag:s11], $0xA00  }
0x24f: {  	[sflag:s11] =	ssyncset.done $0x0  }
0x250: {  	[sflag:s11] =	ssyncadd.s32 $0xFFFFF600  }
0x251: {  	[spmem:s4] =	stream.indirect.scatter.add.f32 [tilespmem:s20], [sflag:$0x5], $0x10, s2, s14, $0xb8;
	[tilespmem:$0x1F800] =	vst v63  }
0x252: {  	_ =	swait.ge [sflag:s11], $0x140  }
0x253: {  	[sflag:s11] =	ssyncset.done $0x0  }
0x254: {  	s2 =	simm.s32 $0x60;
	[sflag:s11] =	ssyncadd.s32 $0xFFFFFEC0  }
0x255: {  	[tilespmem:s15], [sflag:$0x1] =	stream.indirect.gather [hbm4b:s1+s14], $0x80, s2, s14, $0xb8;
	[tilespmem:$0x1F800] =	vst v63  }
0x256: {  	_ =	swait.ge [sflag:s21], $0xA00  }
0x257: {  	[sflag:s21] =	ssyncset.done $0x0  }
0x258: {  	s2 =	simm.s32 $0x2EF8;
	[sflag:s21] =	ssyncadd.s32 $0xFFFFF600  }
0x259: {  	[spmem:s3] =	stream.indirect.scatter.add.f32 [tilespmem:s16], [sflag:$0x5], $0x80, s2, s14, $0xb8;
	[tilespmem:$0x1F800] =	vst v63  }
0x25a: {  	_ =	swait.ge [sflag:s11], $0xA00  }
0x25b: {  	[sflag:s11] =	ssyncset.done $0x0  }
0x25c: {  	[sflag:s11] =	ssyncadd.s32 $0xFFFFF600  }
0x25d: {  	[spmem:s4] =	stream.indirect.scatter.add.f32 [tilespmem:s20], [sflag:$0x5], $0x10, s2, s14, $0xb8;
	[tilespmem:$0x1F800] =	vst v63  }
0x25e: {  	_ =	swait.ge [sflag:s11], $0x140  }
0x25f: {  	[sflag:s11] =	ssyncset.done $0x0  }
0x260: {  	s2 =	simm.s32 $0x78;
	[sflag:s11] =	ssyncadd.s32 $0xFFFFFEC0  }
0x261: {  	[tilespmem:s16], [sflag:$0x2] =	stream.indirect.gather [hbm4b:s1+s14], $0x80, s2, s14, $0xb8;
	[tilespmem:$0x1F800] =	vst v63  }
0x262: {  	_ =	swait.ge [sflag:s23], $0xA00  }
0x263: {  	[sflag:s23] =	ssyncset.done $0x0  }
0x264: {  	s2 =	simm.s32 $0x2F10;
	[sflag:s23] =	ssyncadd.s32 $0xFFFFF600  }
0x265: {  	[spmem:s3] =	stream.indirect.scatter.add.f32 [tilespmem:s17], [sflag:$0x5], $0x80, s2, s14, $0xb8;
	[tilespmem:$0x1F800] =	vst v63  }
0x266: {  	_ =	swait.ge [sflag:s11], $0xA00  }
0x267: {  	[sflag:s11] =	ssyncset.done $0x0  }
0x268: {  	[sflag:s11] =	ssyncadd.s32 $0xFFFFF600  }
0x269: {  	[spmem:s4] =	stream.indirect.scatter.add.f32 [tilespmem:s20], [sflag:$0x5], $0x10, s2, s14, $0xb8;
	[tilespmem:$0x1F800] =	vst v63  }
0x26a: {  	_ =	swait.ge [sflag:s11], $0x140  }
0x26b: {  	[sflag:s11] =	ssyncset.done $0x0  }
0x26c: {  	s2 =	simm.s32 $0x90;
	[sflag:s11] =	ssyncadd.s32 $0xFFFFFEC0  }
0x26d: {  	[tilespmem:s17], [sflag:$0x3] =	stream.indirect.gather [hbm4b:s1+s14], $0x80, s2, s14, $0xb8;
	[tilespmem:$0x1F800] =	vst v63  }
0x26e: {  	_ =	swait.ge [sflag:s24], $0xA00  }
0x26f: {  	[sflag:s24] =	ssyncset.done $0x0  }
0x270: {  	s2 =	simm.s32 $0x2F28;
	[sflag:s24] =	ssyncadd.s32 $0xFFFFF600  }
0x271: {  	[spmem:s3] =	stream.indirect.scatter.add.f32 [tilespmem:s18], [sflag:$0x5], $0x80, s2, s14, $0xb8;
	[tilespmem:$0x1F800] =	vst v63  }
0x272: {  	_ =	swait.ge [sflag:s11], $0xA00  }
0x273: {  	[sflag:s11] =	ssyncset.done $0x0  }
0x274: {  	[sflag:s11] =	ssyncadd.s32 $0xFFFFF600  }
0x275: {  	[spmem:s4] =	stream.indirect.scatter.add.f32 [tilespmem:s20], [sflag:$0x5], $0x10, s2, s14, $0xb8;
	[tilespmem:$0x1F800] =	vst v63  }
0x276: {  	_ =	swait.ge [sflag:s11], $0x140  }
0x277: {  	[sflag:s11] =	ssyncset.done $0x0  }
0x278: {  	s31 =	simm.s32 $0x180;
	s0 =	simm.s32 $0xA8;
	[sflag:s11] =	ssyncadd.s32 $0xFFFFFEC0  }
.LBB2_4:
0x279: {  	[tilespmem:s18], [sflag:$0x4] =	stream.indirect.gather [hbm4b:s1+s14], $0x80, s0, s14, $0xb8;
	[tilespmem:$0x1F800] =	vst v63  }
0x27a: {  	s0 =	smov.u32 s31  }
0x27b: {  	p0 =	sne.s32 s31, $0xB880;
	s31 =	sadd.s32 $0x180, s31;
	_ =	swait.ge [sflag:s19], $0xA00  }
0x27c: {  	s0 =	sshra.s32 s0, $0x2;
	[sflag:s19] =	ssyncset.done $0x0  }
0x27d: {  	s2 =	sadd.s32 $0x2EE0, s0;
	[sflag:s19] =	ssyncadd.s32 $0xFFFFF600  }
0x27e: {  	[spmem:s3] =	stream.indirect.scatter.add.f32 [tilespmem:s15], [sflag:$0x5], $0x80, s2, s14, $0xb8;
	[tilespmem:$0x1F800] =	vst v63  }
0x27f: {  	_ =	swait.ge [sflag:s11], $0xA00  }
0x280: {  	[sflag:s11] =	ssyncset.done $0x0  }
0x281: {  	[sflag:s11] =	ssyncadd.s32 $0xFFFFF600  }
0x282: {  	[spmem:s4] =	stream.indirect.scatter.add.f32 [tilespmem:s20], [sflag:$0x5], $0x10, s2, s14, $0xb8;
	[tilespmem:$0x1F800] =	vst v63  }
0x283: {  	_ =	swait.ge [sflag:s11], $0x140  }
0x284: {  	[sflag:s11] =	ssyncset.done $0x0  }
0x285: {  	s2 =	sadd.s32 $0x60, s0;
	[sflag:s11] =	ssyncadd.s32 $0xFFFFFEC0  }
0x286: {  	[tilespmem:s15], [sflag:$0x1] =	stream.indirect.gather [hbm4b:s1+s14], $0x80, s2, s14, $0xb8;
	[tilespmem:$0x1F800] =	vst v63  }
0x287: {  	_ =	swait.ge [sflag:s21], $0xA00  }
0x288: {  	[sflag:s21] =	ssyncset.done $0x0  }
0x289: {  	s2 =	sadd.s32 $0x2EF8, s0;
	[sflag:s21] =	ssyncadd.s32 $0xFFFFF600  }
0x28a: {  	[spmem:s3] =	stream.indirect.scatter.add.f32 [tilespmem:s16], [sflag:$0x5], $0x80, s2, s14, $0xb8;
	[tilespmem:$0x1F800] =	vst v63  }
0x28b: {  	_ =	swait.ge [sflag:s11], $0xA00  }
0x28c: {  	[sflag:s11] =	ssyncset.done $0x0  }
0x28d: {  	[sflag:s11] =	ssyncadd.s32 $0xFFFFF600  }
0x28e: {  	[spmem:s4] =	stream.indirect.scatter.add.f32 [tilespmem:s20], [sflag:$0x5], $0x10, s2, s14, $0xb8;
	[tilespmem:$0x1F800] =	vst v63  }
0x28f: {  	_ =	swait.ge [sflag:s11], $0x140  }
0x290: {  	[sflag:s11] =	ssyncset.done $0x0  }
0x291: {  	s2 =	sadd.s32 $0x78, s0;
	[sflag:s11] =	ssyncadd.s32 $0xFFFFFEC0  }
0x292: {  	[tilespmem:s16], [sflag:$0x2] =	stream.indirect.gather [hbm4b:s1+s14], $0x80, s2, s14, $0xb8;
	[tilespmem:$0x1F800] =	vst v63  }
0x293: {  	_ =	swait.ge [sflag:s23], $0xA00  }
0x294: {  	[sflag:s23] =	ssyncset.done $0x0  }
0x295: {  	s2 =	sadd.s32 $0x2F10, s0;
	[sflag:s23] =	ssyncadd.s32 $0xFFFFF600  }
0x296: {  	[spmem:s3] =	stream.indirect.scatter.add.f32 [tilespmem:s17], [sflag:$0x5], $0x80, s2, s14, $0xb8;
	[tilespmem:$0x1F800] =	vst v63  }
0x297: {  	_ =	swait.ge [sflag:s11], $0xA00  }
0x298: {  	[sflag:s11] =	ssyncset.done $0x0  }
0x299: {  	[sflag:s11] =	ssyncadd.s32 $0xFFFFF600  }
0x29a: {  	[spmem:s4] =	stream.indirect.scatter.add.f32 [tilespmem:s20], [sflag:$0x5], $0x10, s2, s14, $0xb8;
	[tilespmem:$0x1F800] =	vst v63  }
0x29b: {  	_ =	swait.ge [sflag:s11], $0x140  }
0x29c: {  	[sflag:s11] =	ssyncset.done $0x0  }
0x29d: {  	s2 =	sadd.s32 $0x90, s0;
	[sflag:s11] =	ssyncadd.s32 $0xFFFFFEC0  }
0x29e: {  	[tilespmem:s17], [sflag:$0x3] =	stream.indirect.gather [hbm4b:s1+s14], $0x80, s2, s14, $0xb8;
	[tilespmem:$0x1F800] =	vst v63  }
0x29f: {  	_ =	swait.ge [sflag:s24], $0xA00  }
0x2a0: {  	[sflag:s24] =	ssyncset.done $0x0  }
0x2a1: {  	s2 =	sadd.s32 $0x2F28, s0;
	[sflag:s24] =	ssyncadd.s32 $0xFFFFF600  }
0x2a2: {  	[spmem:s3] =	stream.indirect.scatter.add.f32 [tilespmem:s18], [sflag:$0x5], $0x80, s2, s14, $0xb8;
	[tilespmem:$0x1F800] =	vst v63  }
0x2a3: {  	_ =	swait.ge [sflag:s11], $0xA00  }
0x2a4: {  	[sflag:s11] =	ssyncset.done $0x0  }
.Ltmp1:
0x2a5: {  	[sflag:s11] =	ssyncadd.s32 $0xFFFFF600;
	(pc) =	sbr.rel @p0 .LBB2_4-.Ltmp1, $4  }
0x2a6: {  	[spmem:s4] =	stream.indirect.scatter.add.f32 [tilespmem:s20], [sflag:$0x5], $0x10, s2, s14, $0xb8;
	[tilespmem:$0x1F800] =	vst v63  }
0x2a7: {  	_ =	swait.ge [sflag:s11], $0x140  }
0x2a8: {  	[sflag:s11] =	ssyncset.done $0x0  }
0x2a9: {  	s0 =	sadd.s32 $0xA8, s0;
	[sflag:s11] =	ssyncadd.s32 $0xFFFFFEC0  }
0x2aa: {  	[tilespmem:s18], [sflag:$0x4] =	stream.indirect.gather [hbm4b:s1+s14], $0x80, s0, s14, $0xb8;
	[tilespmem:$0x1F800] =	vst v63  }
0x2ab: {  	_ =	swait.ge [sflag:s19], $0xA00  }
0x2ac: {  	[sflag:s19] =	ssyncset.done $0x0  }
0x2ad: {  	[sflag:s19] =	ssyncadd.s32 $0xFFFFF600  }
0x2ae: {  	[spmem:s3] =	stream.indirect.scatter.add.f32 [tilespmem:s15], [sflag:$0x5], $0x80, s25, s14, $0xb8;
	[tilespmem:$0x1F800] =	vst v63  }
0x2af: {  	_ =	swait.ge [sflag:s11], $0xA00  }
0x2b0: {  	[sflag:s11] =	ssyncset.done $0x0  }
0x2b1: {  	[sflag:s11] =	ssyncadd.s32 $0xFFFFF600  }
0x2b2: {  	[spmem:s4] =	stream.indirect.scatter.add.f32 [tilespmem:s20], [sflag:$0x5], $0x10, s25, s14, $0xb8;
	[tilespmem:$0x1F800] =	vst v63  }
0x2b3: {  	_ =	swait.ge [sflag:s11], $0x140  }
0x2b4: {  	[sflag:s11] =	ssyncset.done $0x0  }
0x2b5: {  	[sflag:s11] =	ssyncadd.s32 $0xFFFFFEC0  }
0x2b6: {  	_ =	swait.ge [sflag:s21], $0xA00  }
0x2b7: {  	[sflag:s21] =	ssyncset.done $0x0  }
0x2b8: {  	[sflag:s21] =	ssyncadd.s32 $0xFFFFF600  }
0x2b9: {  	[spmem:s3] =	stream.indirect.scatter.add.f32 [tilespmem:s16], [sflag:$0x5], $0x80, s26, s14, $0xb8;
	[tilespmem:$0x1F800] =	vst v63  }
0x2ba: {  	_ =	swait.ge [sflag:s11], $0xA00  }
0x2bb: {  	[sflag:s11] =	ssyncset.done $0x0  }
0x2bc: {  	[sflag:s11] =	ssyncadd.s32 $0xFFFFF600  }
0x2bd: {  	[spmem:s4] =	stream.indirect.scatter.add.f32 [tilespmem:s20], [sflag:$0x5], $0x10, s26, s14, $0xb8;
	[tilespmem:$0x1F800] =	vst v63  }
0x2be: {  	_ =	swait.ge [sflag:s11], $0x140  }
0x2bf: {  	[sflag:s11] =	ssyncset.done $0x0  }
0x2c0: {  	[sflag:s11] =	ssyncadd.s32 $0xFFFFFEC0  }
0x2c1: {  	_ =	swait.ge [sflag:s23], $0xA00  }
0x2c2: {  	[sflag:s23] =	ssyncset.done $0x0  }
0x2c3: {  	[sflag:s23] =	ssyncadd.s32 $0xFFFFF600  }
0x2c4: {  	[spmem:s3] =	stream.indirect.scatter.add.f32 [tilespmem:s17], [sflag:$0x5], $0x80, s28, s14, $0xb8;
	[tilespmem:$0x1F800] =	vst v63  }
0x2c5: {  	_ =	swait.ge [sflag:s11], $0xA00  }
0x2c6: {  	[sflag:s11] =	ssyncset.done $0x0  }
0x2c7: {  	[sflag:s11] =	ssyncadd.s32 $0xFFFFF600  }
0x2c8: {  	[spmem:s4] =	stream.indirect.scatter.add.f32 [tilespmem:s20], [sflag:$0x5], $0x10, s28, s14, $0xb8;
	[tilespmem:$0x1F800] =	vst v63  }
0x2c9: {  	_ =	swait.ge [sflag:s11], $0x140  }
0x2ca: {  	[sflag:s11] =	ssyncset.done $0x0  }
0x2cb: {  	[sflag:s11] =	ssyncadd.s32 $0xFFFFFEC0  }
0x2cc: {  	_ =	swait.ge [sflag:s24], $0xA00  }
0x2cd: {  	[sflag:s24] =	ssyncset.done $0x0  }
0x2ce: {  	[sflag:s24] =	ssyncadd.s32 $0xFFFFF600  }
0x2cf: {  	[spmem:s3] =	stream.indirect.scatter.add.f32 [tilespmem:s18], [sflag:$0x5], $0x80, s29, s14, $0xb8;
	[tilespmem:$0x1F800] =	vst v63  }
0x2d0: {  	_ =	swait.ge [sflag:s11], $0xA00  }
0x2d1: {  	[sflag:s11] =	ssyncset.done $0x0  }
0x2d2: {  	[sflag:s11] =	ssyncadd.s32 $0xFFFFF600  }
0x2d3: {  	[spmem:s4] =	stream.indirect.scatter.add.f32 [tilespmem:s20], [sflag:$0x5], $0x10, s29, s14, $0xb8;
	[tilespmem:$0x1F800] =	vst v63  }
0x2d4: {  	_ =	swait.ge [sflag:s11], $0x140  }
0x2d5: {  	s31 =	stileid.u32;
	[sflag:s11] =	ssyncset.done $0x0  }
0x2d6: {  	s0 =	sshll.u32 s31, $0x6;
	[sflag:s11] =	ssyncadd.s32 $0xFFFFFEC0  }
0x2d7: {  	s2 =	sshrl.u32 s8, $0x3;
	s0 =	sor.u32 $0x1C05, s0;
	[bflag:$0x0] =	sbarrier.arrive $0xFFFF  }
0x2d8: {  	[hbm:s9], [sflag:s0] =	dma.local [spmem:s2], $0x2800  }
0x2d9: {  	s30 =	sadd.s32 $0x1, s30;
	_ =	swait.ge [sflag:s11], $0x2800  }
0x2da: {  	p0 =	sne.s32 s30, s10;
	s2 =	sshrl.u32 s22, $0x3;
	[sflag:s11] =	ssyncset.done $0x0  }
.Ltmp2:
0x2db: {  	s31 =	rddreg [dreg:$0xc];
	[sflag:s11] =	ssyncadd.s32 $0xFFFFD800;
	(pc) =	sbr.rel @p0 .LBB2_1-.Ltmp2, $4  }
0x2dc: {  	[hbm:s31], [sflag:s0] =	dma.local [spmem:s2], $0x500  }
0x2dd: {  	_ =	swait.ge [sflag:s11], $0x500  }
0x2de: {  	[sflag:s11] =	ssyncset.done $0x0  }
0x2df: {  	[sflag:s11] =	ssyncadd.s32 $0xFFFFFB00  }
0x2e0: {  	_ =	sfence.sel $0x180000  }
0x2e1: {  	[bflag:$0x0] =	sbarrier.arrive $0xFFFF  }
0x2e2: {  	_ =	strace $0x90000047  }
0x2e3: {  	s0 =	stileid.u32;
	[bflag:$0x2] =	sbarrier.arrive $0xFFFF  }
0x2e4: {  	p0 =	sne.s32 s0, $0x0;
	s0 =	rddreg [dreg:$0x5]  }
0x2e5: {  	s0 =	sadd.s32 @!p0 $0x100000, s0  }
0x2e6: {  	[sflag:s0] =	ssyncadd.tile.s32 @!p0 $0x1;
	_ =	shalt  }
.Lfunc_end2:
_tile_overlayer_lowered:
.L_overlay_start_2:
0x2e7: {  	(tag) =	ssettag $0x2  }
0x2e8: {  	s0 =	rddreg [dreg:$0x0];
	s2 =	stileid.u32  }
0x2e9: {  	s1 =	rddreg [dreg:$0x1];
	p0 =	sne.s32 s2, $0x0  }
0x2ea: {  	s3 =	rddreg [dreg:$0x2];
	[bflag:$0x3] =	sbarrier.arrive $0xFFFF;
	s2 =	simm.s32 @!p0 $0x1C05  }
0x2eb: {  	[timem:s3], [sflag:s2] =	dma.local @!p0 [hbm:s0], s1  }
0x2ec: {  	s0 =	simm.s32 @!p0 $0x5  }
0x2ed: {  	_ =	swait.ge @!p0 [sflag:s0], s1  }
0x2ee: {  	s1 =	ssub.s32 @!p0 $0x0, s1;
	[sflag:s0] =	ssyncset.done @!p0 $0x0  }
0x2ef: {  	[sflag:s0] =	ssyncadd.s32 @!p0 s1  }
0x2f0: {  	[bflag:$0x3] =	sbarrier.arrive $0xFFFF  }
0x2f1: {  	_ =	shalt  }

// kernel: kernel.9.cloned.1.call-start
scs
__scs_entry_jumppad:
0x0: {  	(pc) =	sbr.rel $0x88, $3  }
0x1: {  	(tag) =	ssettag $0x0;
	lr =	simm.s32 $0x1  }
0x2: {  	[smem:$0x3F99] =	sst lr;
	_ =	strace $0xD0000000  }
0x3: {  	_ = 	snop  }
0x4: {  	_ = 	snop  }
0x5: {  	_ = 	snop  }
0x6: {  	_ = 	snop  }
0x7: {  	_ = 	snop  }
__scs_overlays_trampoline_lowered:
0x8: {  	[smem:$0x3FA8] =	sst s0  }
0x9: {  	[smem:$0x3FA9] =	sst s1  }
0xa: {  	[smem:$0x3FAA] =	sst s2  }
0xb: {  	[smem:$0x3FAB] =	sst s3  }
0xc: {  	[smem:$0x3FAC] =	sst s4  }
0xd: {  	[smem:$0x3FAD] =	sst s5  }
0xe: {  	[smem:$0x3FAE] =	sst s6  }
0xf: {  	[smem:$0x3FAF] =	sst s7  }
0x10: {  	[smem:$0x3FB0] =	sst s8  }
0x11: {  	[smem:$0x3FB1] =	sst s9;
	s0 =	simm.s32 @!p0 $0x0  }
0x12: {  	s1 =	sld [smem:$0x3F97];
	s0 =	simm.s32 @p0 $0x1  }
0x13: {  	[smem:$0x3FB2] =	sst s0;
	s0 =	simm.s32 @!p1 $0x0  }
0x14: {  	s2 =	sld [smem:$0x3F96];
	s0 =	simm.s32 @p1 $0x1  }
0x15: {  	[smem:$0x3FB3] =	sst s0;
	s0 =	simm.s32 @!p2 $0x0  }
0x16: {  	s3 =	sld [smem:$0x3FDB];
	s0 =	simm.s32 @p2 $0x1  }
0x17: {  	s4 =	simm.s32 $0x1BF5;
	[smem:$0x3FB5] =	sst s0  }
0x18: {  	s0 =	sld [smem:$0x3F98];
	_ =	swait.ge [sflag:s4], $0x0  }
0x19: {  	s7 =	sld [smem:$0x3F99]  }
0x1a: {  	s8 =	sadd.s32 $0xFFFFE003, lr  }
0x1b: {  	s9 =	sadd.s32 $0xFFFFFEF7, lr;
	s5 =	simm.s32 $0xFFFFFFFF;
	p2 =	slt.u32 s8, $0xFFFFF086  }
0x1c: {  	p1 =	slt.u32 s9, $0xF7A;
	s5 =	simm.s32 @!p2 $0x0  }
0x1d: {  	s5 =	simm.s32 @p1 $0x1;
	p0 =	seq.s32 s7, s2  }
0x1e: {  	s7 =	smul.u32 @!p0 $0xF7A, s2;
	p2 =	seq.s32 @!p0 s5, $0x0  }
0x1f: {  	s9 =	smul.u32 $0xF7A, s1;
	s8 =	simm.s32 @!p0 $0x1BF5;
	p2 =	por !p2, p0  }
0x20: {  	[sflag:s8] =	ssyncset.s32 @!p0 $0xFFFFF086;
	s6 =	sadd.s32 @!p0 s3, s7;
	s7 =	simm.s32 @!p0 $0x108  }
0x21: {  	s3 =	sadd.s32 s3, s9;
	s6 =	sadd.s32 @!p0 $0x88, s6;
	s7 =	simm.s32 @p2 $0x1082  }
0x22: {  	[simem:s7], [sflag:s8] =	dma.local @!p0 [hbm:s6], $0xF7A  }
0x23: {  	s9 =	sor.u32 $0xD0000000, s2;
	s6 =	simm.s32 $0x108;
	_ =	swait.ge @!p0 [sflag:s8], $0x0  }
0x24: {  	s3 =	sadd.s32 $0x88, s3;
	s6 =	simm.s32 @!p1 $0x1082;
	[sflag:s4] =	ssyncset.s32 $0xFFFFF086  }
0x25: {  	[simem:s6], [sflag:s4] =	dma.local [hbm:s3], $0xF7A  }
0x26: {  	[smem:$0x3F99] =	sst s1;
	(tag) =	ssettag s2;
	_ =	strace s9  }
0x27: {  	s1 =	sld [smem:$0x3FA9]  }
0x28: {  	s2 =	sld [smem:$0x3FAA]  }
0x29: {  	s4 =	sld [smem:$0x3FAC]  }
0x2a: {  	p0 =	seq.s32 s5, $0x0;
	s5 =	sld [smem:$0x3FAD]  }
0x2b: {  	s6 =	sld [smem:$0x3FAE]  }
0x2c: {  	s7 =	sld [smem:$0x3FAF]  }
0x2d: {  	s3 =	simm.s32 $0x108;
	s8 =	sld [smem:$0x3FB0]  }
0x2e: {  	s3 =	simm.s32 @!p0 $0x1082;
	s9 =	sld [smem:$0x3FB1]  }
0x2f: {  	lr =	sadd.s32 s0, s3;
	s0 =	sld [smem:$0x3FA8]  }
0x30: {  	s3 =	sld [smem:$0x3FAB]  }
0x31: {  	[smem:$0x3FB4] =	sst s10  }
0x32: {  	s10 =	sld [smem:$0x3FB2];
	_ =	sdelay $0x3  }
0x33: {  	p0 =	seq.s32 s10, $0x1;
	s10 =	sld [smem:$0x3FB4];
	_ =	sdelay $0x3  }
0x34: {  	[smem:$0x3FB4] =	sst s10  }
0x35: {  	s10 =	sld [smem:$0x3FB3];
	_ =	sdelay $0x3  }
0x36: {  	p1 =	seq.s32 s10, $0x1;
	s10 =	sld [smem:$0x3FB4];
	_ =	sdelay $0x3  }
0x37: {  	[smem:$0x3FB4] =	sst s10  }
0x38: {  	s10 =	sld [smem:$0x3FB5]  }
0x39: {  	_ = 	snop;
	(pc) =	sbr.ind lr, $3  }
0x3a: {  	_ = 	snop  }
0x3b: {  	_ = 	snop  }
0x3c: {  	p2 =	seq.s32 s10, $0x1;
	s10 =	sld [smem:$0x3FB4]  }
0x3d: {  	_ =	shalt  }
0x3e: {  	_ =	shalt  }
0x3f: {  	_ =	shalt  }
0x40: {  	_ =	shalt  }
0x41: {  	_ =	shalt  }
0x42: {  	_ =	shalt  }
0x43: {  	_ =	shalt  }
0x44: {  	_ =	shalt  }
0x45: {  	_ =	shalt  }
0x46: {  	_ =	shalt  }
0x47: {  	_ =	shalt  }
0x48: {  	_ =	shalt  }
0x49: {  	_ =	shalt  }
0x4a: {  	_ =	shalt  }
0x4b: {  	_ =	shalt  }
0x4c: {  	_ =	shalt  }
0x4d: {  	_ =	shalt  }
0x4e: {  	_ =	shalt  }
0x4f: {  	_ =	shalt  }
0x50: {  	_ =	shalt  }
0x51: {  	_ =	shalt  }
0x52: {  	_ =	shalt  }
0x53: {  	_ =	shalt  }
0x54: {  	_ =	shalt  }
0x55: {  	_ =	shalt  }
0x56: {  	_ =	shalt  }
0x57: {  	_ =	shalt  }
0x58: {  	_ =	shalt  }
0x59: {  	_ =	shalt  }
0x5a: {  	_ =	shalt  }
0x5b: {  	_ =	shalt  }
0x5c: {  	_ =	shalt  }
0x5d: {  	_ =	shalt  }
0x5e: {  	_ =	shalt  }
0x5f: {  	_ =	shalt  }
0x60: {  	_ =	shalt  }
0x61: {  	_ =	shalt  }
0x62: {  	_ =	shalt  }
0x63: {  	_ =	shalt  }
0x64: {  	_ =	shalt  }
0x65: {  	_ =	shalt  }
0x66: {  	_ =	shalt  }
0x67: {  	_ =	shalt  }
0x68: {  	_ =	shalt  }
0x69: {  	_ =	shalt  }
0x6a: {  	_ =	shalt  }
0x6b: {  	_ =	shalt  }
0x6c: {  	_ =	shalt  }
0x6d: {  	_ =	shalt  }
0x6e: {  	_ =	shalt  }
0x6f: {  	_ =	shalt  }
0x70: {  	_ =	shalt  }
0x71: {  	_ =	shalt  }
0x72: {  	_ =	shalt  }
0x73: {  	_ =	shalt  }
0x74: {  	_ =	shalt  }
0x75: {  	_ =	shalt  }
0x76: {  	_ =	shalt  }
0x77: {  	_ =	shalt  }
0x78: {  	_ =	shalt  }
0x79: {  	_ =	shalt  }
0x7a: {  	_ =	shalt  }
0x7b: {  	_ =	shalt  }
0x7c: {  	_ =	shalt  }
0x7d: {  	_ =	shalt  }
0x7e: {  	_ =	shalt  }
0x7f: {  	_ =	shalt  }
0x80: {  	_ =	shalt  }
0x81: {  	_ =	shalt  }
0x82: {  	_ =	shalt  }
0x83: {  	_ =	shalt  }
0x84: {  	_ =	shalt  }
0x85: {  	_ =	shalt  }
0x86: {  	_ =	shalt  }
0x87: {  	_ =	shalt  }
.Lfunc_end0:
.L_simem_size_0:
called_computation.1_lowered:
.L_overlay_start_0:
0x88: {  	s2 =	sld [smem:$0x3FD9]  }
0x89: {  	s3 =	sld [smem:$0x3FFE];
	_ =	sdelay $0x1  }
0x8a: {  	s1 =	srdreg.scid  }
0x8b: {  	s0 =	sand.u32 $0x1, s1  }
0x8c: {  	s17 =	sshll.u32 s0, $0xA;
	s2 =	sadd.s32 s3, s2  }
0x8d: {  	s2 =	sadd.s32 s2, s17  }
0x8e: {  	[smem:$0x3FC0] =	sst s2  }
0x8f: {  	_ = 	snop  }
0x90: {  	s2 =	sld [smem:$0x3FD0];
	(tm) =	ssettm $0x1  }
0x91: {  	s18 =	sld [smem:$0x3FFB];
	_ =	sdelay $0x3  }
0x92: {  	_ =	strace s18  }
0x93: {  	s3 =	sld [smem:$0x3FFC];
	_ =	sdelay $0x3  }
0x94: {  	_ =	strace s3  }
0x95: {  	s3 =	sld [smem:$0x3FFD];
	_ =	sdelay $0x3  }
0x96: {  	_ =	strace s3  }
0x97: {  	_ =	strace $0x8FFFFFFF  }
0x98: {  	s19 =	sld [smem:$0x3FDB];
	_ =	sdelay $0x1  }
0x99: {  	s4 =	simm.s32 $_scs_section_size  }
0x9a: {  	s5 =	simm.s32 $_size__tile_overlayer_lowered;
	s6 =	simm.s32 $_tile_overlayer_lowered  }
0x9b: {  	s22 =	simm.s32 $0x1BFF;
	s21 =	sshll.u32 s6, $0x1;
	s3 =	sadd.s32 s4, s19  }
0x9c: {  	s7 =	simm.s32 $0x0;
	s20 =	sshll.u32 s5, $0x1;
	s5 =	sadd.s32 s21, s3  }
0x9d: {  	[timem:s7], [sflag:s22] =	dma.local [hbm:s5], s20  }
0x9e: {  	_ =	swait.ge [sflag:s22], s20  }
0x9f: {  	s4 =	ssub.s32 $0x0, s20;
	[sflag:s22] =	ssyncset.done $0x0  }
0xa0: {  	[sflag:s22] =	ssyncadd.s32 s4;
	_ =	sdelay $0x1  }
0xa1: {  	s23 =	simm.s32 $0x1B8B  }
0xa2: {  	_ =	swait.ge [sflag:s23], $0x1  }
0xa3: {  	[sflag:s23] =	ssyncset.done $0x0  }
0xa4: {  	s25 =	simm.s32 $0x1B8E;
	s24 =	sld [smem:$0x3FFE];
	[sflag:s23] =	ssyncadd.s32 $0xFFFFFFFF  }
0xa5: {  	s26 =	simm.s32 $execute0_lowered;
	[smem:$0x3FD2] =	sst s25  }
0xa6: {  	s5 =	sshll.u32 s26, $0x1;
	_ =	strace $0x80000049;
	[dreg:$0x1] =	wrdreg $0xFFFFFFFF  }
0xa7: {  	s28 =	simm.s32 $_size_execute0_lowered;
	s3 =	sadd.s32 s3, s5;
	[dreg:$0x0] =	wrdreg $0x0  }
0xa8: {  	s5 =	sshll.u32 s28, $0x1;
	[dreg:$0x2] =	wrdreg s3  }
0xa9: {  	[dreg:$0x3] =	wrdreg s5  }
0xaa: {  	[dreg:$0x4] =	wrdreg $0xC0  }
0xab: {  	_ =	task [dreg:s7], $0x5FFFF  }
0xac: {  	[dreg:$0x1] =	wrdreg $0xFFFFFFFF  }
0xad: {  	[dreg:$0x0] =	wrdreg $0x60  }
0xae: {  	[dreg:$0x2] =	wrdreg s2  }
0xaf: {  	[dreg:$0x3] =	wrdreg s24  }
0xb0: {  	[dreg:$0x4] =	wrdreg $0x8DC00  }
0xb1: {  	[dreg:$0x5] =	wrdreg $0x9  }
0xb2: {  	_ =	task.clear_ibuf [dreg:s7], $0x6FFFF;
	_ =	strace $0x90000049  }
0xb3: {  	s29 =	simm.s32 $0x9;
	_ =	strace $0x8000004B  }
0xb4: {  	_ =	swait.ge [sflag:s29], $0x1  }
0xb5: {  	[sflag:s29] =	ssyncadd.s32 $0xFFFFFFFF  }
0xb6: {  	_ =	strace $0x9000004B  }
0xb7: {  	_ =	sfence  }
0xb8: {  	s30 =	sld [smem:$0x0];
	_ =	sdelay $0x2  }
0xb9: {  	s31 =	sshll.u32 s1, $0xD;
	s1 =	sshrl.u32 s1, $0x2  }
0xba: {  	s3 =	sand.u32 $0x4000, s31;
	s1 =	sadd.s32 s1, s30  }
0xbb: {  	s0 =	sor.u32 s3, s0;
	s1 =	sshll.u32 s1, $0x11  }
0xbc: {  	s0 =	sor.u32 s1, s0  }
0xbd: {  	s0 =	sadd.s32 $0x8F2B, s0  }
0xbe: {  	[sflag:s0] =	ssyncadd.remote.s32 $0x1  }
0xbf: {  	_ =	sfence.sel $0xFFFF  }
0xc0: {  	[dreg:$0x0] =	wrdreg $0xFFFFFFFF;
	(pc) =	sbr.abs _section_cstart, $3  }
0xc1: {  	[dreg:$0x1] =	wrdreg $0xFFFFFFFF  }
0xc2: {  	_ =	task.clear_ibuf [dreg:s7], $0x2FFFF;
	_ =	strace $0x9FFFFFFF  }
0xc3: {  	(tm) =	ssettm $0x7FFFFFFF  }
tec
execute0_lowered:
.L_overlay_start_1:
0x0: {  	(tag) =	ssettag $0x1  }
0x1: {  	s2 =	srdreg.scid;
	s7 =	stileid.u32  }
0x2: {  	s2 =	sand.u32 $0x1, s2;
	s4 =	sshll.u32 s7, $0x1  }
0x3: {  	s1 =	rddreg [dreg:$0x0];
	s5 =	smul.u32 $0x14000, s7;
	s4 =	sor.u32 s2, s4  }
0x4: {  	s0 =	rddreg [dreg:$0x1];
	s4 =	smul.u32 $0x5DC, s4  }
0x5: {  	s3 =	rddreg [dreg:$0x2];
	s8 =	simm.s32 $0x0;
	s7 =	smul.u32 $0x50000, s7  }
0x6: {  	[smem:$0x7FF] =	sst s8;
	s4 =	sadd.s32 s4, s0  }
0x7: {  	_ =	strace $0x8000004A;
	s7 =	sshrl.u32 s7, $0x2;
	s18 =	sadd.s32 $0xE200, s4  }
0x8: {  	s4 =	sadd.s32 $0x2600, s4;
	[dreg:$0x4] =	wrdreg s18;
	s18 =	sadd.s32 s7, s3  }
0x9: {  	[dreg:$0x5] =	wrdreg s4;
	s19 =	sadd.s32 $0x800, s18  }
0xa: {  	s20 =	sadd.s32 $0x1000, s18;
	[dreg:$0x6] =	wrdreg s19  }
0xb: {  	s21 =	sadd.s32 $0x1800, s18;
	[dreg:$0x7] =	wrdreg s20  }
0xc: {  	s22 =	sadd.s32 $0x2000, s18;
	[dreg:$0x8] =	wrdreg s21  }
0xd: {  	s6 =	smul.u32 $0x140000, s2;
	s23 =	sadd.s32 $0x2800, s18;
	[dreg:$0x9] =	wrdreg s22  }
0xe: {  	s24 =	sadd.s32 $0x3000, s18;
	[dreg:$0xa] =	wrdreg s23  }
0xf: {  	s6 =	sadd.s32 s5, s6;
	s25 =	sadd.s32 $0x3800, s18;
	[dreg:$0xb] =	wrdreg s24  }
0x10: {  	s6 =	sshrl.u32 s6, $0x3;
	s26 =	sadd.s32 $0x4000, s18;
	[dreg:$0xc] =	wrdreg s25  }
0x11: {  	s7 =	sadd.s32 s5, s3;
	s5 =	sadd.s32 $0x4800, s18;
	[dreg:$0xd] =	wrdreg s26  }
0x12: {  	s0 =	sadd.s32 s6, s0;
	s6 =	sadd.s32 $0x5000, s18;
	[dreg:$0xe] =	wrdreg s5  }
0x13: {  	s8 =	sadd.s32 $0x5800, s18;
	[dreg:$0xf] =	wrdreg s6  }
0x14: {  	s9 =	sadd.s32 $0x6000, s18;
	[dreg:$0x10] =	wrdreg s8  }
0x15: {  	s10 =	sadd.s32 $0x6800, s18;
	[dreg:$0x11] =	wrdreg s9  }
0x16: {  	s11 =	sadd.s32 $0x7000, s18;
	[dreg:$0x12] =	wrdreg s10  }
0x17: {  	s28 =	simm.s32 $0x7BC0;
	s12 =	sadd.s32 $0x7800, s18;
	[dreg:$0x13] =	wrdreg s11  }
0x18: {  	s29 =	simm.s32 $0x1;
	s13 =	sadd.s32 $0x8000, s18;
	[dreg:$0x14] =	wrdreg s12  }
0x19: {  	s30 =	simm.s32 $0x2;
	s14 =	sadd.s32 $0x8800, s18;
	[dreg:$0x15] =	wrdreg s13  }
0x1a: {  	s2 =	ssub.s32 $0x2, s2;
	s15 =	sadd.s32 $0x9000, s18;
	[dreg:$0x16] =	wrdreg s14  }
0x1b: {  	s17 =	sshrl.u32 s2, $0x1;
	s16 =	sadd.s32 $0x9800, s18;
	[dreg:$0x17] =	wrdreg s15  }
0x1c: {  	s2 =	ssub.s32 s2, s17;
	s17 =	sadd.s32 $0xA000, s18;
	[dreg:$0x18] =	wrdreg s16  }
0x1d: {  	s31 =	simm.s32 $0x3;
	[dreg:$0x19] =	wrdreg s17;
	s19 =	sadd.s32 $0xA800, s18  }
0x1e: {  	s20 =	sadd.s32 $0xB000, s18;
	s21 =	sadd.s32 $0xB800, s18;
	s22 =	sadd.s32 $0xC000, s18  }
0x1f: {  	s23 =	sadd.s32 $0xC800, s18;
	s24 =	sadd.s32 $0xD000, s18;
	[dreg:$0x1a] =	wrdreg s19  }
0x20: {  	s25 =	sadd.s32 $0xD800, s18;
	s26 =	sadd.s32 $0xE000, s18;
	[dreg:$0x1b] =	wrdreg s20  }
0x21: {  	s8 =	sadd.s32 $0xE800, s18;
	s9 =	sadd.s32 $0xF000, s18;
	[dreg:$0x1c] =	wrdreg s21  }
0x22: {  	s10 =	sadd.s32 $0xF800, s18;
	s11 =	sadd.s32 $0x10000, s18;
	[dreg:$0x1d] =	wrdreg s22  }
0x23: {  	s12 =	sadd.s32 $0x10800, s18;
	s13 =	sadd.s32 $0x11000, s18;
	[dreg:$0x1e] =	wrdreg s23  }
0x24: {  	s14 =	sadd.s32 $0x11800, s18;
	s15 =	sadd.s32 $0x12000, s18;
	[dreg:$0x1f] =	wrdreg s24  }
0x25: {  	s16 =	sadd.s32 $0x12800, s18;
	s17 =	sadd.s32 $0x13000, s18;
	[smem:$0x7FC] =	sst s25  }
0x26: {  	s18 =	sadd.s32 $0x13800, s18;
	[smem:$0x7FD] =	sst s26;
	s19 =	sadd.s32 $0x19E00, s0  }
0x27: {  	s20 =	smax.u32 s2, $0x1;
	s21 =	simm.s32 $0x5;
	s22 =	simm.s32 $0x85C0  }
0x28: {  	s23 =	simm.s32 $0x14;
	s24 =	simm.s32 $0x5DC0;
	s25 =	simm.s32 $0x67C0  }
0x29: {  	v0 =	vimm.f32 $0.0e+00;
	s26 =	simm.s32 $0x71C0;
	s0 =	simm.s32 $0x4;
	s2 =	simm.s32 $0x0  }
.LBB2_1:
0x2a: {  	s4 =	simm.s32 $0x0;
	s5 =	rddreg [dreg:$0x4]  }
0x2b: {  	[tilespmem:s4], [sflag:$0x5] =	stream.linear.gather [hbm4b:s5+s4], $0x2EE0, $0x38;
	[tilespmem:$0x1CDC0] =	vst v63  }
0x2c: {  	_ =	swait.ge [sflag:s21], $0x2EE0  }
0x2d: {  	[sflag:s21] =	ssyncset.done $0x0  }
0x2e: {  	s6 =	simm.s32 $0x2EE0;
	s5 =	rddreg [dreg:$0x5];
	[sflag:s21] =	ssyncadd.s32 $0xFFFFD120  }
0x2f: {  	[tilespmem:s6], [sflag:$0x5] =	stream.linear.gather [hbm4b:s5+s4], $0x2EE0, $0x38;
	[tilespmem:$0x1CDC0] =	vst v63  }
0x30: {  	_ =	swait.ge [sflag:s21], $0x2EE0  }
0x31: {  	[sflag:s21] =	ssyncset.done $0x0  }
0x32: {  	s4 =	simm.s32 $0x0;
	s5 =	simm.s32 $0x200;
	[sflag:s21] =	ssyncadd.s32 $0xFFFFD120  }
.LBB2_2:
0x33: {  	p0 =	sne.s32 s5, $0x1E00;
	[tilespmem:s4+$0x8630] =	vst v0  }
0x34: {  	[tilespmem:s4+$0x85C0] =	vst v0  }
0x35: {  	[tilespmem:s4+$0x85D0] =	vst v0  }
.Ltmp0:
0x36: {  	[tilespmem:s4+$0x85E0] =	vst v0;
	(pc) =	sbr.rel @p0 .LBB2_2-.Ltmp0, $4  }
0x37: {  	[tilespmem:s4+$0x85F0] =	vst v0  }
0x38: {  	[tilespmem:s4+$0x8600] =	vst v0  }
0x39: {  	[tilespmem:s4+$0x8610] =	vst v0  }
0x3a: {  	[tilespmem:s4+$0x8620] =	vst v0;
	s4 =	sshra.s32 s5, $0x2;
	s5 =	sadd.s32 $0x200, s5  }
0x3b: {  	[tilespmem:s4+$0x8630] =	vst v0  }
0x3c: {  	[tilespmem:s4+$0x85C0] =	vst v0  }
0x3d: {  	[tilespmem:s4+$0x85D0] =	vst v0  }
0x3e: {  	[tilespmem:s4+$0x85E0] =	vst v0  }
0x3f: {  	[tilespmem:s4+$0x85F0] =	vst v0  }
0x40: {  	[tilespmem:s4+$0x8600] =	vst v0  }
0x41: {  	[tilespmem:s4+$0x8610] =	vst v0  }
0x42: {  	[tilespmem:s4+$0x8620] =	vst v0  }
0x43: {  	[spmem:s7] =	stream.linear.scatter [tilespmem:s22], [sflag:$0x5], $0x800, $0x38;
	[tilespmem:$0x1CDC0] =	vst v63  }
0x44: {  	_ =	swait.ge [sflag:s21], $0x800  }
0x45: {  	[sflag:s21] =	ssyncset.done $0x0  }
0x46: {  	s6 =	rddreg [dreg:$0x6];
	[sflag:s21] =	ssyncadd.s32 $0xFFFFF800  }
0x47: {  	[spmem:s6] =	stream.linear.scatter [tilespmem:s22], [sflag:$0x5], $0x800, $0x38;
	[tilespmem:$0x1CDC0] =	vst v63  }
0x48: {  	_ =	swait.ge [sflag:s21], $0x800  }
0x49: {  	[sflag:s21] =	ssyncset.done $0x0  }
0x4a: {  	s5 =	rddreg [dreg:$0x7];
	[sflag:s21] =	ssyncadd.s32 $0xFFFFF800  }
0x4b: {  	[spmem:s5] =	stream.linear.scatter [tilespmem:s22], [sflag:$0x5], $0x800, $0x38;
	[tilespmem:$0x1CDC0] =	vst v63  }
0x4c: {  	_ =	swait.ge [sflag:s21], $0x800  }
0x4d: {  	[sflag:s21] =	ssyncset.done $0x0  }
0x4e: {  	s6 =	rddreg [dreg:$0x8];
	[sflag:s21] =	ssyncadd.s32 $0xFFFFF800  }
0x4f: {  	[spmem:s6] =	stream.linear.scatter [tilespmem:s22], [sflag:$0x5], $0x800, $0x38;
	[tilespmem:$0x1CDC0] =	vst v63  }
0x50: {  	_ =	swait.ge [sflag:s21], $0x800  }
0x51: {  	[sflag:s21] =	ssyncset.done $0x0  }
0x52: {  	s5 =	rddreg [dreg:$0x9];
	[sflag:s21] =	ssyncadd.s32 $0xFFFFF800  }
0x53: {  	[spmem:s5] =	stream.linear.scatter [tilespmem:s22], [sflag:$0x5], $0x800, $0x38;
	[tilespmem:$0x1CDC0] =	vst v63  }
0x54: {  	_ =	swait.ge [sflag:s21], $0x800  }
0x55: {  	[sflag:s21] =	ssyncset.done $0x0  }
0x56: {  	s6 =	rddreg [dreg:$0xa];
	[sflag:s21] =	ssyncadd.s32 $0xFFFFF800  }
0x57: {  	[spmem:s6] =	stream.linear.scatter [tilespmem:s22], [sflag:$0x5], $0x800, $0x38;
	[tilespmem:$0x1CDC0] =	vst v63  }
0x58: {  	_ =	swait.ge [sflag:s21], $0x800  }
0x59: {  	[sflag:s21] =	ssyncset.done $0x0  }
0x5a: {  	s5 =	rddreg [dreg:$0xb];
	[sflag:s21] =	ssyncadd.s32 $0xFFFFF800  }
0x5b: {  	[spmem:s5] =	stream.linear.scatter [tilespmem:s22], [sflag:$0x5], $0x800, $0x38;
	[tilespmem:$0x1CDC0] =	vst v63  }
0x5c: {  	_ =	swait.ge [sflag:s21], $0x800  }
0x5d: {  	[sflag:s21] =	ssyncset.done $0x0  }
0x5e: {  	s6 =	rddreg [dreg:$0xc];
	[sflag:s21] =	ssyncadd.s32 $0xFFFFF800  }
0x5f: {  	[spmem:s6] =	stream.linear.scatter [tilespmem:s22], [sflag:$0x5], $0x800, $0x38;
	[tilespmem:$0x1CDC0] =	vst v63  }
0x60: {  	_ =	swait.ge [sflag:s21], $0x800  }
0x61: {  	[sflag:s21] =	ssyncset.done $0x0  }
0x62: {  	s5 =	rddreg [dreg:$0xd];
	[sflag:s21] =	ssyncadd.s32 $0xFFFFF800  }
0x63: {  	[spmem:s5] =	stream.linear.scatter [tilespmem:s22], [sflag:$0x5], $0x800, $0x38;
	[tilespmem:$0x1CDC0] =	vst v63  }
0x64: {  	_ =	swait.ge [sflag:s21], $0x800  }
0x65: {  	[sflag:s21] =	ssyncset.done $0x0  }
0x66: {  	s6 =	rddreg [dreg:$0xe];
	[sflag:s21] =	ssyncadd.s32 $0xFFFFF800  }
0x67: {  	[spmem:s6] =	stream.linear.scatter [tilespmem:s22], [sflag:$0x5], $0x800, $0x38;
	[tilespmem:$0x1CDC0] =	vst v63  }
0x68: {  	_ =	swait.ge [sflag:s21], $0x800  }
0x69: {  	[sflag:s21] =	ssyncset.done $0x0  }
0x6a: {  	s5 =	rddreg [dreg:$0xf];
	[sflag:s21] =	ssyncadd.s32 $0xFFFFF800  }
0x6b: {  	[spmem:s5] =	stream.linear.scatter [tilespmem:s22], [sflag:$0x5], $0x800, $0x38;
	[tilespmem:$0x1CDC0] =	vst v63  }
0x6c: {  	_ =	swait.ge [sflag:s21], $0x800  }
0x6d: {  	[sflag:s21] =	ssyncset.done $0x0  }
0x6e: {  	s6 =	rddreg [dreg:$0x10];
	[sflag:s21] =	ssyncadd.s32 $0xFFFFF800  }
0x6f: {  	[spmem:s6] =	stream.linear.scatter [tilespmem:s22], [sflag:$0x5], $0x800, $0x38;
	[tilespmem:$0x1CDC0] =	vst v63  }
0x70: {  	_ =	swait.ge [sflag:s21], $0x800  }
0x71: {  	[sflag:s21] =	ssyncset.done $0x0  }
0x72: {  	s5 =	rddreg [dreg:$0x11];
	[sflag:s21] =	ssyncadd.s32 $0xFFFFF800  }
0x73: {  	[spmem:s5] =	stream.linear.scatter [tilespmem:s22], [sflag:$0x5], $0x800, $0x38;
	[tilespmem:$0x1CDC0] =	vst v63  }
0x74: {  	_ =	swait.ge [sflag:s21], $0x800  }
0x75: {  	[sflag:s21] =	ssyncset.done $0x0  }
0x76: {  	s6 =	rddreg [dreg:$0x12];
	[sflag:s21] =	ssyncadd.s32 $0xFFFFF800  }
0x77: {  	[spmem:s6] =	stream.linear.scatter [tilespmem:s22], [sflag:$0x5], $0x800, $0x38;
	[tilespmem:$0x1CDC0] =	vst v63  }
0x78: {  	_ =	swait.ge [sflag:s21], $0x800  }
0x79: {  	[sflag:s21] =	ssyncset.done $0x0  }
0x7a: {  	s5 =	rddreg [dreg:$0x13];
	[sflag:s21] =	ssyncadd.s32 $0xFFFFF800  }
0x7b: {  	[spmem:s5] =	stream.linear.scatter [tilespmem:s22], [sflag:$0x5], $0x800, $0x38;
	[tilespmem:$0x1CDC0] =	vst v63  }
0x7c: {  	_ =	swait.ge [sflag:s21], $0x800  }
0x7d: {  	[sflag:s21] =	ssyncset.done $0x0  }
0x7e: {  	s6 =	rddreg [dreg:$0x14];
	[sflag:s21] =	ssyncadd.s32 $0xFFFFF800  }
0x7f: {  	[spmem:s6] =	stream.linear.scatter [tilespmem:s22], [sflag:$0x5], $0x800, $0x38;
	[tilespmem:$0x1CDC0] =	vst v63  }
0x80: {  	_ =	swait.ge [sflag:s21], $0x800  }
0x81: {  	[sflag:s21] =	ssyncset.done $0x0  }
0x82: {  	s5 =	rddreg [dreg:$0x15];
	[sflag:s21] =	ssyncadd.s32 $0xFFFFF800  }
0x83: {  	[spmem:s5] =	stream.linear.scatter [tilespmem:s22], [sflag:$0x5], $0x800, $0x38;
	[tilespmem:$0x1CDC0] =	vst v63  }
0x84: {  	_ =	swait.ge [sflag:s21], $0x800  }
0x85: {  	[sflag:s21] =	ssyncset.done $0x0  }
0x86: {  	s6 =	rddreg [dreg:$0x16];
	[sflag:s21] =	ssyncadd.s32 $0xFFFFF800  }
0x87: {  	[spmem:s6] =	stream.linear.scatter [tilespmem:s22], [sflag:$0x5], $0x800, $0x38;
	[tilespmem:$0x1CDC0] =	vst v63  }
0x88: {  	_ =	swait.ge [sflag:s21], $0x800  }
0x89: {  	[sflag:s21] =	ssyncset.done $0x0  }
0x8a: {  	s5 =	rddreg [dreg:$0x17];
	[sflag:s21] =	ssyncadd.s32 $0xFFFFF800  }
0x8b: {  	[spmem:s5] =	stream.linear.scatter [tilespmem:s22], [sflag:$0x5], $0x800, $0x38;
	[tilespmem:$0x1CDC0] =	vst v63  }
0x8c: {  	_ =	swait.ge [sflag:s21], $0x800  }
0x8d: {  	[sflag:s21] =	ssyncset.done $0x0  }
0x8e: {  	s6 =	rddreg [dreg:$0x18];
	[sflag:s21] =	ssyncadd.s32 $0xFFFFF800  }
0x8f: {  	[spmem:s6] =	stream.linear.scatter [tilespmem:s22], [sflag:$0x5], $0x800, $0x38;
	[tilespmem:$0x1CDC0] =	vst v63  }
0x90: {  	_ =	swait.ge [sflag:s21], $0x800  }
0x91: {  	[sflag:s21] =	ssyncset.done $0x0  }
0x92: {  	s5 =	rddreg [dreg:$0x19];
	[sflag:s21] =	ssyncadd.s32 $0xFFFFF800  }
0x93: {  	[spmem:s5] =	stream.linear.scatter [tilespmem:s22], [sflag:$0x5], $0x800, $0x38;
	[tilespmem:$0x1CDC0] =	vst v63  }
0x94: {  	_ =	swait.ge [sflag:s21], $0x800  }
0x95: {  	[sflag:s21] =	ssyncset.done $0x0  }
0x96: {  	s6 =	rddreg [dreg:$0x1a];
	[sflag:s21] =	ssyncadd.s32 $0xFFFFF800  }
0x97: {  	[spmem:s6] =	stream.linear.scatter [tilespmem:s22], [sflag:$0x5], $0x800, $0x38;
	[tilespmem:$0x1CDC0] =	vst v63  }
0x98: {  	_ =	swait.ge [sflag:s21], $0x800  }
0x99: {  	[sflag:s21] =	ssyncset.done $0x0  }
0x9a: {  	s5 =	rddreg [dreg:$0x1b];
	[sflag:s21] =	ssyncadd.s32 $0xFFFFF800  }
0x9b: {  	[spmem:s5] =	stream.linear.scatter [tilespmem:s22], [sflag:$0x5], $0x800, $0x38;
	[tilespmem:$0x1CDC0] =	vst v63  }
0x9c: {  	_ =	swait.ge [sflag:s21], $0x800  }
0x9d: {  	[sflag:s21] =	ssyncset.done $0x0  }
0x9e: {  	s6 =	rddreg [dreg:$0x1c];
	[sflag:s21] =	ssyncadd.s32 $0xFFFFF800  }
0x9f: {  	[spmem:s6] =	stream.linear.scatter [tilespmem:s22], [sflag:$0x5], $0x800, $0x38;
	[tilespmem:$0x1CDC0] =	vst v63  }
0xa0: {  	_ =	swait.ge [sflag:s21], $0x800  }
0xa1: {  	[sflag:s21] =	ssyncset.done $0x0  }
0xa2: {  	s5 =	rddreg [dreg:$0x1d];
	[sflag:s21] =	ssyncadd.s32 $0xFFFFF800  }
0xa3: {  	[spmem:s5] =	stream.linear.scatter [tilespmem:s22], [sflag:$0x5], $0x800, $0x38;
	[tilespmem:$0x1CDC0] =	vst v63  }
0xa4: {  	_ =	swait.ge [sflag:s21], $0x800  }
0xa5: {  	[sflag:s21] =	ssyncset.done $0x0  }
0xa6: {  	s6 =	rddreg [dreg:$0x1e];
	[sflag:s21] =	ssyncadd.s32 $0xFFFFF800  }
0xa7: {  	[spmem:s6] =	stream.linear.scatter [tilespmem:s22], [sflag:$0x5], $0x800, $0x38;
	[tilespmem:$0x1CDC0] =	vst v63  }
0xa8: {  	_ =	swait.ge [sflag:s21], $0x800  }
0xa9: {  	[sflag:s21] =	ssyncset.done $0x0  }
0xaa: {  	s5 =	rddreg [dreg:$0x1f];
	[sflag:s21] =	ssyncadd.s32 $0xFFFFF800  }
0xab: {  	[spmem:s5] =	stream.linear.scatter [tilespmem:s22], [sflag:$0x5], $0x800, $0x38;
	[tilespmem:$0x1CDC0] =	vst v63  }
0xac: {  	_ =	swait.ge [sflag:s21], $0x800  }
0xad: {  	s6 =	sld [smem:$0x7FC]  }
0xae: {  	[sflag:s21] =	ssyncset.done $0x0  }
0xaf: {  	[sflag:s21] =	ssyncadd.s32 $0xFFFFF800  }
0xb0: {  	[spmem:s6] =	stream.linear.scatter [tilespmem:s22], [sflag:$0x5], $0x800, $0x38;
	[tilespmem:$0x1CDC0] =	vst v63  }
0xb1: {  	_ =	swait.ge [sflag:s21], $0x800  }
0xb2: {  	s5 =	sld [smem:$0x7FD]  }
0xb3: {  	[sflag:s21] =	ssyncset.done $0x0  }
0xb4: {  	[sflag:s21] =	ssyncadd.s32 $0xFFFFF800  }
0xb5: {  	[spmem:s5] =	stream.linear.scatter [tilespmem:s22], [sflag:$0x5], $0x800, $0x38;
	[tilespmem:$0x1CDC0] =	vst v63  }
0xb6: {  	_ =	swait.ge [sflag:s21], $0x800  }
0xb7: {  	[sflag:s21] =	ssyncset.done $0x0  }
0xb8: {  	[sflag:s21] =	ssyncadd.s32 $0xFFFFF800  }
0xb9: {  	[spmem:s8] =	stream.linear.scatter [tilespmem:s22], [sflag:$0x5], $0x800, $0x38;
	[tilespmem:$0x1CDC0] =	vst v63  }
0xba: {  	_ =	swait.ge [sflag:s21], $0x800  }
0xbb: {  	[sflag:s21] =	ssyncset.done $0x0  }
0xbc: {  	[sflag:s21] =	ssyncadd.s32 $0xFFFFF800  }
0xbd: {  	[spmem:s9] =	stream.linear.scatter [tilespmem:s22], [sflag:$0x5], $0x800, $0x38;
	[tilespmem:$0x1CDC0] =	vst v63  }
0xbe: {  	_ =	swait.ge [sflag:s21], $0x800  }
0xbf: {  	[sflag:s21] =	ssyncset.done $0x0  }
0xc0: {  	[sflag:s21] =	ssyncadd.s32 $0xFFFFF800  }
0xc1: {  	[spmem:s10] =	stream.linear.scatter [tilespmem:s22], [sflag:$0x5], $0x800, $0x38;
	[tilespmem:$0x1CDC0] =	vst v63  }
0xc2: {  	_ =	swait.ge [sflag:s21], $0x800  }
0xc3: {  	[sflag:s21] =	ssyncset.done $0x0  }
0xc4: {  	[sflag:s21] =	ssyncadd.s32 $0xFFFFF800  }
0xc5: {  	[spmem:s11] =	stream.linear.scatter [tilespmem:s22], [sflag:$0x5], $0x800, $0x38;
	[tilespmem:$0x1CDC0] =	vst v63  }
0xc6: {  	_ =	swait.ge [sflag:s21], $0x800  }
0xc7: {  	[sflag:s21] =	ssyncset.done $0x0  }
0xc8: {  	[sflag:s21] =	ssyncadd.s32 $0xFFFFF800  }
0xc9: {  	[spmem:s12] =	stream.linear.scatter [tilespmem:s22], [sflag:$0x5], $0x800, $0x38;
	[tilespmem:$0x1CDC0] =	vst v63  }
0xca: {  	_ =	swait.ge [sflag:s21], $0x800  }
0xcb: {  	[sflag:s21] =	ssyncset.done $0x0  }
0xcc: {  	[sflag:s21] =	ssyncadd.s32 $0xFFFFF800  }
0xcd: {  	[spmem:s13] =	stream.linear.scatter [tilespmem:s22], [sflag:$0x5], $0x800, $0x38;
	[tilespmem:$0x1CDC0] =	vst v63  }
0xce: {  	_ =	swait.ge [sflag:s21], $0x800  }
0xcf: {  	[sflag:s21] =	ssyncset.done $0x0  }
0xd0: {  	[sflag:s21] =	ssyncadd.s32 $0xFFFFF800  }
0xd1: {  	[spmem:s14] =	stream.linear.scatter [tilespmem:s22], [sflag:$0x5], $0x800, $0x38;
	[tilespmem:$0x1CDC0] =	vst v63  }
0xd2: {  	_ =	swait.ge [sflag:s21], $0x800  }
0xd3: {  	[sflag:s21] =	ssyncset.done $0x0  }
0xd4: {  	[sflag:s21] =	ssyncadd.s32 $0xFFFFF800  }
0xd5: {  	[spmem:s15] =	stream.linear.scatter [tilespmem:s22], [sflag:$0x5], $0x800, $0x38;
	[tilespmem:$0x1CDC0] =	vst v63  }
0xd6: {  	_ =	swait.ge [sflag:s21], $0x800  }
0xd7: {  	[sflag:s21] =	ssyncset.done $0x0  }
0xd8: {  	[sflag:s21] =	ssyncadd.s32 $0xFFFFF800  }
0xd9: {  	[spmem:s16] =	stream.linear.scatter [tilespmem:s22], [sflag:$0x5], $0x800, $0x38;
	[tilespmem:$0x1CDC0] =	vst v63  }
0xda: {  	_ =	swait.ge [sflag:s21], $0x800  }
0xdb: {  	[sflag:s21] =	ssyncset.done $0x0  }
0xdc: {  	[sflag:s21] =	ssyncadd.s32 $0xFFFFF800  }
0xdd: {  	[spmem:s17] =	stream.linear.scatter [tilespmem:s22], [sflag:$0x5], $0x800, $0x38;
	[tilespmem:$0x1CDC0] =	vst v63  }
0xde: {  	_ =	swait.ge [sflag:s21], $0x800  }
0xdf: {  	[sflag:s21] =	ssyncset.done $0x0  }
0xe0: {  	[sflag:s21] =	ssyncadd.s32 $0xFFFFF800  }
0xe1: {  	[spmem:s18] =	stream.linear.scatter [tilespmem:s22], [sflag:$0x5], $0x800, $0x38;
	[tilespmem:$0x1CDC0] =	vst v63  }
0xe2: {  	_ =	swait.ge [sflag:s21], $0x800  }
0xe3: {  	[sflag:s21] =	ssyncset.done $0x0  }
0xe4: {  	[sflag:s21] =	ssyncadd.s32 $0xFFFFF800  }
0xe5: {  	s6 =	simm.s32 $0x0;
	[bflag:$0x0] =	sbarrier.arrive $0xFFFF  }
0xe6: {  	[tilespmem:s24], [sflag:$0x1] =	stream.indirect.gather [hbm4b:s1+s23], $0x80, s6, s23, $0xb8;
	[tilespmem:$0x1CDC0] =	vst v63  }
0xe7: {  	s5 =	simm.s32 $0x18  }
0xe8: {  	[tilespmem:s25], [sflag:$0x2] =	stream.indirect.gather [hbm4b:s1+s23], $0x80, s5, s23, $0xb8;
	[tilespmem:$0x1CDC0] =	vst v63  }
0xe9: {  	s6 =	simm.s32 $0x30  }
0xea: {  	[tilespmem:s26], [sflag:$0x3] =	stream.indirect.gather [hbm4b:s1+s23], $0x80, s6, s23, $0xb8;
	[tilespmem:$0x1CDC0] =	vst v63  }
0xeb: {  	s5 =	simm.s32 $0x48  }
0xec: {  	[tilespmem:s28], [sflag:$0x4] =	stream.indirect.gather [hbm4b:s1+s23], $0x80, s5, s23, $0xb8;
	[tilespmem:$0x1CDC0] =	vst v63  }
0xed: {  	_ =	swait.ge [sflag:s29], $0xA00  }
0xee: {  	[sflag:s29] =	ssyncset.done $0x0  }
0xef: {  	s6 =	simm.s32 $0x2EE0;
	[sflag:s29] =	ssyncadd.s32 $0xFFFFF600  }
0xf0: {  	[spmem:s3] =	stream.indirect.scatter.add.f32 [tilespmem:s24], [sflag:$0x5], $0x80, s6, s23, $0xb8;
	[tilespmem:$0x1CDC0] =	vst v63  }
0xf1: {  	_ =	swait.ge [sflag:s21], $0xA00  }
0xf2: {  	[sflag:s21] =	ssyncset.done $0x0  }
0xf3: {  	s5 =	simm.s32 $0x60;
	[sflag:s21] =	ssyncadd.s32 $0xFFFFF600  }
0xf4: {  	[tilespmem:s24], [sflag:$0x1] =	stream.indirect.gather [hbm4b:s1+s23], $0x80, s5, s23, $0xb8;
	[tilespmem:$0x1CDC0] =	vst v63  }
0xf5: {  	_ =	swait.ge [sflag:s30], $0xA00  }
0xf6: {  	[sflag:s30] =	ssyncset.done $0x0  }
0xf7: {  	s6 =	simm.s32 $0x2EF8;
	[sflag:s30] =	ssyncadd.s32 $0xFFFFF600  }
0xf8: {  	[spmem:s3] =	stream.indirect.scatter.add.f32 [tilespmem:s25], [sflag:$0x5], $0x80, s6, s23, $0xb8;
	[tilespmem:$0x1CDC0] =	vst v63  }
0xf9: {  	_ =	swait.ge [sflag:s21], $0xA00  }
0xfa: {  	[sflag:s21] =	ssyncset.done $0x0  }
0xfb: {  	s5 =	simm.s32 $0x78;
	[sflag:s21] =	ssyncadd.s32 $0xFFFFF600  }
0xfc: {  	[tilespmem:s25], [sflag:$0x2] =	stream.indirect.gather [hbm4b:s1+s23], $0x80, s5, s23, $0xb8;
	[tilespmem:$0x1CDC0] =	vst v63  }
0xfd: {  	_ =	swait.ge [sflag:s31], $0xA00  }
0xfe: {  	[sflag:s31] =	ssyncset.done $0x0  }
0xff: {  	s6 =	simm.s32 $0x2F10;
	[sflag:s31] =	ssyncadd.s32 $0xFFFFF600  }
0x100: {  	[spmem:s3] =	stream.indirect.scatter.add.f32 [tilespmem:s26], [sflag:$0x5], $0x80, s6, s23, $0xb8;
	[tilespmem:$0x1CDC0] =	vst v63  }
0x101: {  	_ =	swait.ge [sflag:s21], $0xA00  }
0x102: {  	[sflag:s21] =	ssyncset.done $0x0  }
0x103: {  	s5 =	simm.s32 $0x90;
	[sflag:s21] =	ssyncadd.s32 $0xFFFFF600  }
0x104: {  	[tilespmem:s26], [sflag:$0x3] =	stream.indirect.gather [hbm4b:s1+s23], $0x80, s5, s23, $0xb8;
	[tilespmem:$0x1CDC0] =	vst v63  }
0x105: {  	_ =	swait.ge [sflag:s0], $0xA00  }
0x106: {  	[sflag:s0] =	ssyncset.done $0x0  }
0x107: {  	s6 =	simm.s32 $0x2F28;
	[sflag:s0] =	ssyncadd.s32 $0xFFFFF600  }
0x108: {  	[spmem:s3] =	stream.indirect.scatter.add.f32 [tilespmem:s28], [sflag:$0x5], $0x80, s6, s23, $0xb8;
	[tilespmem:$0x1CDC0] =	vst v63  }
0x109: {  	_ =	swait.ge [sflag:s21], $0xA00  }
0x10a: {  	[sflag:s21] =	ssyncset.done $0x0  }
0x10b: {  	s4 =	simm.s32 $0x180;
	s5 =	simm.s32 $0xA8;
	[sflag:s21] =	ssyncadd.s32 $0xFFFFF600  }
.LBB2_4:
0x10c: {  	[tilespmem:s28], [sflag:$0x4] =	stream.indirect.gather [hbm4b:s1+s23], $0x80, s5, s23, $0xb8;
	[tilespmem:$0x1CDC0] =	vst v63  }
0x10d: {  	s5 =	smov.u32 s4  }
0x10e: {  	p0 =	sne.s32 s4, $0xB880;
	s4 =	sadd.s32 $0x180, s4;
	_ =	swait.ge [sflag:s29], $0xA00  }
0x10f: {  	s5 =	sshra.s32 s5, $0x2;
	[sflag:s29] =	ssyncset.done $0x0  }
0x110: {  	s6 =	sadd.s32 $0x2EE0, s5;
	[sflag:s29] =	ssyncadd.s32 $0xFFFFF600  }
0x111: {  	[spmem:s3] =	stream.indirect.scatter.add.f32 [tilespmem:s24], [sflag:$0x5], $0x80, s6, s23, $0xb8;
	[tilespmem:$0x1CDC0] =	vst v63  }
0x112: {  	_ =	swait.ge [sflag:s21], $0xA00  }
0x113: {  	[sflag:s21] =	ssyncset.done $0x0  }
0x114: {  	s6 =	sadd.s32 $0x60, s5;
	[sflag:s21] =	ssyncadd.s32 $0xFFFFF600  }
0x115: {  	[tilespmem:s24], [sflag:$0x1] =	stream.indirect.gather [hbm4b:s1+s23], $0x80, s6, s23, $0xb8;
	[tilespmem:$0x1CDC0] =	vst v63  }
0x116: {  	_ =	swait.ge [sflag:s30], $0xA00  }
0x117: {  	[sflag:s30] =	ssyncset.done $0x0  }
0x118: {  	s6 =	sadd.s32 $0x2EF8, s5;
	[sflag:s30] =	ssyncadd.s32 $0xFFFFF600  }
0x119: {  	[spmem:s3] =	stream.indirect.scatter.add.f32 [tilespmem:s25], [sflag:$0x5], $0x80, s6, s23, $0xb8;
	[tilespmem:$0x1CDC0] =	vst v63  }
0x11a: {  	_ =	swait.ge [sflag:s21], $0xA00  }
0x11b: {  	[sflag:s21] =	ssyncset.done $0x0  }
0x11c: {  	s6 =	sadd.s32 $0x78, s5;
	[sflag:s21] =	ssyncadd.s32 $0xFFFFF600  }
0x11d: {  	[tilespmem:s25], [sflag:$0x2] =	stream.indirect.gather [hbm4b:s1+s23], $0x80, s6, s23, $0xb8;
	[tilespmem:$0x1CDC0] =	vst v63  }
0x11e: {  	_ =	swait.ge [sflag:s31], $0xA00  }
0x11f: {  	[sflag:s31] =	ssyncset.done $0x0  }
0x120: {  	s6 =	sadd.s32 $0x2F10, s5;
	[sflag:s31] =	ssyncadd.s32 $0xFFFFF600  }
0x121: {  	[spmem:s3] =	stream.indirect.scatter.add.f32 [tilespmem:s26], [sflag:$0x5], $0x80, s6, s23, $0xb8;
	[tilespmem:$0x1CDC0] =	vst v63  }
0x122: {  	_ =	swait.ge [sflag:s21], $0xA00  }
0x123: {  	[sflag:s21] =	ssyncset.done $0x0  }
0x124: {  	s6 =	sadd.s32 $0x90, s5;
	[sflag:s21] =	ssyncadd.s32 $0xFFFFF600  }
0x125: {  	[tilespmem:s26], [sflag:$0x3] =	stream.indirect.gather [hbm4b:s1+s23], $0x80, s6, s23, $0xb8;
	[tilespmem:$0x1CDC0] =	vst v63  }
0x126: {  	_ =	swait.ge [sflag:s0], $0xA00  }
0x127: {  	[sflag:s0] =	ssyncset.done $0x0  }
.Ltmp1:
0x128: {  	s6 =	sadd.s32 $0x2F28, s5;
	[sflag:s0] =	ssyncadd.s32 $0xFFFFF600;
	(pc) =	sbr.rel @p0 .LBB2_4-.Ltmp1, $4  }
0x129: {  	[spmem:s3] =	stream.indirect.scatter.add.f32 [tilespmem:s28], [sflag:$0x5], $0x80, s6, s23, $0xb8;
	[tilespmem:$0x1CDC0] =	vst v63  }
0x12a: {  	_ =	swait.ge [sflag:s21], $0xA00  }
0x12b: {  	[sflag:s21] =	ssyncset.done $0x0  }
0x12c: {  	s5 =	sadd.s32 $0xA8, s5;
	[sflag:s21] =	ssyncadd.s32 $0xFFFFF600  }
0x12d: {  	[tilespmem:s28], [sflag:$0x4] =	stream.indirect.gather [hbm4b:s1+s23], $0x80, s5, s23, $0xb8;
	[tilespmem:$0x1CDC0] =	vst v63  }
0x12e: {  	_ =	swait.ge [sflag:s29], $0xA00  }
0x12f: {  	[sflag:s29] =	ssyncset.done $0x0  }
0x130: {  	s4 =	simm.s32 $0x5D60;
	[sflag:s29] =	ssyncadd.s32 $0xFFFFF600  }
0x131: {  	[spmem:s3] =	stream.indirect.scatter.add.f32 [tilespmem:s24], [sflag:$0x5], $0x80, s4, s23, $0xb8;
	[tilespmem:$0x1CDC0] =	vst v63  }
0x132: {  	_ =	swait.ge [sflag:s21], $0xA00  }
0x133: {  	[sflag:s21] =	ssyncset.done $0x0  }
0x134: {  	[sflag:s21] =	ssyncadd.s32 $0xFFFFF600  }
0x135: {  	_ =	swait.ge [sflag:s30], $0xA00  }
0x136: {  	[sflag:s30] =	ssyncset.done $0x0  }
0x137: {  	s6 =	simm.s32 $0x5D78;
	[sflag:s30] =	ssyncadd.s32 $0xFFFFF600  }
0x138: {  	[spmem:s3] =	stream.indirect.scatter.add.f32 [tilespmem:s25], [sflag:$0x5], $0x80, s6, s23, $0xb8;
	[tilespmem:$0x1CDC0] =	vst v63  }
0x139: {  	_ =	swait.ge [sflag:s21], $0xA00  }
0x13a: {  	[sflag:s21] =	ssyncset.done $0x0  }
0x13b: {  	[sflag:s21] =	ssyncadd.s32 $0xFFFFF600  }
0x13c: {  	_ =	swait.ge [sflag:s31], $0xA00  }
0x13d: {  	[sflag:s31] =	ssyncset.done $0x0  }
0x13e: {  	s5 =	simm.s32 $0x5D90;
	[sflag:s31] =	ssyncadd.s32 $0xFFFFF600  }
0x13f: {  	[spmem:s3] =	stream.indirect.scatter.add.f32 [tilespmem:s26], [sflag:$0x5], $0x80, s5, s23, $0xb8;
	[tilespmem:$0x1CDC0] =	vst v63  }
0x140: {  	_ =	swait.ge [sflag:s21], $0xA00  }
0x141: {  	[sflag:s21] =	ssyncset.done $0x0  }
0x142: {  	[sflag:s21] =	ssyncadd.s32 $0xFFFFF600  }
0x143: {  	_ =	swait.ge [sflag:s0], $0xA00  }
0x144: {  	[sflag:s0] =	ssyncset.done $0x0  }
0x145: {  	s6 =	simm.s32 $0x5DA8;
	[sflag:s0] =	ssyncadd.s32 $0xFFFFF600  }
0x146: {  	[spmem:s3] =	stream.indirect.scatter.add.f32 [tilespmem:s28], [sflag:$0x5], $0x80, s6, s23, $0xb8;
	[tilespmem:$0x1CDC0] =	vst v63  }
0x147: {  	s5 =	stileid.u32;
	_ =	swait.ge [sflag:s21], $0xA00  }
0x148: {  	s2 =	sadd.s32 $0x1, s2;
	s4 =	sshll.u32 s5, $0x6;
	[sflag:s21] =	ssyncset.done $0x0  }
0x149: {  	p0 =	sne.s32 s2, s20;
	s4 =	sor.u32 $0x1C05, s4;
	[sflag:s21] =	ssyncadd.s32 $0xFFFFF600  }
.Ltmp2:
0x14a: {  	s6 =	sshrl.u32 s7, $0x3;
	[bflag:$0x0] =	sbarrier.arrive $0xFFFF;
	(pc) =	sbr.rel @p0 .LBB2_1-.Ltmp2, $4  }
0x14b: {  	[hbm:s19], [sflag:s4] =	dma.local [spmem:s6], $0x2800  }
0x14c: {  	_ =	swait.ge [sflag:s21], $0x2800  }
0x14d: {  	[sflag:s21] =	ssyncset.done $0x0  }
0x14e: {  	[sflag:s21] =	ssyncadd.s32 $0xFFFFD800  }
0x14f: {  	_ =	sfence.sel $0x180000  }
0x150: {  	[bflag:$0x0] =	sbarrier.arrive $0xFFFF  }
0x151: {  	_ =	strace $0x9000004A  }
0x152: {  	s0 =	stileid.u32;
	[bflag:$0x2] =	sbarrier.arrive $0xFFFF  }
0x153: {  	p0 =	sne.s32 s0, $0x0;
	s0 =	rddreg [dreg:$0x3]  }
0x154: {  	s0 =	sadd.s32 @!p0 $0x100000, s0  }
0x155: {  	[sflag:s0] =	ssyncadd.tile.s32 @!p0 $0x1;
	_ =	shalt  }
.Lfunc_end2:
_tile_overlayer_lowered:
.L_overlay_start_2:
0x156: {  	(tag) =	ssettag $0x2  }
0x157: {  	s0 =	rddreg [dreg:$0x0];
	s2 =	stileid.u32  }
0x158: {  	s1 =	rddreg [dreg:$0x1];
	p0 =	sne.s32 s2, $0x0  }
0x159: {  	s3 =	rddreg [dreg:$0x2];
	[bflag:$0x3] =	sbarrier.arrive $0xFFFF;
	s2 =	simm.s32 @!p0 $0x1C05  }
0x15a: {  	[timem:s3], [sflag:s2] =	dma.local @!p0 [hbm:s0], s1  }
0x15b: {  	s0 =	simm.s32 @!p0 $0x5  }
0x15c: {  	_ =	swait.ge @!p0 [sflag:s0], s1  }
0x15d: {  	s1 =	ssub.s32 @!p0 $0x0, s1;
	[sflag:s0] =	ssyncset.done @!p0 $0x0  }
0x15e: {  	[sflag:s0] =	ssyncadd.s32 @!p0 s1  }
0x15f: {  	[bflag:$0x3] =	sbarrier.arrive $0xFFFF  }
0x160: {  	_ =	shalt  }

</sc_bundles>
